<compile_context>
chip_gen: v7x
topology: tpu7x:2x2x1
jax: 0.10.2.dev20260603
libtpu: 0.0.44.dev20260713+nightly
codegen_flags: <defaults>
</compile_context>

<pallas_src>
import functools

import jax
import jax.numpy as jnp
from jax import lax
from jax.experimental import pallas as pl
from jax.experimental.pallas import tpu as pltpu
from jax.experimental.pallas import tpu_sc as plsc

_B = 128
_G = 16
_NW = 32
_LANES = 16
_NPASS = 3


def _sc_mesh():
    return plsc.VectorSubcoreMesh(core_axis_name="c", subcore_axis_name="s",
                                  num_cores=2, num_subcores=16)


def _tc_encode(idx2d):

    def body(x_ref, out_ref):
        x = x_ref[...]
        lane_mod = lax.broadcasted_iota(jnp.int32, x.shape, 1) % _G
        ordv = jnp.zeros(x.shape, jnp.int32)
        for k in range(1, _G):
            r = pltpu.roll(x, k, axis=1)
            ordv = ordv + jnp.where((x == r) & (lane_mod >= k), 1, 0)
        out_ref[...] = x | (jnp.minimum(ordv, _NPASS) << 28)

    return pl.pallas_call(
        body,
        out_shape=jax.ShapeDtypeStruct(idx2d.shape, jnp.int32),
    )(idx2d)


def _decode_scatter(rows_v, acc, enc, trash):
    low = enc & jnp.int32((1 << 28) - 1)
    hi = lax.shift_right_logical(enc, 28)
    for p in range(_NPASS):
        dv = jnp.where(hi == p, low, trash)
        pltpu.sync_copy(rows_v, acc.at[dv], add=True)


@functools.lru_cache(maxsize=None)
def _make_sc_ones_hist(np_rows, n_chunks, n_trash, interpret=False):
    mesh = _sc_mesh()
    rpt = np_rows // 16

    @functools.partial(
        pl.kernel,
        out_type=jax.ShapeDtypeStruct((2, np_rows, _B), jnp.float32),
        mesh=mesh,
        scratch_types=[
            pltpu.VMEM((n_chunks, _B), jnp.int32),
            pltpu.VMEM((_G, _B), jnp.float32),
            pltpu.VMEM_SHARED((np_rows, _B), jnp.float32),
        ],
        interpret=interpret,
    )
    def k(idxp, ones_h, zeros_h, out, idx_v, ones_v, acc):
        c = lax.axis_index("c")
        s = lax.axis_index("s")
        w = c * 16 + s
        lane = lax.iota(jnp.int32, _G)
        trash = np_rows - n_trash + s * _G + lane

        pltpu.sync_copy(ones_h, ones_v)
        pltpu.sync_copy(idxp.at[pl.ds(w * n_chunks, n_chunks)], idx_v)

        base = s * rpt
        n_full = rpt // _B
        for o in range(n_full):
            pltpu.sync_copy(zeros_h, acc.at[pl.ds(base + o * _B, _B)])
        rem = rpt - n_full * _B
        if rem:
            pltpu.sync_copy(zeros_h.at[pl.ds(0, rem)],
                            acc.at[pl.ds(base + n_full * _B, rem)])
        plsc.subcore_barrier()

        def body(j, carry):
            for kk in range(_B // _G):
                enc = idx_v[j, pl.ds(kk * _G, _G)]
                _decode_scatter(ones_v, acc, enc, trash)
            return carry

        lax.fori_loop(0, n_chunks, body, 0)
        plsc.subcore_barrier()
        pltpu.sync_copy(acc.at[pl.ds(base, rpt)], out.at[c, pl.ds(base, rpt)])

    return k


@functools.lru_cache(maxsize=None)
def _make_sc_agg(np_rows, n_chunks, n_trash, interpret=False):
    mesh = _sc_mesh()
    d = _B
    rpt = np_rows // 16
    gpc = _B // _G

    scratch = [
        pltpu.VMEM((n_chunks, _B), jnp.int32),
        pltpu.VMEM((n_chunks, _B), jnp.int32),
        [[pltpu.VMEM((_G, d), jnp.float32) for _ in range(gpc // 2)]
         for _ in range(2)],
        pltpu.VMEM_SHARED((np_rows, d), jnp.float32),
        pltpu.SemaphoreType.DMA,
        pltpu.SemaphoreType.DMA,
    ]

    @functools.partial(
        pl.kernel,
        out_type=jax.ShapeDtypeStruct((2, np_rows, d), jnp.float32),
        mesh=mesh,
        scratch_types=scratch,
        interpret=interpret,
    )
    def k(table, src2d, dstp, zeros_h, out, src_v, dst_v, bufs, acc,
          sem_a, sem_b):
        c = lax.axis_index("c")
        s = lax.axis_index("s")
        w = c * 16 + s
        base = s * rpt
        lane = lax.iota(jnp.int32, _G)
        trash = np_rows - n_trash + s * _G + lane

        pltpu.sync_copy(src2d.at[pl.ds(w * n_chunks, n_chunks)], src_v)
        pltpu.sync_copy(dstp.at[pl.ds(w * n_chunks, n_chunks)], dst_v)

        n_full = rpt // _B
        for o in range(n_full):
            pltpu.sync_copy(zeros_h, acc.at[pl.ds(base + o * _B, _B)])
        rem = rpt - n_full * _B
        if rem:
            pltpu.sync_copy(zeros_h.at[pl.ds(0, rem)],
                            acc.at[pl.ds(base + n_full * _B, rem)])
        plsc.subcore_barrier()

        def body(j, carry):
            for kk in range(gpc // 2):
                sv = src_v[j, pl.ds(kk * _G, _G)]
                pltpu.async_copy(table.at[sv], bufs[0][kk], sem_a)
            for kk in range(gpc // 2):
                sv = src_v[j, pl.ds((gpc // 2 + kk) * _G, _G)]
                pltpu.async_copy(table.at[sv], bufs[1][kk], sem_b)
            for half, sem in ((0, sem_a), (1, sem_b)):
                for kk in range(gpc // 2):
                    pltpu.make_async_copy(table.at[pl.ds(0, _G)],
                                          bufs[half][kk], sem).wait()
                for kk in range(gpc // 2):
                    g = half * (gpc // 2) + kk
                    enc = dst_v[j, pl.ds(g * _G, _G)]
                    _decode_scatter(bufs[half][kk], acc, enc, trash)
            return carry

        lax.fori_loop(0, n_chunks, body, 0)
        plsc.subcore_barrier()
        pltpu.sync_copy(acc.at[pl.ds(base, rpt)], out.at[c, pl.ds(base, rpt)])

    return k


def _tc_scale(degp, n, np_rows):

    def body(d_ref, out_ref):
        cnt = d_ref[0, 0:n, 0:1] + d_ref[1, 0:n, 0:1]
        out_ref[...] = jnp.broadcast_to(
            lax.rsqrt(jnp.maximum(cnt, 1.0)), (n, _B))

    return pl.pallas_call(
        body,
        out_shape=jax.ShapeDtypeStruct((n, _B), jnp.float32),
    )(degp)


def _tc_prep(x, w1, so, n):

    def body(x_ref, w1_ref, so_ref, out_ref):
        h = jnp.dot(x_ref[...], w1_ref[...],
                    preferred_element_type=jnp.float32)
        out_ref[...] = h * so_ref[...]

    return pl.pallas_call(
        body,
        out_shape=jax.ShapeDtypeStruct((n, x.shape[1]), jnp.float32),
    )(x, w1, so)


def _tc_mid(agg1, ii, so, b1, n):

    def body(a_ref, ii_ref, so_ref, b1_ref, out_ref):
        a = a_ref[0, 0:n, :] + a_ref[1, 0:n, :]
        h1 = jnp.maximum(a * ii_ref[...] + b1_ref[...], 0.0)
        out_ref[...] = h1 * so_ref[...]

    return pl.pallas_call(
        body,
        out_shape=jax.ShapeDtypeStruct((n, _B), jnp.float32),
    )(agg1, ii, so, b1)


def _tc_final(u, ii, x, b2, w2, w_res, w_mlp16, b_mlp16, n):

    def body(u_ref, ii_ref, x_ref, b2_ref, w2_ref, wres_ref, wm_ref,
             bm_ref, out_ref):
        a = (u_ref[0, 0:n, :] + u_ref[1, 0:n, :]) * ii_ref[...]
        w2m = jnp.dot(w2_ref[...], wm_ref[...],
                      preferred_element_type=jnp.float32)
        wrm = jnp.dot(wres_ref[...], wm_ref[...],
                      preferred_element_type=jnp.float32)
        bias = jnp.dot(b2_ref[...], wm_ref[...],
                       preferred_element_type=jnp.float32)
        out_ref[...] = (jnp.dot(a, w2m, preferred_element_type=jnp.float32)
                        + bias
                        + jnp.dot(x_ref[...], wrm,
                                  preferred_element_type=jnp.float32)
                        + bm_ref[...])

    return pl.pallas_call(
        body,
        out_shape=jax.ShapeDtypeStruct((n, _LANES), jnp.float32),
    )(u, ii, x, b2, w2, w_res, w_mlp16, b_mlp16)


def kernel(node_feats, edge_index, W1, b1, W2, b2, W_res, W_mlp, b_mlp):
    n, d_in = node_feats.shape
    e = edge_index.shape[1]
    n_trash = _NW * _G // 2
    np_rows = ((n + 16 + n_trash + 127) // 128) * 128

    n_chunks = -(-e // (_NW * _B))
    n_chunks = ((n_chunks + 7) // 8) * 8
    ep = _NW * n_chunks * _B
    padn = ep - e

    src = edge_index[0]
    dst = edge_index[1]
    pidx = jnp.arange(padn, dtype=jnp.int32) % 16
    src_g = jnp.concatenate([src, pidx]).reshape(ep // _B, _B)
    dst_p = jnp.concatenate([dst, n + pidx]).reshape(ep // _B, _B)
    src_p = jnp.concatenate([src, n + pidx]).reshape(ep // _B, _B)

    w_mlp16 = jnp.pad(W_mlp, ((0, 0), (0, _LANES - W_mlp.shape[1])))
    b_mlp16 = jnp.pad(b_mlp, (0, _LANES - b_mlp.shape[0])).reshape(1, _LANES)
    b1_2d = b1.reshape(1, d_in)
    b2_2d = b2.reshape(1, W2.shape[1])
    ones128 = jnp.ones((_G, _B), jnp.float32)
    zeros128 = jnp.zeros((_B, _B), jnp.float32)

    denc = _tc_encode(dst_p)
    senc = _tc_encode(src_p)

    hist = _make_sc_ones_hist(np_rows, n_chunks, n_trash)
    deg_in = hist(denc, ones128, zeros128)
    deg_out = hist(senc, ones128, zeros128)
    ii = _tc_scale(deg_in, n, np_rows)
    so = _tc_scale(deg_out, n, np_rows)

    agg = _make_sc_agg(np_rows, n_chunks, n_trash)
    h1m = _tc_prep(node_feats, W1, so, n)
    agg1 = agg(h1m, src_g, denc, zeros128)
    h1s = _tc_mid(agg1, ii, so, b1_2d, n)
    u = agg(h1s, src_g, denc, zeros128)
    out16 = _tc_final(u, ii, node_feats, b2_2d, W2, W_res, w_mlp16,
                      b_mlp16, n)
    return out16[:, :W_mlp.shape[1]]

# --- scband reference (transcript-rebuilt; emitter-appended) ---
"""Pipeline reference for scband-line-gcn-30442728194391 (READ-ONLY COPY).

The authoritative reference and input builder live on the scoring server;
editing this copy changes nothing except your own understanding.
"""

import jax, jax.numpy as jnp
import numpy as np

N = 10000
E = 320000
D_IN = 128
D_HID = 128
D_OUT = 128


def setup_inputs(seed: int = 0) -> dict:
    key = jax.random.key(seed)
    ks = jax.random.split(key, 10)
    node_feats = jax.random.normal(ks[0], (N, D_IN), dtype=jnp.float32)
    edge_index = jax.random.randint(ks[1], (2, E), 0, N, dtype=jnp.int32)
    s = 1.0 / np.sqrt(D_IN)
    W1 = jax.random.normal(ks[2], (D_IN, D_HID), dtype=jnp.float32) * s
    b1 = jnp.zeros((D_HID,), dtype=jnp.float32)
    W2 = jax.random.normal(ks[3], (D_HID, D_OUT), dtype=jnp.float32) * (1.0 / np.sqrt(D_HID))
    b2 = jnp.zeros((D_OUT,), dtype=jnp.float32)
    W_res = jax.random.normal(ks[4], (D_IN, D_OUT), dtype=jnp.float32) * s
    W_mlp = jax.random.normal(ks[5], (D_HID, 2), dtype=jnp.float32) * (1.0 / np.sqrt(D_HID))
    b_mlp = jnp.zeros((2,), dtype=jnp.float32)
    return {"node_feats": node_feats, "edge_index": edge_index,
            "W1": W1, "b1": b1, "W2": W2, "b2": b2,
            "W_res": W_res, "W_mlp": W_mlp, "b_mlp": b_mlp}


def _graph_conv(x, W, b, src, dst, activation):
    # DGL GraphConv with norm='both': D_out^{-1/2} A D_in^{-1/2} X W + b
    h = x @ W
    outdeg = jnp.maximum(jnp.bincount(src, length=N), 1).astype(jnp.float32)
    h = h * (outdeg ** -0.5)[:, None]
    msg = h[src]
    agg = jnp.zeros((N, h.shape[1]), dtype=h.dtype).at[dst].add(msg)
    indeg = jnp.maximum(jnp.bincount(dst, length=N), 1).astype(jnp.float32)
    rst = agg * (indeg ** -0.5)[:, None] + b
    if activation:
        rst = jax.nn.relu(rst)
    return rst


def reference(node_feats, edge_index, W1, b1, W2, b2, W_res, W_mlp, b_mlp):
    src = edge_index[0]
    dst = edge_index[1]
    h = _graph_conv(node_feats, W1, b1, src, dst, activation=True)
    h = _graph_conv(h, W2, b2, src, dst, activation=False)
    # residual connection (residual=True)
    res = node_feats @ W_res
    h = h + res
    # final mlp head -> logits [N, 2] (the torch module returns (None, logits); we return logits)
    out = h @ W_mlp + b_mlp
    return out

if __name__ == "__main__":
    import jax
    _d = setup_inputs()
    print(jax.jit(kernel)(*tuple(_d.values())))

</pallas_src>

<mosaic_0001>
#map = affine_map<(d0, d1) -> (0, 0)>
#map1 = affine_map<(d0, d1) -> (0, 0, 0)>
module attributes {stable_mosaic.version = 14 : i64} {
  func.func @k(%arg0: i32, %arg1: i32, %arg2: memref<2560x128xi32, #tpu.memory_space<hbm>>, %arg3: memref<16x128xf32, #tpu.memory_space<hbm>>, %arg4: memref<128x128xf32, #tpu.memory_space<hbm>>, %arg5: memref<2x10368x128xf32, #tpu.memory_space<hbm>>, %arg6: memref<80x128xi32, #tpu.memory_space<vmem>>, %arg7: memref<16x128xf32, #tpu.memory_space<vmem>>, %arg8: memref<10368x128xf32, #tpu.memory_space<vmem_shared>>) attributes {dimension_semantics = [#tpu.dimension_semantics<core_parallel>, #tpu.dimension_semantics<subcore_parallel>], iteration_bounds = array<i64: 2, 16>, scalar_prefetch = 0 : i64, scratch_operands = 3 : i64, tpu.core_type = #tpu.core_type<sc_vector_subcore>, window_params = [{transform_indices = #map}, {transform_indices = #map}, {transform_indices = #map}, {transform_indices = #map1}]} {
    %mul3A = arith.constant 16 : i32
    %mul3A_0 = arith.muli %arg0, %mul3A : i32
    %add3A = arith.addi %mul3A_0, %arg1 : i32
    %iota3A = tpu.iota {dimensions = array<i32: 0>} : vector<16xi32>
    %mul3A_1 = arith.constant 16 : i32
    %mul3A_2 = arith.muli %arg1, %mul3A_1 : i32
    %add3A_3 = arith.constant 10112 : i32
    %add3A_4 = arith.addi %add3A_3, %mul3A_2 : i32
    %add3A_5 = vector.broadcast %add3A_4 : i32 to vector<16xi32>
    %add3A_6 = arith.addi %add3A_5, %iota3A : vector<16xi32>
    "tpu.region"() ({
      %run_scoped3A = tpu.sem_alloc : memref<!tpu.dma_semaphore, #tpu.memory_space<semaphore_mem>>
      tpu.enqueue_dma source(%arg3 : memref<16x128xf32, #tpu.memory_space<hbm>>) target(%arg7 : memref<16x128xf32, #tpu.memory_space<vmem>>) target_semaphore(%run_scoped3A : memref<!tpu.dma_semaphore, #tpu.memory_space<semaphore_mem>>)
      tpu.wait_dma2 semaphore(%run_scoped3A : memref<!tpu.dma_semaphore, #tpu.memory_space<semaphore_mem>>) src(%arg3 : memref<16x128xf32, #tpu.memory_space<hbm>>) dst(%arg7 : memref<16x128xf32, #tpu.memory_space<vmem>>)
      tpu.yield
    }) : () -> ()
    %mul3A_7 = arith.constant 80 : i32
    %mul3A_8 = arith.muli %add3A, %mul3A_7 : i32
    "tpu.region"() ({
      %run_scoped3A = tpu.sem_alloc : memref<!tpu.dma_semaphore, #tpu.memory_space<semaphore_mem>>
      %dma_start3A = arith.constant 0 : i32
      %dma_start3A_29 = tpu.memref_slice %arg2[%mul3A_8, %dma_start3A] : memref<2560x128xi32, #tpu.memory_space<hbm>> -> memref<80x128xi32, #tpu.memory_space<hbm>>
      %dma_start3A_30 = arith.constant 0 : i32
      %dma_start3A_31 = tpu.memref_slice %arg2[%mul3A_8, %dma_start3A_30] : memref<2560x128xi32, #tpu.memory_space<hbm>> -> memref<80x128xi32, #tpu.memory_space<hbm>>
      tpu.enqueue_dma source(%dma_start3A_31 : memref<80x128xi32, #tpu.memory_space<hbm>>) target(%arg6 : memref<80x128xi32, #tpu.memory_space<vmem>>) target_semaphore(%run_scoped3A : memref<!tpu.dma_semaphore, #tpu.memory_space<semaphore_mem>>)
      %dma_wait3A = arith.constant 0 : i32
      %dma_wait3A_32 = tpu.memref_slice %arg2[%mul3A_8, %dma_wait3A] : memref<2560x128xi32, #tpu.memory_space<hbm>> -> memref<80x128xi32, #tpu.memory_space<hbm>>
      %dma_wait3A_33 = arith.constant 0 : i32
      %dma_wait3A_34 = tpu.memref_slice %arg2[%mul3A_8, %dma_wait3A_33] : memref<2560x128xi32, #tpu.memory_space<hbm>> -> memref<80x128xi32, #tpu.memory_space<hbm>>
      tpu.wait_dma2 semaphore(%run_scoped3A : memref<!tpu.dma_semaphore, #tpu.memory_space<semaphore_mem>>) src(%dma_wait3A_34 : memref<80x128xi32, #tpu.memory_space<hbm>>) dst(%arg6 : memref<80x128xi32, #tpu.memory_space<vmem>>)
      tpu.yield
    }) : () -> ()
    %mul3A_9 = arith.constant 648 : i32
    %mul3A_10 = arith.muli %arg1, %mul3A_9 : i32
    %add3A_11 = arith.constant 0 : i32
    %add3A_12 = arith.addi %mul3A_10, %add3A_11 : i32
    "tpu.region"() ({
      %run_scoped3A = tpu.sem_alloc : memref<!tpu.dma_semaphore, #tpu.memory_space<semaphore_mem>>
      %dma_start3A = arith.constant 0 : i32
      %dma_start3A_29 = tpu.memref_slice %arg8[%add3A_12, %dma_start3A] : memref<10368x128xf32, #tpu.memory_space<vmem_shared>> -> memref<128x128xf32, #tpu.memory_space<vmem_shared>>
      tpu.enqueue_dma source(%arg4 : memref<128x128xf32, #tpu.memory_space<hbm>>) target(%dma_start3A_29 : memref<128x128xf32, #tpu.memory_space<vmem_shared>>) target_semaphore(%run_scoped3A : memref<!tpu.dma_semaphore, #tpu.memory_space<semaphore_mem>>)
      %dma_wait3A = arith.constant 0 : i32
      %dma_wait3A_30 = tpu.memref_slice %arg8[%add3A_12, %dma_wait3A] : memref<10368x128xf32, #tpu.memory_space<vmem_shared>> -> memref<128x128xf32, #tpu.memory_space<vmem_shared>>
      tpu.wait_dma2 semaphore(%run_scoped3A : memref<!tpu.dma_semaphore, #tpu.memory_space<semaphore_mem>>) src(%arg4 : memref<128x128xf32, #tpu.memory_space<hbm>>) dst(%dma_wait3A_30 : memref<128x128xf32, #tpu.memory_space<vmem_shared>>)
      tpu.yield
    }) : () -> ()
    %add3A_13 = arith.constant 128 : i32
    %add3A_14 = arith.addi %mul3A_10, %add3A_13 : i32
    "tpu.region"() ({
      %run_scoped3A = tpu.sem_alloc : memref<!tpu.dma_semaphore, #tpu.memory_space<semaphore_mem>>
      %dma_start3A = arith.constant 0 : i32
      %dma_start3A_29 = tpu.memref_slice %arg8[%add3A_14, %dma_start3A] : memref<10368x128xf32, #tpu.memory_space<vmem_shared>> -> memref<128x128xf32, #tpu.memory_space<vmem_shared>>
      tpu.enqueue_dma source(%arg4 : memref<128x128xf32, #tpu.memory_space<hbm>>) target(%dma_start3A_29 : memref<128x128xf32, #tpu.memory_space<vmem_shared>>) target_semaphore(%run_scoped3A : memref<!tpu.dma_semaphore, #tpu.memory_space<semaphore_mem>>)
      %dma_wait3A = arith.constant 0 : i32
      %dma_wait3A_30 = tpu.memref_slice %arg8[%add3A_14, %dma_wait3A] : memref<10368x128xf32, #tpu.memory_space<vmem_shared>> -> memref<128x128xf32, #tpu.memory_space<vmem_shared>>
      tpu.wait_dma2 semaphore(%run_scoped3A : memref<!tpu.dma_semaphore, #tpu.memory_space<semaphore_mem>>) src(%arg4 : memref<128x128xf32, #tpu.memory_space<hbm>>) dst(%dma_wait3A_30 : memref<128x128xf32, #tpu.memory_space<vmem_shared>>)
      tpu.yield
    }) : () -> ()
    %add3A_15 = arith.constant 256 : i32
    %add3A_16 = arith.addi %mul3A_10, %add3A_15 : i32
    "tpu.region"() ({
      %run_scoped3A = tpu.sem_alloc : memref<!tpu.dma_semaphore, #tpu.memory_space<semaphore_mem>>
      %dma_start3A = arith.constant 0 : i32
      %dma_start3A_29 = tpu.memref_slice %arg8[%add3A_16, %dma_start3A] : memref<10368x128xf32, #tpu.memory_space<vmem_shared>> -> memref<128x128xf32, #tpu.memory_space<vmem_shared>>
      tpu.enqueue_dma source(%arg4 : memref<128x128xf32, #tpu.memory_space<hbm>>) target(%dma_start3A_29 : memref<128x128xf32, #tpu.memory_space<vmem_shared>>) target_semaphore(%run_scoped3A : memref<!tpu.dma_semaphore, #tpu.memory_space<semaphore_mem>>)
      %dma_wait3A = arith.constant 0 : i32
      %dma_wait3A_30 = tpu.memref_slice %arg8[%add3A_16, %dma_wait3A] : memref<10368x128xf32, #tpu.memory_space<vmem_shared>> -> memref<128x128xf32, #tpu.memory_space<vmem_shared>>
      tpu.wait_dma2 semaphore(%run_scoped3A : memref<!tpu.dma_semaphore, #tpu.memory_space<semaphore_mem>>) src(%arg4 : memref<128x128xf32, #tpu.memory_space<hbm>>) dst(%dma_wait3A_30 : memref<128x128xf32, #tpu.memory_space<vmem_shared>>)
      tpu.yield
    }) : () -> ()
    %add3A_17 = arith.constant 384 : i32
    %add3A_18 = arith.addi %mul3A_10, %add3A_17 : i32
    "tpu.region"() ({
      %run_scoped3A = tpu.sem_alloc : memref<!tpu.dma_semaphore, #tpu.memory_space<semaphore_mem>>
      %dma_start3A = arith.constant 0 : i32
      %dma_start3A_29 = tpu.memref_slice %arg8[%add3A_18, %dma_start3A] : memref<10368x128xf32, #tpu.memory_space<vmem_shared>> -> memref<128x128xf32, #tpu.memory_space<vmem_shared>>
      tpu.enqueue_dma source(%arg4 : memref<128x128xf32, #tpu.memory_space<hbm>>) target(%dma_start3A_29 : memref<128x128xf32, #tpu.memory_space<vmem_shared>>) target_semaphore(%run_scoped3A : memref<!tpu.dma_semaphore, #tpu.memory_space<semaphore_mem>>)
      %dma_wait3A = arith.constant 0 : i32
      %dma_wait3A_30 = tpu.memref_slice %arg8[%add3A_18, %dma_wait3A] : memref<10368x128xf32, #tpu.memory_space<vmem_shared>> -> memref<128x128xf32, #tpu.memory_space<vmem_shared>>
      tpu.wait_dma2 semaphore(%run_scoped3A : memref<!tpu.dma_semaphore, #tpu.memory_space<semaphore_mem>>) src(%arg4 : memref<128x128xf32, #tpu.memory_space<hbm>>) dst(%dma_wait3A_30 : memref<128x128xf32, #tpu.memory_space<vmem_shared>>)
      tpu.yield
    }) : () -> ()
    %add3A_19 = arith.constant 512 : i32
    %add3A_20 = arith.addi %mul3A_10, %add3A_19 : i32
    "tpu.region"() ({
      %run_scoped3A = tpu.sem_alloc : memref<!tpu.dma_semaphore, #tpu.memory_space<semaphore_mem>>
      %dma_start3A = arith.constant 0 : i32
      %dma_start3A_29 = tpu.memref_slice %arg8[%add3A_20, %dma_start3A] : memref<10368x128xf32, #tpu.memory_space<vmem_shared>> -> memref<128x128xf32, #tpu.memory_space<vmem_shared>>
      tpu.enqueue_dma source(%arg4 : memref<128x128xf32, #tpu.memory_space<hbm>>) target(%dma_start3A_29 : memref<128x128xf32, #tpu.memory_space<vmem_shared>>) target_semaphore(%run_scoped3A : memref<!tpu.dma_semaphore, #tpu.memory_space<semaphore_mem>>)
      %dma_wait3A = arith.constant 0 : i32
      %dma_wait3A_30 = tpu.memref_slice %arg8[%add3A_20, %dma_wait3A] : memref<10368x128xf32, #tpu.memory_space<vmem_shared>> -> memref<128x128xf32, #tpu.memory_space<vmem_shared>>
      tpu.wait_dma2 semaphore(%run_scoped3A : memref<!tpu.dma_semaphore, #tpu.memory_space<semaphore_mem>>) src(%arg4 : memref<128x128xf32, #tpu.memory_space<hbm>>) dst(%dma_wait3A_30 : memref<128x128xf32, #tpu.memory_space<vmem_shared>>)
      tpu.yield
    }) : () -> ()
    %add3A_21 = arith.constant 640 : i32
    %add3A_22 = arith.addi %mul3A_10, %add3A_21 : i32
    "tpu.region"() ({
      %run_scoped3A = tpu.sem_alloc : memref<!tpu.dma_semaphore, #tpu.memory_space<semaphore_mem>>
      %dma_start3A = arith.constant 0 : i32
      %dma_start3A_29 = tpu.memref_slice %arg8[%add3A_22, %dma_start3A] : memref<10368x128xf32, #tpu.memory_space<vmem_shared>> -> memref<8x128xf32, #tpu.memory_space<vmem_shared>>
      %dma_start3A_30 = arith.constant 0 : i32
      %dma_start3A_31 = arith.constant 0 : i32
      %dma_start3A_32 = tpu.memref_slice %arg4[%dma_start3A_30, %dma_start3A_31] : memref<128x128xf32, #tpu.memory_space<hbm>> -> memref<8x128xf32, #tpu.memory_space<hbm>>
      tpu.enqueue_dma source(%dma_start3A_32 : memref<8x128xf32, #tpu.memory_space<hbm>>) target(%dma_start3A_29 : memref<8x128xf32, #tpu.memory_space<vmem_shared>>) target_semaphore(%run_scoped3A : memref<!tpu.dma_semaphore, #tpu.memory_space<semaphore_mem>>)
      %dma_wait3A = arith.constant 0 : i32
      %dma_wait3A_33 = tpu.memref_slice %arg8[%add3A_22, %dma_wait3A] : memref<10368x128xf32, #tpu.memory_space<vmem_shared>> -> memref<8x128xf32, #tpu.memory_space<vmem_shared>>
      %dma_wait3A_34 = arith.constant 0 : i32
      %dma_wait3A_35 = arith.constant 0 : i32
      %dma_wait3A_36 = tpu.memref_slice %arg4[%dma_wait3A_34, %dma_wait3A_35] : memref<128x128xf32, #tpu.memory_space<hbm>> -> memref<8x128xf32, #tpu.memory_space<hbm>>
      tpu.wait_dma2 semaphore(%run_scoped3A : memref<!tpu.dma_semaphore, #tpu.memory_space<semaphore_mem>>) src(%dma_wait3A_36 : memref<8x128xf32, #tpu.memory_space<hbm>>) dst(%dma_wait3A_33 : memref<8x128xf32, #tpu.memory_space<vmem_shared>>)
      tpu.yield
    }) : () -> ()
    %barrier3A = arith.constant 0 : index
    tpu.barrier barrier_id(%barrier3A)
    %scan3A = arith.constant 0 : i32
    %scan3A_23 = arith.constant 0 : i32
    %scan3A_24 = arith.constant 80 : i32
    %scan3A_25 = arith.addi %scan3A_23, %scan3A_24 : i32
    %scan3A_26 = arith.constant 1 : i32
    scf.for %scan3A_29 = %scan3A_23 to %scan3A_25 step %scan3A_26  : i32 {
      %get3A = arith.index_cast %scan3A_29 : i32 to index
      %get3A_30 = arith.constant 0 : index
      %get3A_31 = tpu.vector_load %arg6[%get3A, %get3A_30] {strides = array<i32>} : memref<80x128xi32, #tpu.memory_space<vmem>>, vector<1x16xi32>,
      %get3A_32 = vector.shape_cast %get3A_31 : vector<1x16xi32> to vector<16xi32>
      %and3A = arith.constant 268435455 : i32
      %and3A_33 = vector.broadcast %and3A : i32 to vector<16xi32>
      %and3A_34 = arith.andi %get3A_32, %and3A_33 : vector<16xi32>
      %shift_right_logical3A = arith.constant 28 : i32
      %shift_right_logical3A_35 = vector.broadcast %shift_right_logical3A : i32 to vector<16xi32>
      %shift_right_logical3A_36 = arith.shrui %get3A_32, %shift_right_logical3A_35 : vector<16xi32>
      %eq3A = arith.constant 0 : i32
      %eq3A_37 = vector.broadcast %eq3A : i32 to vector<16xi32>
      %eq3A_38 = arith.cmpi eq, %shift_right_logical3A_36, %eq3A_37 : vector<16xi32>
      %select_n3A = arith.select %eq3A_38, %and3A_34, %add3A_6 : vector<16xi1>, vector<16xi32>
      "tpu.region"() ({
        %run_scoped3A = tpu.sem_alloc : memref<!tpu.dma_semaphore, #tpu.memory_space<semaphore_mem>>
        %dma_start3A = arith.constant 0 : i32
        %dma_start3A_201 = arith.constant 0 : i32
        %dma_start3A_202 = tpu.memref_slice %arg8[%dma_start3A, %dma_start3A_201] : memref<10368x128xf32, #tpu.memory_space<vmem_shared>> -> memref<10368x128xf32, #tpu.memory_space<vmem_shared>>
        tpu.enqueue_indirect_dma source(%arg7 : memref<16x128xf32, #tpu.memory_space<vmem>>) target(%dma_start3A_202 : memref<10368x128xf32, #tpu.memory_space<vmem_shared>>) offsets(%select_n3A : vector<16xi32>) semaphore(%run_scoped3A : memref<!tpu.dma_semaphore, #tpu.memory_space<semaphore_mem>>) {add = true}
        %dma_wait3A = arith.constant 0 : i32
        %dma_wait3A_203 = arith.constant 0 : i32
        %dma_wait3A_204 = tpu.memref_slice %arg8[%dma_wait3A, %dma_wait3A_203] : memref<10368x128xf32, #tpu.memory_space<vmem_shared>> -> memref<10368x128xf32, #tpu.memory_space<vmem_shared>>
        tpu.wait_indirect_dma semaphore(%run_scoped3A : memref<!tpu.dma_semaphore, #tpu.memory_space<semaphore_mem>>) src(%arg7 : memref<16x128xf32, #tpu.memory_space<vmem>>) dst(%dma_wait3A_204 : memref<10368x128xf32, #tpu.memory_space<vmem_shared>>)
        tpu.yield
      }) : () -> ()
      %eq3A_39 = arith.constant 1 : i32
      %eq3A_40 = vector.broadcast %eq3A_39 : i32 to vector<16xi32>
      %eq3A_41 = arith.cmpi eq, %shift_right_logical3A_36, %eq3A_40 : vector<16xi32>
      %select_n3A_42 = arith.select %eq3A_41, %and3A_34, %add3A_6 : vector<16xi1>, vector<16xi32>
      "tpu.region"() ({
        %run_scoped3A = tpu.sem_alloc : memref<!tpu.dma_semaphore, #tpu.memory_space<semaphore_mem>>
        %dma_start3A = arith.constant 0 : i32
        %dma_start3A_201 = arith.constant 0 : i32
        %dma_start3A_202 = tpu.memref_slice %arg8[%dma_start3A, %dma_start3A_201] : memref<10368x128xf32, #tpu.memory_space<vmem_shared>> -> memref<10368x128xf32, #tpu.memory_space<vmem_shared>>
        tpu.enqueue_indirect_dma source(%arg7 : memref<16x128xf32, #tpu.memory_space<vmem>>) target(%dma_start3A_202 : memref<10368x128xf32, #tpu.memory_space<vmem_shared>>) offsets(%select_n3A_42 : vector<16xi32>) semaphore(%run_scoped3A : memref<!tpu.dma_semaphore, #tpu.memory_space<semaphore_mem>>) {add = true}
        %dma_wait3A = arith.constant 0 : i32
        %dma_wait3A_203 = arith.constant 0 : i32
        %dma_wait3A_204 = tpu.memref_slice %arg8[%dma_wait3A, %dma_wait3A_203] : memref<10368x128xf32, #tpu.memory_space<vmem_shared>> -> memref<10368x128xf32, #tpu.memory_space<vmem_shared>>
        tpu.wait_indirect_dma semaphore(%run_scoped3A : memref<!tpu.dma_semaphore, #tpu.memory_space<semaphore_mem>>) src(%arg7 : memref<16x128xf32, #tpu.memory_space<vmem>>) dst(%dma_wait3A_204 : memref<10368x128xf32, #tpu.memory_space<vmem_shared>>)
        tpu.yield
      }) : () -> ()
      %eq3A_43 = arith.constant 2 : i32
      %eq3A_44 = vector.broadcast %eq3A_43 : i32 to vector<16xi32>
      %eq3A_45 = arith.cmpi eq, %shift_right_logical3A_36, %eq3A_44 : vector<16xi32>
      %select_n3A_46 = arith.select %eq3A_45, %and3A_34, %add3A_6 : vector<16xi1>, vector<16xi32>
      "tpu.region"() ({
        %run_scoped3A = tpu.sem_alloc : memref<!tpu.dma_semaphore, #tpu.memory_space<semaphore_mem>>
        %dma_start3A = arith.constant 0 : i32
        %dma_start3A_201 = arith.constant 0 : i32
        %dma_start3A_202 = tpu.memref_slice %arg8[%dma_start3A, %dma_start3A_201] : memref<10368x128xf32, #tpu.memory_space<vmem_shared>> -> memref<10368x128xf32, #tpu.memory_space<vmem_shared>>
        tpu.enqueue_indirect_dma source(%arg7 : memref<16x128xf32, #tpu.memory_space<vmem>>) target(%dma_start3A_202 : memref<10368x128xf32, #tpu.memory_space<vmem_shared>>) offsets(%select_n3A_46 : vector<16xi32>) semaphore(%run_scoped3A : memref<!tpu.dma_semaphore, #tpu.memory_space<semaphore_mem>>) {add = true}
        %dma_wait3A = arith.constant 0 : i32
        %dma_wait3A_203 = arith.constant 0 : i32
        %dma_wait3A_204 = tpu.memref_slice %arg8[%dma_wait3A, %dma_wait3A_203] : memref<10368x128xf32, #tpu.memory_space<vmem_shared>> -> memref<10368x128xf32, #tpu.memory_space<vmem_shared>>
        tpu.wait_indirect_dma semaphore(%run_scoped3A : memref<!tpu.dma_semaphore, #tpu.memory_space<semaphore_mem>>) src(%arg7 : memref<16x128xf32, #tpu.memory_space<vmem>>) dst(%dma_wait3A_204 : memref<10368x128xf32, #tpu.memory_space<vmem_shared>>)
        tpu.yield
      }) : () -> ()
      %get3A_47 = arith.index_cast %scan3A_29 : i32 to index
      %get3A_48 = arith.constant 16 : index
      %get3A_49 = tpu.vector_load %arg6[%get3A_47, %get3A_48] {strides = array<i32>} : memref<80x128xi32, #tpu.memory_space<vmem>>, vector<1x16xi32>,
      %get3A_50 = vector.shape_cast %get3A_49 : vector<1x16xi32> to vector<16xi32>
      %and3A_51 = arith.constant 268435455 : i32
      %and3A_52 = vector.broadcast %and3A_51 : i32 to vector<16xi32>
      %and3A_53 = arith.andi %get3A_50, %and3A_52 : vector<16xi32>
      %shift_right_logical3A_54 = arith.constant 28 : i32
      %shift_right_logical3A_55 = vector.broadcast %shift_right_logical3A_54 : i32 to vector<16xi32>
      %shift_right_logical3A_56 = arith.shrui %get3A_50, %shift_right_logical3A_55 : vector<16xi32>
      %eq3A_57 = arith.constant 0 : i32
      %eq3A_58 = vector.broadcast %eq3A_57 : i32 to vector<16xi32>
      %eq3A_59 = arith.cmpi eq, %shift_right_logical3A_56, %eq3A_58 : vector<16xi32>
      %select_n3A_60 = arith.select %eq3A_59, %and3A_53, %add3A_6 : vector<16xi1>, vector<16xi32>
      "tpu.region"() ({
        %run_scoped3A = tpu.sem_alloc : memref<!tpu.dma_semaphore, #tpu.memory_space<semaphore_mem>>
        %dma_start3A = arith.constant 0 : i32
        %dma_start3A_201 = arith.constant 0 : i32
        %dma_start3A_202 = tpu.memref_slice %arg8[%dma_start3A, %dma_start3A_201] : memref<10368x128xf32, #tpu.memory_space<vmem_shared>> -> memref<10368x128xf32, #tpu.memory_space<vmem_shared>>
        tpu.enqueue_indirect_dma source(%arg7 : memref<16x128xf32, #tpu.memory_space<vmem>>) target(%dma_start3A_202 : memref<10368x128xf32, #tpu.memory_space<vmem_shared>>) offsets(%select_n3A_60 : vector<16xi32>) semaphore(%run_scoped3A : memref<!tpu.dma_semaphore, #tpu.memory_space<semaphore_mem>>) {add = true}
        %dma_wait3A = arith.constant 0 : i32
        %dma_wait3A_203 = arith.constant 0 : i32
        %dma_wait3A_204 = tpu.memref_slice %arg8[%dma_wait3A, %dma_wait3A_203] : memref<10368x128xf32, #tpu.memory_space<vmem_shared>> -> memref<10368x128xf32, #tpu.memory_space<vmem_shared>>
        tpu.wait_indirect_dma semaphore(%run_scoped3A : memref<!tpu.dma_semaphore, #tpu.memory_space<semaphore_mem>>) src(%arg7 : memref<16x128xf32, #tpu.memory_space<vmem>>) dst(%dma_wait3A_204 : memref<10368x128xf32, #tpu.memory_space<vmem_shared>>)
        tpu.yield
      }) : () -> ()
      %eq3A_61 = arith.constant 1 : i32
      %eq3A_62 = vector.broadcast %eq3A_61 : i32 to vector<16xi32>
      %eq3A_63 = arith.cmpi eq, %shift_right_logical3A_56, %eq3A_62 : vector<16xi32>
      %select_n3A_64 = arith.select %eq3A_63, %and3A_53, %add3A_6 : vector<16xi1>, vector<16xi32>
      "tpu.region"() ({
        %run_scoped3A = tpu.sem_alloc : memref<!tpu.dma_semaphore, #tpu.memory_space<semaphore_mem>>
        %dma_start3A = arith.constant 0 : i32
        %dma_start3A_201 = arith.constant 0 : i32
        %dma_start3A_202 = tpu.memref_slice %arg8[%dma_start3A, %dma_start3A_201] : memref<10368x128xf32, #tpu.memory_space<vmem_shared>> -> memref<10368x128xf32, #tpu.memory_space<vmem_shared>>
        tpu.enqueue_indirect_dma source(%arg7 : memref<16x128xf32, #tpu.memory_space<vmem>>) target(%dma_start3A_202 : memref<10368x128xf32, #tpu.memory_space<vmem_shared>>) offsets(%select_n3A_64 : vector<16xi32>) semaphore(%run_scoped3A : memref<!tpu.dma_semaphore, #tpu.memory_space<semaphore_mem>>) {add = true}
        %dma_wait3A = arith.constant 0 : i32
        %dma_wait3A_203 = arith.constant 0 : i32
        %dma_wait3A_204 = tpu.memref_slice %arg8[%dma_wait3A, %dma_wait3A_203] : memref<10368x128xf32, #tpu.memory_space<vmem_shared>> -> memref<10368x128xf32, #tpu.memory_space<vmem_shared>>
        tpu.wait_indirect_dma semaphore(%run_scoped3A : memref<!tpu.dma_semaphore, #tpu.memory_space<semaphore_mem>>) src(%arg7 : memref<16x128xf32, #tpu.memory_space<vmem>>) dst(%dma_wait3A_204 : memref<10368x128xf32, #tpu.memory_space<vmem_shared>>)
        tpu.yield
      }) : () -> ()
      %eq3A_65 = arith.constant 2 : i32
      %eq3A_66 = vector.broadcast %eq3A_65 : i32 to vector<16xi32>
      %eq3A_67 = arith.cmpi eq, %shift_right_logical3A_56, %eq3A_66 : vector<16xi32>
      %select_n3A_68 = arith.select %eq3A_67, %and3A_53, %add3A_6 : vector<16xi1>, vector<16xi32>
      "tpu.region"() ({
        %run_scoped3A = tpu.sem_alloc : memref<!tpu.dma_semaphore, #tpu.memory_space<semaphore_mem>>
        %dma_start3A = arith.constant 0 : i32
        %dma_start3A_201 = arith.constant 0 : i32
        %dma_start3A_202 = tpu.memref_slice %arg8[%dma_start3A, %dma_start3A_201] : memref<10368x128xf32, #tpu.memory_space<vmem_shared>> -> memref<10368x128xf32, #tpu.memory_space<vmem_shared>>
        tpu.enqueue_indirect_dma source(%arg7 : memref<16x128xf32, #tpu.memory_space<vmem>>) target(%dma_start3A_202 : memref<10368x128xf32, #tpu.memory_space<vmem_shared>>) offsets(%select_n3A_68 : vector<16xi32>) semaphore(%run_scoped3A : memref<!tpu.dma_semaphore, #tpu.memory_space<semaphore_mem>>) {add = true}
        %dma_wait3A = arith.constant 0 : i32
        %dma_wait3A_203 = arith.constant 0 : i32
        %dma_wait3A_204 = tpu.memref_slice %arg8[%dma_wait3A, %dma_wait3A_203] : memref<10368x128xf32, #tpu.memory_space<vmem_shared>> -> memref<10368x128xf32, #tpu.memory_space<vmem_shared>>
        tpu.wait_indirect_dma semaphore(%run_scoped3A : memref<!tpu.dma_semaphore, #tpu.memory_space<semaphore_mem>>) src(%arg7 : memref<16x128xf32, #tpu.memory_space<vmem>>) dst(%dma_wait3A_204 : memref<10368x128xf32, #tpu.memory_space<vmem_shared>>)
        tpu.yield
      }) : () -> ()
      %get3A_69 = arith.index_cast %scan3A_29 : i32 to index
      %get3A_70 = arith.constant 32 : index
      %get3A_71 = tpu.vector_load %arg6[%get3A_69, %get3A_70] {strides = array<i32>} : memref<80x128xi32, #tpu.memory_space<vmem>>, vector<1x16xi32>,
      %get3A_72 = vector.shape_cast %get3A_71 : vector<1x16xi32> to vector<16xi32>
      %and3A_73 = arith.constant 268435455 : i32
      %and3A_74 = vector.broadcast %and3A_73 : i32 to vector<16xi32>
      %and3A_75 = arith.andi %get3A_72, %and3A_74 : vector<16xi32>
      %shift_right_logical3A_76 = arith.constant 28 : i32
      %shift_right_logical3A_77 = vector.broadcast %shift_right_logical3A_76 : i32 to vector<16xi32>
      %shift_right_logical3A_78 = arith.shrui %get3A_72, %shift_right_logical3A_77 : vector<16xi32>
      %eq3A_79 = arith.constant 0 : i32
      %eq3A_80 = vector.broadcast %eq3A_79 : i32 to vector<16xi32>
      %eq3A_81 = arith.cmpi eq, %shift_right_logical3A_78, %eq3A_80 : vector<16xi32>
      %select_n3A_82 = arith.select %eq3A_81, %and3A_75, %add3A_6 : vector<16xi1>, vector<16xi32>
      "tpu.region"() ({
        %run_scoped3A = tpu.sem_alloc : memref<!tpu.dma_semaphore, #tpu.memory_space<semaphore_mem>>
        %dma_start3A = arith.constant 0 : i32
        %dma_start3A_201 = arith.constant 0 : i32
        %dma_start3A_202 = tpu.memref_slice %arg8[%dma_start3A, %dma_start3A_201] : memref<10368x128xf32, #tpu.memory_space<vmem_shared>> -> memref<10368x128xf32, #tpu.memory_space<vmem_shared>>
        tpu.enqueue_indirect_dma source(%arg7 : memref<16x128xf32, #tpu.memory_space<vmem>>) target(%dma_start3A_202 : memref<10368x128xf32, #tpu.memory_space<vmem_shared>>) offsets(%select_n3A_82 : vector<16xi32>) semaphore(%run_scoped3A : memref<!tpu.dma_semaphore, #tpu.memory_space<semaphore_mem>>) {add = true}
        %dma_wait3A = arith.constant 0 : i32
        %dma_wait3A_203 = arith.constant 0 : i32
        %dma_wait3A_204 = tpu.memref_slice %arg8[%dma_wait3A, %dma_wait3A_203] : memref<10368x128xf32, #tpu.memory_space<vmem_shared>> -> memref<10368x128xf32, #tpu.memory_space<vmem_shared>>
        tpu.wait_indirect_dma semaphore(%run_scoped3A : memref<!tpu.dma_semaphore, #tpu.memory_space<semaphore_mem>>) src(%arg7 : memref<16x128xf32, #tpu.memory_space<vmem>>) dst(%dma_wait3A_204 : memref<10368x128xf32, #tpu.memory_space<vmem_shared>>)
        tpu.yield
      }) : () -> ()
      %eq3A_83 = arith.constant 1 : i32
      %eq3A_84 = vector.broadcast %eq3A_83 : i32 to vector<16xi32>
      %eq3A_85 = arith.cmpi eq, %shift_right_logical3A_78, %eq3A_84 : vector<16xi32>
      %select_n3A_86 = arith.select %eq3A_85, %and3A_75, %add3A_6 : vector<16xi1>, vector<16xi32>
      "tpu.region"() ({
        %run_scoped3A = tpu.sem_alloc : memref<!tpu.dma_semaphore, #tpu.memory_space<semaphore_mem>>
        %dma_start3A = arith.constant 0 : i32
        %dma_start3A_201 = arith.constant 0 : i32
        %dma_start3A_202 = tpu.memref_slice %arg8[%dma_start3A, %dma_start3A_201] : memref<10368x128xf32, #tpu.memory_space<vmem_shared>> -> memref<10368x128xf32, #tpu.memory_space<vmem_shared>>
        tpu.enqueue_indirect_dma source(%arg7 : memref<16x128xf32, #tpu.memory_space<vmem>>) target(%dma_start3A_202 : memref<10368x128xf32, #tpu.memory_space<vmem_shared>>) offsets(%select_n3A_86 : vector<16xi32>) semaphore(%run_scoped3A : memref<!tpu.dma_semaphore, #tpu.memory_space<semaphore_mem>>) {add = true}
        %dma_wait3A = arith.constant 0 : i32
        %dma_wait3A_203 = arith.constant 0 : i32
        %dma_wait3A_204 = tpu.memref_slice %arg8[%dma_wait3A, %dma_wait3A_203] : memref<10368x128xf32, #tpu.memory_space<vmem_shared>> -> memref<10368x128xf32, #tpu.memory_space<vmem_shared>>
        tpu.wait_indirect_dma semaphore(%run_scoped3A : memref<!tpu.dma_semaphore, #tpu.memory_space<semaphore_mem>>) src(%arg7 : memref<16x128xf32, #tpu.memory_space<vmem>>) dst(%dma_wait3A_204 : memref<10368x128xf32, #tpu.memory_space<vmem_shared>>)
        tpu.yield
      }) : () -> ()
      %eq3A_87 = arith.constant 2 : i32
      %eq3A_88 = vector.broadcast %eq3A_87 : i32 to vector<16xi32>
      %eq3A_89 = arith.cmpi eq, %shift_right_logical3A_78, %eq3A_88 : vector<16xi32>
      %select_n3A_90 = arith.select %eq3A_89, %and3A_75, %add3A_6 : vector<16xi1>, vector<16xi32>
      "tpu.region"() ({
        %run_scoped3A = tpu.sem_alloc : memref<!tpu.dma_semaphore, #tpu.memory_space<semaphore_mem>>
        %dma_start3A = arith.constant 0 : i32
        %dma_start3A_201 = arith.constant 0 : i32
        %dma_start3A_202 = tpu.memref_slice %arg8[%dma_start3A, %dma_start3A_201] : memref<10368x128xf32, #tpu.memory_space<vmem_shared>> -> memref<10368x128xf32, #tpu.memory_space<vmem_shared>>
        tpu.enqueue_indirect_dma source(%arg7 : memref<16x128xf32, #tpu.memory_space<vmem>>) target(%dma_start3A_202 : memref<10368x128xf32, #tpu.memory_space<vmem_shared>>) offsets(%select_n3A_90 : vector<16xi32>) semaphore(%run_scoped3A : memref<!tpu.dma_semaphore, #tpu.memory_space<semaphore_mem>>) {add = true}
        %dma_wait3A = arith.constant 0 : i32
        %dma_wait3A_203 = arith.constant 0 : i32
        %dma_wait3A_204 = tpu.memref_slice %arg8[%dma_wait3A, %dma_wait3A_203] : memref<10368x128xf32, #tpu.memory_space<vmem_shared>> -> memref<10368x128xf32, #tpu.memory_space<vmem_shared>>
        tpu.wait_indirect_dma semaphore(%run_scoped3A : memref<!tpu.dma_semaphore, #tpu.memory_space<semaphore_mem>>) src(%arg7 : memref<16x128xf32, #tpu.memory_space<vmem>>) dst(%dma_wait3A_204 : memref<10368x128xf32, #tpu.memory_space<vmem_shared>>)
        tpu.yield
      }) : () -> ()
      %get3A_91 = arith.index_cast %scan3A_29 : i32 to index
      %get3A_92 = arith.constant 48 : index
      %get3A_93 = tpu.vector_load %arg6[%get3A_91, %get3A_92] {strides = array<i32>} : memref<80x128xi32, #tpu.memory_space<vmem>>, vector<1x16xi32>,
      %get3A_94 = vector.shape_cast %get3A_93 : vector<1x16xi32> to vector<16xi32>
      %and3A_95 = arith.constant 268435455 : i32
      %and3A_96 = vector.broadcast %and3A_95 : i32 to vector<16xi32>
      %and3A_97 = arith.andi %get3A_94, %and3A_96 : vector<16xi32>
      %shift_right_logical3A_98 = arith.constant 28 : i32
      %shift_right_logical3A_99 = vector.broadcast %shift_right_logical3A_98 : i32 to vector<16xi32>
      %shift_right_logical3A_100 = arith.shrui %get3A_94, %shift_right_logical3A_99 : vector<16xi32>
      %eq3A_101 = arith.constant 0 : i32
      %eq3A_102 = vector.broadcast %eq3A_101 : i32 to vector<16xi32>
      %eq3A_103 = arith.cmpi eq, %shift_right_logical3A_100, %eq3A_102 : vector<16xi32>
      %select_n3A_104 = arith.select %eq3A_103, %and3A_97, %add3A_6 : vector<16xi1>, vector<16xi32>
      "tpu.region"() ({
        %run_scoped3A = tpu.sem_alloc : memref<!tpu.dma_semaphore, #tpu.memory_space<semaphore_mem>>
        %dma_start3A = arith.constant 0 : i32
        %dma_start3A_201 = arith.constant 0 : i32
        %dma_start3A_202 = tpu.memref_slice %arg8[%dma_start3A, %dma_start3A_201] : memref<10368x128xf32, #tpu.memory_space<vmem_shared>> -> memref<10368x128xf32, #tpu.memory_space<vmem_shared>>
        tpu.enqueue_indirect_dma source(%arg7 : memref<16x128xf32, #tpu.memory_space<vmem>>) target(%dma_start3A_202 : memref<10368x128xf32, #tpu.memory_space<vmem_shared>>) offsets(%select_n3A_104 : vector<16xi32>) semaphore(%run_scoped3A : memref<!tpu.dma_semaphore, #tpu.memory_space<semaphore_mem>>) {add = true}
        %dma_wait3A = arith.constant 0 : i32
        %dma_wait3A_203 = arith.constant 0 : i32
        %dma_wait3A_204 = tpu.memref_slice %arg8[%dma_wait3A, %dma_wait3A_203] : memref<10368x128xf32, #tpu.memory_space<vmem_shared>> -> memref<10368x128xf32, #tpu.memory_space<vmem_shared>>
        tpu.wait_indirect_dma semaphore(%run_scoped3A : memref<!tpu.dma_semaphore, #tpu.memory_space<semaphore_mem>>) src(%arg7 : memref<16x128xf32, #tpu.memory_space<vmem>>) dst(%dma_wait3A_204 : memref<10368x128xf32, #tpu.memory_space<vmem_shared>>)
        tpu.yield
      }) : () -> ()
      %eq3A_105 = arith.constant 1 : i32
      %eq3A_106 = vector.broadcast %eq3A_105 : i32 to vector<16xi32>
      %eq3A_107 = arith.cmpi eq, %shift_right_logical3A_100, %eq3A_106 : vector<16xi32>
      %select_n3A_108 = arith.select %eq3A_107, %and3A_97, %add3A_6 : vector<16xi1>, vector<16xi32>
      "tpu.region"() ({
        %run_scoped3A = tpu.sem_alloc : memref<!tpu.dma_semaphore, #tpu.memory_space<semaphore_mem>>
        %dma_start3A = arith.constant 0 : i32
        %dma_start3A_201 = arith.constant 0 : i32
        %dma_start3A_202 = tpu.memref_slice %arg8[%dma_start3A, %dma_start3A_201] : memref<10368x128xf32, #tpu.memory_space<vmem_shared>> -> memref<10368x128xf32, #tpu.memory_space<vmem_shared>>
        tpu.enqueue_indirect_dma source(%arg7 : memref<16x128xf32, #tpu.memory_space<vmem>>) target(%dma_start3A_202 : memref<10368x128xf32, #tpu.memory_space<vmem_shared>>) offsets(%select_n3A_108 : vector<16xi32>) semaphore(%run_scoped3A : memref<!tpu.dma_semaphore, #tpu.memory_space<semaphore_mem>>) {add = true}
        %dma_wait3A = arith.constant 0 : i32
        %dma_wait3A_203 = arith.constant 0 : i32
        %dma_wait3A_204 = tpu.memref_slice %arg8[%dma_wait3A, %dma_wait3A_203] : memref<10368x128xf32, #tpu.memory_space<vmem_shared>> -> memref<10368x128xf32, #tpu.memory_space<vmem_shared>>
        tpu.wait_indirect_dma semaphore(%run_scoped3A : memref<!tpu.dma_semaphore, #tpu.memory_space<semaphore_mem>>) src(%arg7 : memref<16x128xf32, #tpu.memory_space<vmem>>) dst(%dma_wait3A_204 : memref<10368x128xf32, #tpu.memory_space<vmem_shared>>)
        tpu.yield
      }) : () -> ()
      %eq3A_109 = arith.constant 2 : i32
      %eq3A_110 = vector.broadcast %eq3A_109 : i32 to vector<16xi32>
      %eq3A_111 = arith.cmpi eq, %shift_right_logical3A_100, %eq3A_110 : vector<16xi32>
      %select_n3A_112 = arith.select %eq3A_111, %and3A_97, %add3A_6 : vector<16xi1>, vector<16xi32>
      "tpu.region"() ({
        %run_scoped3A = tpu.sem_alloc : memref<!tpu.dma_semaphore, #tpu.memory_space<semaphore_mem>>
        %dma_start3A = arith.constant 0 : i32
        %dma_start3A_201 = arith.constant 0 : i32
        %dma_start3A_202 = tpu.memref_slice %arg8[%dma_start3A, %dma_start3A_201] : memref<10368x128xf32, #tpu.memory_space<vmem_shared>> -> memref<10368x128xf32, #tpu.memory_space<vmem_shared>>
        tpu.enqueue_indirect_dma source(%arg7 : memref<16x128xf32, #tpu.memory_space<vmem>>) target(%dma_start3A_202 : memref<10368x128xf32, #tpu.memory_space<vmem_shared>>) offsets(%select_n3A_112 : vector<16xi32>) semaphore(%run_scoped3A : memref<!tpu.dma_semaphore, #tpu.memory_space<semaphore_mem>>) {add = true}
        %dma_wait3A = arith.constant 0 : i32
        %dma_wait3A_203 = arith.constant 0 : i32
        %dma_wait3A_204 = tpu.memref_slice %arg8[%dma_wait3A, %dma_wait3A_203] : memref<10368x128xf32, #tpu.memory_space<vmem_shared>> -> memref<10368x128xf32, #tpu.memory_space<vmem_shared>>
        tpu.wait_indirect_dma semaphore(%run_scoped3A : memref<!tpu.dma_semaphore, #tpu.memory_space<semaphore_mem>>) src(%arg7 : memref<16x128xf32, #tpu.memory_space<vmem>>) dst(%dma_wait3A_204 : memref<10368x128xf32, #tpu.memory_space<vmem_shared>>)
        tpu.yield
      }) : () -> ()
      %get3A_113 = arith.index_cast %scan3A_29 : i32 to index
      %get3A_114 = arith.constant 64 : index
      %get3A_115 = tpu.vector_load %arg6[%get3A_113, %get3A_114] {strides = array<i32>} : memref<80x128xi32, #tpu.memory_space<vmem>>, vector<1x16xi32>,
      %get3A_116 = vector.shape_cast %get3A_115 : vector<1x16xi32> to vector<16xi32>
      %and3A_117 = arith.constant 268435455 : i32
      %and3A_118 = vector.broadcast %and3A_117 : i32 to vector<16xi32>
      %and3A_119 = arith.andi %get3A_116, %and3A_118 : vector<16xi32>
      %shift_right_logical3A_120 = arith.constant 28 : i32
      %shift_right_logical3A_121 = vector.broadcast %shift_right_logical3A_120 : i32 to vector<16xi32>
      %shift_right_logical3A_122 = arith.shrui %get3A_116, %shift_right_logical3A_121 : vector<16xi32>
      %eq3A_123 = arith.constant 0 : i32
      %eq3A_124 = vector.broadcast %eq3A_123 : i32 to vector<16xi32>
      %eq3A_125 = arith.cmpi eq, %shift_right_logical3A_122, %eq3A_124 : vector<16xi32>
      %select_n3A_126 = arith.select %eq3A_125, %and3A_119, %add3A_6 : vector<16xi1>, vector<16xi32>
      "tpu.region"() ({
        %run_scoped3A = tpu.sem_alloc : memref<!tpu.dma_semaphore, #tpu.memory_space<semaphore_mem>>
        %dma_start3A = arith.constant 0 : i32
        %dma_start3A_201 = arith.constant 0 : i32
        %dma_start3A_202 = tpu.memref_slice %arg8[%dma_start3A, %dma_start3A_201] : memref<10368x128xf32, #tpu.memory_space<vmem_shared>> -> memref<10368x128xf32, #tpu.memory_space<vmem_shared>>
        tpu.enqueue_indirect_dma source(%arg7 : memref<16x128xf32, #tpu.memory_space<vmem>>) target(%dma_start3A_202 : memref<10368x128xf32, #tpu.memory_space<vmem_shared>>) offsets(%select_n3A_126 : vector<16xi32>) semaphore(%run_scoped3A : memref<!tpu.dma_semaphore, #tpu.memory_space<semaphore_mem>>) {add = true}
        %dma_wait3A = arith.constant 0 : i32
        %dma_wait3A_203 = arith.constant 0 : i32
        %dma_wait3A_204 = tpu.memref_slice %arg8[%dma_wait3A, %dma_wait3A_203] : memref<10368x128xf32, #tpu.memory_space<vmem_shared>> -> memref<10368x128xf32, #tpu.memory_space<vmem_shared>>
        tpu.wait_indirect_dma semaphore(%run_scoped3A : memref<!tpu.dma_semaphore, #tpu.memory_space<semaphore_mem>>) src(%arg7 : memref<16x128xf32, #tpu.memory_space<vmem>>) dst(%dma_wait3A_204 : memref<10368x128xf32, #tpu.memory_space<vmem_shared>>)
        tpu.yield
      }) : () -> ()
      %eq3A_127 = arith.constant 1 : i32
      %eq3A_128 = vector.broadcast %eq3A_127 : i32 to vector<16xi32>
      %eq3A_129 = arith.cmpi eq, %shift_right_logical3A_122, %eq3A_128 : vector<16xi32>
      %select_n3A_130 = arith.select %eq3A_129, %and3A_119, %add3A_6 : vector<16xi1>, vector<16xi32>
      "tpu.region"() ({
        %run_scoped3A = tpu.sem_alloc : memref<!tpu.dma_semaphore, #tpu.memory_space<semaphore_mem>>
        %dma_start3A = arith.constant 0 : i32
        %dma_start3A_201 = arith.constant 0 : i32
        %dma_start3A_202 = tpu.memref_slice %arg8[%dma_start3A, %dma_start3A_201] : memref<10368x128xf32, #tpu.memory_space<vmem_shared>> -> memref<10368x128xf32, #tpu.memory_space<vmem_shared>>
        tpu.enqueue_indirect_dma source(%arg7 : memref<16x128xf32, #tpu.memory_space<vmem>>) target(%dma_start3A_202 : memref<10368x128xf32, #tpu.memory_space<vmem_shared>>) offsets(%select_n3A_130 : vector<16xi32>) semaphore(%run_scoped3A : memref<!tpu.dma_semaphore, #tpu.memory_space<semaphore_mem>>) {add = true}
        %dma_wait3A = arith.constant 0 : i32
        %dma_wait3A_203 = arith.constant 0 : i32
        %dma_wait3A_204 = tpu.memref_slice %arg8[%dma_wait3A, %dma_wait3A_203] : memref<10368x128xf32, #tpu.memory_space<vmem_shared>> -> memref<10368x128xf32, #tpu.memory_space<vmem_shared>>
        tpu.wait_indirect_dma semaphore(%run_scoped3A : memref<!tpu.dma_semaphore, #tpu.memory_space<semaphore_mem>>) src(%arg7 : memref<16x128xf32, #tpu.memory_space<vmem>>) dst(%dma_wait3A_204 : memref<10368x128xf32, #tpu.memory_space<vmem_shared>>)
        tpu.yield
      }) : () -> ()
      %eq3A_131 = arith.constant 2 : i32
      %eq3A_132 = vector.broadcast %eq3A_131 : i32 to vector<16xi32>
      %eq3A_133 = arith.cmpi eq, %shift_right_logical3A_122, %eq3A_132 : vector<16xi32>
      %select_n3A_134 = arith.select %eq3A_133, %and3A_119, %add3A_6 : vector<16xi1>, vector<16xi32>
      "tpu.region"() ({
        %run_scoped3A = tpu.sem_alloc : memref<!tpu.dma_semaphore, #tpu.memory_space<semaphore_mem>>
        %dma_start3A = arith.constant 0 : i32
        %dma_start3A_201 = arith.constant 0 : i32
        %dma_start3A_202 = tpu.memref_slice %arg8[%dma_start3A, %dma_start3A_201] : memref<10368x128xf32, #tpu.memory_space<vmem_shared>> -> memref<10368x128xf32, #tpu.memory_space<vmem_shared>>
        tpu.enqueue_indirect_dma source(%arg7 : memref<16x128xf32, #tpu.memory_space<vmem>>) target(%dma_start3A_202 : memref<10368x128xf32, #tpu.memory_space<vmem_shared>>) offsets(%select_n3A_134 : vector<16xi32>) semaphore(%run_scoped3A : memref<!tpu.dma_semaphore, #tpu.memory_space<semaphore_mem>>) {add = true}
        %dma_wait3A = arith.constant 0 : i32
        %dma_wait3A_203 = arith.constant 0 : i32
        %dma_wait3A_204 = tpu.memref_slice %arg8[%dma_wait3A, %dma_wait3A_203] : memref<10368x128xf32, #tpu.memory_space<vmem_shared>> -> memref<10368x128xf32, #tpu.memory_space<vmem_shared>>
        tpu.wait_indirect_dma semaphore(%run_scoped3A : memref<!tpu.dma_semaphore, #tpu.memory_space<semaphore_mem>>) src(%arg7 : memref<16x128xf32, #tpu.memory_space<vmem>>) dst(%dma_wait3A_204 : memref<10368x128xf32, #tpu.memory_space<vmem_shared>>)
        tpu.yield
      }) : () -> ()
      %get3A_135 = arith.index_cast %scan3A_29 : i32 to index
      %get3A_136 = arith.constant 80 : index
      %get3A_137 = tpu.vector_load %arg6[%get3A_135, %get3A_136] {strides = array<i32>} : memref<80x128xi32, #tpu.memory_space<vmem>>, vector<1x16xi32>,
      %get3A_138 = vector.shape_cast %get3A_137 : vector<1x16xi32> to vector<16xi32>
      %and3A_139 = arith.constant 268435455 : i32
      %and3A_140 = vector.broadcast %and3A_139 : i32 to vector<16xi32>
      %and3A_141 = arith.andi %get3A_138, %and3A_140 : vector<16xi32>
      %shift_right_logical3A_142 = arith.constant 28 : i32
      %shift_right_logical3A_143 = vector.broadcast %shift_right_logical3A_142 : i32 to vector<16xi32>
      %shift_right_logical3A_144 = arith.shrui %get3A_138, %shift_right_logical3A_143 : vector<16xi32>
      %eq3A_145 = arith.constant 0 : i32
      %eq3A_146 = vector.broadcast %eq3A_145 : i32 to vector<16xi32>
      %eq3A_147 = arith.cmpi eq, %shift_right_logical3A_144, %eq3A_146 : vector<16xi32>
      %select_n3A_148 = arith.select %eq3A_147, %and3A_141, %add3A_6 : vector<16xi1>, vector<16xi32>
      "tpu.region"() ({
        %run_scoped3A = tpu.sem_alloc : memref<!tpu.dma_semaphore, #tpu.memory_space<semaphore_mem>>
        %dma_start3A = arith.constant 0 : i32
        %dma_start3A_201 = arith.constant 0 : i32
        %dma_start3A_202 = tpu.memref_slice %arg8[%dma_start3A, %dma_start3A_201] : memref<10368x128xf32, #tpu.memory_space<vmem_shared>> -> memref<10368x128xf32, #tpu.memory_space<vmem_shared>>
        tpu.enqueue_indirect_dma source(%arg7 : memref<16x128xf32, #tpu.memory_space<vmem>>) target(%dma_start3A_202 : memref<10368x128xf32, #tpu.memory_space<vmem_shared>>) offsets(%select_n3A_148 : vector<16xi32>) semaphore(%run_scoped3A : memref<!tpu.dma_semaphore, #tpu.memory_space<semaphore_mem>>) {add = true}
        %dma_wait3A = arith.constant 0 : i32
        %dma_wait3A_203 = arith.constant 0 : i32
        %dma_wait3A_204 = tpu.memref_slice %arg8[%dma_wait3A, %dma_wait3A_203] : memref<10368x128xf32, #tpu.memory_space<vmem_shared>> -> memref<10368x128xf32, #tpu.memory_space<vmem_shared>>
        tpu.wait_indirect_dma semaphore(%run_scoped3A : memref<!tpu.dma_semaphore, #tpu.memory_space<semaphore_mem>>) src(%arg7 : memref<16x128xf32, #tpu.memory_space<vmem>>) dst(%dma_wait3A_204 : memref<10368x128xf32, #tpu.memory_space<vmem_shared>>)
        tpu.yield
      }) : () -> ()
      %eq3A_149 = arith.constant 1 : i32
      %eq3A_150 = vector.broadcast %eq3A_149 : i32 to vector<16xi32>
      %eq3A_151 = arith.cmpi eq, %shift_right_logical3A_144, %eq3A_150 : vector<16xi32>
      %select_n3A_152 = arith.select %eq3A_151, %and3A_141, %add3A_6 : vector<16xi1>, vector<16xi32>
      "tpu.region"() ({
        %run_scoped3A = tpu.sem_alloc : memref<!tpu.dma_semaphore, #tpu.memory_space<semaphore_mem>>
        %dma_start3A = arith.constant 0 : i32
        %dma_start3A_201 = arith.constant 0 : i32
        %dma_start3A_202 = tpu.memref_slice %arg8[%dma_start3A, %dma_start3A_201] : memref<10368x128xf32, #tpu.memory_space<vmem_shared>> -> memref<10368x128xf32, #tpu.memory_space<vmem_shared>>
        tpu.enqueue_indirect_dma source(%arg7 : memref<16x128xf32, #tpu.memory_space<vmem>>) target(%dma_start3A_202 : memref<10368x128xf32, #tpu.memory_space<vmem_shared>>) offsets(%select_n3A_152 : vector<16xi32>) semaphore(%run_scoped3A : memref<!tpu.dma_semaphore, #tpu.memory_space<semaphore_mem>>) {add = true}
        %dma_wait3A = arith.constant 0 : i32
        %dma_wait3A_203 = arith.constant 0 : i32
        %dma_wait3A_204 = tpu.memref_slice %arg8[%dma_wait3A, %dma_wait3A_203] : memref<10368x128xf32, #tpu.memory_space<vmem_shared>> -> memref<10368x128xf32, #tpu.memory_space<vmem_shared>>
        tpu.wait_indirect_dma semaphore(%run_scoped3A : memref<!tpu.dma_semaphore, #tpu.memory_space<semaphore_mem>>) src(%arg7 : memref<16x128xf32, #tpu.memory_space<vmem>>) dst(%dma_wait3A_204 : memref<10368x128xf32, #tpu.memory_space<vmem_shared>>)
        tpu.yield
      }) : () -> ()
      %eq3A_153 = arith.constant 2 : i32
      %eq3A_154 = vector.broadcast %eq3A_153 : i32 to vector<16xi32>
      %eq3A_155 = arith.cmpi eq, %shift_right_logical3A_144, %eq3A_154 : vector<16xi32>
      %select_n3A_156 = arith.select %eq3A_155, %and3A_141, %add3A_6 : vector<16xi1>, vector<16xi32>
      "tpu.region"() ({
        %run_scoped3A = tpu.sem_alloc : memref<!tpu.dma_semaphore, #tpu.memory_space<semaphore_mem>>
        %dma_start3A = arith.constant 0 : i32
        %dma_start3A_201 = arith.constant 0 : i32
        %dma_start3A_202 = tpu.memref_slice %arg8[%dma_start3A, %dma_start3A_201] : memref<10368x128xf32, #tpu.memory_space<vmem_shared>> -> memref<10368x128xf32, #tpu.memory_space<vmem_shared>>
        tpu.enqueue_indirect_dma source(%arg7 : memref<16x128xf32, #tpu.memory_space<vmem>>) target(%dma_start3A_202 : memref<10368x128xf32, #tpu.memory_space<vmem_shared>>) offsets(%select_n3A_156 : vector<16xi32>) semaphore(%run_scoped3A : memref<!tpu.dma_semaphore, #tpu.memory_space<semaphore_mem>>) {add = true}
        %dma_wait3A = arith.constant 0 : i32
        %dma_wait3A_203 = arith.constant 0 : i32
        %dma_wait3A_204 = tpu.memref_slice %arg8[%dma_wait3A, %dma_wait3A_203] : memref<10368x128xf32, #tpu.memory_space<vmem_shared>> -> memref<10368x128xf32, #tpu.memory_space<vmem_shared>>
        tpu.wait_indirect_dma semaphore(%run_scoped3A : memref<!tpu.dma_semaphore, #tpu.memory_space<semaphore_mem>>) src(%arg7 : memref<16x128xf32, #tpu.memory_space<vmem>>) dst(%dma_wait3A_204 : memref<10368x128xf32, #tpu.memory_space<vmem_shared>>)
        tpu.yield
      }) : () -> ()
      %get3A_157 = arith.index_cast %scan3A_29 : i32 to index
      %get3A_158 = arith.constant 96 : index
      %get3A_159 = tpu.vector_load %arg6[%get3A_157, %get3A_158] {strides = array<i32>} : memref<80x128xi32, #tpu.memory_space<vmem>>, vector<1x16xi32>,
      %get3A_160 = vector.shape_cast %get3A_159 : vector<1x16xi32> to vector<16xi32>
      %and3A_161 = arith.constant 268435455 : i32
      %and3A_162 = vector.broadcast %and3A_161 : i32 to vector<16xi32>
      %and3A_163 = arith.andi %get3A_160, %and3A_162 : vector<16xi32>
      %shift_right_logical3A_164 = arith.constant 28 : i32
      %shift_right_logical3A_165 = vector.broadcast %shift_right_logical3A_164 : i32 to vector<16xi32>
      %shift_right_logical3A_166 = arith.shrui %get3A_160, %shift_right_logical3A_165 : vector<16xi32>
      %eq3A_167 = arith.constant 0 : i32
      %eq3A_168 = vector.broadcast %eq3A_167 : i32 to vector<16xi32>
      %eq3A_169 = arith.cmpi eq, %shift_right_logical3A_166, %eq3A_168 : vector<16xi32>
      %select_n3A_170 = arith.select %eq3A_169, %and3A_163, %add3A_6 : vector<16xi1>, vector<16xi32>
      "tpu.region"() ({
        %run_scoped3A = tpu.sem_alloc : memref<!tpu.dma_semaphore, #tpu.memory_space<semaphore_mem>>
        %dma_start3A = arith.constant 0 : i32
        %dma_start3A_201 = arith.constant 0 : i32
        %dma_start3A_202 = tpu.memref_slice %arg8[%dma_start3A, %dma_start3A_201] : memref<10368x128xf32, #tpu.memory_space<vmem_shared>> -> memref<10368x128xf32, #tpu.memory_space<vmem_shared>>
        tpu.enqueue_indirect_dma source(%arg7 : memref<16x128xf32, #tpu.memory_space<vmem>>) target(%dma_start3A_202 : memref<10368x128xf32, #tpu.memory_space<vmem_shared>>) offsets(%select_n3A_170 : vector<16xi32>) semaphore(%run_scoped3A : memref<!tpu.dma_semaphore, #tpu.memory_space<semaphore_mem>>) {add = true}
        %dma_wait3A = arith.constant 0 : i32
        %dma_wait3A_203 = arith.constant 0 : i32
        %dma_wait3A_204 = tpu.memref_slice %arg8[%dma_wait3A, %dma_wait3A_203] : memref<10368x128xf32, #tpu.memory_space<vmem_shared>> -> memref<10368x128xf32, #tpu.memory_space<vmem_shared>>
        tpu.wait_indirect_dma semaphore(%run_scoped3A : memref<!tpu.dma_semaphore, #tpu.memory_space<semaphore_mem>>) src(%arg7 : memref<16x128xf32, #tpu.memory_space<vmem>>) dst(%dma_wait3A_204 : memref<10368x128xf32, #tpu.memory_space<vmem_shared>>)
        tpu.yield
      }) : () -> ()
      %eq3A_171 = arith.constant 1 : i32
      %eq3A_172 = vector.broadcast %eq3A_171 : i32 to vector<16xi32>
      %eq3A_173 = arith.cmpi eq, %shift_right_logical3A_166, %eq3A_172 : vector<16xi32>
      %select_n3A_174 = arith.select %eq3A_173, %and3A_163, %add3A_6 : vector<16xi1>, vector<16xi32>
      "tpu.region"() ({
        %run_scoped3A = tpu.sem_alloc : memref<!tpu.dma_semaphore, #tpu.memory_space<semaphore_mem>>
        %dma_start3A = arith.constant 0 : i32
        %dma_start3A_201 = arith.constant 0 : i32
        %dma_start3A_202 = tpu.memref_slice %arg8[%dma_start3A, %dma_start3A_201] : memref<10368x128xf32, #tpu.memory_space<vmem_shared>> -> memref<10368x128xf32, #tpu.memory_space<vmem_shared>>
        tpu.enqueue_indirect_dma source(%arg7 : memref<16x128xf32, #tpu.memory_space<vmem>>) target(%dma_start3A_202 : memref<10368x128xf32, #tpu.memory_space<vmem_shared>>) offsets(%select_n3A_174 : vector<16xi32>) semaphore(%run_scoped3A : memref<!tpu.dma_semaphore, #tpu.memory_space<semaphore_mem>>) {add = true}
        %dma_wait3A = arith.constant 0 : i32
        %dma_wait3A_203 = arith.constant 0 : i32
        %dma_wait3A_204 = tpu.memref_slice %arg8[%dma_wait3A, %dma_wait3A_203] : memref<10368x128xf32, #tpu.memory_space<vmem_shared>> -> memref<10368x128xf32, #tpu.memory_space<vmem_shared>>
        tpu.wait_indirect_dma semaphore(%run_scoped3A : memref<!tpu.dma_semaphore, #tpu.memory_space<semaphore_mem>>) src(%arg7 : memref<16x128xf32, #tpu.memory_space<vmem>>) dst(%dma_wait3A_204 : memref<10368x128xf32, #tpu.memory_space<vmem_shared>>)
        tpu.yield
      }) : () -> ()
      %eq3A_175 = arith.constant 2 : i32
      %eq3A_176 = vector.broadcast %eq3A_175 : i32 to vector<16xi32>
      %eq3A_177 = arith.cmpi eq, %shift_right_logical3A_166, %eq3A_176 : vector<16xi32>
      %select_n3A_178 = arith.select %eq3A_177, %and3A_163, %add3A_6 : vector<16xi1>, vector<16xi32>
      "tpu.region"() ({
        %run_scoped3A = tpu.sem_alloc : memref<!tpu.dma_semaphore, #tpu.memory_space<semaphore_mem>>
        %dma_start3A = arith.constant 0 : i32
        %dma_start3A_201 = arith.constant 0 : i32
        %dma_start3A_202 = tpu.memref_slice %arg8[%dma_start3A, %dma_start3A_201] : memref<10368x128xf32, #tpu.memory_space<vmem_shared>> -> memref<10368x128xf32, #tpu.memory_space<vmem_shared>>
        tpu.enqueue_indirect_dma source(%arg7 : memref<16x128xf32, #tpu.memory_space<vmem>>) target(%dma_start3A_202 : memref<10368x128xf32, #tpu.memory_space<vmem_shared>>) offsets(%select_n3A_178 : vector<16xi32>) semaphore(%run_scoped3A : memref<!tpu.dma_semaphore, #tpu.memory_space<semaphore_mem>>) {add = true}
        %dma_wait3A = arith.constant 0 : i32
        %dma_wait3A_203 = arith.constant 0 : i32
        %dma_wait3A_204 = tpu.memref_slice %arg8[%dma_wait3A, %dma_wait3A_203] : memref<10368x128xf32, #tpu.memory_space<vmem_shared>> -> memref<10368x128xf32, #tpu.memory_space<vmem_shared>>
        tpu.wait_indirect_dma semaphore(%run_scoped3A : memref<!tpu.dma_semaphore, #tpu.memory_space<semaphore_mem>>) src(%arg7 : memref<16x128xf32, #tpu.memory_space<vmem>>) dst(%dma_wait3A_204 : memref<10368x128xf32, #tpu.memory_space<vmem_shared>>)
        tpu.yield
      }) : () -> ()
      %get3A_179 = arith.index_cast %scan3A_29 : i32 to index
      %get3A_180 = arith.constant 112 : index
      %get3A_181 = tpu.vector_load %arg6[%get3A_179, %get3A_180] {strides = array<i32>} : memref<80x128xi32, #tpu.memory_space<vmem>>, vector<1x16xi32>,
      %get3A_182 = vector.shape_cast %get3A_181 : vector<1x16xi32> to vector<16xi32>
      %and3A_183 = arith.constant 268435455 : i32
      %and3A_184 = vector.broadcast %and3A_183 : i32 to vector<16xi32>
      %and3A_185 = arith.andi %get3A_182, %and3A_184 : vector<16xi32>
      %shift_right_logical3A_186 = arith.constant 28 : i32
      %shift_right_logical3A_187 = vector.broadcast %shift_right_logical3A_186 : i32 to vector<16xi32>
      %shift_right_logical3A_188 = arith.shrui %get3A_182, %shift_right_logical3A_187 : vector<16xi32>
      %eq3A_189 = arith.constant 0 : i32
      %eq3A_190 = vector.broadcast %eq3A_189 : i32 to vector<16xi32>
      %eq3A_191 = arith.cmpi eq, %shift_right_logical3A_188, %eq3A_190 : vector<16xi32>
      %select_n3A_192 = arith.select %eq3A_191, %and3A_185, %add3A_6 : vector<16xi1>, vector<16xi32>
      "tpu.region"() ({
        %run_scoped3A = tpu.sem_alloc : memref<!tpu.dma_semaphore, #tpu.memory_space<semaphore_mem>>
        %dma_start3A = arith.constant 0 : i32
        %dma_start3A_201 = arith.constant 0 : i32
        %dma_start3A_202 = tpu.memref_slice %arg8[%dma_start3A, %dma_start3A_201] : memref<10368x128xf32, #tpu.memory_space<vmem_shared>> -> memref<10368x128xf32, #tpu.memory_space<vmem_shared>>
        tpu.enqueue_indirect_dma source(%arg7 : memref<16x128xf32, #tpu.memory_space<vmem>>) target(%dma_start3A_202 : memref<10368x128xf32, #tpu.memory_space<vmem_shared>>) offsets(%select_n3A_192 : vector<16xi32>) semaphore(%run_scoped3A : memref<!tpu.dma_semaphore, #tpu.memory_space<semaphore_mem>>) {add = true}
        %dma_wait3A = arith.constant 0 : i32
        %dma_wait3A_203 = arith.constant 0 : i32
        %dma_wait3A_204 = tpu.memref_slice %arg8[%dma_wait3A, %dma_wait3A_203] : memref<10368x128xf32, #tpu.memory_space<vmem_shared>> -> memref<10368x128xf32, #tpu.memory_space<vmem_shared>>
        tpu.wait_indirect_dma semaphore(%run_scoped3A : memref<!tpu.dma_semaphore, #tpu.memory_space<semaphore_mem>>) src(%arg7 : memref<16x128xf32, #tpu.memory_space<vmem>>) dst(%dma_wait3A_204 : memref<10368x128xf32, #tpu.memory_space<vmem_shared>>)
        tpu.yield
      }) : () -> ()
      %eq3A_193 = arith.constant 1 : i32
      %eq3A_194 = vector.broadcast %eq3A_193 : i32 to vector<16xi32>
      %eq3A_195 = arith.cmpi eq, %shift_right_logical3A_188, %eq3A_194 : vector<16xi32>
      %select_n3A_196 = arith.select %eq3A_195, %and3A_185, %add3A_6 : vector<16xi1>, vector<16xi32>
      "tpu.region"() ({
        %run_scoped3A = tpu.sem_alloc : memref<!tpu.dma_semaphore, #tpu.memory_space<semaphore_mem>>
        %dma_start3A = arith.constant 0 : i32
        %dma_start3A_201 = arith.constant 0 : i32
        %dma_start3A_202 = tpu.memref_slice %arg8[%dma_start3A, %dma_start3A_201] : memref<10368x128xf32, #tpu.memory_space<vmem_shared>> -> memref<10368x128xf32, #tpu.memory_space<vmem_shared>>
        tpu.enqueue_indirect_dma source(%arg7 : memref<16x128xf32, #tpu.memory_space<vmem>>) target(%dma_start3A_202 : memref<10368x128xf32, #tpu.memory_space<vmem_shared>>) offsets(%select_n3A_196 : vector<16xi32>) semaphore(%run_scoped3A : memref<!tpu.dma_semaphore, #tpu.memory_space<semaphore_mem>>) {add = true}
        %dma_wait3A = arith.constant 0 : i32
        %dma_wait3A_203 = arith.constant 0 : i32
        %dma_wait3A_204 = tpu.memref_slice %arg8[%dma_wait3A, %dma_wait3A_203] : memref<10368x128xf32, #tpu.memory_space<vmem_shared>> -> memref<10368x128xf32, #tpu.memory_space<vmem_shared>>
        tpu.wait_indirect_dma semaphore(%run_scoped3A : memref<!tpu.dma_semaphore, #tpu.memory_space<semaphore_mem>>) src(%arg7 : memref<16x128xf32, #tpu.memory_space<vmem>>) dst(%dma_wait3A_204 : memref<10368x128xf32, #tpu.memory_space<vmem_shared>>)
        tpu.yield
      }) : () -> ()
      %eq3A_197 = arith.constant 2 : i32
      %eq3A_198 = vector.broadcast %eq3A_197 : i32 to vector<16xi32>
      %eq3A_199 = arith.cmpi eq, %shift_right_logical3A_188, %eq3A_198 : vector<16xi32>
      %select_n3A_200 = arith.select %eq3A_199, %and3A_185, %add3A_6 : vector<16xi1>, vector<16xi32>
      "tpu.region"() ({
        %run_scoped3A = tpu.sem_alloc : memref<!tpu.dma_semaphore, #tpu.memory_space<semaphore_mem>>
        %dma_start3A = arith.constant 0 : i32
        %dma_start3A_201 = arith.constant 0 : i32
        %dma_start3A_202 = tpu.memref_slice %arg8[%dma_start3A, %dma_start3A_201] : memref<10368x128xf32, #tpu.memory_space<vmem_shared>> -> memref<10368x128xf32, #tpu.memory_space<vmem_shared>>
        tpu.enqueue_indirect_dma source(%arg7 : memref<16x128xf32, #tpu.memory_space<vmem>>) target(%dma_start3A_202 : memref<10368x128xf32, #tpu.memory_space<vmem_shared>>) offsets(%select_n3A_200 : vector<16xi32>) semaphore(%run_scoped3A : memref<!tpu.dma_semaphore, #tpu.memory_space<semaphore_mem>>) {add = true}
        %dma_wait3A = arith.constant 0 : i32
        %dma_wait3A_203 = arith.constant 0 : i32
        %dma_wait3A_204 = tpu.memref_slice %arg8[%dma_wait3A, %dma_wait3A_203] : memref<10368x128xf32, #tpu.memory_space<vmem_shared>> -> memref<10368x128xf32, #tpu.memory_space<vmem_shared>>
        tpu.wait_indirect_dma semaphore(%run_scoped3A : memref<!tpu.dma_semaphore, #tpu.memory_space<semaphore_mem>>) src(%arg7 : memref<16x128xf32, #tpu.memory_space<vmem>>) dst(%dma_wait3A_204 : memref<10368x128xf32, #tpu.memory_space<vmem_shared>>)
        tpu.yield
      }) : () -> ()
    }
    %scan3A_27 = arith.constant 80 : i32
    %barrier3A_28 = arith.constant 0 : index
    tpu.barrier barrier_id(%barrier3A_28)
    "tpu.region"() ({
      %run_scoped3A = tpu.sem_alloc : memref<!tpu.dma_semaphore, #tpu.memory_space<semaphore_mem>>
      %dma_start3A = arith.constant 0 : i32
      %dma_start3A_29 = tpu.memref_slice %arg5[%arg0, %mul3A_10, %dma_start3A] : memref<2x10368x128xf32, #tpu.memory_space<hbm>> -> memref<1x648x128xf32, #tpu.memory_space<hbm>>
      %dma_start3A_30 = tpu.memref_squeeze %dma_start3A_29 : memref<1x648x128xf32, #tpu.memory_space<hbm>> -> memref<648x128xf32, #tpu.memory_space<hbm>>
      %dma_start3A_31 = arith.constant 0 : i32
      %dma_start3A_32 = tpu.memref_slice %arg8[%mul3A_10, %dma_start3A_31] : memref<10368x128xf32, #tpu.memory_space<vmem_shared>> -> memref<648x128xf32, #tpu.memory_space<vmem_shared>>
      tpu.enqueue_dma source(%dma_start3A_32 : memref<648x128xf32, #tpu.memory_space<vmem_shared>>) target(%dma_start3A_30 : memref<648x128xf32, #tpu.memory_space<hbm>>) target_semaphore(%run_scoped3A : memref<!tpu.dma_semaphore, #tpu.memory_space<semaphore_mem>>)
      %dma_wait3A = arith.constant 0 : i32
      %dma_wait3A_33 = tpu.memref_slice %arg5[%arg0, %mul3A_10, %dma_wait3A] : memref<2x10368x128xf32, #tpu.memory_space<hbm>> -> memref<1x648x128xf32, #tpu.memory_space<hbm>>
      %dma_wait3A_34 = tpu.memref_squeeze %dma_wait3A_33 : memref<1x648x128xf32, #tpu.memory_space<hbm>> -> memref<648x128xf32, #tpu.memory_space<hbm>>
      %dma_wait3A_35 = arith.constant 0 : i32
      %dma_wait3A_36 = tpu.memref_slice %arg8[%mul3A_10, %dma_wait3A_35] : memref<10368x128xf32, #tpu.memory_space<vmem_shared>> -> memref<648x128xf32, #tpu.memory_space<vmem_shared>>
      tpu.wait_dma2 semaphore(%run_scoped3A : memref<!tpu.dma_semaphore, #tpu.memory_space<semaphore_mem>>) src(%dma_wait3A_36 : memref<648x128xf32, #tpu.memory_space<vmem_shared>>) dst(%dma_wait3A_34 : memref<648x128xf32, #tpu.memory_space<hbm>>)
      tpu.yield
    }) : () -> ()
    return
  }
}

#map = affine_map<(d0, d1) -> (0, 0)>
#map1 = affine_map<(d0, d1) -> (0, 0, 0)>
module attributes {stable_mosaic.version = 14 : i64} {
  func.func @k(%arg0: i32, %arg1: i32, %arg2: memref<10000x128xf32, #tpu.memory_space<hbm>>, %arg3: memref<2560x128xi32, #tpu.memory_space<hbm>>, %arg4: memref<2560x128xi32, #tpu.memory_space<hbm>>, %arg5: memref<128x128xf32, #tpu.memory_space<hbm>>, %arg6: memref<2x10368x128xf32, #tpu.memory_space<hbm>>, %arg7: memref<80x128xi32, #tpu.memory_space<vmem>>, %arg8: memref<80x128xi32, #tpu.memory_space<vmem>>, %arg9: memref<16x128xf32, #tpu.memory_space<vmem>>, %arg10: memref<16x128xf32, #tpu.memory_space<vmem>>, %arg11: memref<16x128xf32, #tpu.memory_space<vmem>>, %arg12: memref<16x128xf32, #tpu.memory_space<vmem>>, %arg13: memref<16x128xf32, #tpu.memory_space<vmem>>, %arg14: memref<16x128xf32, #tpu.memory_space<vmem>>, %arg15: memref<16x128xf32, #tpu.memory_space<vmem>>, %arg16: memref<16x128xf32, #tpu.memory_space<vmem>>, %arg17: memref<10368x128xf32, #tpu.memory_space<vmem_shared>>, %arg18: memref<!tpu.dma_semaphore, #tpu.memory_space<semaphore_mem>>, %arg19: memref<!tpu.dma_semaphore, #tpu.memory_space<semaphore_mem>>) attributes {dimension_semantics = [#tpu.dimension_semantics<core_parallel>, #tpu.dimension_semantics<subcore_parallel>], iteration_bounds = array<i64: 2, 16>, scalar_prefetch = 0 : i64, scratch_operands = 13 : i64, tpu.core_type = #tpu.core_type<sc_vector_subcore>, window_params = [{transform_indices = #map}, {transform_indices = #map}, {transform_indices = #map}, {transform_indices = #map}, {transform_indices = #map1}]} {
    %mul3A = arith.constant 16 : i32
    %mul3A_0 = arith.muli %arg0, %mul3A : i32
    %add3A = arith.addi %mul3A_0, %arg1 : i32
    %mul3A_1 = arith.constant 648 : i32
    %mul3A_2 = arith.muli %arg1, %mul3A_1 : i32
    %iota3A = tpu.iota {dimensions = array<i32: 0>} : vector<16xi32>
    %mul3A_3 = arith.constant 16 : i32
    %mul3A_4 = arith.muli %arg1, %mul3A_3 : i32
    %add3A_5 = arith.constant 10112 : i32
    %add3A_6 = arith.addi %add3A_5, %mul3A_4 : i32
    %add3A_7 = vector.broadcast %add3A_6 : i32 to vector<16xi32>
    %add3A_8 = arith.addi %add3A_7, %iota3A : vector<16xi32>
    %mul3A_9 = arith.constant 80 : i32
    %mul3A_10 = arith.muli %add3A, %mul3A_9 : i32
    "tpu.region"() ({
      %run_scoped3A = tpu.sem_alloc : memref<!tpu.dma_semaphore, #tpu.memory_space<semaphore_mem>>
      %dma_start3A = arith.constant 0 : i32
      %dma_start3A_31 = tpu.memref_slice %arg3[%mul3A_10, %dma_start3A] : memref<2560x128xi32, #tpu.memory_space<hbm>> -> memref<80x128xi32, #tpu.memory_space<hbm>>
      %dma_start3A_32 = arith.constant 0 : i32
      %dma_start3A_33 = tpu.memref_slice %arg3[%mul3A_10, %dma_start3A_32] : memref<2560x128xi32, #tpu.memory_space<hbm>> -> memref<80x128xi32, #tpu.memory_space<hbm>>
      tpu.enqueue_dma source(%dma_start3A_33 : memref<80x128xi32, #tpu.memory_space<hbm>>) target(%arg7 : memref<80x128xi32, #tpu.memory_space<vmem>>) target_semaphore(%run_scoped3A : memref<!tpu.dma_semaphore, #tpu.memory_space<semaphore_mem>>)
      %dma_wait3A = arith.constant 0 : i32
      %dma_wait3A_34 = tpu.memref_slice %arg3[%mul3A_10, %dma_wait3A] : memref<2560x128xi32, #tpu.memory_space<hbm>> -> memref<80x128xi32, #tpu.memory_space<hbm>>
      %dma_wait3A_35 = arith.constant 0 : i32
      %dma_wait3A_36 = tpu.memref_slice %arg3[%mul3A_10, %dma_wait3A_35] : memref<2560x128xi32, #tpu.memory_space<hbm>> -> memref<80x128xi32, #tpu.memory_space<hbm>>
      tpu.wait_dma2 semaphore(%run_scoped3A : memref<!tpu.dma_semaphore, #tpu.memory_space<semaphore_mem>>) src(%dma_wait3A_36 : memref<80x128xi32, #tpu.memory_space<hbm>>) dst(%arg7 : memref<80x128xi32, #tpu.memory_space<vmem>>)
      tpu.yield
    }) : () -> ()
    %mul3A_11 = arith.constant 80 : i32
    %mul3A_12 = arith.muli %add3A, %mul3A_11 : i32
    "tpu.region"() ({
      %run_scoped3A = tpu.sem_alloc : memref<!tpu.dma_semaphore, #tpu.memory_space<semaphore_mem>>
      %dma_start3A = arith.constant 0 : i32
      %dma_start3A_31 = tpu.memref_slice %arg4[%mul3A_12, %dma_start3A] : memref<2560x128xi32, #tpu.memory_space<hbm>> -> memref<80x128xi32, #tpu.memory_space<hbm>>
      %dma_start3A_32 = arith.constant 0 : i32
      %dma_start3A_33 = tpu.memref_slice %arg4[%mul3A_12, %dma_start3A_32] : memref<2560x128xi32, #tpu.memory_space<hbm>> -> memref<80x128xi32, #tpu.memory_space<hbm>>
      tpu.enqueue_dma source(%dma_start3A_33 : memref<80x128xi32, #tpu.memory_space<hbm>>) target(%arg8 : memref<80x128xi32, #tpu.memory_space<vmem>>) target_semaphore(%run_scoped3A : memref<!tpu.dma_semaphore, #tpu.memory_space<semaphore_mem>>)
      %dma_wait3A = arith.constant 0 : i32
      %dma_wait3A_34 = tpu.memref_slice %arg4[%mul3A_12, %dma_wait3A] : memref<2560x128xi32, #tpu.memory_space<hbm>> -> memref<80x128xi32, #tpu.memory_space<hbm>>
      %dma_wait3A_35 = arith.constant 0 : i32
      %dma_wait3A_36 = tpu.memref_slice %arg4[%mul3A_12, %dma_wait3A_35] : memref<2560x128xi32, #tpu.memory_space<hbm>> -> memref<80x128xi32, #tpu.memory_space<hbm>>
      tpu.wait_dma2 semaphore(%run_scoped3A : memref<!tpu.dma_semaphore, #tpu.memory_space<semaphore_mem>>) src(%dma_wait3A_36 : memref<80x128xi32, #tpu.memory_space<hbm>>) dst(%arg8 : memref<80x128xi32, #tpu.memory_space<vmem>>)
      tpu.yield
    }) : () -> ()
    %add3A_13 = arith.constant 0 : i32
    %add3A_14 = arith.addi %mul3A_2, %add3A_13 : i32
    "tpu.region"() ({
      %run_scoped3A = tpu.sem_alloc : memref<!tpu.dma_semaphore, #tpu.memory_space<semaphore_mem>>
      %dma_start3A = arith.constant 0 : i32
      %dma_start3A_31 = tpu.memref_slice %arg17[%add3A_14, %dma_start3A] : memref<10368x128xf32, #tpu.memory_space<vmem_shared>> -> memref<128x128xf32, #tpu.memory_space<vmem_shared>>
      tpu.enqueue_dma source(%arg5 : memref<128x128xf32, #tpu.memory_space<hbm>>) target(%dma_start3A_31 : memref<128x128xf32, #tpu.memory_space<vmem_shared>>) target_semaphore(%run_scoped3A : memref<!tpu.dma_semaphore, #tpu.memory_space<semaphore_mem>>)
      %dma_wait3A = arith.constant 0 : i32
      %dma_wait3A_32 = tpu.memref_slice %arg17[%add3A_14, %dma_wait3A] : memref<10368x128xf32, #tpu.memory_space<vmem_shared>> -> memref<128x128xf32, #tpu.memory_space<vmem_shared>>
      tpu.wait_dma2 semaphore(%run_scoped3A : memref<!tpu.dma_semaphore, #tpu.memory_space<semaphore_mem>>) src(%arg5 : memref<128x128xf32, #tpu.memory_space<hbm>>) dst(%dma_wait3A_32 : memref<128x128xf32, #tpu.memory_space<vmem_shared>>)
      tpu.yield
    }) : () -> ()
    %add3A_15 = arith.constant 128 : i32
    %add3A_16 = arith.addi %mul3A_2, %add3A_15 : i32
    "tpu.region"() ({
      %run_scoped3A = tpu.sem_alloc : memref<!tpu.dma_semaphore, #tpu.memory_space<semaphore_mem>>
      %dma_start3A = arith.constant 0 : i32
      %dma_start3A_31 = tpu.memref_slice %arg17[%add3A_16, %dma_start3A] : memref<10368x128xf32, #tpu.memory_space<vmem_shared>> -> memref<128x128xf32, #tpu.memory_space<vmem_shared>>
      tpu.enqueue_dma source(%arg5 : memref<128x128xf32, #tpu.memory_space<hbm>>) target(%dma_start3A_31 : memref<128x128xf32, #tpu.memory_space<vmem_shared>>) target_semaphore(%run_scoped3A : memref<!tpu.dma_semaphore, #tpu.memory_space<semaphore_mem>>)
      %dma_wait3A = arith.constant 0 : i32
      %dma_wait3A_32 = tpu.memref_slice %arg17[%add3A_16, %dma_wait3A] : memref<10368x128xf32, #tpu.memory_space<vmem_shared>> -> memref<128x128xf32, #tpu.memory_space<vmem_shared>>
      tpu.wait_dma2 semaphore(%run_scoped3A : memref<!tpu.dma_semaphore, #tpu.memory_space<semaphore_mem>>) src(%arg5 : memref<128x128xf32, #tpu.memory_space<hbm>>) dst(%dma_wait3A_32 : memref<128x128xf32, #tpu.memory_space<vmem_shared>>)
      tpu.yield
    }) : () -> ()
    %add3A_17 = arith.constant 256 : i32
    %add3A_18 = arith.addi %mul3A_2, %add3A_17 : i32
    "tpu.region"() ({
      %run_scoped3A = tpu.sem_alloc : memref<!tpu.dma_semaphore, #tpu.memory_space<semaphore_mem>>
      %dma_start3A = arith.constant 0 : i32
      %dma_start3A_31 = tpu.memref_slice %arg17[%add3A_18, %dma_start3A] : memref<10368x128xf32, #tpu.memory_space<vmem_shared>> -> memref<128x128xf32, #tpu.memory_space<vmem_shared>>
      tpu.enqueue_dma source(%arg5 : memref<128x128xf32, #tpu.memory_space<hbm>>) target(%dma_start3A_31 : memref<128x128xf32, #tpu.memory_space<vmem_shared>>) target_semaphore(%run_scoped3A : memref<!tpu.dma_semaphore, #tpu.memory_space<semaphore_mem>>)
      %dma_wait3A = arith.constant 0 : i32
      %dma_wait3A_32 = tpu.memref_slice %arg17[%add3A_18, %dma_wait3A] : memref<10368x128xf32, #tpu.memory_space<vmem_shared>> -> memref<128x128xf32, #tpu.memory_space<vmem_shared>>
      tpu.wait_dma2 semaphore(%run_scoped3A : memref<!tpu.dma_semaphore, #tpu.memory_space<semaphore_mem>>) src(%arg5 : memref<128x128xf32, #tpu.memory_space<hbm>>) dst(%dma_wait3A_32 : memref<128x128xf32, #tpu.memory_space<vmem_shared>>)
      tpu.yield
    }) : () -> ()
    %add3A_19 = arith.constant 384 : i32
    %add3A_20 = arith.addi %mul3A_2, %add3A_19 : i32
    "tpu.region"() ({
      %run_scoped3A = tpu.sem_alloc : memref<!tpu.dma_semaphore, #tpu.memory_space<semaphore_mem>>
      %dma_start3A = arith.constant 0 : i32
      %dma_start3A_31 = tpu.memref_slice %arg17[%add3A_20, %dma_start3A] : memref<10368x128xf32, #tpu.memory_space<vmem_shared>> -> memref<128x128xf32, #tpu.memory_space<vmem_shared>>
      tpu.enqueue_dma source(%arg5 : memref<128x128xf32, #tpu.memory_space<hbm>>) target(%dma_start3A_31 : memref<128x128xf32, #tpu.memory_space<vmem_shared>>) target_semaphore(%run_scoped3A : memref<!tpu.dma_semaphore, #tpu.memory_space<semaphore_mem>>)
      %dma_wait3A = arith.constant 0 : i32
      %dma_wait3A_32 = tpu.memref_slice %arg17[%add3A_20, %dma_wait3A] : memref<10368x128xf32, #tpu.memory_space<vmem_shared>> -> memref<128x128xf32, #tpu.memory_space<vmem_shared>>
      tpu.wait_dma2 semaphore(%run_scoped3A : memref<!tpu.dma_semaphore, #tpu.memory_space<semaphore_mem>>) src(%arg5 : memref<128x128xf32, #tpu.memory_space<hbm>>) dst(%dma_wait3A_32 : memref<128x128xf32, #tpu.memory_space<vmem_shared>>)
      tpu.yield
    }) : () -> ()
    %add3A_21 = arith.constant 512 : i32
    %add3A_22 = arith.addi %mul3A_2, %add3A_21 : i32
    "tpu.region"() ({
      %run_scoped3A = tpu.sem_alloc : memref<!tpu.dma_semaphore, #tpu.memory_space<semaphore_mem>>
      %dma_start3A = arith.constant 0 : i32
      %dma_start3A_31 = tpu.memref_slice %arg17[%add3A_22, %dma_start3A] : memref<10368x128xf32, #tpu.memory_space<vmem_shared>> -> memref<128x128xf32, #tpu.memory_space<vmem_shared>>
      tpu.enqueue_dma source(%arg5 : memref<128x128xf32, #tpu.memory_space<hbm>>) target(%dma_start3A_31 : memref<128x128xf32, #tpu.memory_space<vmem_shared>>) target_semaphore(%run_scoped3A : memref<!tpu.dma_semaphore, #tpu.memory_space<semaphore_mem>>)
      %dma_wait3A = arith.constant 0 : i32
      %dma_wait3A_32 = tpu.memref_slice %arg17[%add3A_22, %dma_wait3A] : memref<10368x128xf32, #tpu.memory_space<vmem_shared>> -> memref<128x128xf32, #tpu.memory_space<vmem_shared>>
      tpu.wait_dma2 semaphore(%run_scoped3A : memref<!tpu.dma_semaphore, #tpu.memory_space<semaphore_mem>>) src(%arg5 : memref<128x128xf32, #tpu.memory_space<hbm>>) dst(%dma_wait3A_32 : memref<128x128xf32, #tpu.memory_space<vmem_shared>>)
      tpu.yield
    }) : () -> ()
    %add3A_23 = arith.constant 640 : i32
    %add3A_24 = arith.addi %mul3A_2, %add3A_23 : i32
    "tpu.region"() ({
      %run_scoped3A = tpu.sem_alloc : memref<!tpu.dma_semaphore, #tpu.memory_space<semaphore_mem>>
      %dma_start3A = arith.constant 0 : i32
      %dma_start3A_31 = tpu.memref_slice %arg17[%add3A_24, %dma_start3A] : memref<10368x128xf32, #tpu.memory_space<vmem_shared>> -> memref<8x128xf32, #tpu.memory_space<vmem_shared>>
      %dma_start3A_32 = arith.constant 0 : i32
      %dma_start3A_33 = arith.constant 0 : i32
      %dma_start3A_34 = tpu.memref_slice %arg5[%dma_start3A_32, %dma_start3A_33] : memref<128x128xf32, #tpu.memory_space<hbm>> -> memref<8x128xf32, #tpu.memory_space<hbm>>
      tpu.enqueue_dma source(%dma_start3A_34 : memref<8x128xf32, #tpu.memory_space<hbm>>) target(%dma_start3A_31 : memref<8x128xf32, #tpu.memory_space<vmem_shared>>) target_semaphore(%run_scoped3A : memref<!tpu.dma_semaphore, #tpu.memory_space<semaphore_mem>>)
      %dma_wait3A = arith.constant 0 : i32
      %dma_wait3A_35 = tpu.memref_slice %arg17[%add3A_24, %dma_wait3A] : memref<10368x128xf32, #tpu.memory_space<vmem_shared>> -> memref<8x128xf32, #tpu.memory_space<vmem_shared>>
      %dma_wait3A_36 = arith.constant 0 : i32
      %dma_wait3A_37 = arith.constant 0 : i32
      %dma_wait3A_38 = tpu.memref_slice %arg5[%dma_wait3A_36, %dma_wait3A_37] : memref<128x128xf32, #tpu.memory_space<hbm>> -> memref<8x128xf32, #tpu.memory_space<hbm>>
      tpu.wait_dma2 semaphore(%run_scoped3A : memref<!tpu.dma_semaphore, #tpu.memory_space<semaphore_mem>>) src(%dma_wait3A_38 : memref<8x128xf32, #tpu.memory_space<hbm>>) dst(%dma_wait3A_35 : memref<8x128xf32, #tpu.memory_space<vmem_shared>>)
      tpu.yield
    }) : () -> ()
    %barrier3A = arith.constant 0 : index
    tpu.barrier barrier_id(%barrier3A)
    %scan3A = arith.constant 0 : i32
    %scan3A_25 = arith.constant 0 : i32
    %scan3A_26 = arith.constant 80 : i32
    %scan3A_27 = arith.addi %scan3A_25, %scan3A_26 : i32
    %scan3A_28 = arith.constant 1 : i32
    scf.for %scan3A_31 = %scan3A_25 to %scan3A_27 step %scan3A_28  : i32 {
      %get3A = arith.index_cast %scan3A_31 : i32 to index
      %get3A_32 = arith.constant 0 : index
      %get3A_33 = tpu.vector_load %arg7[%get3A, %get3A_32] {strides = array<i32>} : memref<80x128xi32, #tpu.memory_space<vmem>>, vector<1x16xi32>,
      %get3A_34 = vector.shape_cast %get3A_33 : vector<1x16xi32> to vector<16xi32>
      %dma_start3A = arith.constant 0 : i32
      %dma_start3A_35 = arith.constant 0 : i32
      %dma_start3A_36 = tpu.memref_slice %arg2[%dma_start3A, %dma_start3A_35] : memref<10000x128xf32, #tpu.memory_space<hbm>> -> memref<10000x128xf32, #tpu.memory_space<hbm>>
      tpu.enqueue_indirect_dma source(%dma_start3A_36 : memref<10000x128xf32, #tpu.memory_space<hbm>>) target(%arg9 : memref<16x128xf32, #tpu.memory_space<vmem>>) offsets(%get3A_34 : vector<16xi32>) semaphore(%arg18 : memref<!tpu.dma_semaphore, #tpu.memory_space<semaphore_mem>>)
      %get3A_37 = arith.index_cast %scan3A_31 : i32 to index
      %get3A_38 = arith.constant 16 : index
      %get3A_39 = tpu.vector_load %arg7[%get3A_37, %get3A_38] {strides = array<i32>} : memref<80x128xi32, #tpu.memory_space<vmem>>, vector<1x16xi32>,
      %get3A_40 = vector.shape_cast %get3A_39 : vector<1x16xi32> to vector<16xi32>
      %dma_start3A_41 = arith.constant 0 : i32
      %dma_start3A_42 = arith.constant 0 : i32
      %dma_start3A_43 = tpu.memref_slice %arg2[%dma_start3A_41, %dma_start3A_42] : memref<10000x128xf32, #tpu.memory_space<hbm>> -> memref<10000x128xf32, #tpu.memory_space<hbm>>
      tpu.enqueue_indirect_dma source(%dma_start3A_43 : memref<10000x128xf32, #tpu.memory_space<hbm>>) target(%arg10 : memref<16x128xf32, #tpu.memory_space<vmem>>) offsets(%get3A_40 : vector<16xi32>) semaphore(%arg18 : memref<!tpu.dma_semaphore, #tpu.memory_space<semaphore_mem>>)
      %get3A_44 = arith.index_cast %scan3A_31 : i32 to index
      %get3A_45 = arith.constant 32 : index
      %get3A_46 = tpu.vector_load %arg7[%get3A_44, %get3A_45] {strides = array<i32>} : memref<80x128xi32, #tpu.memory_space<vmem>>, vector<1x16xi32>,
      %get3A_47 = vector.shape_cast %get3A_46 : vector<1x16xi32> to vector<16xi32>
      %dma_start3A_48 = arith.constant 0 : i32
      %dma_start3A_49 = arith.constant 0 : i32
      %dma_start3A_50 = tpu.memref_slice %arg2[%dma_start3A_48, %dma_start3A_49] : memref<10000x128xf32, #tpu.memory_space<hbm>> -> memref<10000x128xf32, #tpu.memory_space<hbm>>
      tpu.enqueue_indirect_dma source(%dma_start3A_50 : memref<10000x128xf32, #tpu.memory_space<hbm>>) target(%arg11 : memref<16x128xf32, #tpu.memory_space<vmem>>) offsets(%get3A_47 : vector<16xi32>) semaphore(%arg18 : memref<!tpu.dma_semaphore, #tpu.memory_space<semaphore_mem>>)
      %get3A_51 = arith.index_cast %scan3A_31 : i32 to index
      %get3A_52 = arith.constant 48 : index
      %get3A_53 = tpu.vector_load %arg7[%get3A_51, %get3A_52] {strides = array<i32>} : memref<80x128xi32, #tpu.memory_space<vmem>>, vector<1x16xi32>,
      %get3A_54 = vector.shape_cast %get3A_53 : vector<1x16xi32> to vector<16xi32>
      %dma_start3A_55 = arith.constant 0 : i32
      %dma_start3A_56 = arith.constant 0 : i32
      %dma_start3A_57 = tpu.memref_slice %arg2[%dma_start3A_55, %dma_start3A_56] : memref<10000x128xf32, #tpu.memory_space<hbm>> -> memref<10000x128xf32, #tpu.memory_space<hbm>>
      tpu.enqueue_indirect_dma source(%dma_start3A_57 : memref<10000x128xf32, #tpu.memory_space<hbm>>) target(%arg12 : memref<16x128xf32, #tpu.memory_space<vmem>>) offsets(%get3A_54 : vector<16xi32>) semaphore(%arg18 : memref<!tpu.dma_semaphore, #tpu.memory_space<semaphore_mem>>)
      %get3A_58 = arith.index_cast %scan3A_31 : i32 to index
      %get3A_59 = arith.constant 64 : index
      %get3A_60 = tpu.vector_load %arg7[%get3A_58, %get3A_59] {strides = array<i32>} : memref<80x128xi32, #tpu.memory_space<vmem>>, vector<1x16xi32>,
      %get3A_61 = vector.shape_cast %get3A_60 : vector<1x16xi32> to vector<16xi32>
      %dma_start3A_62 = arith.constant 0 : i32
      %dma_start3A_63 = arith.constant 0 : i32
      %dma_start3A_64 = tpu.memref_slice %arg2[%dma_start3A_62, %dma_start3A_63] : memref<10000x128xf32, #tpu.memory_space<hbm>> -> memref<10000x128xf32, #tpu.memory_space<hbm>>
      tpu.enqueue_indirect_dma source(%dma_start3A_64 : memref<10000x128xf32, #tpu.memory_space<hbm>>) target(%arg13 : memref<16x128xf32, #tpu.memory_space<vmem>>) offsets(%get3A_61 : vector<16xi32>) semaphore(%arg19 : memref<!tpu.dma_semaphore, #tpu.memory_space<semaphore_mem>>)
      %get3A_65 = arith.index_cast %scan3A_31 : i32 to index
      %get3A_66 = arith.constant 80 : index
      %get3A_67 = tpu.vector_load %arg7[%get3A_65, %get3A_66] {strides = array<i32>} : memref<80x128xi32, #tpu.memory_space<vmem>>, vector<1x16xi32>,
      %get3A_68 = vector.shape_cast %get3A_67 : vector<1x16xi32> to vector<16xi32>
      %dma_start3A_69 = arith.constant 0 : i32
      %dma_start3A_70 = arith.constant 0 : i32
      %dma_start3A_71 = tpu.memref_slice %arg2[%dma_start3A_69, %dma_start3A_70] : memref<10000x128xf32, #tpu.memory_space<hbm>> -> memref<10000x128xf32, #tpu.memory_space<hbm>>
      tpu.enqueue_indirect_dma source(%dma_start3A_71 : memref<10000x128xf32, #tpu.memory_space<hbm>>) target(%arg14 : memref<16x128xf32, #tpu.memory_space<vmem>>) offsets(%get3A_68 : vector<16xi32>) semaphore(%arg19 : memref<!tpu.dma_semaphore, #tpu.memory_space<semaphore_mem>>)
      %get3A_72 = arith.index_cast %scan3A_31 : i32 to index
      %get3A_73 = arith.constant 96 : index
      %get3A_74 = tpu.vector_load %arg7[%get3A_72, %get3A_73] {strides = array<i32>} : memref<80x128xi32, #tpu.memory_space<vmem>>, vector<1x16xi32>,
      %get3A_75 = vector.shape_cast %get3A_74 : vector<1x16xi32> to vector<16xi32>
      %dma_start3A_76 = arith.constant 0 : i32
      %dma_start3A_77 = arith.constant 0 : i32
      %dma_start3A_78 = tpu.memref_slice %arg2[%dma_start3A_76, %dma_start3A_77] : memref<10000x128xf32, #tpu.memory_space<hbm>> -> memref<10000x128xf32, #tpu.memory_space<hbm>>
      tpu.enqueue_indirect_dma source(%dma_start3A_78 : memref<10000x128xf32, #tpu.memory_space<hbm>>) target(%arg15 : memref<16x128xf32, #tpu.memory_space<vmem>>) offsets(%get3A_75 : vector<16xi32>) semaphore(%arg19 : memref<!tpu.dma_semaphore, #tpu.memory_space<semaphore_mem>>)
      %get3A_79 = arith.index_cast %scan3A_31 : i32 to index
      %get3A_80 = arith.constant 112 : index
      %get3A_81 = tpu.vector_load %arg7[%get3A_79, %get3A_80] {strides = array<i32>} : memref<80x128xi32, #tpu.memory_space<vmem>>, vector<1x16xi32>,
      %get3A_82 = vector.shape_cast %get3A_81 : vector<1x16xi32> to vector<16xi32>
      %dma_start3A_83 = arith.constant 0 : i32
      %dma_start3A_84 = arith.constant 0 : i32
      %dma_start3A_85 = tpu.memref_slice %arg2[%dma_start3A_83, %dma_start3A_84] : memref<10000x128xf32, #tpu.memory_space<hbm>> -> memref<10000x128xf32, #tpu.memory_space<hbm>>
      tpu.enqueue_indirect_dma source(%dma_start3A_85 : memref<10000x128xf32, #tpu.memory_space<hbm>>) target(%arg16 : memref<16x128xf32, #tpu.memory_space<vmem>>) offsets(%get3A_82 : vector<16xi32>) semaphore(%arg19 : memref<!tpu.dma_semaphore, #tpu.memory_space<semaphore_mem>>)
      %dma_wait3A = arith.constant 0 : i32
      %dma_wait3A_86 = arith.constant 0 : i32
      %dma_wait3A_87 = tpu.memref_slice %arg2[%dma_wait3A, %dma_wait3A_86] : memref<10000x128xf32, #tpu.memory_space<hbm>> -> memref<16x128xf32, #tpu.memory_space<hbm>>
      %dma_wait3A_88 = arith.constant 0 : i32
      %dma_wait3A_89 = arith.constant 0 : i32
      %dma_wait3A_90 = tpu.memref_slice %arg2[%dma_wait3A_88, %dma_wait3A_89] : memref<10000x128xf32, #tpu.memory_space<hbm>> -> memref<16x128xf32, #tpu.memory_space<hbm>>
      tpu.wait_dma2 semaphore(%arg18 : memref<!tpu.dma_semaphore, #tpu.memory_space<semaphore_mem>>) src(%dma_wait3A_90 : memref<16x128xf32, #tpu.memory_space<hbm>>) dst(%arg9 : memref<16x128xf32, #tpu.memory_space<vmem>>)
      %dma_wait3A_91 = arith.constant 0 : i32
      %dma_wait3A_92 = arith.constant 0 : i32
      %dma_wait3A_93 = tpu.memref_slice %arg2[%dma_wait3A_91, %dma_wait3A_92] : memref<10000x128xf32, #tpu.memory_space<hbm>> -> memref<16x128xf32, #tpu.memory_space<hbm>>
      %dma_wait3A_94 = arith.constant 0 : i32
      %dma_wait3A_95 = arith.constant 0 : i32
      %dma_wait3A_96 = tpu.memref_slice %arg2[%dma_wait3A_94, %dma_wait3A_95] : memref<10000x128xf32, #tpu.memory_space<hbm>> -> memref<16x128xf32, #tpu.memory_space<hbm>>
      tpu.wait_dma2 semaphore(%arg18 : memref<!tpu.dma_semaphore, #tpu.memory_space<semaphore_mem>>) src(%dma_wait3A_96 : memref<16x128xf32, #tpu.memory_space<hbm>>) dst(%arg10 : memref<16x128xf32, #tpu.memory_space<vmem>>)
      %dma_wait3A_97 = arith.constant 0 : i32
      %dma_wait3A_98 = arith.constant 0 : i32
      %dma_wait3A_99 = tpu.memref_slice %arg2[%dma_wait3A_97, %dma_wait3A_98] : memref<10000x128xf32, #tpu.memory_space<hbm>> -> memref<16x128xf32, #tpu.memory_space<hbm>>
      %dma_wait3A_100 = arith.constant 0 : i32
      %dma_wait3A_101 = arith.constant 0 : i32
      %dma_wait3A_102 = tpu.memref_slice %arg2[%dma_wait3A_100, %dma_wait3A_101] : memref<10000x128xf32, #tpu.memory_space<hbm>> -> memref<16x128xf32, #tpu.memory_space<hbm>>
      tpu.wait_dma2 semaphore(%arg18 : memref<!tpu.dma_semaphore, #tpu.memory_space<semaphore_mem>>) src(%dma_wait3A_102 : memref<16x128xf32, #tpu.memory_space<hbm>>) dst(%arg11 : memref<16x128xf32, #tpu.memory_space<vmem>>)
      %dma_wait3A_103 = arith.constant 0 : i32
      %dma_wait3A_104 = arith.constant 0 : i32
      %dma_wait3A_105 = tpu.memref_slice %arg2[%dma_wait3A_103, %dma_wait3A_104] : memref<10000x128xf32, #tpu.memory_space<hbm>> -> memref<16x128xf32, #tpu.memory_space<hbm>>
      %dma_wait3A_106 = arith.constant 0 : i32
      %dma_wait3A_107 = arith.constant 0 : i32
      %dma_wait3A_108 = tpu.memref_slice %arg2[%dma_wait3A_106, %dma_wait3A_107] : memref<10000x128xf32, #tpu.memory_space<hbm>> -> memref<16x128xf32, #tpu.memory_space<hbm>>
      tpu.wait_dma2 semaphore(%arg18 : memref<!tpu.dma_semaphore, #tpu.memory_space<semaphore_mem>>) src(%dma_wait3A_108 : memref<16x128xf32, #tpu.memory_space<hbm>>) dst(%arg12 : memref<16x128xf32, #tpu.memory_space<vmem>>)
      %get3A_109 = arith.index_cast %scan3A_31 : i32 to index
      %get3A_110 = arith.constant 0 : index
      %get3A_111 = tpu.vector_load %arg8[%get3A_109, %get3A_110] {strides = array<i32>} : memref<80x128xi32, #tpu.memory_space<vmem>>, vector<1x16xi32>,
      %get3A_112 = vector.shape_cast %get3A_111 : vector<1x16xi32> to vector<16xi32>
      %and3A = arith.constant 268435455 : i32
      %and3A_113 = vector.broadcast %and3A : i32 to vector<16xi32>
      %and3A_114 = arith.andi %get3A_112, %and3A_113 : vector<16xi32>
      %shift_right_logical3A = arith.constant 28 : i32
      %shift_right_logical3A_115 = vector.broadcast %shift_right_logical3A : i32 to vector<16xi32>
      %shift_right_logical3A_116 = arith.shrui %get3A_112, %shift_right_logical3A_115 : vector<16xi32>
      %eq3A = arith.constant 0 : i32
      %eq3A_117 = vector.broadcast %eq3A : i32 to vector<16xi32>
      %eq3A_118 = arith.cmpi eq, %shift_right_logical3A_116, %eq3A_117 : vector<16xi32>
      %select_n3A = arith.select %eq3A_118, %and3A_114, %add3A_8 : vector<16xi1>, vector<16xi32>
      "tpu.region"() ({
        %run_scoped3A = tpu.sem_alloc : memref<!tpu.dma_semaphore, #tpu.memory_space<semaphore_mem>>
        %dma_start3A_305 = arith.constant 0 : i32
        %dma_start3A_306 = arith.constant 0 : i32
        %dma_start3A_307 = tpu.memref_slice %arg17[%dma_start3A_305, %dma_start3A_306] : memref<10368x128xf32, #tpu.memory_space<vmem_shared>> -> memref<10368x128xf32, #tpu.memory_space<vmem_shared>>
        tpu.enqueue_indirect_dma source(%arg9 : memref<16x128xf32, #tpu.memory_space<vmem>>) target(%dma_start3A_307 : memref<10368x128xf32, #tpu.memory_space<vmem_shared>>) offsets(%select_n3A : vector<16xi32>) semaphore(%run_scoped3A : memref<!tpu.dma_semaphore, #tpu.memory_space<semaphore_mem>>) {add = true}
        %dma_wait3A_308 = arith.constant 0 : i32
        %dma_wait3A_309 = arith.constant 0 : i32
        %dma_wait3A_310 = tpu.memref_slice %arg17[%dma_wait3A_308, %dma_wait3A_309] : memref<10368x128xf32, #tpu.memory_space<vmem_shared>> -> memref<10368x128xf32, #tpu.memory_space<vmem_shared>>
        tpu.wait_indirect_dma semaphore(%run_scoped3A : memref<!tpu.dma_semaphore, #tpu.memory_space<semaphore_mem>>) src(%arg9 : memref<16x128xf32, #tpu.memory_space<vmem>>) dst(%dma_wait3A_310 : memref<10368x128xf32, #tpu.memory_space<vmem_shared>>)
        tpu.yield
      }) : () -> ()
      %eq3A_119 = arith.constant 1 : i32
      %eq3A_120 = vector.broadcast %eq3A_119 : i32 to vector<16xi32>
      %eq3A_121 = arith.cmpi eq, %shift_right_logical3A_116, %eq3A_120 : vector<16xi32>
      %select_n3A_122 = arith.select %eq3A_121, %and3A_114, %add3A_8 : vector<16xi1>, vector<16xi32>
      "tpu.region"() ({
        %run_scoped3A = tpu.sem_alloc : memref<!tpu.dma_semaphore, #tpu.memory_space<semaphore_mem>>
        %dma_start3A_305 = arith.constant 0 : i32
        %dma_start3A_306 = arith.constant 0 : i32
        %dma_start3A_307 = tpu.memref_slice %arg17[%dma_start3A_305, %dma_start3A_306] : memref<10368x128xf32, #tpu.memory_space<vmem_shared>> -> memref<10368x128xf32, #tpu.memory_space<vmem_shared>>
        tpu.enqueue_indirect_dma source(%arg9 : memref<16x128xf32, #tpu.memory_space<vmem>>) target(%dma_start3A_307 : memref<10368x128xf32, #tpu.memory_space<vmem_shared>>) offsets(%select_n3A_122 : vector<16xi32>) semaphore(%run_scoped3A : memref<!tpu.dma_semaphore, #tpu.memory_space<semaphore_mem>>) {add = true}
        %dma_wait3A_308 = arith.constant 0 : i32
        %dma_wait3A_309 = arith.constant 0 : i32
        %dma_wait3A_310 = tpu.memref_slice %arg17[%dma_wait3A_308, %dma_wait3A_309] : memref<10368x128xf32, #tpu.memory_space<vmem_shared>> -> memref<10368x128xf32, #tpu.memory_space<vmem_shared>>
        tpu.wait_indirect_dma semaphore(%run_scoped3A : memref<!tpu.dma_semaphore, #tpu.memory_space<semaphore_mem>>) src(%arg9 : memref<16x128xf32, #tpu.memory_space<vmem>>) dst(%dma_wait3A_310 : memref<10368x128xf32, #tpu.memory_space<vmem_shared>>)
        tpu.yield
      }) : () -> ()
      %eq3A_123 = arith.constant 2 : i32
      %eq3A_124 = vector.broadcast %eq3A_123 : i32 to vector<16xi32>
      %eq3A_125 = arith.cmpi eq, %shift_right_logical3A_116, %eq3A_124 : vector<16xi32>
      %select_n3A_126 = arith.select %eq3A_125, %and3A_114, %add3A_8 : vector<16xi1>, vector<16xi32>
      "tpu.region"() ({
        %run_scoped3A = tpu.sem_alloc : memref<!tpu.dma_semaphore, #tpu.memory_space<semaphore_mem>>
        %dma_start3A_305 = arith.constant 0 : i32
        %dma_start3A_306 = arith.constant 0 : i32
        %dma_start3A_307 = tpu.memref_slice %arg17[%dma_start3A_305, %dma_start3A_306] : memref<10368x128xf32, #tpu.memory_space<vmem_shared>> -> memref<10368x128xf32, #tpu.memory_space<vmem_shared>>
        tpu.enqueue_indirect_dma source(%arg9 : memref<16x128xf32, #tpu.memory_space<vmem>>) target(%dma_start3A_307 : memref<10368x128xf32, #tpu.memory_space<vmem_shared>>) offsets(%select_n3A_126 : vector<16xi32>) semaphore(%run_scoped3A : memref<!tpu.dma_semaphore, #tpu.memory_space<semaphore_mem>>) {add = true}
        %dma_wait3A_308 = arith.constant 0 : i32
        %dma_wait3A_309 = arith.constant 0 : i32
        %dma_wait3A_310 = tpu.memref_slice %arg17[%dma_wait3A_308, %dma_wait3A_309] : memref<10368x128xf32, #tpu.memory_space<vmem_shared>> -> memref<10368x128xf32, #tpu.memory_space<vmem_shared>>
        tpu.wait_indirect_dma semaphore(%run_scoped3A : memref<!tpu.dma_semaphore, #tpu.memory_space<semaphore_mem>>) src(%arg9 : memref<16x128xf32, #tpu.memory_space<vmem>>) dst(%dma_wait3A_310 : memref<10368x128xf32, #tpu.memory_space<vmem_shared>>)
        tpu.yield
      }) : () -> ()
      %get3A_127 = arith.index_cast %scan3A_31 : i32 to index
      %get3A_128 = arith.constant 16 : index
      %get3A_129 = tpu.vector_load %arg8[%get3A_127, %get3A_128] {strides = array<i32>} : memref<80x128xi32, #tpu.memory_space<vmem>>, vector<1x16xi32>,
      %get3A_130 = vector.shape_cast %get3A_129 : vector<1x16xi32> to vector<16xi32>
      %and3A_131 = arith.constant 268435455 : i32
      %and3A_132 = vector.broadcast %and3A_131 : i32 to vector<16xi32>
      %and3A_133 = arith.andi %get3A_130, %and3A_132 : vector<16xi32>
      %shift_right_logical3A_134 = arith.constant 28 : i32
      %shift_right_logical3A_135 = vector.broadcast %shift_right_logical3A_134 : i32 to vector<16xi32>
      %shift_right_logical3A_136 = arith.shrui %get3A_130, %shift_right_logical3A_135 : vector<16xi32>
      %eq3A_137 = arith.constant 0 : i32
      %eq3A_138 = vector.broadcast %eq3A_137 : i32 to vector<16xi32>
      %eq3A_139 = arith.cmpi eq, %shift_right_logical3A_136, %eq3A_138 : vector<16xi32>
      %select_n3A_140 = arith.select %eq3A_139, %and3A_133, %add3A_8 : vector<16xi1>, vector<16xi32>
      "tpu.region"() ({
        %run_scoped3A = tpu.sem_alloc : memref<!tpu.dma_semaphore, #tpu.memory_space<semaphore_mem>>
        %dma_start3A_305 = arith.constant 0 : i32
        %dma_start3A_306 = arith.constant 0 : i32
        %dma_start3A_307 = tpu.memref_slice %arg17[%dma_start3A_305, %dma_start3A_306] : memref<10368x128xf32, #tpu.memory_space<vmem_shared>> -> memref<10368x128xf32, #tpu.memory_space<vmem_shared>>
        tpu.enqueue_indirect_dma source(%arg10 : memref<16x128xf32, #tpu.memory_space<vmem>>) target(%dma_start3A_307 : memref<10368x128xf32, #tpu.memory_space<vmem_shared>>) offsets(%select_n3A_140 : vector<16xi32>) semaphore(%run_scoped3A : memref<!tpu.dma_semaphore, #tpu.memory_space<semaphore_mem>>) {add = true}
        %dma_wait3A_308 = arith.constant 0 : i32
        %dma_wait3A_309 = arith.constant 0 : i32
        %dma_wait3A_310 = tpu.memref_slice %arg17[%dma_wait3A_308, %dma_wait3A_309] : memref<10368x128xf32, #tpu.memory_space<vmem_shared>> -> memref<10368x128xf32, #tpu.memory_space<vmem_shared>>
        tpu.wait_indirect_dma semaphore(%run_scoped3A : memref<!tpu.dma_semaphore, #tpu.memory_space<semaphore_mem>>) src(%arg10 : memref<16x128xf32, #tpu.memory_space<vmem>>) dst(%dma_wait3A_310 : memref<10368x128xf32, #tpu.memory_space<vmem_shared>>)
        tpu.yield
      }) : () -> ()
      %eq3A_141 = arith.constant 1 : i32
      %eq3A_142 = vector.broadcast %eq3A_141 : i32 to vector<16xi32>
      %eq3A_143 = arith.cmpi eq, %shift_right_logical3A_136, %eq3A_142 : vector<16xi32>
      %select_n3A_144 = arith.select %eq3A_143, %and3A_133, %add3A_8 : vector<16xi1>, vector<16xi32>
      "tpu.region"() ({
        %run_scoped3A = tpu.sem_alloc : memref<!tpu.dma_semaphore, #tpu.memory_space<semaphore_mem>>
        %dma_start3A_305 = arith.constant 0 : i32
        %dma_start3A_306 = arith.constant 0 : i32
        %dma_start3A_307 = tpu.memref_slice %arg17[%dma_start3A_305, %dma_start3A_306] : memref<10368x128xf32, #tpu.memory_space<vmem_shared>> -> memref<10368x128xf32, #tpu.memory_space<vmem_shared>>
        tpu.enqueue_indirect_dma source(%arg10 : memref<16x128xf32, #tpu.memory_space<vmem>>) target(%dma_start3A_307 : memref<10368x128xf32, #tpu.memory_space<vmem_shared>>) offsets(%select_n3A_144 : vector<16xi32>) semaphore(%run_scoped3A : memref<!tpu.dma_semaphore, #tpu.memory_space<semaphore_mem>>) {add = true}
        %dma_wait3A_308 = arith.constant 0 : i32
        %dma_wait3A_309 = arith.constant 0 : i32
        %dma_wait3A_310 = tpu.memref_slice %arg17[%dma_wait3A_308, %dma_wait3A_309] : memref<10368x128xf32, #tpu.memory_space<vmem_shared>> -> memref<10368x128xf32, #tpu.memory_space<vmem_shared>>
        tpu.wait_indirect_dma semaphore(%run_scoped3A : memref<!tpu.dma_semaphore, #tpu.memory_space<semaphore_mem>>) src(%arg10 : memref<16x128xf32, #tpu.memory_space<vmem>>) dst(%dma_wait3A_310 : memref<10368x128xf32, #tpu.memory_space<vmem_shared>>)
        tpu.yield
      }) : () -> ()
      %eq3A_145 = arith.constant 2 : i32
      %eq3A_146 = vector.broadcast %eq3A_145 : i32 to vector<16xi32>
      %eq3A_147 = arith.cmpi eq, %shift_right_logical3A_136, %eq3A_146 : vector<16xi32>
      %select_n3A_148 = arith.select %eq3A_147, %and3A_133, %add3A_8 : vector<16xi1>, vector<16xi32>
      "tpu.region"() ({
        %run_scoped3A = tpu.sem_alloc : memref<!tpu.dma_semaphore, #tpu.memory_space<semaphore_mem>>
        %dma_start3A_305 = arith.constant 0 : i32
        %dma_start3A_306 = arith.constant 0 : i32
        %dma_start3A_307 = tpu.memref_slice %arg17[%dma_start3A_305, %dma_start3A_306] : memref<10368x128xf32, #tpu.memory_space<vmem_shared>> -> memref<10368x128xf32, #tpu.memory_space<vmem_shared>>
        tpu.enqueue_indirect_dma source(%arg10 : memref<16x128xf32, #tpu.memory_space<vmem>>) target(%dma_start3A_307 : memref<10368x128xf32, #tpu.memory_space<vmem_shared>>) offsets(%select_n3A_148 : vector<16xi32>) semaphore(%run_scoped3A : memref<!tpu.dma_semaphore, #tpu.memory_space<semaphore_mem>>) {add = true}
        %dma_wait3A_308 = arith.constant 0 : i32
        %dma_wait3A_309 = arith.constant 0 : i32
        %dma_wait3A_310 = tpu.memref_slice %arg17[%dma_wait3A_308, %dma_wait3A_309] : memref<10368x128xf32, #tpu.memory_space<vmem_shared>> -> memref<10368x128xf32, #tpu.memory_space<vmem_shared>>
        tpu.wait_indirect_dma semaphore(%run_scoped3A : memref<!tpu.dma_semaphore, #tpu.memory_space<semaphore_mem>>) src(%arg10 : memref<16x128xf32, #tpu.memory_space<vmem>>) dst(%dma_wait3A_310 : memref<10368x128xf32, #tpu.memory_space<vmem_shared>>)
        tpu.yield
      }) : () -> ()
      %get3A_149 = arith.index_cast %scan3A_31 : i32 to index
      %get3A_150 = arith.constant 32 : index
      %get3A_151 = tpu.vector_load %arg8[%get3A_149, %get3A_150] {strides = array<i32>} : memref<80x128xi32, #tpu.memory_space<vmem>>, vector<1x16xi32>,
      %get3A_152 = vector.shape_cast %get3A_151 : vector<1x16xi32> to vector<16xi32>
      %and3A_153 = arith.constant 268435455 : i32
      %and3A_154 = vector.broadcast %and3A_153 : i32 to vector<16xi32>
      %and3A_155 = arith.andi %get3A_152, %and3A_154 : vector<16xi32>
      %shift_right_logical3A_156 = arith.constant 28 : i32
      %shift_right_logical3A_157 = vector.broadcast %shift_right_logical3A_156 : i32 to vector<16xi32>
      %shift_right_logical3A_158 = arith.shrui %get3A_152, %shift_right_logical3A_157 : vector<16xi32>
      %eq3A_159 = arith.constant 0 : i32
      %eq3A_160 = vector.broadcast %eq3A_159 : i32 to vector<16xi32>
      %eq3A_161 = arith.cmpi eq, %shift_right_logical3A_158, %eq3A_160 : vector<16xi32>
      %select_n3A_162 = arith.select %eq3A_161, %and3A_155, %add3A_8 : vector<16xi1>, vector<16xi32>
      "tpu.region"() ({
        %run_scoped3A = tpu.sem_alloc : memref<!tpu.dma_semaphore, #tpu.memory_space<semaphore_mem>>
        %dma_start3A_305 = arith.constant 0 : i32
        %dma_start3A_306 = arith.constant 0 : i32
        %dma_start3A_307 = tpu.memref_slice %arg17[%dma_start3A_305, %dma_start3A_306] : memref<10368x128xf32, #tpu.memory_space<vmem_shared>> -> memref<10368x128xf32, #tpu.memory_space<vmem_shared>>
        tpu.enqueue_indirect_dma source(%arg11 : memref<16x128xf32, #tpu.memory_space<vmem>>) target(%dma_start3A_307 : memref<10368x128xf32, #tpu.memory_space<vmem_shared>>) offsets(%select_n3A_162 : vector<16xi32>) semaphore(%run_scoped3A : memref<!tpu.dma_semaphore, #tpu.memory_space<semaphore_mem>>) {add = true}
        %dma_wait3A_308 = arith.constant 0 : i32
        %dma_wait3A_309 = arith.constant 0 : i32
        %dma_wait3A_310 = tpu.memref_slice %arg17[%dma_wait3A_308, %dma_wait3A_309] : memref<10368x128xf32, #tpu.memory_space<vmem_shared>> -> memref<10368x128xf32, #tpu.memory_space<vmem_shared>>
        tpu.wait_indirect_dma semaphore(%run_scoped3A : memref<!tpu.dma_semaphore, #tpu.memory_space<semaphore_mem>>) src(%arg11 : memref<16x128xf32, #tpu.memory_space<vmem>>) dst(%dma_wait3A_310 : memref<10368x128xf32, #tpu.memory_space<vmem_shared>>)
        tpu.yield
      }) : () -> ()
      %eq3A_163 = arith.constant 1 : i32
      %eq3A_164 = vector.broadcast %eq3A_163 : i32 to vector<16xi32>
      %eq3A_165 = arith.cmpi eq, %shift_right_logical3A_158, %eq3A_164 : vector<16xi32>
      %select_n3A_166 = arith.select %eq3A_165, %and3A_155, %add3A_8 : vector<16xi1>, vector<16xi32>
      "tpu.region"() ({
        %run_scoped3A = tpu.sem_alloc : memref<!tpu.dma_semaphore, #tpu.memory_space<semaphore_mem>>
        %dma_start3A_305 = arith.constant 0 : i32
        %dma_start3A_306 = arith.constant 0 : i32
        %dma_start3A_307 = tpu.memref_slice %arg17[%dma_start3A_305, %dma_start3A_306] : memref<10368x128xf32, #tpu.memory_space<vmem_shared>> -> memref<10368x128xf32, #tpu.memory_space<vmem_shared>>
        tpu.enqueue_indirect_dma source(%arg11 : memref<16x128xf32, #tpu.memory_space<vmem>>) target(%dma_start3A_307 : memref<10368x128xf32, #tpu.memory_space<vmem_shared>>) offsets(%select_n3A_166 : vector<16xi32>) semaphore(%run_scoped3A : memref<!tpu.dma_semaphore, #tpu.memory_space<semaphore_mem>>) {add = true}
        %dma_wait3A_308 = arith.constant 0 : i32
        %dma_wait3A_309 = arith.constant 0 : i32
        %dma_wait3A_310 = tpu.memref_slice %arg17[%dma_wait3A_308, %dma_wait3A_309] : memref<10368x128xf32, #tpu.memory_space<vmem_shared>> -> memref<10368x128xf32, #tpu.memory_space<vmem_shared>>
        tpu.wait_indirect_dma semaphore(%run_scoped3A : memref<!tpu.dma_semaphore, #tpu.memory_space<semaphore_mem>>) src(%arg11 : memref<16x128xf32, #tpu.memory_space<vmem>>) dst(%dma_wait3A_310 : memref<10368x128xf32, #tpu.memory_space<vmem_shared>>)
        tpu.yield
      }) : () -> ()
      %eq3A_167 = arith.constant 2 : i32
      %eq3A_168 = vector.broadcast %eq3A_167 : i32 to vector<16xi32>
      %eq3A_169 = arith.cmpi eq, %shift_right_logical3A_158, %eq3A_168 : vector<16xi32>
      %select_n3A_170 = arith.select %eq3A_169, %and3A_155, %add3A_8 : vector<16xi1>, vector<16xi32>
      "tpu.region"() ({
        %run_scoped3A = tpu.sem_alloc : memref<!tpu.dma_semaphore, #tpu.memory_space<semaphore_mem>>
        %dma_start3A_305 = arith.constant 0 : i32
        %dma_start3A_306 = arith.constant 0 : i32
        %dma_start3A_307 = tpu.memref_slice %arg17[%dma_start3A_305, %dma_start3A_306] : memref<10368x128xf32, #tpu.memory_space<vmem_shared>> -> memref<10368x128xf32, #tpu.memory_space<vmem_shared>>
        tpu.enqueue_indirect_dma source(%arg11 : memref<16x128xf32, #tpu.memory_space<vmem>>) target(%dma_start3A_307 : memref<10368x128xf32, #tpu.memory_space<vmem_shared>>) offsets(%select_n3A_170 : vector<16xi32>) semaphore(%run_scoped3A : memref<!tpu.dma_semaphore, #tpu.memory_space<semaphore_mem>>) {add = true}
        %dma_wait3A_308 = arith.constant 0 : i32
        %dma_wait3A_309 = arith.constant 0 : i32
        %dma_wait3A_310 = tpu.memref_slice %arg17[%dma_wait3A_308, %dma_wait3A_309] : memref<10368x128xf32, #tpu.memory_space<vmem_shared>> -> memref<10368x128xf32, #tpu.memory_space<vmem_shared>>
        tpu.wait_indirect_dma semaphore(%run_scoped3A : memref<!tpu.dma_semaphore, #tpu.memory_space<semaphore_mem>>) src(%arg11 : memref<16x128xf32, #tpu.memory_space<vmem>>) dst(%dma_wait3A_310 : memref<10368x128xf32, #tpu.memory_space<vmem_shared>>)
        tpu.yield
      }) : () -> ()
      %get3A_171 = arith.index_cast %scan3A_31 : i32 to index
      %get3A_172 = arith.constant 48 : index
      %get3A_173 = tpu.vector_load %arg8[%get3A_171, %get3A_172] {strides = array<i32>} : memref<80x128xi32, #tpu.memory_space<vmem>>, vector<1x16xi32>,
      %get3A_174 = vector.shape_cast %get3A_173 : vector<1x16xi32> to vector<16xi32>
      %and3A_175 = arith.constant 268435455 : i32
      %and3A_176 = vector.broadcast %and3A_175 : i32 to vector<16xi32>
      %and3A_177 = arith.andi %get3A_174, %and3A_176 : vector<16xi32>
      %shift_right_logical3A_178 = arith.constant 28 : i32
      %shift_right_logical3A_179 = vector.broadcast %shift_right_logical3A_178 : i32 to vector<16xi32>
      %shift_right_logical3A_180 = arith.shrui %get3A_174, %shift_right_logical3A_179 : vector<16xi32>
      %eq3A_181 = arith.constant 0 : i32
      %eq3A_182 = vector.broadcast %eq3A_181 : i32 to vector<16xi32>
      %eq3A_183 = arith.cmpi eq, %shift_right_logical3A_180, %eq3A_182 : vector<16xi32>
      %select_n3A_184 = arith.select %eq3A_183, %and3A_177, %add3A_8 : vector<16xi1>, vector<16xi32>
      "tpu.region"() ({
        %run_scoped3A = tpu.sem_alloc : memref<!tpu.dma_semaphore, #tpu.memory_space<semaphore_mem>>
        %dma_start3A_305 = arith.constant 0 : i32
        %dma_start3A_306 = arith.constant 0 : i32
        %dma_start3A_307 = tpu.memref_slice %arg17[%dma_start3A_305, %dma_start3A_306] : memref<10368x128xf32, #tpu.memory_space<vmem_shared>> -> memref<10368x128xf32, #tpu.memory_space<vmem_shared>>
        tpu.enqueue_indirect_dma source(%arg12 : memref<16x128xf32, #tpu.memory_space<vmem>>) target(%dma_start3A_307 : memref<10368x128xf32, #tpu.memory_space<vmem_shared>>) offsets(%select_n3A_184 : vector<16xi32>) semaphore(%run_scoped3A : memref<!tpu.dma_semaphore, #tpu.memory_space<semaphore_mem>>) {add = true}
        %dma_wait3A_308 = arith.constant 0 : i32
        %dma_wait3A_309 = arith.constant 0 : i32
        %dma_wait3A_310 = tpu.memref_slice %arg17[%dma_wait3A_308, %dma_wait3A_309] : memref<10368x128xf32, #tpu.memory_space<vmem_shared>> -> memref<10368x128xf32, #tpu.memory_space<vmem_shared>>
        tpu.wait_indirect_dma semaphore(%run_scoped3A : memref<!tpu.dma_semaphore, #tpu.memory_space<semaphore_mem>>) src(%arg12 : memref<16x128xf32, #tpu.memory_space<vmem>>) dst(%dma_wait3A_310 : memref<10368x128xf32, #tpu.memory_space<vmem_shared>>)
        tpu.yield
      }) : () -> ()
      %eq3A_185 = arith.constant 1 : i32
      %eq3A_186 = vector.broadcast %eq3A_185 : i32 to vector<16xi32>
      %eq3A_187 = arith.cmpi eq, %shift_right_logical3A_180, %eq3A_186 : vector<16xi32>
      %select_n3A_188 = arith.select %eq3A_187, %and3A_177, %add3A_8 : vector<16xi1>, vector<16xi32>
      "tpu.region"() ({
        %run_scoped3A = tpu.sem_alloc : memref<!tpu.dma_semaphore, #tpu.memory_space<semaphore_mem>>
        %dma_start3A_305 = arith.constant 0 : i32
        %dma_start3A_306 = arith.constant 0 : i32
        %dma_start3A_307 = tpu.memref_slice %arg17[%dma_start3A_305, %dma_start3A_306] : memref<10368x128xf32, #tpu.memory_space<vmem_shared>> -> memref<10368x128xf32, #tpu.memory_space<vmem_shared>>
        tpu.enqueue_indirect_dma source(%arg12 : memref<16x128xf32, #tpu.memory_space<vmem>>) target(%dma_start3A_307 : memref<10368x128xf32, #tpu.memory_space<vmem_shared>>) offsets(%select_n3A_188 : vector<16xi32>) semaphore(%run_scoped3A : memref<!tpu.dma_semaphore, #tpu.memory_space<semaphore_mem>>) {add = true}
        %dma_wait3A_308 = arith.constant 0 : i32
        %dma_wait3A_309 = arith.constant 0 : i32
        %dma_wait3A_310 = tpu.memref_slice %arg17[%dma_wait3A_308, %dma_wait3A_309] : memref<10368x128xf32, #tpu.memory_space<vmem_shared>> -> memref<10368x128xf32, #tpu.memory_space<vmem_shared>>
        tpu.wait_indirect_dma semaphore(%run_scoped3A : memref<!tpu.dma_semaphore, #tpu.memory_space<semaphore_mem>>) src(%arg12 : memref<16x128xf32, #tpu.memory_space<vmem>>) dst(%dma_wait3A_310 : memref<10368x128xf32, #tpu.memory_space<vmem_shared>>)
        tpu.yield
      }) : () -> ()
      %eq3A_189 = arith.constant 2 : i32
      %eq3A_190 = vector.broadcast %eq3A_189 : i32 to vector<16xi32>
      %eq3A_191 = arith.cmpi eq, %shift_right_logical3A_180, %eq3A_190 : vector<16xi32>
      %select_n3A_192 = arith.select %eq3A_191, %and3A_177, %add3A_8 : vector<16xi1>, vector<16xi32>
      "tpu.region"() ({
        %run_scoped3A = tpu.sem_alloc : memref<!tpu.dma_semaphore, #tpu.memory_space<semaphore_mem>>
        %dma_start3A_305 = arith.constant 0 : i32
        %dma_start3A_306 = arith.constant 0 : i32
        %dma_start3A_307 = tpu.memref_slice %arg17[%dma_start3A_305, %dma_start3A_306] : memref<10368x128xf32, #tpu.memory_space<vmem_shared>> -> memref<10368x128xf32, #tpu.memory_space<vmem_shared>>
        tpu.enqueue_indirect_dma source(%arg12 : memref<16x128xf32, #tpu.memory_space<vmem>>) target(%dma_start3A_307 : memref<10368x128xf32, #tpu.memory_space<vmem_shared>>) offsets(%select_n3A_192 : vector<16xi32>) semaphore(%run_scoped3A : memref<!tpu.dma_semaphore, #tpu.memory_space<semaphore_mem>>) {add = true}
        %dma_wait3A_308 = arith.constant 0 : i32
        %dma_wait3A_309 = arith.constant 0 : i32
        %dma_wait3A_310 = tpu.memref_slice %arg17[%dma_wait3A_308, %dma_wait3A_309] : memref<10368x128xf32, #tpu.memory_space<vmem_shared>> -> memref<10368x128xf32, #tpu.memory_space<vmem_shared>>
        tpu.wait_indirect_dma semaphore(%run_scoped3A : memref<!tpu.dma_semaphore, #tpu.memory_space<semaphore_mem>>) src(%arg12 : memref<16x128xf32, #tpu.memory_space<vmem>>) dst(%dma_wait3A_310 : memref<10368x128xf32, #tpu.memory_space<vmem_shared>>)
        tpu.yield
      }) : () -> ()
      %dma_wait3A_193 = arith.constant 0 : i32
      %dma_wait3A_194 = arith.constant 0 : i32
      %dma_wait3A_195 = tpu.memref_slice %arg2[%dma_wait3A_193, %dma_wait3A_194] : memref<10000x128xf32, #tpu.memory_space<hbm>> -> memref<16x128xf32, #tpu.memory_space<hbm>>
      %dma_wait3A_196 = arith.constant 0 : i32
      %dma_wait3A_197 = arith.constant 0 : i32
      %dma_wait3A_198 = tpu.memref_slice %arg2[%dma_wait3A_196, %dma_wait3A_197] : memref<10000x128xf32, #tpu.memory_space<hbm>> -> memref<16x128xf32, #tpu.memory_space<hbm>>
      tpu.wait_dma2 semaphore(%arg19 : memref<!tpu.dma_semaphore, #tpu.memory_space<semaphore_mem>>) src(%dma_wait3A_198 : memref<16x128xf32, #tpu.memory_space<hbm>>) dst(%arg13 : memref<16x128xf32, #tpu.memory_space<vmem>>)
      %dma_wait3A_199 = arith.constant 0 : i32
      %dma_wait3A_200 = arith.constant 0 : i32
      %dma_wait3A_201 = tpu.memref_slice %arg2[%dma_wait3A_199, %dma_wait3A_200] : memref<10000x128xf32, #tpu.memory_space<hbm>> -> memref<16x128xf32, #tpu.memory_space<hbm>>
      %dma_wait3A_202 = arith.constant 0 : i32
      %dma_wait3A_203 = arith.constant 0 : i32
      %dma_wait3A_204 = tpu.memref_slice %arg2[%dma_wait3A_202, %dma_wait3A_203] : memref<10000x128xf32, #tpu.memory_space<hbm>> -> memref<16x128xf32, #tpu.memory_space<hbm>>
      tpu.wait_dma2 semaphore(%arg19 : memref<!tpu.dma_semaphore, #tpu.memory_space<semaphore_mem>>) src(%dma_wait3A_204 : memref<16x128xf32, #tpu.memory_space<hbm>>) dst(%arg14 : memref<16x128xf32, #tpu.memory_space<vmem>>)
      %dma_wait3A_205 = arith.constant 0 : i32
      %dma_wait3A_206 = arith.constant 0 : i32
      %dma_wait3A_207 = tpu.memref_slice %arg2[%dma_wait3A_205, %dma_wait3A_206] : memref<10000x128xf32, #tpu.memory_space<hbm>> -> memref<16x128xf32, #tpu.memory_space<hbm>>
      %dma_wait3A_208 = arith.constant 0 : i32
      %dma_wait3A_209 = arith.constant 0 : i32
      %dma_wait3A_210 = tpu.memref_slice %arg2[%dma_wait3A_208, %dma_wait3A_209] : memref<10000x128xf32, #tpu.memory_space<hbm>> -> memref<16x128xf32, #tpu.memory_space<hbm>>
      tpu.wait_dma2 semaphore(%arg19 : memref<!tpu.dma_semaphore, #tpu.memory_space<semaphore_mem>>) src(%dma_wait3A_210 : memref<16x128xf32, #tpu.memory_space<hbm>>) dst(%arg15 : memref<16x128xf32, #tpu.memory_space<vmem>>)
      %dma_wait3A_211 = arith.constant 0 : i32
      %dma_wait3A_212 = arith.constant 0 : i32
      %dma_wait3A_213 = tpu.memref_slice %arg2[%dma_wait3A_211, %dma_wait3A_212] : memref<10000x128xf32, #tpu.memory_space<hbm>> -> memref<16x128xf32, #tpu.memory_space<hbm>>
      %dma_wait3A_214 = arith.constant 0 : i32
      %dma_wait3A_215 = arith.constant 0 : i32
      %dma_wait3A_216 = tpu.memref_slice %arg2[%dma_wait3A_214, %dma_wait3A_215] : memref<10000x128xf32, #tpu.memory_space<hbm>> -> memref<16x128xf32, #tpu.memory_space<hbm>>
      tpu.wait_dma2 semaphore(%arg19 : memref<!tpu.dma_semaphore, #tpu.memory_space<semaphore_mem>>) src(%dma_wait3A_216 : memref<16x128xf32, #tpu.memory_space<hbm>>) dst(%arg16 : memref<16x128xf32, #tpu.memory_space<vmem>>)
      %get3A_217 = arith.index_cast %scan3A_31 : i32 to index
      %get3A_218 = arith.constant 64 : index
      %get3A_219 = tpu.vector_load %arg8[%get3A_217, %get3A_218] {strides = array<i32>} : memref<80x128xi32, #tpu.memory_space<vmem>>, vector<1x16xi32>,
      %get3A_220 = vector.shape_cast %get3A_219 : vector<1x16xi32> to vector<16xi32>
      %and3A_221 = arith.constant 268435455 : i32
      %and3A_222 = vector.broadcast %and3A_221 : i32 to vector<16xi32>
      %and3A_223 = arith.andi %get3A_220, %and3A_222 : vector<16xi32>
      %shift_right_logical3A_224 = arith.constant 28 : i32
      %shift_right_logical3A_225 = vector.broadcast %shift_right_logical3A_224 : i32 to vector<16xi32>
      %shift_right_logical3A_226 = arith.shrui %get3A_220, %shift_right_logical3A_225 : vector<16xi32>
      %eq3A_227 = arith.constant 0 : i32
      %eq3A_228 = vector.broadcast %eq3A_227 : i32 to vector<16xi32>
      %eq3A_229 = arith.cmpi eq, %shift_right_logical3A_226, %eq3A_228 : vector<16xi32>
      %select_n3A_230 = arith.select %eq3A_229, %and3A_223, %add3A_8 : vector<16xi1>, vector<16xi32>
      "tpu.region"() ({
        %run_scoped3A = tpu.sem_alloc : memref<!tpu.dma_semaphore, #tpu.memory_space<semaphore_mem>>
        %dma_start3A_305 = arith.constant 0 : i32
        %dma_start3A_306 = arith.constant 0 : i32
        %dma_start3A_307 = tpu.memref_slice %arg17[%dma_start3A_305, %dma_start3A_306] : memref<10368x128xf32, #tpu.memory_space<vmem_shared>> -> memref<10368x128xf32, #tpu.memory_space<vmem_shared>>
        tpu.enqueue_indirect_dma source(%arg13 : memref<16x128xf32, #tpu.memory_space<vmem>>) target(%dma_start3A_307 : memref<10368x128xf32, #tpu.memory_space<vmem_shared>>) offsets(%select_n3A_230 : vector<16xi32>) semaphore(%run_scoped3A : memref<!tpu.dma_semaphore, #tpu.memory_space<semaphore_mem>>) {add = true}
        %dma_wait3A_308 = arith.constant 0 : i32
        %dma_wait3A_309 = arith.constant 0 : i32
        %dma_wait3A_310 = tpu.memref_slice %arg17[%dma_wait3A_308, %dma_wait3A_309] : memref<10368x128xf32, #tpu.memory_space<vmem_shared>> -> memref<10368x128xf32, #tpu.memory_space<vmem_shared>>
        tpu.wait_indirect_dma semaphore(%run_scoped3A : memref<!tpu.dma_semaphore, #tpu.memory_space<semaphore_mem>>) src(%arg13 : memref<16x128xf32, #tpu.memory_space<vmem>>) dst(%dma_wait3A_310 : memref<10368x128xf32, #tpu.memory_space<vmem_shared>>)
        tpu.yield
      }) : () -> ()
      %eq3A_231 = arith.constant 1 : i32
      %eq3A_232 = vector.broadcast %eq3A_231 : i32 to vector<16xi32>
      %eq3A_233 = arith.cmpi eq, %shift_right_logical3A_226, %eq3A_232 : vector<16xi32>
      %select_n3A_234 = arith.select %eq3A_233, %and3A_223, %add3A_8 : vector<16xi1>, vector<16xi32>
      "tpu.region"() ({
        %run_scoped3A = tpu.sem_alloc : memref<!tpu.dma_semaphore, #tpu.memory_space<semaphore_mem>>
        %dma_start3A_305 = arith.constant 0 : i32
        %dma_start3A_306 = arith.constant 0 : i32
        %dma_start3A_307 = tpu.memref_slice %arg17[%dma_start3A_305, %dma_start3A_306] : memref<10368x128xf32, #tpu.memory_space<vmem_shared>> -> memref<10368x128xf32, #tpu.memory_space<vmem_shared>>
        tpu.enqueue_indirect_dma source(%arg13 : memref<16x128xf32, #tpu.memory_space<vmem>>) target(%dma_start3A_307 : memref<10368x128xf32, #tpu.memory_space<vmem_shared>>) offsets(%select_n3A_234 : vector<16xi32>) semaphore(%run_scoped3A : memref<!tpu.dma_semaphore, #tpu.memory_space<semaphore_mem>>) {add = true}
        %dma_wait3A_308 = arith.constant 0 : i32
        %dma_wait3A_309 = arith.constant 0 : i32
        %dma_wait3A_310 = tpu.memref_slice %arg17[%dma_wait3A_308, %dma_wait3A_309] : memref<10368x128xf32, #tpu.memory_space<vmem_shared>> -> memref<10368x128xf32, #tpu.memory_space<vmem_shared>>
        tpu.wait_indirect_dma semaphore(%run_scoped3A : memref<!tpu.dma_semaphore, #tpu.memory_space<semaphore_mem>>) src(%arg13 : memref<16x128xf32, #tpu.memory_space<vmem>>) dst(%dma_wait3A_310 : memref<10368x128xf32, #tpu.memory_space<vmem_shared>>)
        tpu.yield
      }) : () -> ()
      %eq3A_235 = arith.constant 2 : i32
      %eq3A_236 = vector.broadcast %eq3A_235 : i32 to vector<16xi32>
      %eq3A_237 = arith.cmpi eq, %shift_right_logical3A_226, %eq3A_236 : vector<16xi32>
      %select_n3A_238 = arith.select %eq3A_237, %and3A_223, %add3A_8 : vector<16xi1>, vector<16xi32>
      "tpu.region"() ({
        %run_scoped3A = tpu.sem_alloc : memref<!tpu.dma_semaphore, #tpu.memory_space<semaphore_mem>>
        %dma_start3A_305 = arith.constant 0 : i32
        %dma_start3A_306 = arith.constant 0 : i32
        %dma_start3A_307 = tpu.memref_slice %arg17[%dma_start3A_305, %dma_start3A_306] : memref<10368x128xf32, #tpu.memory_space<vmem_shared>> -> memref<10368x128xf32, #tpu.memory_space<vmem_shared>>
        tpu.enqueue_indirect_dma source(%arg13 : memref<16x128xf32, #tpu.memory_space<vmem>>) target(%dma_start3A_307 : memref<10368x128xf32, #tpu.memory_space<vmem_shared>>) offsets(%select_n3A_238 : vector<16xi32>) semaphore(%run_scoped3A : memref<!tpu.dma_semaphore, #tpu.memory_space<semaphore_mem>>) {add = true}
        %dma_wait3A_308 = arith.constant 0 : i32
        %dma_wait3A_309 = arith.constant 0 : i32
        %dma_wait3A_310 = tpu.memref_slice %arg17[%dma_wait3A_308, %dma_wait3A_309] : memref<10368x128xf32, #tpu.memory_space<vmem_shared>> -> memref<10368x128xf32, #tpu.memory_space<vmem_shared>>
        tpu.wait_indirect_dma semaphore(%run_scoped3A : memref<!tpu.dma_semaphore, #tpu.memory_space<semaphore_mem>>) src(%arg13 : memref<16x128xf32, #tpu.memory_space<vmem>>) dst(%dma_wait3A_310 : memref<10368x128xf32, #tpu.memory_space<vmem_shared>>)
        tpu.yield
      }) : () -> ()
      %get3A_239 = arith.index_cast %scan3A_31 : i32 to index
      %get3A_240 = arith.constant 80 : index
      %get3A_241 = tpu.vector_load %arg8[%get3A_239, %get3A_240] {strides = array<i32>} : memref<80x128xi32, #tpu.memory_space<vmem>>, vector<1x16xi32>,
      %get3A_242 = vector.shape_cast %get3A_241 : vector<1x16xi32> to vector<16xi32>
      %and3A_243 = arith.constant 268435455 : i32
      %and3A_244 = vector.broadcast %and3A_243 : i32 to vector<16xi32>
      %and3A_245 = arith.andi %get3A_242, %and3A_244 : vector<16xi32>
      %shift_right_logical3A_246 = arith.constant 28 : i32
      %shift_right_logical3A_247 = vector.broadcast %shift_right_logical3A_246 : i32 to vector<16xi32>
      %shift_right_logical3A_248 = arith.shrui %get3A_242, %shift_right_logical3A_247 : vector<16xi32>
      %eq3A_249 = arith.constant 0 : i32
      %eq3A_250 = vector.broadcast %eq3A_249 : i32 to vector<16xi32>
      %eq3A_251 = arith.cmpi eq, %shift_right_logical3A_248, %eq3A_250 : vector<16xi32>
      %select_n3A_252 = arith.select %eq3A_251, %and3A_245, %add3A_8 : vector<16xi1>, vector<16xi32>
      "tpu.region"() ({
        %run_scoped3A = tpu.sem_alloc : memref<!tpu.dma_semaphore, #tpu.memory_space<semaphore_mem>>
        %dma_start3A_305 = arith.constant 0 : i32
        %dma_start3A_306 = arith.constant 0 : i32
        %dma_start3A_307 = tpu.memref_slice %arg17[%dma_start3A_305, %dma_start3A_306] : memref<10368x128xf32, #tpu.memory_space<vmem_shared>> -> memref<10368x128xf32, #tpu.memory_space<vmem_shared>>
        tpu.enqueue_indirect_dma source(%arg14 : memref<16x128xf32, #tpu.memory_space<vmem>>) target(%dma_start3A_307 : memref<10368x128xf32, #tpu.memory_space<vmem_shared>>) offsets(%select_n3A_252 : vector<16xi32>) semaphore(%run_scoped3A : memref<!tpu.dma_semaphore, #tpu.memory_space<semaphore_mem>>) {add = true}
        %dma_wait3A_308 = arith.constant 0 : i32
        %dma_wait3A_309 = arith.constant 0 : i32
        %dma_wait3A_310 = tpu.memref_slice %arg17[%dma_wait3A_308, %dma_wait3A_309] : memref<10368x128xf32, #tpu.memory_space<vmem_shared>> -> memref<10368x128xf32, #tpu.memory_space<vmem_shared>>
        tpu.wait_indirect_dma semaphore(%run_scoped3A : memref<!tpu.dma_semaphore, #tpu.memory_space<semaphore_mem>>) src(%arg14 : memref<16x128xf32, #tpu.memory_space<vmem>>) dst(%dma_wait3A_310 : memref<10368x128xf32, #tpu.memory_space<vmem_shared>>)
        tpu.yield
      }) : () -> ()
      %eq3A_253 = arith.constant 1 : i32
      %eq3A_254 = vector.broadcast %eq3A_253 : i32 to vector<16xi32>
      %eq3A_255 = arith.cmpi eq, %shift_right_logical3A_248, %eq3A_254 : vector<16xi32>
      %select_n3A_256 = arith.select %eq3A_255, %and3A_245, %add3A_8 : vector<16xi1>, vector<16xi32>
      "tpu.region"() ({
        %run_scoped3A = tpu.sem_alloc : memref<!tpu.dma_semaphore, #tpu.memory_space<semaphore_mem>>
        %dma_start3A_305 = arith.constant 0 : i32
        %dma_start3A_306 = arith.constant 0 : i32
        %dma_start3A_307 = tpu.memref_slice %arg17[%dma_start3A_305, %dma_start3A_306] : memref<10368x128xf32, #tpu.memory_space<vmem_shared>> -> memref<10368x128xf32, #tpu.memory_space<vmem_shared>>
        tpu.enqueue_indirect_dma source(%arg14 : memref<16x128xf32, #tpu.memory_space<vmem>>) target(%dma_start3A_307 : memref<10368x128xf32, #tpu.memory_space<vmem_shared>>) offsets(%select_n3A_256 : vector<16xi32>) semaphore(%run_scoped3A : memref<!tpu.dma_semaphore, #tpu.memory_space<semaphore_mem>>) {add = true}
        %dma_wait3A_308 = arith.constant 0 : i32
        %dma_wait3A_309 = arith.constant 0 : i32
        %dma_wait3A_310 = tpu.memref_slice %arg17[%dma_wait3A_308, %dma_wait3A_309] : memref<10368x128xf32, #tpu.memory_space<vmem_shared>> -> memref<10368x128xf32, #tpu.memory_space<vmem_shared>>
        tpu.wait_indirect_dma semaphore(%run_scoped3A : memref<!tpu.dma_semaphore, #tpu.memory_space<semaphore_mem>>) src(%arg14 : memref<16x128xf32, #tpu.memory_space<vmem>>) dst(%dma_wait3A_310 : memref<10368x128xf32, #tpu.memory_space<vmem_shared>>)
        tpu.yield
      }) : () -> ()
      %eq3A_257 = arith.constant 2 : i32
      %eq3A_258 = vector.broadcast %eq3A_257 : i32 to vector<16xi32>
      %eq3A_259 = arith.cmpi eq, %shift_right_logical3A_248, %eq3A_258 : vector<16xi32>
      %select_n3A_260 = arith.select %eq3A_259, %and3A_245, %add3A_8 : vector<16xi1>, vector<16xi32>
      "tpu.region"() ({
        %run_scoped3A = tpu.sem_alloc : memref<!tpu.dma_semaphore, #tpu.memory_space<semaphore_mem>>
        %dma_start3A_305 = arith.constant 0 : i32
        %dma_start3A_306 = arith.constant 0 : i32
        %dma_start3A_307 = tpu.memref_slice %arg17[%dma_start3A_305, %dma_start3A_306] : memref<10368x128xf32, #tpu.memory_space<vmem_shared>> -> memref<10368x128xf32, #tpu.memory_space<vmem_shared>>
        tpu.enqueue_indirect_dma source(%arg14 : memref<16x128xf32, #tpu.memory_space<vmem>>) target(%dma_start3A_307 : memref<10368x128xf32, #tpu.memory_space<vmem_shared>>) offsets(%select_n3A_260 : vector<16xi32>) semaphore(%run_scoped3A : memref<!tpu.dma_semaphore, #tpu.memory_space<semaphore_mem>>) {add = true}
        %dma_wait3A_308 = arith.constant 0 : i32
        %dma_wait3A_309 = arith.constant 0 : i32
        %dma_wait3A_310 = tpu.memref_slice %arg17[%dma_wait3A_308, %dma_wait3A_309] : memref<10368x128xf32, #tpu.memory_space<vmem_shared>> -> memref<10368x128xf32, #tpu.memory_space<vmem_shared>>
        tpu.wait_indirect_dma semaphore(%run_scoped3A : memref<!tpu.dma_semaphore, #tpu.memory_space<semaphore_mem>>) src(%arg14 : memref<16x128xf32, #tpu.memory_space<vmem>>) dst(%dma_wait3A_310 : memref<10368x128xf32, #tpu.memory_space<vmem_shared>>)
        tpu.yield
      }) : () -> ()
      %get3A_261 = arith.index_cast %scan3A_31 : i32 to index
      %get3A_262 = arith.constant 96 : index
      %get3A_263 = tpu.vector_load %arg8[%get3A_261, %get3A_262] {strides = array<i32>} : memref<80x128xi32, #tpu.memory_space<vmem>>, vector<1x16xi32>,
      %get3A_264 = vector.shape_cast %get3A_263 : vector<1x16xi32> to vector<16xi32>
      %and3A_265 = arith.constant 268435455 : i32
      %and3A_266 = vector.broadcast %and3A_265 : i32 to vector<16xi32>
      %and3A_267 = arith.andi %get3A_264, %and3A_266 : vector<16xi32>
      %shift_right_logical3A_268 = arith.constant 28 : i32
      %shift_right_logical3A_269 = vector.broadcast %shift_right_logical3A_268 : i32 to vector<16xi32>
      %shift_right_logical3A_270 = arith.shrui %get3A_264, %shift_right_logical3A_269 : vector<16xi32>
      %eq3A_271 = arith.constant 0 : i32
      %eq3A_272 = vector.broadcast %eq3A_271 : i32 to vector<16xi32>
      %eq3A_273 = arith.cmpi eq, %shift_right_logical3A_270, %eq3A_272 : vector<16xi32>
      %select_n3A_274 = arith.select %eq3A_273, %and3A_267, %add3A_8 : vector<16xi1>, vector<16xi32>
      "tpu.region"() ({
        %run_scoped3A = tpu.sem_alloc : memref<!tpu.dma_semaphore, #tpu.memory_space<semaphore_mem>>
        %dma_start3A_305 = arith.constant 0 : i32
        %dma_start3A_306 = arith.constant 0 : i32
        %dma_start3A_307 = tpu.memref_slice %arg17[%dma_start3A_305, %dma_start3A_306] : memref<10368x128xf32, #tpu.memory_space<vmem_shared>> -> memref<10368x128xf32, #tpu.memory_space<vmem_shared>>
        tpu.enqueue_indirect_dma source(%arg15 : memref<16x128xf32, #tpu.memory_space<vmem>>) target(%dma_start3A_307 : memref<10368x128xf32, #tpu.memory_space<vmem_shared>>) offsets(%select_n3A_274 : vector<16xi32>) semaphore(%run_scoped3A : memref<!tpu.dma_semaphore, #tpu.memory_space<semaphore_mem>>) {add = true}
        %dma_wait3A_308 = arith.constant 0 : i32
        %dma_wait3A_309 = arith.constant 0 : i32
        %dma_wait3A_310 = tpu.memref_slice %arg17[%dma_wait3A_308, %dma_wait3A_309] : memref<10368x128xf32, #tpu.memory_space<vmem_shared>> -> memref<10368x128xf32, #tpu.memory_space<vmem_shared>>
        tpu.wait_indirect_dma semaphore(%run_scoped3A : memref<!tpu.dma_semaphore, #tpu.memory_space<semaphore_mem>>) src(%arg15 : memref<16x128xf32, #tpu.memory_space<vmem>>) dst(%dma_wait3A_310 : memref<10368x128xf32, #tpu.memory_space<vmem_shared>>)
        tpu.yield
      }) : () -> ()
      %eq3A_275 = arith.constant 1 : i32
      %eq3A_276 = vector.broadcast %eq3A_275 : i32 to vector<16xi32>
      %eq3A_277 = arith.cmpi eq, %shift_right_logical3A_270, %eq3A_276 : vector<16xi32>
      %select_n3A_278 = arith.select %eq3A_277, %and3A_267, %add3A_8 : vector<16xi1>, vector<16xi32>
      "tpu.region"() ({
        %run_scoped3A = tpu.sem_alloc : memref<!tpu.dma_semaphore, #tpu.memory_space<semaphore_mem>>
        %dma_start3A_305 = arith.constant 0 : i32
        %dma_start3A_306 = arith.constant 0 : i32
        %dma_start3A_307 = tpu.memref_slice %arg17[%dma_start3A_305, %dma_start3A_306] : memref<10368x128xf32, #tpu.memory_space<vmem_shared>> -> memref<10368x128xf32, #tpu.memory_space<vmem_shared>>
        tpu.enqueue_indirect_dma source(%arg15 : memref<16x128xf32, #tpu.memory_space<vmem>>) target(%dma_start3A_307 : memref<10368x128xf32, #tpu.memory_space<vmem_shared>>) offsets(%select_n3A_278 : vector<16xi32>) semaphore(%run_scoped3A : memref<!tpu.dma_semaphore, #tpu.memory_space<semaphore_mem>>) {add = true}
        %dma_wait3A_308 = arith.constant 0 : i32
        %dma_wait3A_309 = arith.constant 0 : i32
        %dma_wait3A_310 = tpu.memref_slice %arg17[%dma_wait3A_308, %dma_wait3A_309] : memref<10368x128xf32, #tpu.memory_space<vmem_shared>> -> memref<10368x128xf32, #tpu.memory_space<vmem_shared>>
        tpu.wait_indirect_dma semaphore(%run_scoped3A : memref<!tpu.dma_semaphore, #tpu.memory_space<semaphore_mem>>) src(%arg15 : memref<16x128xf32, #tpu.memory_space<vmem>>) dst(%dma_wait3A_310 : memref<10368x128xf32, #tpu.memory_space<vmem_shared>>)
        tpu.yield
      }) : () -> ()
      %eq3A_279 = arith.constant 2 : i32
      %eq3A_280 = vector.broadcast %eq3A_279 : i32 to vector<16xi32>
      %eq3A_281 = arith.cmpi eq, %shift_right_logical3A_270, %eq3A_280 : vector<16xi32>
      %select_n3A_282 = arith.select %eq3A_281, %and3A_267, %add3A_8 : vector<16xi1>, vector<16xi32>
      "tpu.region"() ({
        %run_scoped3A = tpu.sem_alloc : memref<!tpu.dma_semaphore, #tpu.memory_space<semaphore_mem>>
        %dma_start3A_305 = arith.constant 0 : i32
        %dma_start3A_306 = arith.constant 0 : i32
        %dma_start3A_307 = tpu.memref_slice %arg17[%dma_start3A_305, %dma_start3A_306] : memref<10368x128xf32, #tpu.memory_space<vmem_shared>> -> memref<10368x128xf32, #tpu.memory_space<vmem_shared>>
        tpu.enqueue_indirect_dma source(%arg15 : memref<16x128xf32, #tpu.memory_space<vmem>>) target(%dma_start3A_307 : memref<10368x128xf32, #tpu.memory_space<vmem_shared>>) offsets(%select_n3A_282 : vector<16xi32>) semaphore(%run_scoped3A : memref<!tpu.dma_semaphore, #tpu.memory_space<semaphore_mem>>) {add = true}
        %dma_wait3A_308 = arith.constant 0 : i32
        %dma_wait3A_309 = arith.constant 0 : i32
        %dma_wait3A_310 = tpu.memref_slice %arg17[%dma_wait3A_308, %dma_wait3A_309] : memref<10368x128xf32, #tpu.memory_space<vmem_shared>> -> memref<10368x128xf32, #tpu.memory_space<vmem_shared>>
        tpu.wait_indirect_dma semaphore(%run_scoped3A : memref<!tpu.dma_semaphore, #tpu.memory_space<semaphore_mem>>) src(%arg15 : memref<16x128xf32, #tpu.memory_space<vmem>>) dst(%dma_wait3A_310 : memref<10368x128xf32, #tpu.memory_space<vmem_shared>>)
        tpu.yield
      }) : () -> ()
      %get3A_283 = arith.index_cast %scan3A_31 : i32 to index
      %get3A_284 = arith.constant 112 : index
      %get3A_285 = tpu.vector_load %arg8[%get3A_283, %get3A_284] {strides = array<i32>} : memref<80x128xi32, #tpu.memory_space<vmem>>, vector<1x16xi32>,
      %get3A_286 = vector.shape_cast %get3A_285 : vector<1x16xi32> to vector<16xi32>
      %and3A_287 = arith.constant 268435455 : i32
      %and3A_288 = vector.broadcast %and3A_287 : i32 to vector<16xi32>
      %and3A_289 = arith.andi %get3A_286, %and3A_288 : vector<16xi32>
      %shift_right_logical3A_290 = arith.constant 28 : i32
      %shift_right_logical3A_291 = vector.broadcast %shift_right_logical3A_290 : i32 to vector<16xi32>
      %shift_right_logical3A_292 = arith.shrui %get3A_286, %shift_right_logical3A_291 : vector<16xi32>
      %eq3A_293 = arith.constant 0 : i32
      %eq3A_294 = vector.broadcast %eq3A_293 : i32 to vector<16xi32>
      %eq3A_295 = arith.cmpi eq, %shift_right_logical3A_292, %eq3A_294 : vector<16xi32>
      %select_n3A_296 = arith.select %eq3A_295, %and3A_289, %add3A_8 : vector<16xi1>, vector<16xi32>
      "tpu.region"() ({
        %run_scoped3A = tpu.sem_alloc : memref<!tpu.dma_semaphore, #tpu.memory_space<semaphore_mem>>
        %dma_start3A_305 = arith.constant 0 : i32
        %dma_start3A_306 = arith.constant 0 : i32
        %dma_start3A_307 = tpu.memref_slice %arg17[%dma_start3A_305, %dma_start3A_306] : memref<10368x128xf32, #tpu.memory_space<vmem_shared>> -> memref<10368x128xf32, #tpu.memory_space<vmem_shared>>
        tpu.enqueue_indirect_dma source(%arg16 : memref<16x128xf32, #tpu.memory_space<vmem>>) target(%dma_start3A_307 : memref<10368x128xf32, #tpu.memory_space<vmem_shared>>) offsets(%select_n3A_296 : vector<16xi32>) semaphore(%run_scoped3A : memref<!tpu.dma_semaphore, #tpu.memory_space<semaphore_mem>>) {add = true}
        %dma_wait3A_308 = arith.constant 0 : i32
        %dma_wait3A_309 = arith.constant 0 : i32
        %dma_wait3A_310 = tpu.memref_slice %arg17[%dma_wait3A_308, %dma_wait3A_309] : memref<10368x128xf32, #tpu.memory_space<vmem_shared>> -> memref<10368x128xf32, #tpu.memory_space<vmem_shared>>
        tpu.wait_indirect_dma semaphore(%run_scoped3A : memref<!tpu.dma_semaphore, #tpu.memory_space<semaphore_mem>>) src(%arg16 : memref<16x128xf32, #tpu.memory_space<vmem>>) dst(%dma_wait3A_310 : memref<10368x128xf32, #tpu.memory_space<vmem_shared>>)
        tpu.yield
      }) : () -> ()
      %eq3A_297 = arith.constant 1 : i32
      %eq3A_298 = vector.broadcast %eq3A_297 : i32 to vector<16xi32>
      %eq3A_299 = arith.cmpi eq, %shift_right_logical3A_292, %eq3A_298 : vector<16xi32>
      %select_n3A_300 = arith.select %eq3A_299, %and3A_289, %add3A_8 : vector<16xi1>, vector<16xi32>
      "tpu.region"() ({
        %run_scoped3A = tpu.sem_alloc : memref<!tpu.dma_semaphore, #tpu.memory_space<semaphore_mem>>
        %dma_start3A_305 = arith.constant 0 : i32
        %dma_start3A_306 = arith.constant 0 : i32
        %dma_start3A_307 = tpu.memref_slice %arg17[%dma_start3A_305, %dma_start3A_306] : memref<10368x128xf32, #tpu.memory_space<vmem_shared>> -> memref<10368x128xf32, #tpu.memory_space<vmem_shared>>
        tpu.enqueue_indirect_dma source(%arg16 : memref<16x128xf32, #tpu.memory_space<vmem>>) target(%dma_start3A_307 : memref<10368x128xf32, #tpu.memory_space<vmem_shared>>) offsets(%select_n3A_300 : vector<16xi32>) semaphore(%run_scoped3A : memref<!tpu.dma_semaphore, #tpu.memory_space<semaphore_mem>>) {add = true}
        %dma_wait3A_308 = arith.constant 0 : i32
        %dma_wait3A_309 = arith.constant 0 : i32
        %dma_wait3A_310 = tpu.memref_slice %arg17[%dma_wait3A_308, %dma_wait3A_309] : memref<10368x128xf32, #tpu.memory_space<vmem_shared>> -> memref<10368x128xf32, #tpu.memory_space<vmem_shared>>
        tpu.wait_indirect_dma semaphore(%run_scoped3A : memref<!tpu.dma_semaphore, #tpu.memory_space<semaphore_mem>>) src(%arg16 : memref<16x128xf32, #tpu.memory_space<vmem>>) dst(%dma_wait3A_310 : memref<10368x128xf32, #tpu.memory_space<vmem_shared>>)
        tpu.yield
      }) : () -> ()
      %eq3A_301 = arith.constant 2 : i32
      %eq3A_302 = vector.broadcast %eq3A_301 : i32 to vector<16xi32>
      %eq3A_303 = arith.cmpi eq, %shift_right_logical3A_292, %eq3A_302 : vector<16xi32>
      %select_n3A_304 = arith.select %eq3A_303, %and3A_289, %add3A_8 : vector<16xi1>, vector<16xi32>
      "tpu.region"() ({
        %run_scoped3A = tpu.sem_alloc : memref<!tpu.dma_semaphore, #tpu.memory_space<semaphore_mem>>
        %dma_start3A_305 = arith.constant 0 : i32
        %dma_start3A_306 = arith.constant 0 : i32
        %dma_start3A_307 = tpu.memref_slice %arg17[%dma_start3A_305, %dma_start3A_306] : memref<10368x128xf32, #tpu.memory_space<vmem_shared>> -> memref<10368x128xf32, #tpu.memory_space<vmem_shared>>
        tpu.enqueue_indirect_dma source(%arg16 : memref<16x128xf32, #tpu.memory_space<vmem>>) target(%dma_start3A_307 : memref<10368x128xf32, #tpu.memory_space<vmem_shared>>) offsets(%select_n3A_304 : vector<16xi32>) semaphore(%run_scoped3A : memref<!tpu.dma_semaphore, #tpu.memory_space<semaphore_mem>>) {add = true}
        %dma_wait3A_308 = arith.constant 0 : i32
        %dma_wait3A_309 = arith.constant 0 : i32
        %dma_wait3A_310 = tpu.memref_slice %arg17[%dma_wait3A_308, %dma_wait3A_309] : memref<10368x128xf32, #tpu.memory_space<vmem_shared>> -> memref<10368x128xf32, #tpu.memory_space<vmem_shared>>
        tpu.wait_indirect_dma semaphore(%run_scoped3A : memref<!tpu.dma_semaphore, #tpu.memory_space<semaphore_mem>>) src(%arg16 : memref<16x128xf32, #tpu.memory_space<vmem>>) dst(%dma_wait3A_310 : memref<10368x128xf32, #tpu.memory_space<vmem_shared>>)
        tpu.yield
      }) : () -> ()
    }
    %scan3A_29 = arith.constant 80 : i32
    %barrier3A_30 = arith.constant 0 : index
    tpu.barrier barrier_id(%barrier3A_30)
    "tpu.region"() ({
      %run_scoped3A = tpu.sem_alloc : memref<!tpu.dma_semaphore, #tpu.memory_space<semaphore_mem>>
      %dma_start3A = arith.constant 0 : i32
      %dma_start3A_31 = tpu.memref_slice %arg6[%arg0, %mul3A_2, %dma_start3A] : memref<2x10368x128xf32, #tpu.memory_space<hbm>> -> memref<1x648x128xf32, #tpu.memory_space<hbm>>
      %dma_start3A_32 = tpu.memref_squeeze %dma_start3A_31 : memref<1x648x128xf32, #tpu.memory_space<hbm>> -> memref<648x128xf32, #tpu.memory_space<hbm>>
      %dma_start3A_33 = arith.constant 0 : i32
      %dma_start3A_34 = tpu.memref_slice %arg17[%mul3A_2, %dma_start3A_33] : memref<10368x128xf32, #tpu.memory_space<vmem_shared>> -> memref<648x128xf32, #tpu.memory_space<vmem_shared>>
      tpu.enqueue_dma source(%dma_start3A_34 : memref<648x128xf32, #tpu.memory_space<vmem_shared>>) target(%dma_start3A_32 : memref<648x128xf32, #tpu.memory_space<hbm>>) target_semaphore(%run_scoped3A : memref<!tpu.dma_semaphore, #tpu.memory_space<semaphore_mem>>)
      %dma_wait3A = arith.constant 0 : i32
      %dma_wait3A_35 = tpu.memref_slice %arg6[%arg0, %mul3A_2, %dma_wait3A] : memref<2x10368x128xf32, #tpu.memory_space<hbm>> -> memref<1x648x128xf32, #tpu.memory_space<hbm>>
      %dma_wait3A_36 = tpu.memref_squeeze %dma_wait3A_35 : memref<1x648x128xf32, #tpu.memory_space<hbm>> -> memref<648x128xf32, #tpu.memory_space<hbm>>
      %dma_wait3A_37 = arith.constant 0 : i32
      %dma_wait3A_38 = tpu.memref_slice %arg17[%mul3A_2, %dma_wait3A_37] : memref<10368x128xf32, #tpu.memory_space<vmem_shared>> -> memref<648x128xf32, #tpu.memory_space<vmem_shared>>
      tpu.wait_dma2 semaphore(%run_scoped3A : memref<!tpu.dma_semaphore, #tpu.memory_space<semaphore_mem>>) src(%dma_wait3A_38 : memref<648x128xf32, #tpu.memory_space<vmem_shared>>) dst(%dma_wait3A_36 : memref<648x128xf32, #tpu.memory_space<hbm>>)
      tpu.yield
    }) : () -> ()
    return
  }
}

#map = affine_map<(d0, d1) -> (0, 0)>
#map1 = affine_map<(d0, d1) -> (0, 0, 0)>
module attributes {stable_mosaic.version = 14 : i64} {
  func.func @k(%arg0: i32, %arg1: i32, %arg2: memref<2560x128xi32, #tpu.memory_space<hbm>>, %arg3: memref<16x128xf32, #tpu.memory_space<hbm>>, %arg4: memref<128x128xf32, #tpu.memory_space<hbm>>, %arg5: memref<2x10368x128xf32, #tpu.memory_space<hbm>>, %arg6: memref<80x128xi32, #tpu.memory_space<vmem>>, %arg7: memref<16x128xf32, #tpu.memory_space<vmem>>, %arg8: memref<10368x128xf32, #tpu.memory_space<vmem_shared>>) attributes {dimension_semantics = [#tpu.dimension_semantics<core_parallel>, #tpu.dimension_semantics<subcore_parallel>], iteration_bounds = array<i64: 2, 16>, scalar_prefetch = 0 : i64, scratch_operands = 3 : i64, tpu.core_type = #tpu.core_type<sc_vector_subcore>, window_params = [{transform_indices = #map}, {transform_indices = #map}, {transform_indices = #map}, {transform_indices = #map1}]} {
    %mul3A = arith.constant 16 : i32
    %mul3A_0 = arith.muli %arg0, %mul3A : i32
    %add3A = arith.addi %mul3A_0, %arg1 : i32
    %iota3A = tpu.iota {dimensions = array<i32: 0>} : vector<16xi32>
    %mul3A_1 = arith.constant 16 : i32
    %mul3A_2 = arith.muli %arg1, %mul3A_1 : i32
    %add3A_3 = arith.constant 10112 : i32
    %add3A_4 = arith.addi %add3A_3, %mul3A_2 : i32
    %add3A_5 = vector.broadcast %add3A_4 : i32 to vector<16xi32>
    %add3A_6 = arith.addi %add3A_5, %iota3A : vector<16xi32>
    "tpu.region"() ({
      %run_scoped3A = tpu.sem_alloc : memref<!tpu.dma_semaphore, #tpu.memory_space<semaphore_mem>>
      tpu.enqueue_dma source(%arg3 : memref<16x128xf32, #tpu.memory_space<hbm>>) target(%arg7 : memref<16x128xf32, #tpu.memory_space<vmem>>) target_semaphore(%run_scoped3A : memref<!tpu.dma_semaphore, #tpu.memory_space<semaphore_mem>>)
      tpu.wait_dma2 semaphore(%run_scoped3A : memref<!tpu.dma_semaphore, #tpu.memory_space<semaphore_mem>>) src(%arg3 : memref<16x128xf32, #tpu.memory_space<hbm>>) dst(%arg7 : memref<16x128xf32, #tpu.memory_space<vmem>>)
      tpu.yield
    }) : () -> ()
    %mul3A_7 = arith.constant 80 : i32
    %mul3A_8 = arith.muli %add3A, %mul3A_7 : i32
    "tpu.region"() ({
      %run_scoped3A = tpu.sem_alloc : memref<!tpu.dma_semaphore, #tpu.memory_space<semaphore_mem>>
      %dma_start3A = arith.constant 0 : i32
      %dma_start3A_29 = tpu.memref_slice %arg2[%mul3A_8, %dma_start3A] : memref<2560x128xi32, #tpu.memory_space<hbm>> -> memref<80x128xi32, #tpu.memory_space<hbm>>
      %dma_start3A_30 = arith.constant 0 : i32
      %dma_start3A_31 = tpu.memref_slice %arg2[%mul3A_8, %dma_start3A_30] : memref<2560x128xi32, #tpu.memory_space<hbm>> -> memref<80x128xi32, #tpu.memory_space<hbm>>
      tpu.enqueue_dma source(%dma_start3A_31 : memref<80x128xi32, #tpu.memory_space<hbm>>) target(%arg6 : memref<80x128xi32, #tpu.memory_space<vmem>>) target_semaphore(%run_scoped3A : memref<!tpu.dma_semaphore, #tpu.memory_space<semaphore_mem>>)
      %dma_wait3A = arith.constant 0 : i32
      %dma_wait3A_32 = tpu.memref_slice %arg2[%mul3A_8, %dma_wait3A] : memref<2560x128xi32, #tpu.memory_space<hbm>> -> memref<80x128xi32, #tpu.memory_space<hbm>>
      %dma_wait3A_33 = arith.constant 0 : i32
      %dma_wait3A_34 = tpu.memref_slice %arg2[%mul3A_8, %dma_wait3A_33] : memref<2560x128xi32, #tpu.memory_space<hbm>> -> memref<80x128xi32, #tpu.memory_space<hbm>>
      tpu.wait_dma2 semaphore(%run_scoped3A : memref<!tpu.dma_semaphore, #tpu.memory_space<semaphore_mem>>) src(%dma_wait3A_34 : memref<80x128xi32, #tpu.memory_space<hbm>>) dst(%arg6 : memref<80x128xi32, #tpu.memory_space<vmem>>)
      tpu.yield
    }) : () -> ()
    %mul3A_9 = arith.constant 648 : i32
    %mul3A_10 = arith.muli %arg1, %mul3A_9 : i32
    %add3A_11 = arith.constant 0 : i32
    %add3A_12 = arith.addi %mul3A_10, %add3A_11 : i32
    "tpu.region"() ({
      %run_scoped3A = tpu.sem_alloc : memref<!tpu.dma_semaphore, #tpu.memory_space<semaphore_mem>>
      %dma_start3A = arith.constant 0 : i32
      %dma_start3A_29 = tpu.memref_slice %arg8[%add3A_12, %dma_start3A] : memref<10368x128xf32, #tpu.memory_space<vmem_shared>> -> memref<128x128xf32, #tpu.memory_space<vmem_shared>>
      tpu.enqueue_dma source(%arg4 : memref<128x128xf32, #tpu.memory_space<hbm>>) target(%dma_start3A_29 : memref<128x128xf32, #tpu.memory_space<vmem_shared>>) target_semaphore(%run_scoped3A : memref<!tpu.dma_semaphore, #tpu.memory_space<semaphore_mem>>)
      %dma_wait3A = arith.constant 0 : i32
      %dma_wait3A_30 = tpu.memref_slice %arg8[%add3A_12, %dma_wait3A] : memref<10368x128xf32, #tpu.memory_space<vmem_shared>> -> memref<128x128xf32, #tpu.memory_space<vmem_shared>>
      tpu.wait_dma2 semaphore(%run_scoped3A : memref<!tpu.dma_semaphore, #tpu.memory_space<semaphore_mem>>) src(%arg4 : memref<128x128xf32, #tpu.memory_space<hbm>>) dst(%dma_wait3A_30 : memref<128x128xf32, #tpu.memory_space<vmem_shared>>)
      tpu.yield
    }) : () -> ()
    %add3A_13 = arith.constant 128 : i32
    %add3A_14 = arith.addi %mul3A_10, %add3A_13 : i32
    "tpu.region"() ({
      %run_scoped3A = tpu.sem_alloc : memref<!tpu.dma_semaphore, #tpu.memory_space<semaphore_mem>>
      %dma_start3A = arith.constant 0 : i32
      %dma_start3A_29 = tpu.memref_slice %arg8[%add3A_14, %dma_start3A] : memref<10368x128xf32, #tpu.memory_space<vmem_shared>> -> memref<128x128xf32, #tpu.memory_space<vmem_shared>>
      tpu.enqueue_dma source(%arg4 : memref<128x128xf32, #tpu.memory_space<hbm>>) target(%dma_start3A_29 : memref<128x128xf32, #tpu.memory_space<vmem_shared>>) target_semaphore(%run_scoped3A : memref<!tpu.dma_semaphore, #tpu.memory_space<semaphore_mem>>)
      %dma_wait3A = arith.constant 0 : i32
      %dma_wait3A_30 = tpu.memref_slice %arg8[%add3A_14, %dma_wait3A] : memref<10368x128xf32, #tpu.memory_space<vmem_shared>> -> memref<128x128xf32, #tpu.memory_space<vmem_shared>>
      tpu.wait_dma2 semaphore(%run_scoped3A : memref<!tpu.dma_semaphore, #tpu.memory_space<semaphore_mem>>) src(%arg4 : memref<128x128xf32, #tpu.memory_space<hbm>>) dst(%dma_wait3A_30 : memref<128x128xf32, #tpu.memory_space<vmem_shared>>)
      tpu.yield
    }) : () -> ()
    %add3A_15 = arith.constant 256 : i32
    %add3A_16 = arith.addi %mul3A_10, %add3A_15 : i32
    "tpu.region"() ({
      %run_scoped3A = tpu.sem_alloc : memref<!tpu.dma_semaphore, #tpu.memory_space<semaphore_mem>>
      %dma_start3A = arith.constant 0 : i32
      %dma_start3A_29 = tpu.memref_slice %arg8[%add3A_16, %dma_start3A] : memref<10368x128xf32, #tpu.memory_space<vmem_shared>> -> memref<128x128xf32, #tpu.memory_space<vmem_shared>>
      tpu.enqueue_dma source(%arg4 : memref<128x128xf32, #tpu.memory_space<hbm>>) target(%dma_start3A_29 : memref<128x128xf32, #tpu.memory_space<vmem_shared>>) target_semaphore(%run_scoped3A : memref<!tpu.dma_semaphore, #tpu.memory_space<semaphore_mem>>)
      %dma_wait3A = arith.constant 0 : i32
      %dma_wait3A_30 = tpu.memref_slice %arg8[%add3A_16, %dma_wait3A] : memref<10368x128xf32, #tpu.memory_space<vmem_shared>> -> memref<128x128xf32, #tpu.memory_space<vmem_shared>>
      tpu.wait_dma2 semaphore(%run_scoped3A : memref<!tpu.dma_semaphore, #tpu.memory_space<semaphore_mem>>) src(%arg4 : memref<128x128xf32, #tpu.memory_space<hbm>>) dst(%dma_wait3A_30 : memref<128x128xf32, #tpu.memory_space<vmem_shared>>)
      tpu.yield
    }) : () -> ()
    %add3A_17 = arith.constant 384 : i32
    %add3A_18 = arith.addi %mul3A_10, %add3A_17 : i32
    "tpu.region"() ({
      %run_scoped3A = tpu.sem_alloc : memref<!tpu.dma_semaphore, #tpu.memory_space<semaphore_mem>>
      %dma_start3A = arith.constant 0 : i32
      %dma_start3A_29 = tpu.memref_slice %arg8[%add3A_18, %dma_start3A] : memref<10368x128xf32, #tpu.memory_space<vmem_shared>> -> memref<128x128xf32, #tpu.memory_space<vmem_shared>>
      tpu.enqueue_dma source(%arg4 : memref<128x128xf32, #tpu.memory_space<hbm>>) target(%dma_start3A_29 : memref<128x128xf32, #tpu.memory_space<vmem_shared>>) target_semaphore(%run_scoped3A : memref<!tpu.dma_semaphore, #tpu.memory_space<semaphore_mem>>)
      %dma_wait3A = arith.constant 0 : i32
      %dma_wait3A_30 = tpu.memref_slice %arg8[%add3A_18, %dma_wait3A] : memref<10368x128xf32, #tpu.memory_space<vmem_shared>> -> memref<128x128xf32, #tpu.memory_space<vmem_shared>>
      tpu.wait_dma2 semaphore(%run_scoped3A : memref<!tpu.dma_semaphore, #tpu.memory_space<semaphore_mem>>) src(%arg4 : memref<128x128xf32, #tpu.memory_space<hbm>>) dst(%dma_wait3A_30 : memref<128x128xf32, #tpu.memory_space<vmem_shared>>)
      tpu.yield
    }) : () -> ()
    %add3A_19 = arith.constant 512 : i32
    %add3A_20 = arith.addi %mul3A_10, %add3A_19 : i32
    "tpu.region"() ({
      %run_scoped3A = tpu.sem_alloc : memref<!tpu.dma_semaphore, #tpu.memory_space<semaphore_mem>>
      %dma_start3A = arith.constant 0 : i32
      %dma_start3A_29 = tpu.memref_slice %arg8[%add3A_20, %dma_start3A] : memref<10368x128xf32, #tpu.memory_space<vmem_shared>> -> memref<128x128xf32, #tpu.memory_space<vmem_shared>>
      tpu.enqueue_dma source(%arg4 : memref<128x128xf32, #tpu.memory_space<hbm>>) target(%dma_start3A_29 : memref<128x128xf32, #tpu.memory_space<vmem_shared>>) target_semaphore(%run_scoped3A : memref<!tpu.dma_semaphore, #tpu.memory_space<semaphore_mem>>)
      %dma_wait3A = arith.constant 0 : i32
      %dma_wait3A_30 = tpu.memref_slice %arg8[%add3A_20, %dma_wait3A] : memref<10368x128xf32, #tpu.memory_space<vmem_shared>> -> memref<128x128xf32, #tpu.memory_space<vmem_shared>>
      tpu.wait_dma2 semaphore(%run_scoped3A : memref<!tpu.dma_semaphore, #tpu.memory_space<semaphore_mem>>) src(%arg4 : memref<128x128xf32, #tpu.memory_space<hbm>>) dst(%dma_wait3A_30 : memref<128x128xf32, #tpu.memory_space<vmem_shared>>)
      tpu.yield
    }) : () -> ()
    %add3A_21 = arith.constant 640 : i32
    %add3A_22 = arith.addi %mul3A_10, %add3A_21 : i32
    "tpu.region"() ({
      %run_scoped3A = tpu.sem_alloc : memref<!tpu.dma_semaphore, #tpu.memory_space<semaphore_mem>>
      %dma_start3A = arith.constant 0 : i32
      %dma_start3A_29 = tpu.memref_slice %arg8[%add3A_22, %dma_start3A] : memref<10368x128xf32, #tpu.memory_space<vmem_shared>> -> memref<8x128xf32, #tpu.memory_space<vmem_shared>>
      %dma_start3A_30 = arith.constant 0 : i32
      %dma_start3A_31 = arith.constant 0 : i32
      %dma_start3A_32 = tpu.memref_slice %arg4[%dma_start3A_30, %dma_start3A_31] : memref<128x128xf32, #tpu.memory_space<hbm>> -> memref<8x128xf32, #tpu.memory_space<hbm>>
      tpu.enqueue_dma source(%dma_start3A_32 : memref<8x128xf32, #tpu.memory_space<hbm>>) target(%dma_start3A_29 : memref<8x128xf32, #tpu.memory_space<vmem_shared>>) target_semaphore(%run_scoped3A : memref<!tpu.dma_semaphore, #tpu.memory_space<semaphore_mem>>)
      %dma_wait3A = arith.constant 0 : i32
      %dma_wait3A_33 = tpu.memref_slice %arg8[%add3A_22, %dma_wait3A] : memref<10368x128xf32, #tpu.memory_space<vmem_shared>> -> memref<8x128xf32, #tpu.memory_space<vmem_shared>>
      %dma_wait3A_34 = arith.constant 0 : i32
      %dma_wait3A_35 = arith.constant 0 : i32
      %dma_wait3A_36 = tpu.memref_slice %arg4[%dma_wait3A_34, %dma_wait3A_35] : memref<128x128xf32, #tpu.memory_space<hbm>> -> memref<8x128xf32, #tpu.memory_space<hbm>>
      tpu.wait_dma2 semaphore(%run_scoped3A : memref<!tpu.dma_semaphore, #tpu.memory_space<semaphore_mem>>) src(%dma_wait3A_36 : memref<8x128xf32, #tpu.memory_space<hbm>>) dst(%dma_wait3A_33 : memref<8x128xf32, #tpu.memory_space<vmem_shared>>)
      tpu.yield
    }) : () -> ()
    %barrier3A = arith.constant 0 : index
    tpu.barrier barrier_id(%barrier3A)
    %scan3A = arith.constant 0 : i32
    %scan3A_23 = arith.constant 0 : i32
    %scan3A_24 = arith.constant 80 : i32
    %scan3A_25 = arith.addi %scan3A_23, %scan3A_24 : i32
    %scan3A_26 = arith.constant 1 : i32
    scf.for %scan3A_29 = %scan3A_23 to %scan3A_25 step %scan3A_26  : i32 {
      %get3A = arith.index_cast %scan3A_29 : i32 to index
      %get3A_30 = arith.constant 0 : index
      %get3A_31 = tpu.vector_load %arg6[%get3A, %get3A_30] {strides = array<i32>} : memref<80x128xi32, #tpu.memory_space<vmem>>, vector<1x16xi32>,
      %get3A_32 = vector.shape_cast %get3A_31 : vector<1x16xi32> to vector<16xi32>
      %and3A = arith.constant 268435455 : i32
      %and3A_33 = vector.broadcast %and3A : i32 to vector<16xi32>
      %and3A_34 = arith.andi %get3A_32, %and3A_33 : vector<16xi32>
      %shift_right_logical3A = arith.constant 28 : i32
      %shift_right_logical3A_35 = vector.broadcast %shift_right_logical3A : i32 to vector<16xi32>
      %shift_right_logical3A_36 = arith.shrui %get3A_32, %shift_right_logical3A_35 : vector<16xi32>
      %eq3A = arith.constant 0 : i32
      %eq3A_37 = vector.broadcast %eq3A : i32 to vector<16xi32>
      %eq3A_38 = arith.cmpi eq, %shift_right_logical3A_36, %eq3A_37 : vector<16xi32>
      %select_n3A = arith.select %eq3A_38, %and3A_34, %add3A_6 : vector<16xi1>, vector<16xi32>
      "tpu.region"() ({
        %run_scoped3A = tpu.sem_alloc : memref<!tpu.dma_semaphore, #tpu.memory_space<semaphore_mem>>
        %dma_start3A = arith.constant 0 : i32
        %dma_start3A_201 = arith.constant 0 : i32
        %dma_start3A_202 = tpu.memref_slice %arg8[%dma_start3A, %dma_start3A_201] : memref<10368x128xf32, #tpu.memory_space<vmem_shared>> -> memref<10368x128xf32, #tpu.memory_space<vmem_shared>>
        tpu.enqueue_indirect_dma source(%arg7 : memref<16x128xf32, #tpu.memory_space<vmem>>) target(%dma_start3A_202 : memref<10368x128xf32, #tpu.memory_space<vmem_shared>>) offsets(%select_n3A : vector<16xi32>) semaphore(%run_scoped3A : memref<!tpu.dma_semaphore, #tpu.memory_space<semaphore_mem>>) {add = true}
        %dma_wait3A = arith.constant 0 : i32
        %dma_wait3A_203 = arith.constant 0 : i32
        %dma_wait3A_204 = tpu.memref_slice %arg8[%dma_wait3A, %dma_wait3A_203] : memref<10368x128xf32, #tpu.memory_space<vmem_shared>> -> memref<10368x128xf32, #tpu.memory_space<vmem_shared>>
        tpu.wait_indirect_dma semaphore(%run_scoped3A : memref<!tpu.dma_semaphore, #tpu.memory_space<semaphore_mem>>) src(%arg7 : memref<16x128xf32, #tpu.memory_space<vmem>>) dst(%dma_wait3A_204 : memref<10368x128xf32, #tpu.memory_space<vmem_shared>>)
        tpu.yield
      }) : () -> ()
      %eq3A_39 = arith.constant 1 : i32
      %eq3A_40 = vector.broadcast %eq3A_39 : i32 to vector<16xi32>
      %eq3A_41 = arith.cmpi eq, %shift_right_logical3A_36, %eq3A_40 : vector<16xi32>
      %select_n3A_42 = arith.select %eq3A_41, %and3A_34, %add3A_6 : vector<16xi1>, vector<16xi32>
      "tpu.region"() ({
        %run_scoped3A = tpu.sem_alloc : memref<!tpu.dma_semaphore, #tpu.memory_space<semaphore_mem>>
        %dma_start3A = arith.constant 0 : i32
        %dma_start3A_201 = arith.constant 0 : i32
        %dma_start3A_202 = tpu.memref_slice %arg8[%dma_start3A, %dma_start3A_201] : memref<10368x128xf32, #tpu.memory_space<vmem_shared>> -> memref<10368x128xf32, #tpu.memory_space<vmem_shared>>
        tpu.enqueue_indirect_dma source(%arg7 : memref<16x128xf32, #tpu.memory_space<vmem>>) target(%dma_start3A_202 : memref<10368x128xf32, #tpu.memory_space<vmem_shared>>) offsets(%select_n3A_42 : vector<16xi32>) semaphore(%run_scoped3A : memref<!tpu.dma_semaphore, #tpu.memory_space<semaphore_mem>>) {add = true}
        %dma_wait3A = arith.constant 0 : i32
        %dma_wait3A_203 = arith.constant 0 : i32
        %dma_wait3A_204 = tpu.memref_slice %arg8[%dma_wait3A, %dma_wait3A_203] : memref<10368x128xf32, #tpu.memory_space<vmem_shared>> -> memref<10368x128xf32, #tpu.memory_space<vmem_shared>>
        tpu.wait_indirect_dma semaphore(%run_scoped3A : memref<!tpu.dma_semaphore, #tpu.memory_space<semaphore_mem>>) src(%arg7 : memref<16x128xf32, #tpu.memory_space<vmem>>) dst(%dma_wait3A_204 : memref<10368x128xf32, #tpu.memory_space<vmem_shared>>)
        tpu.yield
      }) : () -> ()
      %eq3A_43 = arith.constant 2 : i32
      %eq3A_44 = vector.broadcast %eq3A_43 : i32 to vector<16xi32>
      %eq3A_45 = arith.cmpi eq, %shift_right_logical3A_36, %eq3A_44 : vector<16xi32>
      %select_n3A_46 = arith.select %eq3A_45, %and3A_34, %add3A_6 : vector<16xi1>, vector<16xi32>
      "tpu.region"() ({
        %run_scoped3A = tpu.sem_alloc : memref<!tpu.dma_semaphore, #tpu.memory_space<semaphore_mem>>
        %dma_start3A = arith.constant 0 : i32
        %dma_start3A_201 = arith.constant 0 : i32
        %dma_start3A_202 = tpu.memref_slice %arg8[%dma_start3A, %dma_start3A_201] : memref<10368x128xf32, #tpu.memory_space<vmem_shared>> -> memref<10368x128xf32, #tpu.memory_space<vmem_shared>>
        tpu.enqueue_indirect_dma source(%arg7 : memref<16x128xf32, #tpu.memory_space<vmem>>) target(%dma_start3A_202 : memref<10368x128xf32, #tpu.memory_space<vmem_shared>>) offsets(%select_n3A_46 : vector<16xi32>) semaphore(%run_scoped3A : memref<!tpu.dma_semaphore, #tpu.memory_space<semaphore_mem>>) {add = true}
        %dma_wait3A = arith.constant 0 : i32
        %dma_wait3A_203 = arith.constant 0 : i32
        %dma_wait3A_204 = tpu.memref_slice %arg8[%dma_wait3A, %dma_wait3A_203] : memref<10368x128xf32, #tpu.memory_space<vmem_shared>> -> memref<10368x128xf32, #tpu.memory_space<vmem_shared>>
        tpu.wait_indirect_dma semaphore(%run_scoped3A : memref<!tpu.dma_semaphore, #tpu.memory_space<semaphore_mem>>) src(%arg7 : memref<16x128xf32, #tpu.memory_space<vmem>>) dst(%dma_wait3A_204 : memref<10368x128xf32, #tpu.memory_space<vmem_shared>>)
        tpu.yield
      }) : () -> ()
      %get3A_47 = arith.index_cast %scan3A_29 : i32 to index
      %get3A_48 = arith.constant 16 : index
      %get3A_49 = tpu.vector_load %arg6[%get3A_47, %get3A_48] {strides = array<i32>} : memref<80x128xi32, #tpu.memory_space<vmem>>, vector<1x16xi32>,
      %get3A_50 = vector.shape_cast %get3A_49 : vector<1x16xi32> to vector<16xi32>
      %and3A_51 = arith.constant 268435455 : i32
      %and3A_52 = vector.broadcast %and3A_51 : i32 to vector<16xi32>
      %and3A_53 = arith.andi %get3A_50, %and3A_52 : vector<16xi32>
      %shift_right_logical3A_54 = arith.constant 28 : i32
      %shift_right_logical3A_55 = vector.broadcast %shift_right_logical3A_54 : i32 to vector<16xi32>
      %shift_right_logical3A_56 = arith.shrui %get3A_50, %shift_right_logical3A_55 : vector<16xi32>
      %eq3A_57 = arith.constant 0 : i32
      %eq3A_58 = vector.broadcast %eq3A_57 : i32 to vector<16xi32>
      %eq3A_59 = arith.cmpi eq, %shift_right_logical3A_56, %eq3A_58 : vector<16xi32>
      %select_n3A_60 = arith.select %eq3A_59, %and3A_53, %add3A_6 : vector<16xi1>, vector<16xi32>
      "tpu.region"() ({
        %run_scoped3A = tpu.sem_alloc : memref<!tpu.dma_semaphore, #tpu.memory_space<semaphore_mem>>
        %dma_start3A = arith.constant 0 : i32
        %dma_start3A_201 = arith.constant 0 : i32
        %dma_start3A_202 = tpu.memref_slice %arg8[%dma_start3A, %dma_start3A_201] : memref<10368x128xf32, #tpu.memory_space<vmem_shared>> -> memref<10368x128xf32, #tpu.memory_space<vmem_shared>>
        tpu.enqueue_indirect_dma source(%arg7 : memref<16x128xf32, #tpu.memory_space<vmem>>) target(%dma_start3A_202 : memref<10368x128xf32, #tpu.memory_space<vmem_shared>>) offsets(%select_n3A_60 : vector<16xi32>) semaphore(%run_scoped3A : memref<!tpu.dma_semaphore, #tpu.memory_space<semaphore_mem>>) {add = true}
        %dma_wait3A = arith.constant 0 : i32
        %dma_wait3A_203 = arith.constant 0 : i32
        %dma_wait3A_204 = tpu.memref_slice %arg8[%dma_wait3A, %dma_wait3A_203] : memref<10368x128xf32, #tpu.memory_space<vmem_shared>> -> memref<10368x128xf32, #tpu.memory_space<vmem_shared>>
        tpu.wait_indirect_dma semaphore(%run_scoped3A : memref<!tpu.dma_semaphore, #tpu.memory_space<semaphore_mem>>) src(%arg7 : memref<16x128xf32, #tpu.memory_space<vmem>>) dst(%dma_wait3A_204 : memref<10368x128xf32, #tpu.memory_space<vmem_shared>>)
        tpu.yield
      }) : () -> ()
      %eq3A_61 = arith.constant 1 : i32
      %eq3A_62 = vector.broadcast %eq3A_61 : i32 to vector<16xi32>
      %eq3A_63 = arith.cmpi eq, %shift_right_logical3A_56, %eq3A_62 : vector<16xi32>
      %select_n3A_64 = arith.select %eq3A_63, %and3A_53, %add3A_6 : vector<16xi1>, vector<16xi32>
      "tpu.region"() ({
        %run_scoped3A = tpu.sem_alloc : memref<!tpu.dma_semaphore, #tpu.memory_space<semaphore_mem>>
        %dma_start3A = arith.constant 0 : i32
        %dma_start3A_201 = arith.constant 0 : i32
        %dma_start3A_202 = tpu.memref_slice %arg8[%dma_start3A, %dma_start3A_201] : memref<10368x128xf32, #tpu.memory_space<vmem_shared>> -> memref<10368x128xf32, #tpu.memory_space<vmem_shared>>
        tpu.enqueue_indirect_dma source(%arg7 : memref<16x128xf32, #tpu.memory_space<vmem>>) target(%dma_start3A_202 : memref<10368x128xf32, #tpu.memory_space<vmem_shared>>) offsets(%select_n3A_64 : vector<16xi32>) semaphore(%run_scoped3A : memref<!tpu.dma_semaphore, #tpu.memory_space<semaphore_mem>>) {add = true}
        %dma_wait3A = arith.constant 0 : i32
        %dma_wait3A_203 = arith.constant 0 : i32
        %dma_wait3A_204 = tpu.memref_slice %arg8[%dma_wait3A, %dma_wait3A_203] : memref<10368x128xf32, #tpu.memory_space<vmem_shared>> -> memref<10368x128xf32, #tpu.memory_space<vmem_shared>>
        tpu.wait_indirect_dma semaphore(%run_scoped3A : memref<!tpu.dma_semaphore, #tpu.memory_space<semaphore_mem>>) src(%arg7 : memref<16x128xf32, #tpu.memory_space<vmem>>) dst(%dma_wait3A_204 : memref<10368x128xf32, #tpu.memory_space<vmem_shared>>)
        tpu.yield
      }) : () -> ()
      %eq3A_65 = arith.constant 2 : i32
      %eq3A_66 = vector.broadcast %eq3A_65 : i32 to vector<16xi32>
      %eq3A_67 = arith.cmpi eq, %shift_right_logical3A_56, %eq3A_66 : vector<16xi32>
      %select_n3A_68 = arith.select %eq3A_67, %and3A_53, %add3A_6 : vector<16xi1>, vector<16xi32>
      "tpu.region"() ({
        %run_scoped3A = tpu.sem_alloc : memref<!tpu.dma_semaphore, #tpu.memory_space<semaphore_mem>>
        %dma_start3A = arith.constant 0 : i32
        %dma_start3A_201 = arith.constant 0 : i32
        %dma_start3A_202 = tpu.memref_slice %arg8[%dma_start3A, %dma_start3A_201] : memref<10368x128xf32, #tpu.memory_space<vmem_shared>> -> memref<10368x128xf32, #tpu.memory_space<vmem_shared>>
        tpu.enqueue_indirect_dma source(%arg7 : memref<16x128xf32, #tpu.memory_space<vmem>>) target(%dma_start3A_202 : memref<10368x128xf32, #tpu.memory_space<vmem_shared>>) offsets(%select_n3A_68 : vector<16xi32>) semaphore(%run_scoped3A : memref<!tpu.dma_semaphore, #tpu.memory_space<semaphore_mem>>) {add = true}
        %dma_wait3A = arith.constant 0 : i32
        %dma_wait3A_203 = arith.constant 0 : i32
        %dma_wait3A_204 = tpu.memref_slice %arg8[%dma_wait3A, %dma_wait3A_203] : memref<10368x128xf32, #tpu.memory_space<vmem_shared>> -> memref<10368x128xf32, #tpu.memory_space<vmem_shared>>
        tpu.wait_indirect_dma semaphore(%run_scoped3A : memref<!tpu.dma_semaphore, #tpu.memory_space<semaphore_mem>>) src(%arg7 : memref<16x128xf32, #tpu.memory_space<vmem>>) dst(%dma_wait3A_204 : memref<10368x128xf32, #tpu.memory_space<vmem_shared>>)
        tpu.yield
      }) : () -> ()
      %get3A_69 = arith.index_cast %scan3A_29 : i32 to index
      %get3A_70 = arith.constant 32 : index
      %get3A_71 = tpu.vector_load %arg6[%get3A_69, %get3A_70] {strides = array<i32>} : memref<80x128xi32, #tpu.memory_space<vmem>>, vector<1x16xi32>,
      %get3A_72 = vector.shape_cast %get3A_71 : vector<1x16xi32> to vector<16xi32>
      %and3A_73 = arith.constant 268435455 : i32
      %and3A_74 = vector.broadcast %and3A_73 : i32 to vector<16xi32>
      %and3A_75 = arith.andi %get3A_72, %and3A_74 : vector<16xi32>
      %shift_right_logical3A_76 = arith.constant 28 : i32
      %shift_right_logical3A_77 = vector.broadcast %shift_right_logical3A_76 : i32 to vector<16xi32>
      %shift_right_logical3A_78 = arith.shrui %get3A_72, %shift_right_logical3A_77 : vector<16xi32>
      %eq3A_79 = arith.constant 0 : i32
      %eq3A_80 = vector.broadcast %eq3A_79 : i32 to vector<16xi32>
      %eq3A_81 = arith.cmpi eq, %shift_right_logical3A_78, %eq3A_80 : vector<16xi32>
      %select_n3A_82 = arith.select %eq3A_81, %and3A_75, %add3A_6 : vector<16xi1>, vector<16xi32>
      "tpu.region"() ({
        %run_scoped3A = tpu.sem_alloc : memref<!tpu.dma_semaphore, #tpu.memory_space<semaphore_mem>>
        %dma_start3A = arith.constant 0 : i32
        %dma_start3A_201 = arith.constant 0 : i32
        %dma_start3A_202 = tpu.memref_slice %arg8[%dma_start3A, %dma_start3A_201] : memref<10368x128xf32, #tpu.memory_space<vmem_shared>> -> memref<10368x128xf32, #tpu.memory_space<vmem_shared>>
        tpu.enqueue_indirect_dma source(%arg7 : memref<16x128xf32, #tpu.memory_space<vmem>>) target(%dma_start3A_202 : memref<10368x128xf32, #tpu.memory_space<vmem_shared>>) offsets(%select_n3A_82 : vector<16xi32>) semaphore(%run_scoped3A : memref<!tpu.dma_semaphore, #tpu.memory_space<semaphore_mem>>) {add = true}
        %dma_wait3A = arith.constant 0 : i32
        %dma_wait3A_203 = arith.constant 0 : i32
        %dma_wait3A_204 = tpu.memref_slice %arg8[%dma_wait3A, %dma_wait3A_203] : memref<10368x128xf32, #tpu.memory_space<vmem_shared>> -> memref<10368x128xf32, #tpu.memory_space<vmem_shared>>
        tpu.wait_indirect_dma semaphore(%run_scoped3A : memref<!tpu.dma_semaphore, #tpu.memory_space<semaphore_mem>>) src(%arg7 : memref<16x128xf32, #tpu.memory_space<vmem>>) dst(%dma_wait3A_204 : memref<10368x128xf32, #tpu.memory_space<vmem_shared>>)
        tpu.yield
      }) : () -> ()
      %eq3A_83 = arith.constant 1 : i32
      %eq3A_84 = vector.broadcast %eq3A_83 : i32 to vector<16xi32>
      %eq3A_85 = arith.cmpi eq, %shift_right_logical3A_78, %eq3A_84 : vector<16xi32>
      %select_n3A_86 = arith.select %eq3A_85, %and3A_75, %add3A_6 : vector<16xi1>, vector<16xi32>
      "tpu.region"() ({
        %run_scoped3A = tpu.sem_alloc : memref<!tpu.dma_semaphore, #tpu.memory_space<semaphore_mem>>
        %dma_start3A = arith.constant 0 : i32
        %dma_start3A_201 = arith.constant 0 : i32
        %dma_start3A_202 = tpu.memref_slice %arg8[%dma_start3A, %dma_start3A_201] : memref<10368x128xf32, #tpu.memory_space<vmem_shared>> -> memref<10368x128xf32, #tpu.memory_space<vmem_shared>>
        tpu.enqueue_indirect_dma source(%arg7 : memref<16x128xf32, #tpu.memory_space<vmem>>) target(%dma_start3A_202 : memref<10368x128xf32, #tpu.memory_space<vmem_shared>>) offsets(%select_n3A_86 : vector<16xi32>) semaphore(%run_scoped3A : memref<!tpu.dma_semaphore, #tpu.memory_space<semaphore_mem>>) {add = true}
        %dma_wait3A = arith.constant 0 : i32
        %dma_wait3A_203 = arith.constant 0 : i32
        %dma_wait3A_204 = tpu.memref_slice %arg8[%dma_wait3A, %dma_wait3A_203] : memref<10368x128xf32, #tpu.memory_space<vmem_shared>> -> memref<10368x128xf32, #tpu.memory_space<vmem_shared>>
        tpu.wait_indirect_dma semaphore(%run_scoped3A : memref<!tpu.dma_semaphore, #tpu.memory_space<semaphore_mem>>) src(%arg7 : memref<16x128xf32, #tpu.memory_space<vmem>>) dst(%dma_wait3A_204 : memref<10368x128xf32, #tpu.memory_space<vmem_shared>>)
        tpu.yield
      }) : () -> ()
      %eq3A_87 = arith.constant 2 : i32
      %eq3A_88 = vector.broadcast %eq3A_87 : i32 to vector<16xi32>
      %eq3A_89 = arith.cmpi eq, %shift_right_logical3A_78, %eq3A_88 : vector<16xi32>
      %select_n3A_90 = arith.select %eq3A_89, %and3A_75, %add3A_6 : vector<16xi1>, vector<16xi32>
      "tpu.region"() ({
        %run_scoped3A = tpu.sem_alloc : memref<!tpu.dma_semaphore, #tpu.memory_space<semaphore_mem>>
        %dma_start3A = arith.constant 0 : i32
        %dma_start3A_201 = arith.constant 0 : i32
        %dma_start3A_202 = tpu.memref_slice %arg8[%dma_start3A, %dma_start3A_201] : memref<10368x128xf32, #tpu.memory_space<vmem_shared>> -> memref<10368x128xf32, #tpu.memory_space<vmem_shared>>
        tpu.enqueue_indirect_dma source(%arg7 : memref<16x128xf32, #tpu.memory_space<vmem>>) target(%dma_start3A_202 : memref<10368x128xf32, #tpu.memory_space<vmem_shared>>) offsets(%select_n3A_90 : vector<16xi32>) semaphore(%run_scoped3A : memref<!tpu.dma_semaphore, #tpu.memory_space<semaphore_mem>>) {add = true}
        %dma_wait3A = arith.constant 0 : i32
        %dma_wait3A_203 = arith.constant 0 : i32
        %dma_wait3A_204 = tpu.memref_slice %arg8[%dma_wait3A, %dma_wait3A_203] : memref<10368x128xf32, #tpu.memory_space<vmem_shared>> -> memref<10368x128xf32, #tpu.memory_space<vmem_shared>>
        tpu.wait_indirect_dma semaphore(%run_scoped3A : memref<!tpu.dma_semaphore, #tpu.memory_space<semaphore_mem>>) src(%arg7 : memref<16x128xf32, #tpu.memory_space<vmem>>) dst(%dma_wait3A_204 : memref<10368x128xf32, #tpu.memory_space<vmem_shared>>)
        tpu.yield
      }) : () -> ()
      %get3A_91 = arith.index_cast %scan3A_29 : i32 to index
      %get3A_92 = arith.constant 48 : index
      %get3A_93 = tpu.vector_load %arg6[%get3A_91, %get3A_92] {strides = array<i32>} : memref<80x128xi32, #tpu.memory_space<vmem>>, vector<1x16xi32>,
      %get3A_94 = vector.shape_cast %get3A_93 : vector<1x16xi32> to vector<16xi32>
      %and3A_95 = arith.constant 268435455 : i32
      %and3A_96 = vector.broadcast %and3A_95 : i32 to vector<16xi32>
      %and3A_97 = arith.andi %get3A_94, %and3A_96 : vector<16xi32>
      %shift_right_logical3A_98 = arith.constant 28 : i32
      %shift_right_logical3A_99 = vector.broadcast %shift_right_logical3A_98 : i32 to vector<16xi32>
      %shift_right_logical3A_100 = arith.shrui %get3A_94, %shift_right_logical3A_99 : vector<16xi32>
      %eq3A_101 = arith.constant 0 : i32
      %eq3A_102 = vector.broadcast %eq3A_101 : i32 to vector<16xi32>
      %eq3A_103 = arith.cmpi eq, %shift_right_logical3A_100, %eq3A_102 : vector<16xi32>
      %select_n3A_104 = arith.select %eq3A_103, %and3A_97, %add3A_6 : vector<16xi1>, vector<16xi32>
      "tpu.region"() ({
        %run_scoped3A = tpu.sem_alloc : memref<!tpu.dma_semaphore, #tpu.memory_space<semaphore_mem>>
        %dma_start3A = arith.constant 0 : i32
        %dma_start3A_201 = arith.constant 0 : i32
        %dma_start3A_202 = tpu.memref_slice %arg8[%dma_start3A, %dma_start3A_201] : memref<10368x128xf32, #tpu.memory_space<vmem_shared>> -> memref<10368x128xf32, #tpu.memory_space<vmem_shared>>
        tpu.enqueue_indirect_dma source(%arg7 : memref<16x128xf32, #tpu.memory_space<vmem>>) target(%dma_start3A_202 : memref<10368x128xf32, #tpu.memory_space<vmem_shared>>) offsets(%select_n3A_104 : vector<16xi32>) semaphore(%run_scoped3A : memref<!tpu.dma_semaphore, #tpu.memory_space<semaphore_mem>>) {add = true}
        %dma_wait3A = arith.constant 0 : i32
        %dma_wait3A_203 = arith.constant 0 : i32
        %dma_wait3A_204 = tpu.memref_slice %arg8[%dma_wait3A, %dma_wait3A_203] : memref<10368x128xf32, #tpu.memory_space<vmem_shared>> -> memref<10368x128xf32, #tpu.memory_space<vmem_shared>>
        tpu.wait_indirect_dma semaphore(%run_scoped3A : memref<!tpu.dma_semaphore, #tpu.memory_space<semaphore_mem>>) src(%arg7 : memref<16x128xf32, #tpu.memory_space<vmem>>) dst(%dma_wait3A_204 : memref<10368x128xf32, #tpu.memory_space<vmem_shared>>)
        tpu.yield
      }) : () -> ()
      %eq3A_105 = arith.constant 1 : i32
      %eq3A_106 = vector.broadcast %eq3A_105 : i32 to vector<16xi32>
      %eq3A_107 = arith.cmpi eq, %shift_right_logical3A_100, %eq3A_106 : vector<16xi32>
      %select_n3A_108 = arith.select %eq3A_107, %and3A_97, %add3A_6 : vector<16xi1>, vector<16xi32>
      "tpu.region"() ({
        %run_scoped3A = tpu.sem_alloc : memref<!tpu.dma_semaphore, #tpu.memory_space<semaphore_mem>>
        %dma_start3A = arith.constant 0 : i32
        %dma_start3A_201 = arith.constant 0 : i32
        %dma_start3A_202 = tpu.memref_slice %arg8[%dma_start3A, %dma_start3A_201] : memref<10368x128xf32, #tpu.memory_space<vmem_shared>> -> memref<10368x128xf32, #tpu.memory_space<vmem_shared>>
        tpu.enqueue_indirect_dma source(%arg7 : memref<16x128xf32, #tpu.memory_space<vmem>>) target(%dma_start3A_202 : memref<10368x128xf32, #tpu.memory_space<vmem_shared>>) offsets(%select_n3A_108 : vector<16xi32>) semaphore(%run_scoped3A : memref<!tpu.dma_semaphore, #tpu.memory_space<semaphore_mem>>) {add = true}
        %dma_wait3A = arith.constant 0 : i32
        %dma_wait3A_203 = arith.constant 0 : i32
        %dma_wait3A_204 = tpu.memref_slice %arg8[%dma_wait3A, %dma_wait3A_203] : memref<10368x128xf32, #tpu.memory_space<vmem_shared>> -> memref<10368x128xf32, #tpu.memory_space<vmem_shared>>
        tpu.wait_indirect_dma semaphore(%run_scoped3A : memref<!tpu.dma_semaphore, #tpu.memory_space<semaphore_mem>>) src(%arg7 : memref<16x128xf32, #tpu.memory_space<vmem>>) dst(%dma_wait3A_204 : memref<10368x128xf32, #tpu.memory_space<vmem_shared>>)
        tpu.yield
      }) : () -> ()
      %eq3A_109 = arith.constant 2 : i32
      %eq3A_110 = vector.broadcast %eq3A_109 : i32 to vector<16xi32>
      %eq3A_111 = arith.cmpi eq, %shift_right_logical3A_100, %eq3A_110 : vector<16xi32>
      %select_n3A_112 = arith.select %eq3A_111, %and3A_97, %add3A_6 : vector<16xi1>, vector<16xi32>
      "tpu.region"() ({
        %run_scoped3A = tpu.sem_alloc : memref<!tpu.dma_semaphore, #tpu.memory_space<semaphore_mem>>
        %dma_start3A = arith.constant 0 : i32
        %dma_start3A_201 = arith.constant 0 : i32
        %dma_start3A_202 = tpu.memref_slice %arg8[%dma_start3A, %dma_start3A_201] : memref<10368x128xf32, #tpu.memory_space<vmem_shared>> -> memref<10368x128xf32, #tpu.memory_space<vmem_shared>>
        tpu.enqueue_indirect_dma source(%arg7 : memref<16x128xf32, #tpu.memory_space<vmem>>) target(%dma_start3A_202 : memref<10368x128xf32, #tpu.memory_space<vmem_shared>>) offsets(%select_n3A_112 : vector<16xi32>) semaphore(%run_scoped3A : memref<!tpu.dma_semaphore, #tpu.memory_space<semaphore_mem>>) {add = true}
        %dma_wait3A = arith.constant 0 : i32
        %dma_wait3A_203 = arith.constant 0 : i32
        %dma_wait3A_204 = tpu.memref_slice %arg8[%dma_wait3A, %dma_wait3A_203] : memref<10368x128xf32, #tpu.memory_space<vmem_shared>> -> memref<10368x128xf32, #tpu.memory_space<vmem_shared>>
        tpu.wait_indirect_dma semaphore(%run_scoped3A : memref<!tpu.dma_semaphore, #tpu.memory_space<semaphore_mem>>) src(%arg7 : memref<16x128xf32, #tpu.memory_space<vmem>>) dst(%dma_wait3A_204 : memref<10368x128xf32, #tpu.memory_space<vmem_shared>>)
        tpu.yield
      }) : () -> ()
      %get3A_113 = arith.index_cast %scan3A_29 : i32 to index
      %get3A_114 = arith.constant 64 : index
      %get3A_115 = tpu.vector_load %arg6[%get3A_113, %get3A_114] {strides = array<i32>} : memref<80x128xi32, #tpu.memory_space<vmem>>, vector<1x16xi32>,
      %get3A_116 = vector.shape_cast %get3A_115 : vector<1x16xi32> to vector<16xi32>
      %and3A_117 = arith.constant 268435455 : i32
      %and3A_118 = vector.broadcast %and3A_117 : i32 to vector<16xi32>
      %and3A_119 = arith.andi %get3A_116, %and3A_118 : vector<16xi32>
      %shift_right_logical3A_120 = arith.constant 28 : i32
      %shift_right_logical3A_121 = vector.broadcast %shift_right_logical3A_120 : i32 to vector<16xi32>
      %shift_right_logical3A_122 = arith.shrui %get3A_116, %shift_right_logical3A_121 : vector<16xi32>
      %eq3A_123 = arith.constant 0 : i32
      %eq3A_124 = vector.broadcast %eq3A_123 : i32 to vector<16xi32>
      %eq3A_125 = arith.cmpi eq, %shift_right_logical3A_122, %eq3A_124 : vector<16xi32>
      %select_n3A_126 = arith.select %eq3A_125, %and3A_119, %add3A_6 : vector<16xi1>, vector<16xi32>
      "tpu.region"() ({
        %run_scoped3A = tpu.sem_alloc : memref<!tpu.dma_semaphore, #tpu.memory_space<semaphore_mem>>
        %dma_start3A = arith.constant 0 : i32
        %dma_start3A_201 = arith.constant 0 : i32
        %dma_start3A_202 = tpu.memref_slice %arg8[%dma_start3A, %dma_start3A_201] : memref<10368x128xf32, #tpu.memory_space<vmem_shared>> -> memref<10368x128xf32, #tpu.memory_space<vmem_shared>>
        tpu.enqueue_indirect_dma source(%arg7 : memref<16x128xf32, #tpu.memory_space<vmem>>) target(%dma_start3A_202 : memref<10368x128xf32, #tpu.memory_space<vmem_shared>>) offsets(%select_n3A_126 : vector<16xi32>) semaphore(%run_scoped3A : memref<!tpu.dma_semaphore, #tpu.memory_space<semaphore_mem>>) {add = true}
        %dma_wait3A = arith.constant 0 : i32
        %dma_wait3A_203 = arith.constant 0 : i32
        %dma_wait3A_204 = tpu.memref_slice %arg8[%dma_wait3A, %dma_wait3A_203] : memref<10368x128xf32, #tpu.memory_space<vmem_shared>> -> memref<10368x128xf32, #tpu.memory_space<vmem_shared>>
        tpu.wait_indirect_dma semaphore(%run_scoped3A : memref<!tpu.dma_semaphore, #tpu.memory_space<semaphore_mem>>) src(%arg7 : memref<16x128xf32, #tpu.memory_space<vmem>>) dst(%dma_wait3A_204 : memref<10368x128xf32, #tpu.memory_space<vmem_shared>>)
        tpu.yield
      }) : () -> ()
      %eq3A_127 = arith.constant 1 : i32
      %eq3A_128 = vector.broadcast %eq3A_127 : i32 to vector<16xi32>
      %eq3A_129 = arith.cmpi eq, %shift_right_logical3A_122, %eq3A_128 : vector<16xi32>
      %select_n3A_130 = arith.select %eq3A_129, %and3A_119, %add3A_6 : vector<16xi1>, vector<16xi32>
      "tpu.region"() ({
        %run_scoped3A = tpu.sem_alloc : memref<!tpu.dma_semaphore, #tpu.memory_space<semaphore_mem>>
        %dma_start3A = arith.constant 0 : i32
        %dma_start3A_201 = arith.constant 0 : i32
        %dma_start3A_202 = tpu.memref_slice %arg8[%dma_start3A, %dma_start3A_201] : memref<10368x128xf32, #tpu.memory_space<vmem_shared>> -> memref<10368x128xf32, #tpu.memory_space<vmem_shared>>
        tpu.enqueue_indirect_dma source(%arg7 : memref<16x128xf32, #tpu.memory_space<vmem>>) target(%dma_start3A_202 : memref<10368x128xf32, #tpu.memory_space<vmem_shared>>) offsets(%select_n3A_130 : vector<16xi32>) semaphore(%run_scoped3A : memref<!tpu.dma_semaphore, #tpu.memory_space<semaphore_mem>>) {add = true}
        %dma_wait3A = arith.constant 0 : i32
        %dma_wait3A_203 = arith.constant 0 : i32
        %dma_wait3A_204 = tpu.memref_slice %arg8[%dma_wait3A, %dma_wait3A_203] : memref<10368x128xf32, #tpu.memory_space<vmem_shared>> -> memref<10368x128xf32, #tpu.memory_space<vmem_shared>>
        tpu.wait_indirect_dma semaphore(%run_scoped3A : memref<!tpu.dma_semaphore, #tpu.memory_space<semaphore_mem>>) src(%arg7 : memref<16x128xf32, #tpu.memory_space<vmem>>) dst(%dma_wait3A_204 : memref<10368x128xf32, #tpu.memory_space<vmem_shared>>)
        tpu.yield
      }) : () -> ()
      %eq3A_131 = arith.constant 2 : i32
      %eq3A_132 = vector.broadcast %eq3A_131 : i32 to vector<16xi32>
      %eq3A_133 = arith.cmpi eq, %shift_right_logical3A_122, %eq3A_132 : vector<16xi32>
      %select_n3A_134 = arith.select %eq3A_133, %and3A_119, %add3A_6 : vector<16xi1>, vector<16xi32>
      "tpu.region"() ({
        %run_scoped3A = tpu.sem_alloc : memref<!tpu.dma_semaphore, #tpu.memory_space<semaphore_mem>>
        %dma_start3A = arith.constant 0 : i32
        %dma_start3A_201 = arith.constant 0 : i32
        %dma_start3A_202 = tpu.memref_slice %arg8[%dma_start3A, %dma_start3A_201] : memref<10368x128xf32, #tpu.memory_space<vmem_shared>> -> memref<10368x128xf32, #tpu.memory_space<vmem_shared>>
        tpu.enqueue_indirect_dma source(%arg7 : memref<16x128xf32, #tpu.memory_space<vmem>>) target(%dma_start3A_202 : memref<10368x128xf32, #tpu.memory_space<vmem_shared>>) offsets(%select_n3A_134 : vector<16xi32>) semaphore(%run_scoped3A : memref<!tpu.dma_semaphore, #tpu.memory_space<semaphore_mem>>) {add = true}
        %dma_wait3A = arith.constant 0 : i32
        %dma_wait3A_203 = arith.constant 0 : i32
        %dma_wait3A_204 = tpu.memref_slice %arg8[%dma_wait3A, %dma_wait3A_203] : memref<10368x128xf32, #tpu.memory_space<vmem_shared>> -> memref<10368x128xf32, #tpu.memory_space<vmem_shared>>
        tpu.wait_indirect_dma semaphore(%run_scoped3A : memref<!tpu.dma_semaphore, #tpu.memory_space<semaphore_mem>>) src(%arg7 : memref<16x128xf32, #tpu.memory_space<vmem>>) dst(%dma_wait3A_204 : memref<10368x128xf32, #tpu.memory_space<vmem_shared>>)
        tpu.yield
      }) : () -> ()
      %get3A_135 = arith.index_cast %scan3A_29 : i32 to index
      %get3A_136 = arith.constant 80 : index
      %get3A_137 = tpu.vector_load %arg6[%get3A_135, %get3A_136] {strides = array<i32>} : memref<80x128xi32, #tpu.memory_space<vmem>>, vector<1x16xi32>,
      %get3A_138 = vector.shape_cast %get3A_137 : vector<1x16xi32> to vector<16xi32>
      %and3A_139 = arith.constant 268435455 : i32
      %and3A_140 = vector.broadcast %and3A_139 : i32 to vector<16xi32>
      %and3A_141 = arith.andi %get3A_138, %and3A_140 : vector<16xi32>
      %shift_right_logical3A_142 = arith.constant 28 : i32
      %shift_right_logical3A_143 = vector.broadcast %shift_right_logical3A_142 : i32 to vector<16xi32>
      %shift_right_logical3A_144 = arith.shrui %get3A_138, %shift_right_logical3A_143 : vector<16xi32>
      %eq3A_145 = arith.constant 0 : i32
      %eq3A_146 = vector.broadcast %eq3A_145 : i32 to vector<16xi32>
      %eq3A_147 = arith.cmpi eq, %shift_right_logical3A_144, %eq3A_146 : vector<16xi32>
      %select_n3A_148 = arith.select %eq3A_147, %and3A_141, %add3A_6 : vector<16xi1>, vector<16xi32>
      "tpu.region"() ({
        %run_scoped3A = tpu.sem_alloc : memref<!tpu.dma_semaphore, #tpu.memory_space<semaphore_mem>>
        %dma_start3A = arith.constant 0 : i32
        %dma_start3A_201 = arith.constant 0 : i32
        %dma_start3A_202 = tpu.memref_slice %arg8[%dma_start3A, %dma_start3A_201] : memref<10368x128xf32, #tpu.memory_space<vmem_shared>> -> memref<10368x128xf32, #tpu.memory_space<vmem_shared>>
        tpu.enqueue_indirect_dma source(%arg7 : memref<16x128xf32, #tpu.memory_space<vmem>>) target(%dma_start3A_202 : memref<10368x128xf32, #tpu.memory_space<vmem_shared>>) offsets(%select_n3A_148 : vector<16xi32>) semaphore(%run_scoped3A : memref<!tpu.dma_semaphore, #tpu.memory_space<semaphore_mem>>) {add = true}
        %dma_wait3A = arith.constant 0 : i32
        %dma_wait3A_203 = arith.constant 0 : i32
        %dma_wait3A_204 = tpu.memref_slice %arg8[%dma_wait3A, %dma_wait3A_203] : memref<10368x128xf32, #tpu.memory_space<vmem_shared>> -> memref<10368x128xf32, #tpu.memory_space<vmem_shared>>
        tpu.wait_indirect_dma semaphore(%run_scoped3A : memref<!tpu.dma_semaphore, #tpu.memory_space<semaphore_mem>>) src(%arg7 : memref<16x128xf32, #tpu.memory_space<vmem>>) dst(%dma_wait3A_204 : memref<10368x128xf32, #tpu.memory_space<vmem_shared>>)
        tpu.yield
      }) : () -> ()
      %eq3A_149 = arith.constant 1 : i32
      %eq3A_150 = vector.broadcast %eq3A_149 : i32 to vector<16xi32>
      %eq3A_151 = arith.cmpi eq, %shift_right_logical3A_144, %eq3A_150 : vector<16xi32>
      %select_n3A_152 = arith.select %eq3A_151, %and3A_141, %add3A_6 : vector<16xi1>, vector<16xi32>
      "tpu.region"() ({
        %run_scoped3A = tpu.sem_alloc : memref<!tpu.dma_semaphore, #tpu.memory_space<semaphore_mem>>
        %dma_start3A = arith.constant 0 : i32
        %dma_start3A_201 = arith.constant 0 : i32
        %dma_start3A_202 = tpu.memref_slice %arg8[%dma_start3A, %dma_start3A_201] : memref<10368x128xf32, #tpu.memory_space<vmem_shared>> -> memref<10368x128xf32, #tpu.memory_space<vmem_shared>>
        tpu.enqueue_indirect_dma source(%arg7 : memref<16x128xf32, #tpu.memory_space<vmem>>) target(%dma_start3A_202 : memref<10368x128xf32, #tpu.memory_space<vmem_shared>>) offsets(%select_n3A_152 : vector<16xi32>) semaphore(%run_scoped3A : memref<!tpu.dma_semaphore, #tpu.memory_space<semaphore_mem>>) {add = true}
        %dma_wait3A = arith.constant 0 : i32
        %dma_wait3A_203 = arith.constant 0 : i32
        %dma_wait3A_204 = tpu.memref_slice %arg8[%dma_wait3A, %dma_wait3A_203] : memref<10368x128xf32, #tpu.memory_space<vmem_shared>> -> memref<10368x128xf32, #tpu.memory_space<vmem_shared>>
        tpu.wait_indirect_dma semaphore(%run_scoped3A : memref<!tpu.dma_semaphore, #tpu.memory_space<semaphore_mem>>) src(%arg7 : memref<16x128xf32, #tpu.memory_space<vmem>>) dst(%dma_wait3A_204 : memref<10368x128xf32, #tpu.memory_space<vmem_shared>>)
        tpu.yield
      }) : () -> ()
      %eq3A_153 = arith.constant 2 : i32
      %eq3A_154 = vector.broadcast %eq3A_153 : i32 to vector<16xi32>
      %eq3A_155 = arith.cmpi eq, %shift_right_logical3A_144, %eq3A_154 : vector<16xi32>
      %select_n3A_156 = arith.select %eq3A_155, %and3A_141, %add3A_6 : vector<16xi1>, vector<16xi32>
      "tpu.region"() ({
        %run_scoped3A = tpu.sem_alloc : memref<!tpu.dma_semaphore, #tpu.memory_space<semaphore_mem>>
        %dma_start3A = arith.constant 0 : i32
        %dma_start3A_201 = arith.constant 0 : i32
        %dma_start3A_202 = tpu.memref_slice %arg8[%dma_start3A, %dma_start3A_201] : memref<10368x128xf32, #tpu.memory_space<vmem_shared>> -> memref<10368x128xf32, #tpu.memory_space<vmem_shared>>
        tpu.enqueue_indirect_dma source(%arg7 : memref<16x128xf32, #tpu.memory_space<vmem>>) target(%dma_start3A_202 : memref<10368x128xf32, #tpu.memory_space<vmem_shared>>) offsets(%select_n3A_156 : vector<16xi32>) semaphore(%run_scoped3A : memref<!tpu.dma_semaphore, #tpu.memory_space<semaphore_mem>>) {add = true}
        %dma_wait3A = arith.constant 0 : i32
        %dma_wait3A_203 = arith.constant 0 : i32
        %dma_wait3A_204 = tpu.memref_slice %arg8[%dma_wait3A, %dma_wait3A_203] : memref<10368x128xf32, #tpu.memory_space<vmem_shared>> -> memref<10368x128xf32, #tpu.memory_space<vmem_shared>>
        tpu.wait_indirect_dma semaphore(%run_scoped3A : memref<!tpu.dma_semaphore, #tpu.memory_space<semaphore_mem>>) src(%arg7 : memref<16x128xf32, #tpu.memory_space<vmem>>) dst(%dma_wait3A_204 : memref<10368x128xf32, #tpu.memory_space<vmem_shared>>)
        tpu.yield
      }) : () -> ()
      %get3A_157 = arith.index_cast %scan3A_29 : i32 to index
      %get3A_158 = arith.constant 96 : index
      %get3A_159 = tpu.vector_load %arg6[%get3A_157, %get3A_158] {strides = array<i32>} : memref<80x128xi32, #tpu.memory_space<vmem>>, vector<1x16xi32>,
      %get3A_160 = vector.shape_cast %get3A_159 : vector<1x16xi32> to vector<16xi32>
      %and3A_161 = arith.constant 268435455 : i32
      %and3A_162 = vector.broadcast %and3A_161 : i32 to vector<16xi32>
      %and3A_163 = arith.andi %get3A_160, %and3A_162 : vector<16xi32>
      %shift_right_logical3A_164 = arith.constant 28 : i32
      %shift_right_logical3A_165 = vector.broadcast %shift_right_logical3A_164 : i32 to vector<16xi32>
      %shift_right_logical3A_166 = arith.shrui %get3A_160, %shift_right_logical3A_165 : vector<16xi32>
      %eq3A_167 = arith.constant 0 : i32
      %eq3A_168 = vector.broadcast %eq3A_167 : i32 to vector<16xi32>
      %eq3A_169 = arith.cmpi eq, %shift_right_logical3A_166, %eq3A_168 : vector<16xi32>
      %select_n3A_170 = arith.select %eq3A_169, %and3A_163, %add3A_6 : vector<16xi1>, vector<16xi32>
      "tpu.region"() ({
        %run_scoped3A = tpu.sem_alloc : memref<!tpu.dma_semaphore, #tpu.memory_space<semaphore_mem>>
        %dma_start3A = arith.constant 0 : i32
        %dma_start3A_201 = arith.constant 0 : i32
        %dma_start3A_202 = tpu.memref_slice %arg8[%dma_start3A, %dma_start3A_201] : memref<10368x128xf32, #tpu.memory_space<vmem_shared>> -> memref<10368x128xf32, #tpu.memory_space<vmem_shared>>
        tpu.enqueue_indirect_dma source(%arg7 : memref<16x128xf32, #tpu.memory_space<vmem>>) target(%dma_start3A_202 : memref<10368x128xf32, #tpu.memory_space<vmem_shared>>) offsets(%select_n3A_170 : vector<16xi32>) semaphore(%run_scoped3A : memref<!tpu.dma_semaphore, #tpu.memory_space<semaphore_mem>>) {add = true}
        %dma_wait3A = arith.constant 0 : i32
        %dma_wait3A_203 = arith.constant 0 : i32
        %dma_wait3A_204 = tpu.memref_slice %arg8[%dma_wait3A, %dma_wait3A_203] : memref<10368x128xf32, #tpu.memory_space<vmem_shared>> -> memref<10368x128xf32, #tpu.memory_space<vmem_shared>>
        tpu.wait_indirect_dma semaphore(%run_scoped3A : memref<!tpu.dma_semaphore, #tpu.memory_space<semaphore_mem>>) src(%arg7 : memref<16x128xf32, #tpu.memory_space<vmem>>) dst(%dma_wait3A_204 : memref<10368x128xf32, #tpu.memory_space<vmem_shared>>)
        tpu.yield
      }) : () -> ()
      %eq3A_171 = arith.constant 1 : i32
      %eq3A_172 = vector.broadcast %eq3A_171 : i32 to vector<16xi32>
      %eq3A_173 = arith.cmpi eq, %shift_right_logical3A_166, %eq3A_172 : vector<16xi32>
      %select_n3A_174 = arith.select %eq3A_173, %and3A_163, %add3A_6 : vector<16xi1>, vector<16xi32>
      "tpu.region"() ({
        %run_scoped3A = tpu.sem_alloc : memref<!tpu.dma_semaphore, #tpu.memory_space<semaphore_mem>>
        %dma_start3A = arith.constant 0 : i32
        %dma_start3A_201 = arith.constant 0 : i32
        %dma_start3A_202 = tpu.memref_slice %arg8[%dma_start3A, %dma_start3A_201] : memref<10368x128xf32, #tpu.memory_space<vmem_shared>> -> memref<10368x128xf32, #tpu.memory_space<vmem_shared>>
        tpu.enqueue_indirect_dma source(%arg7 : memref<16x128xf32, #tpu.memory_space<vmem>>) target(%dma_start3A_202 : memref<10368x128xf32, #tpu.memory_space<vmem_shared>>) offsets(%select_n3A_174 : vector<16xi32>) semaphore(%run_scoped3A : memref<!tpu.dma_semaphore, #tpu.memory_space<semaphore_mem>>) {add = true}
        %dma_wait3A = arith.constant 0 : i32
        %dma_wait3A_203 = arith.constant 0 : i32
        %dma_wait3A_204 = tpu.memref_slice %arg8[%dma_wait3A, %dma_wait3A_203] : memref<10368x128xf32, #tpu.memory_space<vmem_shared>> -> memref<10368x128xf32, #tpu.memory_space<vmem_shared>>
        tpu.wait_indirect_dma semaphore(%run_scoped3A : memref<!tpu.dma_semaphore, #tpu.memory_space<semaphore_mem>>) src(%arg7 : memref<16x128xf32, #tpu.memory_space<vmem>>) dst(%dma_wait3A_204 : memref<10368x128xf32, #tpu.memory_space<vmem_shared>>)
        tpu.yield
      }) : () -> ()
      %eq3A_175 = arith.constant 2 : i32
      %eq3A_176 = vector.broadcast %eq3A_175 : i32 to vector<16xi32>
      %eq3A_177 = arith.cmpi eq, %shift_right_logical3A_166, %eq3A_176 : vector<16xi32>
      %select_n3A_178 = arith.select %eq3A_177, %and3A_163, %add3A_6 : vector<16xi1>, vector<16xi32>
      "tpu.region"() ({
        %run_scoped3A = tpu.sem_alloc : memref<!tpu.dma_semaphore, #tpu.memory_space<semaphore_mem>>
        %dma_start3A = arith.constant 0 : i32
        %dma_start3A_201 = arith.constant 0 : i32
        %dma_start3A_202 = tpu.memref_slice %arg8[%dma_start3A, %dma_start3A_201] : memref<10368x128xf32, #tpu.memory_space<vmem_shared>> -> memref<10368x128xf32, #tpu.memory_space<vmem_shared>>
        tpu.enqueue_indirect_dma source(%arg7 : memref<16x128xf32, #tpu.memory_space<vmem>>) target(%dma_start3A_202 : memref<10368x128xf32, #tpu.memory_space<vmem_shared>>) offsets(%select_n3A_178 : vector<16xi32>) semaphore(%run_scoped3A : memref<!tpu.dma_semaphore, #tpu.memory_space<semaphore_mem>>) {add = true}
        %dma_wait3A = arith.constant 0 : i32
        %dma_wait3A_203 = arith.constant 0 : i32
        %dma_wait3A_204 = tpu.memref_slice %arg8[%dma_wait3A, %dma_wait3A_203] : memref<10368x128xf32, #tpu.memory_space<vmem_shared>> -> memref<10368x128xf32, #tpu.memory_space<vmem_shared>>
        tpu.wait_indirect_dma semaphore(%run_scoped3A : memref<!tpu.dma_semaphore, #tpu.memory_space<semaphore_mem>>) src(%arg7 : memref<16x128xf32, #tpu.memory_space<vmem>>) dst(%dma_wait3A_204 : memref<10368x128xf32, #tpu.memory_space<vmem_shared>>)
        tpu.yield
      }) : () -> ()
      %get3A_179 = arith.index_cast %scan3A_29 : i32 to index
      %get3A_180 = arith.constant 112 : index
      %get3A_181 = tpu.vector_load %arg6[%get3A_179, %get3A_180] {strides = array<i32>} : memref<80x128xi32, #tpu.memory_space<vmem>>, vector<1x16xi32>,
      %get3A_182 = vector.shape_cast %get3A_181 : vector<1x16xi32> to vector<16xi32>
      %and3A_183 = arith.constant 268435455 : i32
      %and3A_184 = vector.broadcast %and3A_183 : i32 to vector<16xi32>
      %and3A_185 = arith.andi %get3A_182, %and3A_184 : vector<16xi32>
      %shift_right_logical3A_186 = arith.constant 28 : i32
      %shift_right_logical3A_187 = vector.broadcast %shift_right_logical3A_186 : i32 to vector<16xi32>
      %shift_right_logical3A_188 = arith.shrui %get3A_182, %shift_right_logical3A_187 : vector<16xi32>
      %eq3A_189 = arith.constant 0 : i32
      %eq3A_190 = vector.broadcast %eq3A_189 : i32 to vector<16xi32>
      %eq3A_191 = arith.cmpi eq, %shift_right_logical3A_188, %eq3A_190 : vector<16xi32>
      %select_n3A_192 = arith.select %eq3A_191, %and3A_185, %add3A_6 : vector<16xi1>, vector<16xi32>
      "tpu.region"() ({
        %run_scoped3A = tpu.sem_alloc : memref<!tpu.dma_semaphore, #tpu.memory_space<semaphore_mem>>
        %dma_start3A = arith.constant 0 : i32
        %dma_start3A_201 = arith.constant 0 : i32
        %dma_start3A_202 = tpu.memref_slice %arg8[%dma_start3A, %dma_start3A_201] : memref<10368x128xf32, #tpu.memory_space<vmem_shared>> -> memref<10368x128xf32, #tpu.memory_space<vmem_shared>>
        tpu.enqueue_indirect_dma source(%arg7 : memref<16x128xf32, #tpu.memory_space<vmem>>) target(%dma_start3A_202 : memref<10368x128xf32, #tpu.memory_space<vmem_shared>>) offsets(%select_n3A_192 : vector<16xi32>) semaphore(%run_scoped3A : memref<!tpu.dma_semaphore, #tpu.memory_space<semaphore_mem>>) {add = true}
        %dma_wait3A = arith.constant 0 : i32
        %dma_wait3A_203 = arith.constant 0 : i32
        %dma_wait3A_204 = tpu.memref_slice %arg8[%dma_wait3A, %dma_wait3A_203] : memref<10368x128xf32, #tpu.memory_space<vmem_shared>> -> memref<10368x128xf32, #tpu.memory_space<vmem_shared>>
        tpu.wait_indirect_dma semaphore(%run_scoped3A : memref<!tpu.dma_semaphore, #tpu.memory_space<semaphore_mem>>) src(%arg7 : memref<16x128xf32, #tpu.memory_space<vmem>>) dst(%dma_wait3A_204 : memref<10368x128xf32, #tpu.memory_space<vmem_shared>>)
        tpu.yield
      }) : () -> ()
      %eq3A_193 = arith.constant 1 : i32
      %eq3A_194 = vector.broadcast %eq3A_193 : i32 to vector<16xi32>
      %eq3A_195 = arith.cmpi eq, %shift_right_logical3A_188, %eq3A_194 : vector<16xi32>
      %select_n3A_196 = arith.select %eq3A_195, %and3A_185, %add3A_6 : vector<16xi1>, vector<16xi32>
      "tpu.region"() ({
        %run_scoped3A = tpu.sem_alloc : memref<!tpu.dma_semaphore, #tpu.memory_space<semaphore_mem>>
        %dma_start3A = arith.constant 0 : i32
        %dma_start3A_201 = arith.constant 0 : i32
        %dma_start3A_202 = tpu.memref_slice %arg8[%dma_start3A, %dma_start3A_201] : memref<10368x128xf32, #tpu.memory_space<vmem_shared>> -> memref<10368x128xf32, #tpu.memory_space<vmem_shared>>
        tpu.enqueue_indirect_dma source(%arg7 : memref<16x128xf32, #tpu.memory_space<vmem>>) target(%dma_start3A_202 : memref<10368x128xf32, #tpu.memory_space<vmem_shared>>) offsets(%select_n3A_196 : vector<16xi32>) semaphore(%run_scoped3A : memref<!tpu.dma_semaphore, #tpu.memory_space<semaphore_mem>>) {add = true}
        %dma_wait3A = arith.constant 0 : i32
        %dma_wait3A_203 = arith.constant 0 : i32
        %dma_wait3A_204 = tpu.memref_slice %arg8[%dma_wait3A, %dma_wait3A_203] : memref<10368x128xf32, #tpu.memory_space<vmem_shared>> -> memref<10368x128xf32, #tpu.memory_space<vmem_shared>>
        tpu.wait_indirect_dma semaphore(%run_scoped3A : memref<!tpu.dma_semaphore, #tpu.memory_space<semaphore_mem>>) src(%arg7 : memref<16x128xf32, #tpu.memory_space<vmem>>) dst(%dma_wait3A_204 : memref<10368x128xf32, #tpu.memory_space<vmem_shared>>)
        tpu.yield
      }) : () -> ()
      %eq3A_197 = arith.constant 2 : i32
      %eq3A_198 = vector.broadcast %eq3A_197 : i32 to vector<16xi32>
      %eq3A_199 = arith.cmpi eq, %shift_right_logical3A_188, %eq3A_198 : vector<16xi32>
      %select_n3A_200 = arith.select %eq3A_199, %and3A_185, %add3A_6 : vector<16xi1>, vector<16xi32>
      "tpu.region"() ({
        %run_scoped3A = tpu.sem_alloc : memref<!tpu.dma_semaphore, #tpu.memory_space<semaphore_mem>>
        %dma_start3A = arith.constant 0 : i32
        %dma_start3A_201 = arith.constant 0 : i32
        %dma_start3A_202 = tpu.memref_slice %arg8[%dma_start3A, %dma_start3A_201] : memref<10368x128xf32, #tpu.memory_space<vmem_shared>> -> memref<10368x128xf32, #tpu.memory_space<vmem_shared>>
        tpu.enqueue_indirect_dma source(%arg7 : memref<16x128xf32, #tpu.memory_space<vmem>>) target(%dma_start3A_202 : memref<10368x128xf32, #tpu.memory_space<vmem_shared>>) offsets(%select_n3A_200 : vector<16xi32>) semaphore(%run_scoped3A : memref<!tpu.dma_semaphore, #tpu.memory_space<semaphore_mem>>) {add = true}
        %dma_wait3A = arith.constant 0 : i32
        %dma_wait3A_203 = arith.constant 0 : i32
        %dma_wait3A_204 = tpu.memref_slice %arg8[%dma_wait3A, %dma_wait3A_203] : memref<10368x128xf32, #tpu.memory_space<vmem_shared>> -> memref<10368x128xf32, #tpu.memory_space<vmem_shared>>
        tpu.wait_indirect_dma semaphore(%run_scoped3A : memref<!tpu.dma_semaphore, #tpu.memory_space<semaphore_mem>>) src(%arg7 : memref<16x128xf32, #tpu.memory_space<vmem>>) dst(%dma_wait3A_204 : memref<10368x128xf32, #tpu.memory_space<vmem_shared>>)
        tpu.yield
      }) : () -> ()
    }
    %scan3A_27 = arith.constant 80 : i32
    %barrier3A_28 = arith.constant 0 : index
    tpu.barrier barrier_id(%barrier3A_28)
    "tpu.region"() ({
      %run_scoped3A = tpu.sem_alloc : memref<!tpu.dma_semaphore, #tpu.memory_space<semaphore_mem>>
      %dma_start3A = arith.constant 0 : i32
      %dma_start3A_29 = tpu.memref_slice %arg5[%arg0, %mul3A_10, %dma_start3A] : memref<2x10368x128xf32, #tpu.memory_space<hbm>> -> memref<1x648x128xf32, #tpu.memory_space<hbm>>
      %dma_start3A_30 = tpu.memref_squeeze %dma_start3A_29 : memref<1x648x128xf32, #tpu.memory_space<hbm>> -> memref<648x128xf32, #tpu.memory_space<hbm>>
      %dma_start3A_31 = arith.constant 0 : i32
      %dma_start3A_32 = tpu.memref_slice %arg8[%mul3A_10, %dma_start3A_31] : memref<10368x128xf32, #tpu.memory_space<vmem_shared>> -> memref<648x128xf32, #tpu.memory_space<vmem_shared>>
      tpu.enqueue_dma source(%dma_start3A_32 : memref<648x128xf32, #tpu.memory_space<vmem_shared>>) target(%dma_start3A_30 : memref<648x128xf32, #tpu.memory_space<hbm>>) target_semaphore(%run_scoped3A : memref<!tpu.dma_semaphore, #tpu.memory_space<semaphore_mem>>)
      %dma_wait3A = arith.constant 0 : i32
      %dma_wait3A_33 = tpu.memref_slice %arg5[%arg0, %mul3A_10, %dma_wait3A] : memref<2x10368x128xf32, #tpu.memory_space<hbm>> -> memref<1x648x128xf32, #tpu.memory_space<hbm>>
      %dma_wait3A_34 = tpu.memref_squeeze %dma_wait3A_33 : memref<1x648x128xf32, #tpu.memory_space<hbm>> -> memref<648x128xf32, #tpu.memory_space<hbm>>
      %dma_wait3A_35 = arith.constant 0 : i32
      %dma_wait3A_36 = tpu.memref_slice %arg8[%mul3A_10, %dma_wait3A_35] : memref<10368x128xf32, #tpu.memory_space<vmem_shared>> -> memref<648x128xf32, #tpu.memory_space<vmem_shared>>
      tpu.wait_dma2 semaphore(%run_scoped3A : memref<!tpu.dma_semaphore, #tpu.memory_space<semaphore_mem>>) src(%dma_wait3A_36 : memref<648x128xf32, #tpu.memory_space<vmem_shared>>) dst(%dma_wait3A_34 : memref<648x128xf32, #tpu.memory_space<hbm>>)
      tpu.yield
    }) : () -> ()
    return
  }
}

#map = affine_map<(d0, d1) -> (0, 0)>
#map1 = affine_map<(d0, d1) -> (0, 0, 0)>
module attributes {stable_mosaic.version = 14 : i64} {
  func.func @k(%arg0: i32, %arg1: i32, %arg2: memref<10000x128xf32, #tpu.memory_space<hbm>>, %arg3: memref<2560x128xi32, #tpu.memory_space<hbm>>, %arg4: memref<2560x128xi32, #tpu.memory_space<hbm>>, %arg5: memref<128x128xf32, #tpu.memory_space<hbm>>, %arg6: memref<2x10368x128xf32, #tpu.memory_space<hbm>>, %arg7: memref<80x128xi32, #tpu.memory_space<vmem>>, %arg8: memref<80x128xi32, #tpu.memory_space<vmem>>, %arg9: memref<16x128xf32, #tpu.memory_space<vmem>>, %arg10: memref<16x128xf32, #tpu.memory_space<vmem>>, %arg11: memref<16x128xf32, #tpu.memory_space<vmem>>, %arg12: memref<16x128xf32, #tpu.memory_space<vmem>>, %arg13: memref<16x128xf32, #tpu.memory_space<vmem>>, %arg14: memref<16x128xf32, #tpu.memory_space<vmem>>, %arg15: memref<16x128xf32, #tpu.memory_space<vmem>>, %arg16: memref<16x128xf32, #tpu.memory_space<vmem>>, %arg17: memref<10368x128xf32, #tpu.memory_space<vmem_shared>>, %arg18: memref<!tpu.dma_semaphore, #tpu.memory_space<semaphore_mem>>, %arg19: memref<!tpu.dma_semaphore, #tpu.memory_space<semaphore_mem>>) attributes {dimension_semantics = [#tpu.dimension_semantics<core_parallel>, #tpu.dimension_semantics<subcore_parallel>], iteration_bounds = array<i64: 2, 16>, scalar_prefetch = 0 : i64, scratch_operands = 13 : i64, tpu.core_type = #tpu.core_type<sc_vector_subcore>, window_params = [{transform_indices = #map}, {transform_indices = #map}, {transform_indices = #map}, {transform_indices = #map}, {transform_indices = #map1}]} {
    %mul3A = arith.constant 16 : i32
    %mul3A_0 = arith.muli %arg0, %mul3A : i32
    %add3A = arith.addi %mul3A_0, %arg1 : i32
    %mul3A_1 = arith.constant 648 : i32
    %mul3A_2 = arith.muli %arg1, %mul3A_1 : i32
    %iota3A = tpu.iota {dimensions = array<i32: 0>} : vector<16xi32>
    %mul3A_3 = arith.constant 16 : i32
    %mul3A_4 = arith.muli %arg1, %mul3A_3 : i32
    %add3A_5 = arith.constant 10112 : i32
    %add3A_6 = arith.addi %add3A_5, %mul3A_4 : i32
    %add3A_7 = vector.broadcast %add3A_6 : i32 to vector<16xi32>
    %add3A_8 = arith.addi %add3A_7, %iota3A : vector<16xi32>
    %mul3A_9 = arith.constant 80 : i32
    %mul3A_10 = arith.muli %add3A, %mul3A_9 : i32
    "tpu.region"() ({
      %run_scoped3A = tpu.sem_alloc : memref<!tpu.dma_semaphore, #tpu.memory_space<semaphore_mem>>
      %dma_start3A = arith.constant 0 : i32
      %dma_start3A_31 = tpu.memref_slice %arg3[%mul3A_10, %dma_start3A] : memref<2560x128xi32, #tpu.memory_space<hbm>> -> memref<80x128xi32, #tpu.memory_space<hbm>>
      %dma_start3A_32 = arith.constant 0 : i32
      %dma_start3A_33 = tpu.memref_slice %arg3[%mul3A_10, %dma_start3A_32] : memref<2560x128xi32, #tpu.memory_space<hbm>> -> memref<80x128xi32, #tpu.memory_space<hbm>>
      tpu.enqueue_dma source(%dma_start3A_33 : memref<80x128xi32, #tpu.memory_space<hbm>>) target(%arg7 : memref<80x128xi32, #tpu.memory_space<vmem>>) target_semaphore(%run_scoped3A : memref<!tpu.dma_semaphore, #tpu.memory_space<semaphore_mem>>)
      %dma_wait3A = arith.constant 0 : i32
      %dma_wait3A_34 = tpu.memref_slice %arg3[%mul3A_10, %dma_wait3A] : memref<2560x128xi32, #tpu.memory_space<hbm>> -> memref<80x128xi32, #tpu.memory_space<hbm>>
      %dma_wait3A_35 = arith.constant 0 : i32
      %dma_wait3A_36 = tpu.memref_slice %arg3[%mul3A_10, %dma_wait3A_35] : memref<2560x128xi32, #tpu.memory_space<hbm>> -> memref<80x128xi32, #tpu.memory_space<hbm>>
      tpu.wait_dma2 semaphore(%run_scoped3A : memref<!tpu.dma_semaphore, #tpu.memory_space<semaphore_mem>>) src(%dma_wait3A_36 : memref<80x128xi32, #tpu.memory_space<hbm>>) dst(%arg7 : memref<80x128xi32, #tpu.memory_space<vmem>>)
      tpu.yield
    }) : () -> ()
    %mul3A_11 = arith.constant 80 : i32
    %mul3A_12 = arith.muli %add3A, %mul3A_11 : i32
    "tpu.region"() ({
      %run_scoped3A = tpu.sem_alloc : memref<!tpu.dma_semaphore, #tpu.memory_space<semaphore_mem>>
      %dma_start3A = arith.constant 0 : i32
      %dma_start3A_31 = tpu.memref_slice %arg4[%mul3A_12, %dma_start3A] : memref<2560x128xi32, #tpu.memory_space<hbm>> -> memref<80x128xi32, #tpu.memory_space<hbm>>
      %dma_start3A_32 = arith.constant 0 : i32
      %dma_start3A_33 = tpu.memref_slice %arg4[%mul3A_12, %dma_start3A_32] : memref<2560x128xi32, #tpu.memory_space<hbm>> -> memref<80x128xi32, #tpu.memory_space<hbm>>
      tpu.enqueue_dma source(%dma_start3A_33 : memref<80x128xi32, #tpu.memory_space<hbm>>) target(%arg8 : memref<80x128xi32, #tpu.memory_space<vmem>>) target_semaphore(%run_scoped3A : memref<!tpu.dma_semaphore, #tpu.memory_space<semaphore_mem>>)
      %dma_wait3A = arith.constant 0 : i32
      %dma_wait3A_34 = tpu.memref_slice %arg4[%mul3A_12, %dma_wait3A] : memref<2560x128xi32, #tpu.memory_space<hbm>> -> memref<80x128xi32, #tpu.memory_space<hbm>>
      %dma_wait3A_35 = arith.constant 0 : i32
      %dma_wait3A_36 = tpu.memref_slice %arg4[%mul3A_12, %dma_wait3A_35] : memref<2560x128xi32, #tpu.memory_space<hbm>> -> memref<80x128xi32, #tpu.memory_space<hbm>>
      tpu.wait_dma2 semaphore(%run_scoped3A : memref<!tpu.dma_semaphore, #tpu.memory_space<semaphore_mem>>) src(%dma_wait3A_36 : memref<80x128xi32, #tpu.memory_space<hbm>>) dst(%arg8 : memref<80x128xi32, #tpu.memory_space<vmem>>)
      tpu.yield
    }) : () -> ()
    %add3A_13 = arith.constant 0 : i32
    %add3A_14 = arith.addi %mul3A_2, %add3A_13 : i32
    "tpu.region"() ({
      %run_scoped3A = tpu.sem_alloc : memref<!tpu.dma_semaphore, #tpu.memory_space<semaphore_mem>>
      %dma_start3A = arith.constant 0 : i32
      %dma_start3A_31 = tpu.memref_slice %arg17[%add3A_14, %dma_start3A] : memref<10368x128xf32, #tpu.memory_space<vmem_shared>> -> memref<128x128xf32, #tpu.memory_space<vmem_shared>>
      tpu.enqueue_dma source(%arg5 : memref<128x128xf32, #tpu.memory_space<hbm>>) target(%dma_start3A_31 : memref<128x128xf32, #tpu.memory_space<vmem_shared>>) target_semaphore(%run_scoped3A : memref<!tpu.dma_semaphore, #tpu.memory_space<semaphore_mem>>)
      %dma_wait3A = arith.constant 0 : i32
      %dma_wait3A_32 = tpu.memref_slice %arg17[%add3A_14, %dma_wait3A] : memref<10368x128xf32, #tpu.memory_space<vmem_shared>> -> memref<128x128xf32, #tpu.memory_space<vmem_shared>>
      tpu.wait_dma2 semaphore(%run_scoped3A : memref<!tpu.dma_semaphore, #tpu.memory_space<semaphore_mem>>) src(%arg5 : memref<128x128xf32, #tpu.memory_space<hbm>>) dst(%dma_wait3A_32 : memref<128x128xf32, #tpu.memory_space<vmem_shared>>)
      tpu.yield
    }) : () -> ()
    %add3A_15 = arith.constant 128 : i32
    %add3A_16 = arith.addi %mul3A_2, %add3A_15 : i32
    "tpu.region"() ({
      %run_scoped3A = tpu.sem_alloc : memref<!tpu.dma_semaphore, #tpu.memory_space<semaphore_mem>>
      %dma_start3A = arith.constant 0 : i32
      %dma_start3A_31 = tpu.memref_slice %arg17[%add3A_16, %dma_start3A] : memref<10368x128xf32, #tpu.memory_space<vmem_shared>> -> memref<128x128xf32, #tpu.memory_space<vmem_shared>>
      tpu.enqueue_dma source(%arg5 : memref<128x128xf32, #tpu.memory_space<hbm>>) target(%dma_start3A_31 : memref<128x128xf32, #tpu.memory_space<vmem_shared>>) target_semaphore(%run_scoped3A : memref<!tpu.dma_semaphore, #tpu.memory_space<semaphore_mem>>)
      %dma_wait3A = arith.constant 0 : i32
      %dma_wait3A_32 = tpu.memref_slice %arg17[%add3A_16, %dma_wait3A] : memref<10368x128xf32, #tpu.memory_space<vmem_shared>> -> memref<128x128xf32, #tpu.memory_space<vmem_shared>>
      tpu.wait_dma2 semaphore(%run_scoped3A : memref<!tpu.dma_semaphore, #tpu.memory_space<semaphore_mem>>) src(%arg5 : memref<128x128xf32, #tpu.memory_space<hbm>>) dst(%dma_wait3A_32 : memref<128x128xf32, #tpu.memory_space<vmem_shared>>)
      tpu.yield
    }) : () -> ()
    %add3A_17 = arith.constant 256 : i32
    %add3A_18 = arith.addi %mul3A_2, %add3A_17 : i32
    "tpu.region"() ({
      %run_scoped3A = tpu.sem_alloc : memref<!tpu.dma_semaphore, #tpu.memory_space<semaphore_mem>>
      %dma_start3A = arith.constant 0 : i32
      %dma_start3A_31 = tpu.memref_slice %arg17[%add3A_18, %dma_start3A] : memref<10368x128xf32, #tpu.memory_space<vmem_shared>> -> memref<128x128xf32, #tpu.memory_space<vmem_shared>>
      tpu.enqueue_dma source(%arg5 : memref<128x128xf32, #tpu.memory_space<hbm>>) target(%dma_start3A_31 : memref<128x128xf32, #tpu.memory_space<vmem_shared>>) target_semaphore(%run_scoped3A : memref<!tpu.dma_semaphore, #tpu.memory_space<semaphore_mem>>)
      %dma_wait3A = arith.constant 0 : i32
      %dma_wait3A_32 = tpu.memref_slice %arg17[%add3A_18, %dma_wait3A] : memref<10368x128xf32, #tpu.memory_space<vmem_shared>> -> memref<128x128xf32, #tpu.memory_space<vmem_shared>>
      tpu.wait_dma2 semaphore(%run_scoped3A : memref<!tpu.dma_semaphore, #tpu.memory_space<semaphore_mem>>) src(%arg5 : memref<128x128xf32, #tpu.memory_space<hbm>>) dst(%dma_wait3A_32 : memref<128x128xf32, #tpu.memory_space<vmem_shared>>)
      tpu.yield
    }) : () -> ()
    %add3A_19 = arith.constant 384 : i32
    %add3A_20 = arith.addi %mul3A_2, %add3A_19 : i32
    "tpu.region"() ({
      %run_scoped3A = tpu.sem_alloc : memref<!tpu.dma_semaphore, #tpu.memory_space<semaphore_mem>>
      %dma_start3A = arith.constant 0 : i32
      %dma_start3A_31 = tpu.memref_slice %arg17[%add3A_20, %dma_start3A] : memref<10368x128xf32, #tpu.memory_space<vmem_shared>> -> memref<128x128xf32, #tpu.memory_space<vmem_shared>>
      tpu.enqueue_dma source(%arg5 : memref<128x128xf32, #tpu.memory_space<hbm>>) target(%dma_start3A_31 : memref<128x128xf32, #tpu.memory_space<vmem_shared>>) target_semaphore(%run_scoped3A : memref<!tpu.dma_semaphore, #tpu.memory_space<semaphore_mem>>)
      %dma_wait3A = arith.constant 0 : i32
      %dma_wait3A_32 = tpu.memref_slice %arg17[%add3A_20, %dma_wait3A] : memref<10368x128xf32, #tpu.memory_space<vmem_shared>> -> memref<128x128xf32, #tpu.memory_space<vmem_shared>>
      tpu.wait_dma2 semaphore(%run_scoped3A : memref<!tpu.dma_semaphore, #tpu.memory_space<semaphore_mem>>) src(%arg5 : memref<128x128xf32, #tpu.memory_space<hbm>>) dst(%dma_wait3A_32 : memref<128x128xf32, #tpu.memory_space<vmem_shared>>)
      tpu.yield
    }) : () -> ()
    %add3A_21 = arith.constant 512 : i32
    %add3A_22 = arith.addi %mul3A_2, %add3A_21 : i32
    "tpu.region"() ({
      %run_scoped3A = tpu.sem_alloc : memref<!tpu.dma_semaphore, #tpu.memory_space<semaphore_mem>>
      %dma_start3A = arith.constant 0 : i32
      %dma_start3A_31 = tpu.memref_slice %arg17[%add3A_22, %dma_start3A] : memref<10368x128xf32, #tpu.memory_space<vmem_shared>> -> memref<128x128xf32, #tpu.memory_space<vmem_shared>>
      tpu.enqueue_dma source(%arg5 : memref<128x128xf32, #tpu.memory_space<hbm>>) target(%dma_start3A_31 : memref<128x128xf32, #tpu.memory_space<vmem_shared>>) target_semaphore(%run_scoped3A : memref<!tpu.dma_semaphore, #tpu.memory_space<semaphore_mem>>)
      %dma_wait3A = arith.constant 0 : i32
      %dma_wait3A_32 = tpu.memref_slice %arg17[%add3A_22, %dma_wait3A] : memref<10368x128xf32, #tpu.memory_space<vmem_shared>> -> memref<128x128xf32, #tpu.memory_space<vmem_shared>>
      tpu.wait_dma2 semaphore(%run_scoped3A : memref<!tpu.dma_semaphore, #tpu.memory_space<semaphore_mem>>) src(%arg5 : memref<128x128xf32, #tpu.memory_space<hbm>>) dst(%dma_wait3A_32 : memref<128x128xf32, #tpu.memory_space<vmem_shared>>)
      tpu.yield
    }) : () -> ()
    %add3A_23 = arith.constant 640 : i32
    %add3A_24 = arith.addi %mul3A_2, %add3A_23 : i32
    "tpu.region"() ({
      %run_scoped3A = tpu.sem_alloc : memref<!tpu.dma_semaphore, #tpu.memory_space<semaphore_mem>>
      %dma_start3A = arith.constant 0 : i32
      %dma_start3A_31 = tpu.memref_slice %arg17[%add3A_24, %dma_start3A] : memref<10368x128xf32, #tpu.memory_space<vmem_shared>> -> memref<8x128xf32, #tpu.memory_space<vmem_shared>>
      %dma_start3A_32 = arith.constant 0 : i32
      %dma_start3A_33 = arith.constant 0 : i32
      %dma_start3A_34 = tpu.memref_slice %arg5[%dma_start3A_32, %dma_start3A_33] : memref<128x128xf32, #tpu.memory_space<hbm>> -> memref<8x128xf32, #tpu.memory_space<hbm>>
      tpu.enqueue_dma source(%dma_start3A_34 : memref<8x128xf32, #tpu.memory_space<hbm>>) target(%dma_start3A_31 : memref<8x128xf32, #tpu.memory_space<vmem_shared>>) target_semaphore(%run_scoped3A : memref<!tpu.dma_semaphore, #tpu.memory_space<semaphore_mem>>)
      %dma_wait3A = arith.constant 0 : i32
      %dma_wait3A_35 = tpu.memref_slice %arg17[%add3A_24, %dma_wait3A] : memref<10368x128xf32, #tpu.memory_space<vmem_shared>> -> memref<8x128xf32, #tpu.memory_space<vmem_shared>>
      %dma_wait3A_36 = arith.constant 0 : i32
      %dma_wait3A_37 = arith.constant 0 : i32
      %dma_wait3A_38 = tpu.memref_slice %arg5[%dma_wait3A_36, %dma_wait3A_37] : memref<128x128xf32, #tpu.memory_space<hbm>> -> memref<8x128xf32, #tpu.memory_space<hbm>>
      tpu.wait_dma2 semaphore(%run_scoped3A : memref<!tpu.dma_semaphore, #tpu.memory_space<semaphore_mem>>) src(%dma_wait3A_38 : memref<8x128xf32, #tpu.memory_space<hbm>>) dst(%dma_wait3A_35 : memref<8x128xf32, #tpu.memory_space<vmem_shared>>)
      tpu.yield
    }) : () -> ()
    %barrier3A = arith.constant 0 : index
    tpu.barrier barrier_id(%barrier3A)
    %scan3A = arith.constant 0 : i32
    %scan3A_25 = arith.constant 0 : i32
    %scan3A_26 = arith.constant 80 : i32
    %scan3A_27 = arith.addi %scan3A_25, %scan3A_26 : i32
    %scan3A_28 = arith.constant 1 : i32
    scf.for %scan3A_31 = %scan3A_25 to %scan3A_27 step %scan3A_28  : i32 {
      %get3A = arith.index_cast %scan3A_31 : i32 to index
      %get3A_32 = arith.constant 0 : index
      %get3A_33 = tpu.vector_load %arg7[%get3A, %get3A_32] {strides = array<i32>} : memref<80x128xi32, #tpu.memory_space<vmem>>, vector<1x16xi32>,
      %get3A_34 = vector.shape_cast %get3A_33 : vector<1x16xi32> to vector<16xi32>
      %dma_start3A = arith.constant 0 : i32
      %dma_start3A_35 = arith.constant 0 : i32
      %dma_start3A_36 = tpu.memref_slice %arg2[%dma_start3A, %dma_start3A_35] : memref<10000x128xf32, #tpu.memory_space<hbm>> -> memref<10000x128xf32, #tpu.memory_space<hbm>>
      tpu.enqueue_indirect_dma source(%dma_start3A_36 : memref<10000x128xf32, #tpu.memory_space<hbm>>) target(%arg9 : memref<16x128xf32, #tpu.memory_space<vmem>>) offsets(%get3A_34 : vector<16xi32>) semaphore(%arg18 : memref<!tpu.dma_semaphore, #tpu.memory_space<semaphore_mem>>)
      %get3A_37 = arith.index_cast %scan3A_31 : i32 to index
      %get3A_38 = arith.constant 16 : index
      %get3A_39 = tpu.vector_load %arg7[%get3A_37, %get3A_38] {strides = array<i32>} : memref<80x128xi32, #tpu.memory_space<vmem>>, vector<1x16xi32>,
      %get3A_40 = vector.shape_cast %get3A_39 : vector<1x16xi32> to vector<16xi32>
      %dma_start3A_41 = arith.constant 0 : i32
      %dma_start3A_42 = arith.constant 0 : i32
      %dma_start3A_43 = tpu.memref_slice %arg2[%dma_start3A_41, %dma_start3A_42] : memref<10000x128xf32, #tpu.memory_space<hbm>> -> memref<10000x128xf32, #tpu.memory_space<hbm>>
      tpu.enqueue_indirect_dma source(%dma_start3A_43 : memref<10000x128xf32, #tpu.memory_space<hbm>>) target(%arg10 : memref<16x128xf32, #tpu.memory_space<vmem>>) offsets(%get3A_40 : vector<16xi32>) semaphore(%arg18 : memref<!tpu.dma_semaphore, #tpu.memory_space<semaphore_mem>>)
      %get3A_44 = arith.index_cast %scan3A_31 : i32 to index
      %get3A_45 = arith.constant 32 : index
      %get3A_46 = tpu.vector_load %arg7[%get3A_44, %get3A_45] {strides = array<i32>} : memref<80x128xi32, #tpu.memory_space<vmem>>, vector<1x16xi32>,
      %get3A_47 = vector.shape_cast %get3A_46 : vector<1x16xi32> to vector<16xi32>
      %dma_start3A_48 = arith.constant 0 : i32
      %dma_start3A_49 = arith.constant 0 : i32
      %dma_start3A_50 = tpu.memref_slice %arg2[%dma_start3A_48, %dma_start3A_49] : memref<10000x128xf32, #tpu.memory_space<hbm>> -> memref<10000x128xf32, #tpu.memory_space<hbm>>
      tpu.enqueue_indirect_dma source(%dma_start3A_50 : memref<10000x128xf32, #tpu.memory_space<hbm>>) target(%arg11 : memref<16x128xf32, #tpu.memory_space<vmem>>) offsets(%get3A_47 : vector<16xi32>) semaphore(%arg18 : memref<!tpu.dma_semaphore, #tpu.memory_space<semaphore_mem>>)
      %get3A_51 = arith.index_cast %scan3A_31 : i32 to index
      %get3A_52 = arith.constant 48 : index
      %get3A_53 = tpu.vector_load %arg7[%get3A_51, %get3A_52] {strides = array<i32>} : memref<80x128xi32, #tpu.memory_space<vmem>>, vector<1x16xi32>,
      %get3A_54 = vector.shape_cast %get3A_53 : vector<1x16xi32> to vector<16xi32>
      %dma_start3A_55 = arith.constant 0 : i32
      %dma_start3A_56 = arith.constant 0 : i32
      %dma_start3A_57 = tpu.memref_slice %arg2[%dma_start3A_55, %dma_start3A_56] : memref<10000x128xf32, #tpu.memory_space<hbm>> -> memref<10000x128xf32, #tpu.memory_space<hbm>>
      tpu.enqueue_indirect_dma source(%dma_start3A_57 : memref<10000x128xf32, #tpu.memory_space<hbm>>) target(%arg12 : memref<16x128xf32, #tpu.memory_space<vmem>>) offsets(%get3A_54 : vector<16xi32>) semaphore(%arg18 : memref<!tpu.dma_semaphore, #tpu.memory_space<semaphore_mem>>)
      %get3A_58 = arith.index_cast %scan3A_31 : i32 to index
      %get3A_59 = arith.constant 64 : index
      %get3A_60 = tpu.vector_load %arg7[%get3A_58, %get3A_59] {strides = array<i32>} : memref<80x128xi32, #tpu.memory_space<vmem>>, vector<1x16xi32>,
      %get3A_61 = vector.shape_cast %get3A_60 : vector<1x16xi32> to vector<16xi32>
      %dma_start3A_62 = arith.constant 0 : i32
      %dma_start3A_63 = arith.constant 0 : i32
      %dma_start3A_64 = tpu.memref_slice %arg2[%dma_start3A_62, %dma_start3A_63] : memref<10000x128xf32, #tpu.memory_space<hbm>> -> memref<10000x128xf32, #tpu.memory_space<hbm>>
      tpu.enqueue_indirect_dma source(%dma_start3A_64 : memref<10000x128xf32, #tpu.memory_space<hbm>>) target(%arg13 : memref<16x128xf32, #tpu.memory_space<vmem>>) offsets(%get3A_61 : vector<16xi32>) semaphore(%arg19 : memref<!tpu.dma_semaphore, #tpu.memory_space<semaphore_mem>>)
      %get3A_65 = arith.index_cast %scan3A_31 : i32 to index
      %get3A_66 = arith.constant 80 : index
      %get3A_67 = tpu.vector_load %arg7[%get3A_65, %get3A_66] {strides = array<i32>} : memref<80x128xi32, #tpu.memory_space<vmem>>, vector<1x16xi32>,
      %get3A_68 = vector.shape_cast %get3A_67 : vector<1x16xi32> to vector<16xi32>
      %dma_start3A_69 = arith.constant 0 : i32
      %dma_start3A_70 = arith.constant 0 : i32
      %dma_start3A_71 = tpu.memref_slice %arg2[%dma_start3A_69, %dma_start3A_70] : memref<10000x128xf32, #tpu.memory_space<hbm>> -> memref<10000x128xf32, #tpu.memory_space<hbm>>
      tpu.enqueue_indirect_dma source(%dma_start3A_71 : memref<10000x128xf32, #tpu.memory_space<hbm>>) target(%arg14 : memref<16x128xf32, #tpu.memory_space<vmem>>) offsets(%get3A_68 : vector<16xi32>) semaphore(%arg19 : memref<!tpu.dma_semaphore, #tpu.memory_space<semaphore_mem>>)
      %get3A_72 = arith.index_cast %scan3A_31 : i32 to index
      %get3A_73 = arith.constant 96 : index
      %get3A_74 = tpu.vector_load %arg7[%get3A_72, %get3A_73] {strides = array<i32>} : memref<80x128xi32, #tpu.memory_space<vmem>>, vector<1x16xi32>,
      %get3A_75 = vector.shape_cast %get3A_74 : vector<1x16xi32> to vector<16xi32>
      %dma_start3A_76 = arith.constant 0 : i32
      %dma_start3A_77 = arith.constant 0 : i32
      %dma_start3A_78 = tpu.memref_slice %arg2[%dma_start3A_76, %dma_start3A_77] : memref<10000x128xf32, #tpu.memory_space<hbm>> -> memref<10000x128xf32, #tpu.memory_space<hbm>>
      tpu.enqueue_indirect_dma source(%dma_start3A_78 : memref<10000x128xf32, #tpu.memory_space<hbm>>) target(%arg15 : memref<16x128xf32, #tpu.memory_space<vmem>>) offsets(%get3A_75 : vector<16xi32>) semaphore(%arg19 : memref<!tpu.dma_semaphore, #tpu.memory_space<semaphore_mem>>)
      %get3A_79 = arith.index_cast %scan3A_31 : i32 to index
      %get3A_80 = arith.constant 112 : index
      %get3A_81 = tpu.vector_load %arg7[%get3A_79, %get3A_80] {strides = array<i32>} : memref<80x128xi32, #tpu.memory_space<vmem>>, vector<1x16xi32>,
      %get3A_82 = vector.shape_cast %get3A_81 : vector<1x16xi32> to vector<16xi32>
      %dma_start3A_83 = arith.constant 0 : i32
      %dma_start3A_84 = arith.constant 0 : i32
      %dma_start3A_85 = tpu.memref_slice %arg2[%dma_start3A_83, %dma_start3A_84] : memref<10000x128xf32, #tpu.memory_space<hbm>> -> memref<10000x128xf32, #tpu.memory_space<hbm>>
      tpu.enqueue_indirect_dma source(%dma_start3A_85 : memref<10000x128xf32, #tpu.memory_space<hbm>>) target(%arg16 : memref<16x128xf32, #tpu.memory_space<vmem>>) offsets(%get3A_82 : vector<16xi32>) semaphore(%arg19 : memref<!tpu.dma_semaphore, #tpu.memory_space<semaphore_mem>>)
      %dma_wait3A = arith.constant 0 : i32
      %dma_wait3A_86 = arith.constant 0 : i32
      %dma_wait3A_87 = tpu.memref_slice %arg2[%dma_wait3A, %dma_wait3A_86] : memref<10000x128xf32, #tpu.memory_space<hbm>> -> memref<16x128xf32, #tpu.memory_space<hbm>>
      %dma_wait3A_88 = arith.constant 0 : i32
      %dma_wait3A_89 = arith.constant 0 : i32
      %dma_wait3A_90 = tpu.memref_slice %arg2[%dma_wait3A_88, %dma_wait3A_89] : memref<10000x128xf32, #tpu.memory_space<hbm>> -> memref<16x128xf32, #tpu.memory_space<hbm>>
      tpu.wait_dma2 semaphore(%arg18 : memref<!tpu.dma_semaphore, #tpu.memory_space<semaphore_mem>>) src(%dma_wait3A_90 : memref<16x128xf32, #tpu.memory_space<hbm>>) dst(%arg9 : memref<16x128xf32, #tpu.memory_space<vmem>>)
      %dma_wait3A_91 = arith.constant 0 : i32
      %dma_wait3A_92 = arith.constant 0 : i32
      %dma_wait3A_93 = tpu.memref_slice %arg2[%dma_wait3A_91, %dma_wait3A_92] : memref<10000x128xf32, #tpu.memory_space<hbm>> -> memref<16x128xf32, #tpu.memory_space<hbm>>
      %dma_wait3A_94 = arith.constant 0 : i32
      %dma_wait3A_95 = arith.constant 0 : i32
      %dma_wait3A_96 = tpu.memref_slice %arg2[%dma_wait3A_94, %dma_wait3A_95] : memref<10000x128xf32, #tpu.memory_space<hbm>> -> memref<16x128xf32, #tpu.memory_space<hbm>>
      tpu.wait_dma2 semaphore(%arg18 : memref<!tpu.dma_semaphore, #tpu.memory_space<semaphore_mem>>) src(%dma_wait3A_96 : memref<16x128xf32, #tpu.memory_space<hbm>>) dst(%arg10 : memref<16x128xf32, #tpu.memory_space<vmem>>)
      %dma_wait3A_97 = arith.constant 0 : i32
      %dma_wait3A_98 = arith.constant 0 : i32
      %dma_wait3A_99 = tpu.memref_slice %arg2[%dma_wait3A_97, %dma_wait3A_98] : memref<10000x128xf32, #tpu.memory_space<hbm>> -> memref<16x128xf32, #tpu.memory_space<hbm>>
      %dma_wait3A_100 = arith.constant 0 : i32
      %dma_wait3A_101 = arith.constant 0 : i32
      %dma_wait3A_102 = tpu.memref_slice %arg2[%dma_wait3A_100, %dma_wait3A_101] : memref<10000x128xf32, #tpu.memory_space<hbm>> -> memref<16x128xf32, #tpu.memory_space<hbm>>
      tpu.wait_dma2 semaphore(%arg18 : memref<!tpu.dma_semaphore, #tpu.memory_space<semaphore_mem>>) src(%dma_wait3A_102 : memref<16x128xf32, #tpu.memory_space<hbm>>) dst(%arg11 : memref<16x128xf32, #tpu.memory_space<vmem>>)
      %dma_wait3A_103 = arith.constant 0 : i32
      %dma_wait3A_104 = arith.constant 0 : i32
      %dma_wait3A_105 = tpu.memref_slice %arg2[%dma_wait3A_103, %dma_wait3A_104] : memref<10000x128xf32, #tpu.memory_space<hbm>> -> memref<16x128xf32, #tpu.memory_space<hbm>>
      %dma_wait3A_106 = arith.constant 0 : i32
      %dma_wait3A_107 = arith.constant 0 : i32
      %dma_wait3A_108 = tpu.memref_slice %arg2[%dma_wait3A_106, %dma_wait3A_107] : memref<10000x128xf32, #tpu.memory_space<hbm>> -> memref<16x128xf32, #tpu.memory_space<hbm>>
      tpu.wait_dma2 semaphore(%arg18 : memref<!tpu.dma_semaphore, #tpu.memory_space<semaphore_mem>>) src(%dma_wait3A_108 : memref<16x128xf32, #tpu.memory_space<hbm>>) dst(%arg12 : memref<16x128xf32, #tpu.memory_space<vmem>>)
      %get3A_109 = arith.index_cast %scan3A_31 : i32 to index
      %get3A_110 = arith.constant 0 : index
      %get3A_111 = tpu.vector_load %arg8[%get3A_109, %get3A_110] {strides = array<i32>} : memref<80x128xi32, #tpu.memory_space<vmem>>, vector<1x16xi32>,
      %get3A_112 = vector.shape_cast %get3A_111 : vector<1x16xi32> to vector<16xi32>
      %and3A = arith.constant 268435455 : i32
      %and3A_113 = vector.broadcast %and3A : i32 to vector<16xi32>
      %and3A_114 = arith.andi %get3A_112, %and3A_113 : vector<16xi32>
      %shift_right_logical3A = arith.constant 28 : i32
      %shift_right_logical3A_115 = vector.broadcast %shift_right_logical3A : i32 to vector<16xi32>
      %shift_right_logical3A_116 = arith.shrui %get3A_112, %shift_right_logical3A_115 : vector<16xi32>
      %eq3A = arith.constant 0 : i32
      %eq3A_117 = vector.broadcast %eq3A : i32 to vector<16xi32>
      %eq3A_118 = arith.cmpi eq, %shift_right_logical3A_116, %eq3A_117 : vector<16xi32>
      %select_n3A = arith.select %eq3A_118, %and3A_114, %add3A_8 : vector<16xi1>, vector<16xi32>
      "tpu.region"() ({
        %run_scoped3A = tpu.sem_alloc : memref<!tpu.dma_semaphore, #tpu.memory_space<semaphore_mem>>
        %dma_start3A_305 = arith.constant 0 : i32
        %dma_start3A_306 = arith.constant 0 : i32
        %dma_start3A_307 = tpu.memref_slice %arg17[%dma_start3A_305, %dma_start3A_306] : memref<10368x128xf32, #tpu.memory_space<vmem_shared>> -> memref<10368x128xf32, #tpu.memory_space<vmem_shared>>
        tpu.enqueue_indirect_dma source(%arg9 : memref<16x128xf32, #tpu.memory_space<vmem>>) target(%dma_start3A_307 : memref<10368x128xf32, #tpu.memory_space<vmem_shared>>) offsets(%select_n3A : vector<16xi32>) semaphore(%run_scoped3A : memref<!tpu.dma_semaphore, #tpu.memory_space<semaphore_mem>>) {add = true}
        %dma_wait3A_308 = arith.constant 0 : i32
        %dma_wait3A_309 = arith.constant 0 : i32
        %dma_wait3A_310 = tpu.memref_slice %arg17[%dma_wait3A_308, %dma_wait3A_309] : memref<10368x128xf32, #tpu.memory_space<vmem_shared>> -> memref<10368x128xf32, #tpu.memory_space<vmem_shared>>
        tpu.wait_indirect_dma semaphore(%run_scoped3A : memref<!tpu.dma_semaphore, #tpu.memory_space<semaphore_mem>>) src(%arg9 : memref<16x128xf32, #tpu.memory_space<vmem>>) dst(%dma_wait3A_310 : memref<10368x128xf32, #tpu.memory_space<vmem_shared>>)
        tpu.yield
      }) : () -> ()
      %eq3A_119 = arith.constant 1 : i32
      %eq3A_120 = vector.broadcast %eq3A_119 : i32 to vector<16xi32>
      %eq3A_121 = arith.cmpi eq, %shift_right_logical3A_116, %eq3A_120 : vector<16xi32>
      %select_n3A_122 = arith.select %eq3A_121, %and3A_114, %add3A_8 : vector<16xi1>, vector<16xi32>
      "tpu.region"() ({
        %run_scoped3A = tpu.sem_alloc : memref<!tpu.dma_semaphore, #tpu.memory_space<semaphore_mem>>
        %dma_start3A_305 = arith.constant 0 : i32
        %dma_start3A_306 = arith.constant 0 : i32
        %dma_start3A_307 = tpu.memref_slice %arg17[%dma_start3A_305, %dma_start3A_306] : memref<10368x128xf32, #tpu.memory_space<vmem_shared>> -> memref<10368x128xf32, #tpu.memory_space<vmem_shared>>
        tpu.enqueue_indirect_dma source(%arg9 : memref<16x128xf32, #tpu.memory_space<vmem>>) target(%dma_start3A_307 : memref<10368x128xf32, #tpu.memory_space<vmem_shared>>) offsets(%select_n3A_122 : vector<16xi32>) semaphore(%run_scoped3A : memref<!tpu.dma_semaphore, #tpu.memory_space<semaphore_mem>>) {add = true}
        %dma_wait3A_308 = arith.constant 0 : i32
        %dma_wait3A_309 = arith.constant 0 : i32
        %dma_wait3A_310 = tpu.memref_slice %arg17[%dma_wait3A_308, %dma_wait3A_309] : memref<10368x128xf32, #tpu.memory_space<vmem_shared>> -> memref<10368x128xf32, #tpu.memory_space<vmem_shared>>
        tpu.wait_indirect_dma semaphore(%run_scoped3A : memref<!tpu.dma_semaphore, #tpu.memory_space<semaphore_mem>>) src(%arg9 : memref<16x128xf32, #tpu.memory_space<vmem>>) dst(%dma_wait3A_310 : memref<10368x128xf32, #tpu.memory_space<vmem_shared>>)
        tpu.yield
      }) : () -> ()
      %eq3A_123 = arith.constant 2 : i32
      %eq3A_124 = vector.broadcast %eq3A_123 : i32 to vector<16xi32>
      %eq3A_125 = arith.cmpi eq, %shift_right_logical3A_116, %eq3A_124 : vector<16xi32>
      %select_n3A_126 = arith.select %eq3A_125, %and3A_114, %add3A_8 : vector<16xi1>, vector<16xi32>
      "tpu.region"() ({
        %run_scoped3A = tpu.sem_alloc : memref<!tpu.dma_semaphore, #tpu.memory_space<semaphore_mem>>
        %dma_start3A_305 = arith.constant 0 : i32
        %dma_start3A_306 = arith.constant 0 : i32
        %dma_start3A_307 = tpu.memref_slice %arg17[%dma_start3A_305, %dma_start3A_306] : memref<10368x128xf32, #tpu.memory_space<vmem_shared>> -> memref<10368x128xf32, #tpu.memory_space<vmem_shared>>
        tpu.enqueue_indirect_dma source(%arg9 : memref<16x128xf32, #tpu.memory_space<vmem>>) target(%dma_start3A_307 : memref<10368x128xf32, #tpu.memory_space<vmem_shared>>) offsets(%select_n3A_126 : vector<16xi32>) semaphore(%run_scoped3A : memref<!tpu.dma_semaphore, #tpu.memory_space<semaphore_mem>>) {add = true}
        %dma_wait3A_308 = arith.constant 0 : i32
        %dma_wait3A_309 = arith.constant 0 : i32
        %dma_wait3A_310 = tpu.memref_slice %arg17[%dma_wait3A_308, %dma_wait3A_309] : memref<10368x128xf32, #tpu.memory_space<vmem_shared>> -> memref<10368x128xf32, #tpu.memory_space<vmem_shared>>
        tpu.wait_indirect_dma semaphore(%run_scoped3A : memref<!tpu.dma_semaphore, #tpu.memory_space<semaphore_mem>>) src(%arg9 : memref<16x128xf32, #tpu.memory_space<vmem>>) dst(%dma_wait3A_310 : memref<10368x128xf32, #tpu.memory_space<vmem_shared>>)
        tpu.yield
      }) : () -> ()
      %get3A_127 = arith.index_cast %scan3A_31 : i32 to index
      %get3A_128 = arith.constant 16 : index
      %get3A_129 = tpu.vector_load %arg8[%get3A_127, %get3A_128] {strides = array<i32>} : memref<80x128xi32, #tpu.memory_space<vmem>>, vector<1x16xi32>,
      %get3A_130 = vector.shape_cast %get3A_129 : vector<1x16xi32> to vector<16xi32>
      %and3A_131 = arith.constant 268435455 : i32
      %and3A_132 = vector.broadcast %and3A_131 : i32 to vector<16xi32>
      %and3A_133 = arith.andi %get3A_130, %and3A_132 : vector<16xi32>
      %shift_right_logical3A_134 = arith.constant 28 : i32
      %shift_right_logical3A_135 = vector.broadcast %shift_right_logical3A_134 : i32 to vector<16xi32>
      %shift_right_logical3A_136 = arith.shrui %get3A_130, %shift_right_logical3A_135 : vector<16xi32>
      %eq3A_137 = arith.constant 0 : i32
      %eq3A_138 = vector.broadcast %eq3A_137 : i32 to vector<16xi32>
      %eq3A_139 = arith.cmpi eq, %shift_right_logical3A_136, %eq3A_138 : vector<16xi32>
      %select_n3A_140 = arith.select %eq3A_139, %and3A_133, %add3A_8 : vector<16xi1>, vector<16xi32>
      "tpu.region"() ({
        %run_scoped3A = tpu.sem_alloc : memref<!tpu.dma_semaphore, #tpu.memory_space<semaphore_mem>>
        %dma_start3A_305 = arith.constant 0 : i32
        %dma_start3A_306 = arith.constant 0 : i32
        %dma_start3A_307 = tpu.memref_slice %arg17[%dma_start3A_305, %dma_start3A_306] : memref<10368x128xf32, #tpu.memory_space<vmem_shared>> -> memref<10368x128xf32, #tpu.memory_space<vmem_shared>>
        tpu.enqueue_indirect_dma source(%arg10 : memref<16x128xf32, #tpu.memory_space<vmem>>) target(%dma_start3A_307 : memref<10368x128xf32, #tpu.memory_space<vmem_shared>>) offsets(%select_n3A_140 : vector<16xi32>) semaphore(%run_scoped3A : memref<!tpu.dma_semaphore, #tpu.memory_space<semaphore_mem>>) {add = true}
        %dma_wait3A_308 = arith.constant 0 : i32
        %dma_wait3A_309 = arith.constant 0 : i32
        %dma_wait3A_310 = tpu.memref_slice %arg17[%dma_wait3A_308, %dma_wait3A_309] : memref<10368x128xf32, #tpu.memory_space<vmem_shared>> -> memref<10368x128xf32, #tpu.memory_space<vmem_shared>>
        tpu.wait_indirect_dma semaphore(%run_scoped3A : memref<!tpu.dma_semaphore, #tpu.memory_space<semaphore_mem>>) src(%arg10 : memref<16x128xf32, #tpu.memory_space<vmem>>) dst(%dma_wait3A_310 : memref<10368x128xf32, #tpu.memory_space<vmem_shared>>)
        tpu.yield
      }) : () -> ()
      %eq3A_141 = arith.constant 1 : i32
      %eq3A_142 = vector.broadcast %eq3A_141 : i32 to vector<16xi32>
      %eq3A_143 = arith.cmpi eq, %shift_right_logical3A_136, %eq3A_142 : vector<16xi32>
      %select_n3A_144 = arith.select %eq3A_143, %and3A_133, %add3A_8 : vector<16xi1>, vector<16xi32>
      "tpu.region"() ({
        %run_scoped3A = tpu.sem_alloc : memref<!tpu.dma_semaphore, #tpu.memory_space<semaphore_mem>>
        %dma_start3A_305 = arith.constant 0 : i32
        %dma_start3A_306 = arith.constant 0 : i32
        %dma_start3A_307 = tpu.memref_slice %arg17[%dma_start3A_305, %dma_start3A_306] : memref<10368x128xf32, #tpu.memory_space<vmem_shared>> -> memref<10368x128xf32, #tpu.memory_space<vmem_shared>>
        tpu.enqueue_indirect_dma source(%arg10 : memref<16x128xf32, #tpu.memory_space<vmem>>) target(%dma_start3A_307 : memref<10368x128xf32, #tpu.memory_space<vmem_shared>>) offsets(%select_n3A_144 : vector<16xi32>) semaphore(%run_scoped3A : memref<!tpu.dma_semaphore, #tpu.memory_space<semaphore_mem>>) {add = true}
        %dma_wait3A_308 = arith.constant 0 : i32
        %dma_wait3A_309 = arith.constant 0 : i32
        %dma_wait3A_310 = tpu.memref_slice %arg17[%dma_wait3A_308, %dma_wait3A_309] : memref<10368x128xf32, #tpu.memory_space<vmem_shared>> -> memref<10368x128xf32, #tpu.memory_space<vmem_shared>>
        tpu.wait_indirect_dma semaphore(%run_scoped3A : memref<!tpu.dma_semaphore, #tpu.memory_space<semaphore_mem>>) src(%arg10 : memref<16x128xf32, #tpu.memory_space<vmem>>) dst(%dma_wait3A_310 : memref<10368x128xf32, #tpu.memory_space<vmem_shared>>)
        tpu.yield
      }) : () -> ()
      %eq3A_145 = arith.constant 2 : i32
      %eq3A_146 = vector.broadcast %eq3A_145 : i32 to vector<16xi32>
      %eq3A_147 = arith.cmpi eq, %shift_right_logical3A_136, %eq3A_146 : vector<16xi32>
      %select_n3A_148 = arith.select %eq3A_147, %and3A_133, %add3A_8 : vector<16xi1>, vector<16xi32>
      "tpu.region"() ({
        %run_scoped3A = tpu.sem_alloc : memref<!tpu.dma_semaphore, #tpu.memory_space<semaphore_mem>>
        %dma_start3A_305 = arith.constant 0 : i32
        %dma_start3A_306 = arith.constant 0 : i32
        %dma_start3A_307 = tpu.memref_slice %arg17[%dma_start3A_305, %dma_start3A_306] : memref<10368x128xf32, #tpu.memory_space<vmem_shared>> -> memref<10368x128xf32, #tpu.memory_space<vmem_shared>>
        tpu.enqueue_indirect_dma source(%arg10 : memref<16x128xf32, #tpu.memory_space<vmem>>) target(%dma_start3A_307 : memref<10368x128xf32, #tpu.memory_space<vmem_shared>>) offsets(%select_n3A_148 : vector<16xi32>) semaphore(%run_scoped3A : memref<!tpu.dma_semaphore, #tpu.memory_space<semaphore_mem>>) {add = true}
        %dma_wait3A_308 = arith.constant 0 : i32
        %dma_wait3A_309 = arith.constant 0 : i32
        %dma_wait3A_310 = tpu.memref_slice %arg17[%dma_wait3A_308, %dma_wait3A_309] : memref<10368x128xf32, #tpu.memory_space<vmem_shared>> -> memref<10368x128xf32, #tpu.memory_space<vmem_shared>>
        tpu.wait_indirect_dma semaphore(%run_scoped3A : memref<!tpu.dma_semaphore, #tpu.memory_space<semaphore_mem>>) src(%arg10 : memref<16x128xf32, #tpu.memory_space<vmem>>) dst(%dma_wait3A_310 : memref<10368x128xf32, #tpu.memory_space<vmem_shared>>)
        tpu.yield
      }) : () -> ()
      %get3A_149 = arith.index_cast %scan3A_31 : i32 to index
      %get3A_150 = arith.constant 32 : index
      %get3A_151 = tpu.vector_load %arg8[%get3A_149, %get3A_150] {strides = array<i32>} : memref<80x128xi32, #tpu.memory_space<vmem>>, vector<1x16xi32>,
      %get3A_152 = vector.shape_cast %get3A_151 : vector<1x16xi32> to vector<16xi32>
      %and3A_153 = arith.constant 268435455 : i32
      %and3A_154 = vector.broadcast %and3A_153 : i32 to vector<16xi32>
      %and3A_155 = arith.andi %get3A_152, %and3A_154 : vector<16xi32>
      %shift_right_logical3A_156 = arith.constant 28 : i32
      %shift_right_logical3A_157 = vector.broadcast %shift_right_logical3A_156 : i32 to vector<16xi32>
      %shift_right_logical3A_158 = arith.shrui %get3A_152, %shift_right_logical3A_157 : vector<16xi32>
      %eq3A_159 = arith.constant 0 : i32
      %eq3A_160 = vector.broadcast %eq3A_159 : i32 to vector<16xi32>
      %eq3A_161 = arith.cmpi eq, %shift_right_logical3A_158, %eq3A_160 : vector<16xi32>
      %select_n3A_162 = arith.select %eq3A_161, %and3A_155, %add3A_8 : vector<16xi1>, vector<16xi32>
      "tpu.region"() ({
        %run_scoped3A = tpu.sem_alloc : memref<!tpu.dma_semaphore, #tpu.memory_space<semaphore_mem>>
        %dma_start3A_305 = arith.constant 0 : i32
        %dma_start3A_306 = arith.constant 0 : i32
        %dma_start3A_307 = tpu.memref_slice %arg17[%dma_start3A_305, %dma_start3A_306] : memref<10368x128xf32, #tpu.memory_space<vmem_shared>> -> memref<10368x128xf32, #tpu.memory_space<vmem_shared>>
        tpu.enqueue_indirect_dma source(%arg11 : memref<16x128xf32, #tpu.memory_space<vmem>>) target(%dma_start3A_307 : memref<10368x128xf32, #tpu.memory_space<vmem_shared>>) offsets(%select_n3A_162 : vector<16xi32>) semaphore(%run_scoped3A : memref<!tpu.dma_semaphore, #tpu.memory_space<semaphore_mem>>) {add = true}
        %dma_wait3A_308 = arith.constant 0 : i32
        %dma_wait3A_309 = arith.constant 0 : i32
        %dma_wait3A_310 = tpu.memref_slice %arg17[%dma_wait3A_308, %dma_wait3A_309] : memref<10368x128xf32, #tpu.memory_space<vmem_shared>> -> memref<10368x128xf32, #tpu.memory_space<vmem_shared>>
        tpu.wait_indirect_dma semaphore(%run_scoped3A : memref<!tpu.dma_semaphore, #tpu.memory_space<semaphore_mem>>) src(%arg11 : memref<16x128xf32, #tpu.memory_space<vmem>>) dst(%dma_wait3A_310 : memref<10368x128xf32, #tpu.memory_space<vmem_shared>>)
        tpu.yield
      }) : () -> ()
      %eq3A_163 = arith.constant 1 : i32
      %eq3A_164 = vector.broadcast %eq3A_163 : i32 to vector<16xi32>
      %eq3A_165 = arith.cmpi eq, %shift_right_logical3A_158, %eq3A_164 : vector<16xi32>
      %select_n3A_166 = arith.select %eq3A_165, %and3A_155, %add3A_8 : vector<16xi1>, vector<16xi32>
      "tpu.region"() ({
        %run_scoped3A = tpu.sem_alloc : memref<!tpu.dma_semaphore, #tpu.memory_space<semaphore_mem>>
        %dma_start3A_305 = arith.constant 0 : i32
        %dma_start3A_306 = arith.constant 0 : i32
        %dma_start3A_307 = tpu.memref_slice %arg17[%dma_start3A_305, %dma_start3A_306] : memref<10368x128xf32, #tpu.memory_space<vmem_shared>> -> memref<10368x128xf32, #tpu.memory_space<vmem_shared>>
        tpu.enqueue_indirect_dma source(%arg11 : memref<16x128xf32, #tpu.memory_space<vmem>>) target(%dma_start3A_307 : memref<10368x128xf32, #tpu.memory_space<vmem_shared>>) offsets(%select_n3A_166 : vector<16xi32>) semaphore(%run_scoped3A : memref<!tpu.dma_semaphore, #tpu.memory_space<semaphore_mem>>) {add = true}
        %dma_wait3A_308 = arith.constant 0 : i32
        %dma_wait3A_309 = arith.constant 0 : i32
        %dma_wait3A_310 = tpu.memref_slice %arg17[%dma_wait3A_308, %dma_wait3A_309] : memref<10368x128xf32, #tpu.memory_space<vmem_shared>> -> memref<10368x128xf32, #tpu.memory_space<vmem_shared>>
        tpu.wait_indirect_dma semaphore(%run_scoped3A : memref<!tpu.dma_semaphore, #tpu.memory_space<semaphore_mem>>) src(%arg11 : memref<16x128xf32, #tpu.memory_space<vmem>>) dst(%dma_wait3A_310 : memref<10368x128xf32, #tpu.memory_space<vmem_shared>>)
        tpu.yield
      }) : () -> ()
      %eq3A_167 = arith.constant 2 : i32
      %eq3A_168 = vector.broadcast %eq3A_167 : i32 to vector<16xi32>
      %eq3A_169 = arith.cmpi eq, %shift_right_logical3A_158, %eq3A_168 : vector<16xi32>
      %select_n3A_170 = arith.select %eq3A_169, %and3A_155, %add3A_8 : vector<16xi1>, vector<16xi32>
      "tpu.region"() ({
        %run_scoped3A = tpu.sem_alloc : memref<!tpu.dma_semaphore, #tpu.memory_space<semaphore_mem>>
        %dma_start3A_305 = arith.constant 0 : i32
        %dma_start3A_306 = arith.constant 0 : i32
        %dma_start3A_307 = tpu.memref_slice %arg17[%dma_start3A_305, %dma_start3A_306] : memref<10368x128xf32, #tpu.memory_space<vmem_shared>> -> memref<10368x128xf32, #tpu.memory_space<vmem_shared>>
        tpu.enqueue_indirect_dma source(%arg11 : memref<16x128xf32, #tpu.memory_space<vmem>>) target(%dma_start3A_307 : memref<10368x128xf32, #tpu.memory_space<vmem_shared>>) offsets(%select_n3A_170 : vector<16xi32>) semaphore(%run_scoped3A : memref<!tpu.dma_semaphore, #tpu.memory_space<semaphore_mem>>) {add = true}
        %dma_wait3A_308 = arith.constant 0 : i32
        %dma_wait3A_309 = arith.constant 0 : i32
        %dma_wait3A_310 = tpu.memref_slice %arg17[%dma_wait3A_308, %dma_wait3A_309] : memref<10368x128xf32, #tpu.memory_space<vmem_shared>> -> memref<10368x128xf32, #tpu.memory_space<vmem_shared>>
        tpu.wait_indirect_dma semaphore(%run_scoped3A : memref<!tpu.dma_semaphore, #tpu.memory_space<semaphore_mem>>) src(%arg11 : memref<16x128xf32, #tpu.memory_space<vmem>>) dst(%dma_wait3A_310 : memref<10368x128xf32, #tpu.memory_space<vmem_shared>>)
        tpu.yield
      }) : () -> ()
      %get3A_171 = arith.index_cast %scan3A_31 : i32 to index
      %get3A_172 = arith.constant 48 : index
      %get3A_173 = tpu.vector_load %arg8[%get3A_171, %get3A_172] {strides = array<i32>} : memref<80x128xi32, #tpu.memory_space<vmem>>, vector<1x16xi32>,
      %get3A_174 = vector.shape_cast %get3A_173 : vector<1x16xi32> to vector<16xi32>
      %and3A_175 = arith.constant 268435455 : i32
      %and3A_176 = vector.broadcast %and3A_175 : i32 to vector<16xi32>
      %and3A_177 = arith.andi %get3A_174, %and3A_176 : vector<16xi32>
      %shift_right_logical3A_178 = arith.constant 28 : i32
      %shift_right_logical3A_179 = vector.broadcast %shift_right_logical3A_178 : i32 to vector<16xi32>
      %shift_right_logical3A_180 = arith.shrui %get3A_174, %shift_right_logical3A_179 : vector<16xi32>
      %eq3A_181 = arith.constant 0 : i32
      %eq3A_182 = vector.broadcast %eq3A_181 : i32 to vector<16xi32>
      %eq3A_183 = arith.cmpi eq, %shift_right_logical3A_180, %eq3A_182 : vector<16xi32>
      %select_n3A_184 = arith.select %eq3A_183, %and3A_177, %add3A_8 : vector<16xi1>, vector<16xi32>
      "tpu.region"() ({
        %run_scoped3A = tpu.sem_alloc : memref<!tpu.dma_semaphore, #tpu.memory_space<semaphore_mem>>
        %dma_start3A_305 = arith.constant 0 : i32
        %dma_start3A_306 = arith.constant 0 : i32
        %dma_start3A_307 = tpu.memref_slice %arg17[%dma_start3A_305, %dma_start3A_306] : memref<10368x128xf32, #tpu.memory_space<vmem_shared>> -> memref<10368x128xf32, #tpu.memory_space<vmem_shared>>
        tpu.enqueue_indirect_dma source(%arg12 : memref<16x128xf32, #tpu.memory_space<vmem>>) target(%dma_start3A_307 : memref<10368x128xf32, #tpu.memory_space<vmem_shared>>) offsets(%select_n3A_184 : vector<16xi32>) semaphore(%run_scoped3A : memref<!tpu.dma_semaphore, #tpu.memory_space<semaphore_mem>>) {add = true}
        %dma_wait3A_308 = arith.constant 0 : i32
        %dma_wait3A_309 = arith.constant 0 : i32
        %dma_wait3A_310 = tpu.memref_slice %arg17[%dma_wait3A_308, %dma_wait3A_309] : memref<10368x128xf32, #tpu.memory_space<vmem_shared>> -> memref<10368x128xf32, #tpu.memory_space<vmem_shared>>
        tpu.wait_indirect_dma semaphore(%run_scoped3A : memref<!tpu.dma_semaphore, #tpu.memory_space<semaphore_mem>>) src(%arg12 : memref<16x128xf32, #tpu.memory_space<vmem>>) dst(%dma_wait3A_310 : memref<10368x128xf32, #tpu.memory_space<vmem_shared>>)
        tpu.yield
      }) : () -> ()
      %eq3A_185 = arith.constant 1 : i32
      %eq3A_186 = vector.broadcast %eq3A_185 : i32 to vector<16xi32>
      %eq3A_187 = arith.cmpi eq, %shift_right_logical3A_180, %eq3A_186 : vector<16xi32>
      %select_n3A_188 = arith.select %eq3A_187, %and3A_177, %add3A_8 : vector<16xi1>, vector<16xi32>
      "tpu.region"() ({
        %run_scoped3A = tpu.sem_alloc : memref<!tpu.dma_semaphore, #tpu.memory_space<semaphore_mem>>
        %dma_start3A_305 = arith.constant 0 : i32
        %dma_start3A_306 = arith.constant 0 : i32
        %dma_start3A_307 = tpu.memref_slice %arg17[%dma_start3A_305, %dma_start3A_306] : memref<10368x128xf32, #tpu.memory_space<vmem_shared>> -> memref<10368x128xf32, #tpu.memory_space<vmem_shared>>
        tpu.enqueue_indirect_dma source(%arg12 : memref<16x128xf32, #tpu.memory_space<vmem>>) target(%dma_start3A_307 : memref<10368x128xf32, #tpu.memory_space<vmem_shared>>) offsets(%select_n3A_188 : vector<16xi32>) semaphore(%run_scoped3A : memref<!tpu.dma_semaphore, #tpu.memory_space<semaphore_mem>>) {add = true}
        %dma_wait3A_308 = arith.constant 0 : i32
        %dma_wait3A_309 = arith.constant 0 : i32
        %dma_wait3A_310 = tpu.memref_slice %arg17[%dma_wait3A_308, %dma_wait3A_309] : memref<10368x128xf32, #tpu.memory_space<vmem_shared>> -> memref<10368x128xf32, #tpu.memory_space<vmem_shared>>
        tpu.wait_indirect_dma semaphore(%run_scoped3A : memref<!tpu.dma_semaphore, #tpu.memory_space<semaphore_mem>>) src(%arg12 : memref<16x128xf32, #tpu.memory_space<vmem>>) dst(%dma_wait3A_310 : memref<10368x128xf32, #tpu.memory_space<vmem_shared>>)
        tpu.yield
      }) : () -> ()
      %eq3A_189 = arith.constant 2 : i32
      %eq3A_190 = vector.broadcast %eq3A_189 : i32 to vector<16xi32>
      %eq3A_191 = arith.cmpi eq, %shift_right_logical3A_180, %eq3A_190 : vector<16xi32>
      %select_n3A_192 = arith.select %eq3A_191, %and3A_177, %add3A_8 : vector<16xi1>, vector<16xi32>
      "tpu.region"() ({
        %run_scoped3A = tpu.sem_alloc : memref<!tpu.dma_semaphore, #tpu.memory_space<semaphore_mem>>
        %dma_start3A_305 = arith.constant 0 : i32
        %dma_start3A_306 = arith.constant 0 : i32
        %dma_start3A_307 = tpu.memref_slice %arg17[%dma_start3A_305, %dma_start3A_306] : memref<10368x128xf32, #tpu.memory_space<vmem_shared>> -> memref<10368x128xf32, #tpu.memory_space<vmem_shared>>
        tpu.enqueue_indirect_dma source(%arg12 : memref<16x128xf32, #tpu.memory_space<vmem>>) target(%dma_start3A_307 : memref<10368x128xf32, #tpu.memory_space<vmem_shared>>) offsets(%select_n3A_192 : vector<16xi32>) semaphore(%run_scoped3A : memref<!tpu.dma_semaphore, #tpu.memory_space<semaphore_mem>>) {add = true}
        %dma_wait3A_308 = arith.constant 0 : i32
        %dma_wait3A_309 = arith.constant 0 : i32
        %dma_wait3A_310 = tpu.memref_slice %arg17[%dma_wait3A_308, %dma_wait3A_309] : memref<10368x128xf32, #tpu.memory_space<vmem_shared>> -> memref<10368x128xf32, #tpu.memory_space<vmem_shared>>
        tpu.wait_indirect_dma semaphore(%run_scoped3A : memref<!tpu.dma_semaphore, #tpu.memory_space<semaphore_mem>>) src(%arg12 : memref<16x128xf32, #tpu.memory_space<vmem>>) dst(%dma_wait3A_310 : memref<10368x128xf32, #tpu.memory_space<vmem_shared>>)
        tpu.yield
      }) : () -> ()
      %dma_wait3A_193 = arith.constant 0 : i32
      %dma_wait3A_194 = arith.constant 0 : i32
      %dma_wait3A_195 = tpu.memref_slice %arg2[%dma_wait3A_193, %dma_wait3A_194] : memref<10000x128xf32, #tpu.memory_space<hbm>> -> memref<16x128xf32, #tpu.memory_space<hbm>>
      %dma_wait3A_196 = arith.constant 0 : i32
      %dma_wait3A_197 = arith.constant 0 : i32
      %dma_wait3A_198 = tpu.memref_slice %arg2[%dma_wait3A_196, %dma_wait3A_197] : memref<10000x128xf32, #tpu.memory_space<hbm>> -> memref<16x128xf32, #tpu.memory_space<hbm>>
      tpu.wait_dma2 semaphore(%arg19 : memref<!tpu.dma_semaphore, #tpu.memory_space<semaphore_mem>>) src(%dma_wait3A_198 : memref<16x128xf32, #tpu.memory_space<hbm>>) dst(%arg13 : memref<16x128xf32, #tpu.memory_space<vmem>>)
      %dma_wait3A_199 = arith.constant 0 : i32
      %dma_wait3A_200 = arith.constant 0 : i32
      %dma_wait3A_201 = tpu.memref_slice %arg2[%dma_wait3A_199, %dma_wait3A_200] : memref<10000x128xf32, #tpu.memory_space<hbm>> -> memref<16x128xf32, #tpu.memory_space<hbm>>
      %dma_wait3A_202 = arith.constant 0 : i32
      %dma_wait3A_203 = arith.constant 0 : i32
      %dma_wait3A_204 = tpu.memref_slice %arg2[%dma_wait3A_202, %dma_wait3A_203] : memref<10000x128xf32, #tpu.memory_space<hbm>> -> memref<16x128xf32, #tpu.memory_space<hbm>>
      tpu.wait_dma2 semaphore(%arg19 : memref<!tpu.dma_semaphore, #tpu.memory_space<semaphore_mem>>) src(%dma_wait3A_204 : memref<16x128xf32, #tpu.memory_space<hbm>>) dst(%arg14 : memref<16x128xf32, #tpu.memory_space<vmem>>)
      %dma_wait3A_205 = arith.constant 0 : i32
      %dma_wait3A_206 = arith.constant 0 : i32
      %dma_wait3A_207 = tpu.memref_slice %arg2[%dma_wait3A_205, %dma_wait3A_206] : memref<10000x128xf32, #tpu.memory_space<hbm>> -> memref<16x128xf32, #tpu.memory_space<hbm>>
      %dma_wait3A_208 = arith.constant 0 : i32
      %dma_wait3A_209 = arith.constant 0 : i32
      %dma_wait3A_210 = tpu.memref_slice %arg2[%dma_wait3A_208, %dma_wait3A_209] : memref<10000x128xf32, #tpu.memory_space<hbm>> -> memref<16x128xf32, #tpu.memory_space<hbm>>
      tpu.wait_dma2 semaphore(%arg19 : memref<!tpu.dma_semaphore, #tpu.memory_space<semaphore_mem>>) src(%dma_wait3A_210 : memref<16x128xf32, #tpu.memory_space<hbm>>) dst(%arg15 : memref<16x128xf32, #tpu.memory_space<vmem>>)
      %dma_wait3A_211 = arith.constant 0 : i32
      %dma_wait3A_212 = arith.constant 0 : i32
      %dma_wait3A_213 = tpu.memref_slice %arg2[%dma_wait3A_211, %dma_wait3A_212] : memref<10000x128xf32, #tpu.memory_space<hbm>> -> memref<16x128xf32, #tpu.memory_space<hbm>>
      %dma_wait3A_214 = arith.constant 0 : i32
      %dma_wait3A_215 = arith.constant 0 : i32
      %dma_wait3A_216 = tpu.memref_slice %arg2[%dma_wait3A_214, %dma_wait3A_215] : memref<10000x128xf32, #tpu.memory_space<hbm>> -> memref<16x128xf32, #tpu.memory_space<hbm>>
      tpu.wait_dma2 semaphore(%arg19 : memref<!tpu.dma_semaphore, #tpu.memory_space<semaphore_mem>>) src(%dma_wait3A_216 : memref<16x128xf32, #tpu.memory_space<hbm>>) dst(%arg16 : memref<16x128xf32, #tpu.memory_space<vmem>>)
      %get3A_217 = arith.index_cast %scan3A_31 : i32 to index
      %get3A_218 = arith.constant 64 : index
      %get3A_219 = tpu.vector_load %arg8[%get3A_217, %get3A_218] {strides = array<i32>} : memref<80x128xi32, #tpu.memory_space<vmem>>, vector<1x16xi32>,
      %get3A_220 = vector.shape_cast %get3A_219 : vector<1x16xi32> to vector<16xi32>
      %and3A_221 = arith.constant 268435455 : i32
      %and3A_222 = vector.broadcast %and3A_221 : i32 to vector<16xi32>
      %and3A_223 = arith.andi %get3A_220, %and3A_222 : vector<16xi32>
      %shift_right_logical3A_224 = arith.constant 28 : i32
      %shift_right_logical3A_225 = vector.broadcast %shift_right_logical3A_224 : i32 to vector<16xi32>
      %shift_right_logical3A_226 = arith.shrui %get3A_220, %shift_right_logical3A_225 : vector<16xi32>
      %eq3A_227 = arith.constant 0 : i32
      %eq3A_228 = vector.broadcast %eq3A_227 : i32 to vector<16xi32>
      %eq3A_229 = arith.cmpi eq, %shift_right_logical3A_226, %eq3A_228 : vector<16xi32>
      %select_n3A_230 = arith.select %eq3A_229, %and3A_223, %add3A_8 : vector<16xi1>, vector<16xi32>
      "tpu.region"() ({
        %run_scoped3A = tpu.sem_alloc : memref<!tpu.dma_semaphore, #tpu.memory_space<semaphore_mem>>
        %dma_start3A_305 = arith.constant 0 : i32
        %dma_start3A_306 = arith.constant 0 : i32
        %dma_start3A_307 = tpu.memref_slice %arg17[%dma_start3A_305, %dma_start3A_306] : memref<10368x128xf32, #tpu.memory_space<vmem_shared>> -> memref<10368x128xf32, #tpu.memory_space<vmem_shared>>
        tpu.enqueue_indirect_dma source(%arg13 : memref<16x128xf32, #tpu.memory_space<vmem>>) target(%dma_start3A_307 : memref<10368x128xf32, #tpu.memory_space<vmem_shared>>) offsets(%select_n3A_230 : vector<16xi32>) semaphore(%run_scoped3A : memref<!tpu.dma_semaphore, #tpu.memory_space<semaphore_mem>>) {add = true}
        %dma_wait3A_308 = arith.constant 0 : i32
        %dma_wait3A_309 = arith.constant 0 : i32
        %dma_wait3A_310 = tpu.memref_slice %arg17[%dma_wait3A_308, %dma_wait3A_309] : memref<10368x128xf32, #tpu.memory_space<vmem_shared>> -> memref<10368x128xf32, #tpu.memory_space<vmem_shared>>
        tpu.wait_indirect_dma semaphore(%run_scoped3A : memref<!tpu.dma_semaphore, #tpu.memory_space<semaphore_mem>>) src(%arg13 : memref<16x128xf32, #tpu.memory_space<vmem>>) dst(%dma_wait3A_310 : memref<10368x128xf32, #tpu.memory_space<vmem_shared>>)
        tpu.yield
      }) : () -> ()
      %eq3A_231 = arith.constant 1 : i32
      %eq3A_232 = vector.broadcast %eq3A_231 : i32 to vector<16xi32>
      %eq3A_233 = arith.cmpi eq, %shift_right_logical3A_226, %eq3A_232 : vector<16xi32>
      %select_n3A_234 = arith.select %eq3A_233, %and3A_223, %add3A_8 : vector<16xi1>, vector<16xi32>
      "tpu.region"() ({
        %run_scoped3A = tpu.sem_alloc : memref<!tpu.dma_semaphore, #tpu.memory_space<semaphore_mem>>
        %dma_start3A_305 = arith.constant 0 : i32
        %dma_start3A_306 = arith.constant 0 : i32
        %dma_start3A_307 = tpu.memref_slice %arg17[%dma_start3A_305, %dma_start3A_306] : memref<10368x128xf32, #tpu.memory_space<vmem_shared>> -> memref<10368x128xf32, #tpu.memory_space<vmem_shared>>
        tpu.enqueue_indirect_dma source(%arg13 : memref<16x128xf32, #tpu.memory_space<vmem>>) target(%dma_start3A_307 : memref<10368x128xf32, #tpu.memory_space<vmem_shared>>) offsets(%select_n3A_234 : vector<16xi32>) semaphore(%run_scoped3A : memref<!tpu.dma_semaphore, #tpu.memory_space<semaphore_mem>>) {add = true}
        %dma_wait3A_308 = arith.constant 0 : i32
        %dma_wait3A_309 = arith.constant 0 : i32
        %dma_wait3A_310 = tpu.memref_slice %arg17[%dma_wait3A_308, %dma_wait3A_309] : memref<10368x128xf32, #tpu.memory_space<vmem_shared>> -> memref<10368x128xf32, #tpu.memory_space<vmem_shared>>
        tpu.wait_indirect_dma semaphore(%run_scoped3A : memref<!tpu.dma_semaphore, #tpu.memory_space<semaphore_mem>>) src(%arg13 : memref<16x128xf32, #tpu.memory_space<vmem>>) dst(%dma_wait3A_310 : memref<10368x128xf32, #tpu.memory_space<vmem_shared>>)
        tpu.yield
      }) : () -> ()
      %eq3A_235 = arith.constant 2 : i32
      %eq3A_236 = vector.broadcast %eq3A_235 : i32 to vector<16xi32>
      %eq3A_237 = arith.cmpi eq, %shift_right_logical3A_226, %eq3A_236 : vector<16xi32>
      %select_n3A_238 = arith.select %eq3A_237, %and3A_223, %add3A_8 : vector<16xi1>, vector<16xi32>
      "tpu.region"() ({
        %run_scoped3A = tpu.sem_alloc : memref<!tpu.dma_semaphore, #tpu.memory_space<semaphore_mem>>
        %dma_start3A_305 = arith.constant 0 : i32
        %dma_start3A_306 = arith.constant 0 : i32
        %dma_start3A_307 = tpu.memref_slice %arg17[%dma_start3A_305, %dma_start3A_306] : memref<10368x128xf32, #tpu.memory_space<vmem_shared>> -> memref<10368x128xf32, #tpu.memory_space<vmem_shared>>
        tpu.enqueue_indirect_dma source(%arg13 : memref<16x128xf32, #tpu.memory_space<vmem>>) target(%dma_start3A_307 : memref<10368x128xf32, #tpu.memory_space<vmem_shared>>) offsets(%select_n3A_238 : vector<16xi32>) semaphore(%run_scoped3A : memref<!tpu.dma_semaphore, #tpu.memory_space<semaphore_mem>>) {add = true}
        %dma_wait3A_308 = arith.constant 0 : i32
        %dma_wait3A_309 = arith.constant 0 : i32
        %dma_wait3A_310 = tpu.memref_slice %arg17[%dma_wait3A_308, %dma_wait3A_309] : memref<10368x128xf32, #tpu.memory_space<vmem_shared>> -> memref<10368x128xf32, #tpu.memory_space<vmem_shared>>
        tpu.wait_indirect_dma semaphore(%run_scoped3A : memref<!tpu.dma_semaphore, #tpu.memory_space<semaphore_mem>>) src(%arg13 : memref<16x128xf32, #tpu.memory_space<vmem>>) dst(%dma_wait3A_310 : memref<10368x128xf32, #tpu.memory_space<vmem_shared>>)
        tpu.yield
      }) : () -> ()
      %get3A_239 = arith.index_cast %scan3A_31 : i32 to index
      %get3A_240 = arith.constant 80 : index
      %get3A_241 = tpu.vector_load %arg8[%get3A_239, %get3A_240] {strides = array<i32>} : memref<80x128xi32, #tpu.memory_space<vmem>>, vector<1x16xi32>,
      %get3A_242 = vector.shape_cast %get3A_241 : vector<1x16xi32> to vector<16xi32>
      %and3A_243 = arith.constant 268435455 : i32
      %and3A_244 = vector.broadcast %and3A_243 : i32 to vector<16xi32>
      %and3A_245 = arith.andi %get3A_242, %and3A_244 : vector<16xi32>
      %shift_right_logical3A_246 = arith.constant 28 : i32
      %shift_right_logical3A_247 = vector.broadcast %shift_right_logical3A_246 : i32 to vector<16xi32>
      %shift_right_logical3A_248 = arith.shrui %get3A_242, %shift_right_logical3A_247 : vector<16xi32>
      %eq3A_249 = arith.constant 0 : i32
      %eq3A_250 = vector.broadcast %eq3A_249 : i32 to vector<16xi32>
      %eq3A_251 = arith.cmpi eq, %shift_right_logical3A_248, %eq3A_250 : vector<16xi32>
      %select_n3A_252 = arith.select %eq3A_251, %and3A_245, %add3A_8 : vector<16xi1>, vector<16xi32>
      "tpu.region"() ({
        %run_scoped3A = tpu.sem_alloc : memref<!tpu.dma_semaphore, #tpu.memory_space<semaphore_mem>>
        %dma_start3A_305 = arith.constant 0 : i32
        %dma_start3A_306 = arith.constant 0 : i32
        %dma_start3A_307 = tpu.memref_slice %arg17[%dma_start3A_305, %dma_start3A_306] : memref<10368x128xf32, #tpu.memory_space<vmem_shared>> -> memref<10368x128xf32, #tpu.memory_space<vmem_shared>>
        tpu.enqueue_indirect_dma source(%arg14 : memref<16x128xf32, #tpu.memory_space<vmem>>) target(%dma_start3A_307 : memref<10368x128xf32, #tpu.memory_space<vmem_shared>>) offsets(%select_n3A_252 : vector<16xi32>) semaphore(%run_scoped3A : memref<!tpu.dma_semaphore, #tpu.memory_space<semaphore_mem>>) {add = true}
        %dma_wait3A_308 = arith.constant 0 : i32
        %dma_wait3A_309 = arith.constant 0 : i32
        %dma_wait3A_310 = tpu.memref_slice %arg17[%dma_wait3A_308, %dma_wait3A_309] : memref<10368x128xf32, #tpu.memory_space<vmem_shared>> -> memref<10368x128xf32, #tpu.memory_space<vmem_shared>>
        tpu.wait_indirect_dma semaphore(%run_scoped3A : memref<!tpu.dma_semaphore, #tpu.memory_space<semaphore_mem>>) src(%arg14 : memref<16x128xf32, #tpu.memory_space<vmem>>) dst(%dma_wait3A_310 : memref<10368x128xf32, #tpu.memory_space<vmem_shared>>)
        tpu.yield
      }) : () -> ()
      %eq3A_253 = arith.constant 1 : i32
      %eq3A_254 = vector.broadcast %eq3A_253 : i32 to vector<16xi32>
      %eq3A_255 = arith.cmpi eq, %shift_right_logical3A_248, %eq3A_254 : vector<16xi32>
      %select_n3A_256 = arith.select %eq3A_255, %and3A_245, %add3A_8 : vector<16xi1>, vector<16xi32>
      "tpu.region"() ({
        %run_scoped3A = tpu.sem_alloc : memref<!tpu.dma_semaphore, #tpu.memory_space<semaphore_mem>>
        %dma_start3A_305 = arith.constant 0 : i32
        %dma_start3A_306 = arith.constant 0 : i32
        %dma_start3A_307 = tpu.memref_slice %arg17[%dma_start3A_305, %dma_start3A_306] : memref<10368x128xf32, #tpu.memory_space<vmem_shared>> -> memref<10368x128xf32, #tpu.memory_space<vmem_shared>>
        tpu.enqueue_indirect_dma source(%arg14 : memref<16x128xf32, #tpu.memory_space<vmem>>) target(%dma_start3A_307 : memref<10368x128xf32, #tpu.memory_space<vmem_shared>>) offsets(%select_n3A_256 : vector<16xi32>) semaphore(%run_scoped3A : memref<!tpu.dma_semaphore, #tpu.memory_space<semaphore_mem>>) {add = true}
        %dma_wait3A_308 = arith.constant 0 : i32
        %dma_wait3A_309 = arith.constant 0 : i32
        %dma_wait3A_310 = tpu.memref_slice %arg17[%dma_wait3A_308, %dma_wait3A_309] : memref<10368x128xf32, #tpu.memory_space<vmem_shared>> -> memref<10368x128xf32, #tpu.memory_space<vmem_shared>>
        tpu.wait_indirect_dma semaphore(%run_scoped3A : memref<!tpu.dma_semaphore, #tpu.memory_space<semaphore_mem>>) src(%arg14 : memref<16x128xf32, #tpu.memory_space<vmem>>) dst(%dma_wait3A_310 : memref<10368x128xf32, #tpu.memory_space<vmem_shared>>)
        tpu.yield
      }) : () -> ()
      %eq3A_257 = arith.constant 2 : i32
      %eq3A_258 = vector.broadcast %eq3A_257 : i32 to vector<16xi32>
      %eq3A_259 = arith.cmpi eq, %shift_right_logical3A_248, %eq3A_258 : vector<16xi32>
      %select_n3A_260 = arith.select %eq3A_259, %and3A_245, %add3A_8 : vector<16xi1>, vector<16xi32>
      "tpu.region"() ({
        %run_scoped3A = tpu.sem_alloc : memref<!tpu.dma_semaphore, #tpu.memory_space<semaphore_mem>>
        %dma_start3A_305 = arith.constant 0 : i32
        %dma_start3A_306 = arith.constant 0 : i32
        %dma_start3A_307 = tpu.memref_slice %arg17[%dma_start3A_305, %dma_start3A_306] : memref<10368x128xf32, #tpu.memory_space<vmem_shared>> -> memref<10368x128xf32, #tpu.memory_space<vmem_shared>>
        tpu.enqueue_indirect_dma source(%arg14 : memref<16x128xf32, #tpu.memory_space<vmem>>) target(%dma_start3A_307 : memref<10368x128xf32, #tpu.memory_space<vmem_shared>>) offsets(%select_n3A_260 : vector<16xi32>) semaphore(%run_scoped3A : memref<!tpu.dma_semaphore, #tpu.memory_space<semaphore_mem>>) {add = true}
        %dma_wait3A_308 = arith.constant 0 : i32
        %dma_wait3A_309 = arith.constant 0 : i32
        %dma_wait3A_310 = tpu.memref_slice %arg17[%dma_wait3A_308, %dma_wait3A_309] : memref<10368x128xf32, #tpu.memory_space<vmem_shared>> -> memref<10368x128xf32, #tpu.memory_space<vmem_shared>>
        tpu.wait_indirect_dma semaphore(%run_scoped3A : memref<!tpu.dma_semaphore, #tpu.memory_space<semaphore_mem>>) src(%arg14 : memref<16x128xf32, #tpu.memory_space<vmem>>) dst(%dma_wait3A_310 : memref<10368x128xf32, #tpu.memory_space<vmem_shared>>)
        tpu.yield
      }) : () -> ()
      %get3A_261 = arith.index_cast %scan3A_31 : i32 to index
      %get3A_262 = arith.constant 96 : index
      %get3A_263 = tpu.vector_load %arg8[%get3A_261, %get3A_262] {strides = array<i32>} : memref<80x128xi32, #tpu.memory_space<vmem>>, vector<1x16xi32>,
      %get3A_264 = vector.shape_cast %get3A_263 : vector<1x16xi32> to vector<16xi32>
      %and3A_265 = arith.constant 268435455 : i32
      %and3A_266 = vector.broadcast %and3A_265 : i32 to vector<16xi32>
      %and3A_267 = arith.andi %get3A_264, %and3A_266 : vector<16xi32>
      %shift_right_logical3A_268 = arith.constant 28 : i32
      %shift_right_logical3A_269 = vector.broadcast %shift_right_logical3A_268 : i32 to vector<16xi32>
      %shift_right_logical3A_270 = arith.shrui %get3A_264, %shift_right_logical3A_269 : vector<16xi32>
      %eq3A_271 = arith.constant 0 : i32
      %eq3A_272 = vector.broadcast %eq3A_271 : i32 to vector<16xi32>
      %eq3A_273 = arith.cmpi eq, %shift_right_logical3A_270, %eq3A_272 : vector<16xi32>
      %select_n3A_274 = arith.select %eq3A_273, %and3A_267, %add3A_8 : vector<16xi1>, vector<16xi32>
      "tpu.region"() ({
        %run_scoped3A = tpu.sem_alloc : memref<!tpu.dma_semaphore, #tpu.memory_space<semaphore_mem>>
        %dma_start3A_305 = arith.constant 0 : i32
        %dma_start3A_306 = arith.constant 0 : i32
        %dma_start3A_307 = tpu.memref_slice %arg17[%dma_start3A_305, %dma_start3A_306] : memref<10368x128xf32, #tpu.memory_space<vmem_shared>> -> memref<10368x128xf32, #tpu.memory_space<vmem_shared>>
        tpu.enqueue_indirect_dma source(%arg15 : memref<16x128xf32, #tpu.memory_space<vmem>>) target(%dma_start3A_307 : memref<10368x128xf32, #tpu.memory_space<vmem_shared>>) offsets(%select_n3A_274 : vector<16xi32>) semaphore(%run_scoped3A : memref<!tpu.dma_semaphore, #tpu.memory_space<semaphore_mem>>) {add = true}
        %dma_wait3A_308 = arith.constant 0 : i32
        %dma_wait3A_309 = arith.constant 0 : i32
        %dma_wait3A_310 = tpu.memref_slice %arg17[%dma_wait3A_308, %dma_wait3A_309] : memref<10368x128xf32, #tpu.memory_space<vmem_shared>> -> memref<10368x128xf32, #tpu.memory_space<vmem_shared>>
        tpu.wait_indirect_dma semaphore(%run_scoped3A : memref<!tpu.dma_semaphore, #tpu.memory_space<semaphore_mem>>) src(%arg15 : memref<16x128xf32, #tpu.memory_space<vmem>>) dst(%dma_wait3A_310 : memref<10368x128xf32, #tpu.memory_space<vmem_shared>>)
        tpu.yield
      }) : () -> ()
      %eq3A_275 = arith.constant 1 : i32
      %eq3A_276 = vector.broadcast %eq3A_275 : i32 to vector<16xi32>
      %eq3A_277 = arith.cmpi eq, %shift_right_logical3A_270, %eq3A_276 : vector<16xi32>
      %select_n3A_278 = arith.select %eq3A_277, %and3A_267, %add3A_8 : vector<16xi1>, vector<16xi32>
      "tpu.region"() ({
        %run_scoped3A = tpu.sem_alloc : memref<!tpu.dma_semaphore, #tpu.memory_space<semaphore_mem>>
        %dma_start3A_305 = arith.constant 0 : i32
        %dma_start3A_306 = arith.constant 0 : i32
        %dma_start3A_307 = tpu.memref_slice %arg17[%dma_start3A_305, %dma_start3A_306] : memref<10368x128xf32, #tpu.memory_space<vmem_shared>> -> memref<10368x128xf32, #tpu.memory_space<vmem_shared>>
        tpu.enqueue_indirect_dma source(%arg15 : memref<16x128xf32, #tpu.memory_space<vmem>>) target(%dma_start3A_307 : memref<10368x128xf32, #tpu.memory_space<vmem_shared>>) offsets(%select_n3A_278 : vector<16xi32>) semaphore(%run_scoped3A : memref<!tpu.dma_semaphore, #tpu.memory_space<semaphore_mem>>) {add = true}
        %dma_wait3A_308 = arith.constant 0 : i32
        %dma_wait3A_309 = arith.constant 0 : i32
        %dma_wait3A_310 = tpu.memref_slice %arg17[%dma_wait3A_308, %dma_wait3A_309] : memref<10368x128xf32, #tpu.memory_space<vmem_shared>> -> memref<10368x128xf32, #tpu.memory_space<vmem_shared>>
        tpu.wait_indirect_dma semaphore(%run_scoped3A : memref<!tpu.dma_semaphore, #tpu.memory_space<semaphore_mem>>) src(%arg15 : memref<16x128xf32, #tpu.memory_space<vmem>>) dst(%dma_wait3A_310 : memref<10368x128xf32, #tpu.memory_space<vmem_shared>>)
        tpu.yield
      }) : () -> ()
      %eq3A_279 = arith.constant 2 : i32
      %eq3A_280 = vector.broadcast %eq3A_279 : i32 to vector<16xi32>
      %eq3A_281 = arith.cmpi eq, %shift_right_logical3A_270, %eq3A_280 : vector<16xi32>
      %select_n3A_282 = arith.select %eq3A_281, %and3A_267, %add3A_8 : vector<16xi1>, vector<16xi32>
      "tpu.region"() ({
        %run_scoped3A = tpu.sem_alloc : memref<!tpu.dma_semaphore, #tpu.memory_space<semaphore_mem>>
        %dma_start3A_305 = arith.constant 0 : i32
        %dma_start3A_306 = arith.constant 0 : i32
        %dma_start3A_307 = tpu.memref_slice %arg17[%dma_start3A_305, %dma_start3A_306] : memref<10368x128xf32, #tpu.memory_space<vmem_shared>> -> memref<10368x128xf32, #tpu.memory_space<vmem_shared>>
        tpu.enqueue_indirect_dma source(%arg15 : memref<16x128xf32, #tpu.memory_space<vmem>>) target(%dma_start3A_307 : memref<10368x128xf32, #tpu.memory_space<vmem_shared>>) offsets(%select_n3A_282 : vector<16xi32>) semaphore(%run_scoped3A : memref<!tpu.dma_semaphore, #tpu.memory_space<semaphore_mem>>) {add = true}
        %dma_wait3A_308 = arith.constant 0 : i32
        %dma_wait3A_309 = arith.constant 0 : i32
        %dma_wait3A_310 = tpu.memref_slice %arg17[%dma_wait3A_308, %dma_wait3A_309] : memref<10368x128xf32, #tpu.memory_space<vmem_shared>> -> memref<10368x128xf32, #tpu.memory_space<vmem_shared>>
        tpu.wait_indirect_dma semaphore(%run_scoped3A : memref<!tpu.dma_semaphore, #tpu.memory_space<semaphore_mem>>) src(%arg15 : memref<16x128xf32, #tpu.memory_space<vmem>>) dst(%dma_wait3A_310 : memref<10368x128xf32, #tpu.memory_space<vmem_shared>>)
        tpu.yield
      }) : () -> ()
      %get3A_283 = arith.index_cast %scan3A_31 : i32 to index
      %get3A_284 = arith.constant 112 : index
      %get3A_285 = tpu.vector_load %arg8[%get3A_283, %get3A_284] {strides = array<i32>} : memref<80x128xi32, #tpu.memory_space<vmem>>, vector<1x16xi32>,
      %get3A_286 = vector.shape_cast %get3A_285 : vector<1x16xi32> to vector<16xi32>
      %and3A_287 = arith.constant 268435455 : i32
      %and3A_288 = vector.broadcast %and3A_287 : i32 to vector<16xi32>
      %and3A_289 = arith.andi %get3A_286, %and3A_288 : vector<16xi32>
      %shift_right_logical3A_290 = arith.constant 28 : i32
      %shift_right_logical3A_291 = vector.broadcast %shift_right_logical3A_290 : i32 to vector<16xi32>
      %shift_right_logical3A_292 = arith.shrui %get3A_286, %shift_right_logical3A_291 : vector<16xi32>
      %eq3A_293 = arith.constant 0 : i32
      %eq3A_294 = vector.broadcast %eq3A_293 : i32 to vector<16xi32>
      %eq3A_295 = arith.cmpi eq, %shift_right_logical3A_292, %eq3A_294 : vector<16xi32>
      %select_n3A_296 = arith.select %eq3A_295, %and3A_289, %add3A_8 : vector<16xi1>, vector<16xi32>
      "tpu.region"() ({
        %run_scoped3A = tpu.sem_alloc : memref<!tpu.dma_semaphore, #tpu.memory_space<semaphore_mem>>
        %dma_start3A_305 = arith.constant 0 : i32
        %dma_start3A_306 = arith.constant 0 : i32
        %dma_start3A_307 = tpu.memref_slice %arg17[%dma_start3A_305, %dma_start3A_306] : memref<10368x128xf32, #tpu.memory_space<vmem_shared>> -> memref<10368x128xf32, #tpu.memory_space<vmem_shared>>
        tpu.enqueue_indirect_dma source(%arg16 : memref<16x128xf32, #tpu.memory_space<vmem>>) target(%dma_start3A_307 : memref<10368x128xf32, #tpu.memory_space<vmem_shared>>) offsets(%select_n3A_296 : vector<16xi32>) semaphore(%run_scoped3A : memref<!tpu.dma_semaphore, #tpu.memory_space<semaphore_mem>>) {add = true}
        %dma_wait3A_308 = arith.constant 0 : i32
        %dma_wait3A_309 = arith.constant 0 : i32
        %dma_wait3A_310 = tpu.memref_slice %arg17[%dma_wait3A_308, %dma_wait3A_309] : memref<10368x128xf32, #tpu.memory_space<vmem_shared>> -> memref<10368x128xf32, #tpu.memory_space<vmem_shared>>
        tpu.wait_indirect_dma semaphore(%run_scoped3A : memref<!tpu.dma_semaphore, #tpu.memory_space<semaphore_mem>>) src(%arg16 : memref<16x128xf32, #tpu.memory_space<vmem>>) dst(%dma_wait3A_310 : memref<10368x128xf32, #tpu.memory_space<vmem_shared>>)
        tpu.yield
      }) : () -> ()
      %eq3A_297 = arith.constant 1 : i32
      %eq3A_298 = vector.broadcast %eq3A_297 : i32 to vector<16xi32>
      %eq3A_299 = arith.cmpi eq, %shift_right_logical3A_292, %eq3A_298 : vector<16xi32>
      %select_n3A_300 = arith.select %eq3A_299, %and3A_289, %add3A_8 : vector<16xi1>, vector<16xi32>
      "tpu.region"() ({
        %run_scoped3A = tpu.sem_alloc : memref<!tpu.dma_semaphore, #tpu.memory_space<semaphore_mem>>
        %dma_start3A_305 = arith.constant 0 : i32
        %dma_start3A_306 = arith.constant 0 : i32
        %dma_start3A_307 = tpu.memref_slice %arg17[%dma_start3A_305, %dma_start3A_306] : memref<10368x128xf32, #tpu.memory_space<vmem_shared>> -> memref<10368x128xf32, #tpu.memory_space<vmem_shared>>
        tpu.enqueue_indirect_dma source(%arg16 : memref<16x128xf32, #tpu.memory_space<vmem>>) target(%dma_start3A_307 : memref<10368x128xf32, #tpu.memory_space<vmem_shared>>) offsets(%select_n3A_300 : vector<16xi32>) semaphore(%run_scoped3A : memref<!tpu.dma_semaphore, #tpu.memory_space<semaphore_mem>>) {add = true}
        %dma_wait3A_308 = arith.constant 0 : i32
        %dma_wait3A_309 = arith.constant 0 : i32
        %dma_wait3A_310 = tpu.memref_slice %arg17[%dma_wait3A_308, %dma_wait3A_309] : memref<10368x128xf32, #tpu.memory_space<vmem_shared>> -> memref<10368x128xf32, #tpu.memory_space<vmem_shared>>
        tpu.wait_indirect_dma semaphore(%run_scoped3A : memref<!tpu.dma_semaphore, #tpu.memory_space<semaphore_mem>>) src(%arg16 : memref<16x128xf32, #tpu.memory_space<vmem>>) dst(%dma_wait3A_310 : memref<10368x128xf32, #tpu.memory_space<vmem_shared>>)
        tpu.yield
      }) : () -> ()
      %eq3A_301 = arith.constant 2 : i32
      %eq3A_302 = vector.broadcast %eq3A_301 : i32 to vector<16xi32>
      %eq3A_303 = arith.cmpi eq, %shift_right_logical3A_292, %eq3A_302 : vector<16xi32>
      %select_n3A_304 = arith.select %eq3A_303, %and3A_289, %add3A_8 : vector<16xi1>, vector<16xi32>
      "tpu.region"() ({
        %run_scoped3A = tpu.sem_alloc : memref<!tpu.dma_semaphore, #tpu.memory_space<semaphore_mem>>
        %dma_start3A_305 = arith.constant 0 : i32
        %dma_start3A_306 = arith.constant 0 : i32
        %dma_start3A_307 = tpu.memref_slice %arg17[%dma_start3A_305, %dma_start3A_306] : memref<10368x128xf32, #tpu.memory_space<vmem_shared>> -> memref<10368x128xf32, #tpu.memory_space<vmem_shared>>
        tpu.enqueue_indirect_dma source(%arg16 : memref<16x128xf32, #tpu.memory_space<vmem>>) target(%dma_start3A_307 : memref<10368x128xf32, #tpu.memory_space<vmem_shared>>) offsets(%select_n3A_304 : vector<16xi32>) semaphore(%run_scoped3A : memref<!tpu.dma_semaphore, #tpu.memory_space<semaphore_mem>>) {add = true}
        %dma_wait3A_308 = arith.constant 0 : i32
        %dma_wait3A_309 = arith.constant 0 : i32
        %dma_wait3A_310 = tpu.memref_slice %arg17[%dma_wait3A_308, %dma_wait3A_309] : memref<10368x128xf32, #tpu.memory_space<vmem_shared>> -> memref<10368x128xf32, #tpu.memory_space<vmem_shared>>
        tpu.wait_indirect_dma semaphore(%run_scoped3A : memref<!tpu.dma_semaphore, #tpu.memory_space<semaphore_mem>>) src(%arg16 : memref<16x128xf32, #tpu.memory_space<vmem>>) dst(%dma_wait3A_310 : memref<10368x128xf32, #tpu.memory_space<vmem_shared>>)
        tpu.yield
      }) : () -> ()
    }
    %scan3A_29 = arith.constant 80 : i32
    %barrier3A_30 = arith.constant 0 : index
    tpu.barrier barrier_id(%barrier3A_30)
    "tpu.region"() ({
      %run_scoped3A = tpu.sem_alloc : memref<!tpu.dma_semaphore, #tpu.memory_space<semaphore_mem>>
      %dma_start3A = arith.constant 0 : i32
      %dma_start3A_31 = tpu.memref_slice %arg6[%arg0, %mul3A_2, %dma_start3A] : memref<2x10368x128xf32, #tpu.memory_space<hbm>> -> memref<1x648x128xf32, #tpu.memory_space<hbm>>
      %dma_start3A_32 = tpu.memref_squeeze %dma_start3A_31 : memref<1x648x128xf32, #tpu.memory_space<hbm>> -> memref<648x128xf32, #tpu.memory_space<hbm>>
      %dma_start3A_33 = arith.constant 0 : i32
      %dma_start3A_34 = tpu.memref_slice %arg17[%mul3A_2, %dma_start3A_33] : memref<10368x128xf32, #tpu.memory_space<vmem_shared>> -> memref<648x128xf32, #tpu.memory_space<vmem_shared>>
      tpu.enqueue_dma source(%dma_start3A_34 : memref<648x128xf32, #tpu.memory_space<vmem_shared>>) target(%dma_start3A_32 : memref<648x128xf32, #tpu.memory_space<hbm>>) target_semaphore(%run_scoped3A : memref<!tpu.dma_semaphore, #tpu.memory_space<semaphore_mem>>)
      %dma_wait3A = arith.constant 0 : i32
      %dma_wait3A_35 = tpu.memref_slice %arg6[%arg0, %mul3A_2, %dma_wait3A] : memref<2x10368x128xf32, #tpu.memory_space<hbm>> -> memref<1x648x128xf32, #tpu.memory_space<hbm>>
      %dma_wait3A_36 = tpu.memref_squeeze %dma_wait3A_35 : memref<1x648x128xf32, #tpu.memory_space<hbm>> -> memref<648x128xf32, #tpu.memory_space<hbm>>
      %dma_wait3A_37 = arith.constant 0 : i32
      %dma_wait3A_38 = tpu.memref_slice %arg17[%mul3A_2, %dma_wait3A_37] : memref<10368x128xf32, #tpu.memory_space<vmem_shared>> -> memref<648x128xf32, #tpu.memory_space<vmem_shared>>
      tpu.wait_dma2 semaphore(%run_scoped3A : memref<!tpu.dma_semaphore, #tpu.memory_space<semaphore_mem>>) src(%dma_wait3A_38 : memref<648x128xf32, #tpu.memory_space<vmem_shared>>) dst(%dma_wait3A_36 : memref<648x128xf32, #tpu.memory_space<hbm>>)
      tpu.yield
    }) : () -> ()
    return
  }
}

module attributes {stable_mosaic.version = 14 : i64} {
  func.func @body(%arg0: memref<2560x128xi32, #tpu.memory_space<vmem>>, %arg1: memref<2560x128xi32, #tpu.memory_space<vmem>>) attributes {dimension_semantics = [], scalar_prefetch = 0 : i64, scratch_operands = 0 : i64, tpu.core_type = #tpu.core_type<tc>} {
    %get3A = arith.constant 0 : index
    %get3A_0 = arith.constant 0 : index
    %get3A_1 = vector.load %arg0[%get3A, %get3A_0] : memref<2560x128xi32, #tpu.memory_space<vmem>>, vector<2560x128xi32>
    %iota3A = tpu.iota {dimensions = array<i32: 1>} : vector<2560x128xi32>
    %jit3A = arith.constant 16 : i32
    %eq3A = arith.constant 0 : i32
    %eq3A_2 = arith.cmpi eq, %jit3A, %eq3A : i32
    %jit3A_3 = arith.constant 1 : i32
    %select_n3A = arith.select %eq3A_2, %jit3A_3, %jit3A : i32
    %rem3A = vector.broadcast %select_n3A : i32 to vector<2560x128xi32>
    %rem3A_4 = arith.remsi %iota3A, %rem3A : vector<2560x128xi32>
    %ne3A = arith.constant 0 : i32
    %ne3A_5 = vector.broadcast %ne3A : i32 to vector<2560x128xi32>
    %ne3A_6 = arith.cmpi ne, %rem3A_4, %ne3A_5 : vector<2560x128xi32>
    %lt3A = arith.constant 0 : i32
    %lt3A_7 = vector.broadcast %lt3A : i32 to vector<2560x128xi32>
    %lt3A_8 = arith.cmpi slt, %rem3A_4, %lt3A_7 : vector<2560x128xi32>
    %lt3A_9 = arith.constant 0 : i32
    %lt3A_10 = arith.cmpi slt, %select_n3A, %lt3A_9 : i32
    %ne3A_11 = vector.broadcast %lt3A_10 : i1 to vector<2560x128xi1>
    %ne3A_12 = vector.broadcast %ne3A_11 : vector<2560x128xi1> to vector<2560x128xi1>
    %ne3A_13 = arith.xori %lt3A_8, %ne3A_12 : vector<2560x128xi1>
    %and3A = arith.andi %ne3A_13, %ne3A_6 : vector<2560x128xi1>
    %add3A = vector.broadcast %select_n3A : i32 to vector<2560x128xi32>
    %add3A_14 = arith.addi %rem3A_4, %add3A : vector<2560x128xi32>
    %select_n3A_15 = arith.select %and3A, %add3A_14, %rem3A_4 : vector<2560x128xi1>, vector<2560x128xi32>
    %broadcast_in_dim3A = arith.constant 0 : i32
    %broadcast_in_dim3A_16 = vector.broadcast %broadcast_in_dim3A : i32 to vector<2560x128xi32>
    %roll3A = arith.constant 1 : i32
    %roll3A_17 = tpu.dynamic_rotate %get3A_1 by %roll3A dim 1 : vector<2560x128xi32>, i32 -> vector<2560x128xi32>
    %eq3A_18 = arith.cmpi eq, %get3A_1, %roll3A_17 : vector<2560x128xi32>
    %ge3A = arith.constant 1 : i32
    %ge3A_19 = vector.broadcast %ge3A : i32 to vector<2560x128xi32>
    %ge3A_20 = arith.cmpi sge, %select_n3A_15, %ge3A_19 : vector<2560x128xi32>
    %and3A_21 = arith.andi %eq3A_18, %ge3A_20 : vector<2560x128xi1>
    %jit3A_22 = arith.constant 1 : i32
    %jit3A_23 = arith.constant 0 : i32
    %broadcast_in_dim3A_24 = vector.broadcast %jit3A_22 : i32 to vector<2560x128xi32>
    %broadcast_in_dim3A_25 = vector.broadcast %jit3A_23 : i32 to vector<2560x128xi32>
    %select_n3A_26 = arith.select %and3A_21, %broadcast_in_dim3A_24, %broadcast_in_dim3A_25 : vector<2560x128xi1>, vector<2560x128xi32>
    %add3A_27 = arith.addi %broadcast_in_dim3A_16, %select_n3A_26 : vector<2560x128xi32>
    %roll3A_28 = arith.constant 2 : i32
    %roll3A_29 = tpu.dynamic_rotate %get3A_1 by %roll3A_28 dim 1 : vector<2560x128xi32>, i32 -> vector<2560x128xi32>
    %eq3A_30 = arith.cmpi eq, %get3A_1, %roll3A_29 : vector<2560x128xi32>
    %ge3A_31 = arith.constant 2 : i32
    %ge3A_32 = vector.broadcast %ge3A_31 : i32 to vector<2560x128xi32>
    %ge3A_33 = arith.cmpi sge, %select_n3A_15, %ge3A_32 : vector<2560x128xi32>
    %and3A_34 = arith.andi %eq3A_30, %ge3A_33 : vector<2560x128xi1>
    %jit3A_35 = arith.constant 1 : i32
    %jit3A_36 = arith.constant 0 : i32
    %broadcast_in_dim3A_37 = vector.broadcast %jit3A_35 : i32 to vector<2560x128xi32>
    %broadcast_in_dim3A_38 = vector.broadcast %jit3A_36 : i32 to vector<2560x128xi32>
    %select_n3A_39 = arith.select %and3A_34, %broadcast_in_dim3A_37, %broadcast_in_dim3A_38 : vector<2560x128xi1>, vector<2560x128xi32>
    %add3A_40 = arith.addi %add3A_27, %select_n3A_39 : vector<2560x128xi32>
    %roll3A_41 = arith.constant 3 : i32
    %roll3A_42 = tpu.dynamic_rotate %get3A_1 by %roll3A_41 dim 1 : vector<2560x128xi32>, i32 -> vector<2560x128xi32>
    %eq3A_43 = arith.cmpi eq, %get3A_1, %roll3A_42 : vector<2560x128xi32>
    %ge3A_44 = arith.constant 3 : i32
    %ge3A_45 = vector.broadcast %ge3A_44 : i32 to vector<2560x128xi32>
    %ge3A_46 = arith.cmpi sge, %select_n3A_15, %ge3A_45 : vector<2560x128xi32>
    %and3A_47 = arith.andi %eq3A_43, %ge3A_46 : vector<2560x128xi1>
    %jit3A_48 = arith.constant 1 : i32
    %jit3A_49 = arith.constant 0 : i32
    %broadcast_in_dim3A_50 = vector.broadcast %jit3A_48 : i32 to vector<2560x128xi32>
    %broadcast_in_dim3A_51 = vector.broadcast %jit3A_49 : i32 to vector<2560x128xi32>
    %select_n3A_52 = arith.select %and3A_47, %broadcast_in_dim3A_50, %broadcast_in_dim3A_51 : vector<2560x128xi1>, vector<2560x128xi32>
    %add3A_53 = arith.addi %add3A_40, %select_n3A_52 : vector<2560x128xi32>
    %roll3A_54 = arith.constant 4 : i32
    %roll3A_55 = tpu.dynamic_rotate %get3A_1 by %roll3A_54 dim 1 : vector<2560x128xi32>, i32 -> vector<2560x128xi32>
    %eq3A_56 = arith.cmpi eq, %get3A_1, %roll3A_55 : vector<2560x128xi32>
    %ge3A_57 = arith.constant 4 : i32
    %ge3A_58 = vector.broadcast %ge3A_57 : i32 to vector<2560x128xi32>
    %ge3A_59 = arith.cmpi sge, %select_n3A_15, %ge3A_58 : vector<2560x128xi32>
    %and3A_60 = arith.andi %eq3A_56, %ge3A_59 : vector<2560x128xi1>
    %jit3A_61 = arith.constant 1 : i32
    %jit3A_62 = arith.constant 0 : i32
    %broadcast_in_dim3A_63 = vector.broadcast %jit3A_61 : i32 to vector<2560x128xi32>
    %broadcast_in_dim3A_64 = vector.broadcast %jit3A_62 : i32 to vector<2560x128xi32>
    %select_n3A_65 = arith.select %and3A_60, %broadcast_in_dim3A_63, %broadcast_in_dim3A_64 : vector<2560x128xi1>, vector<2560x128xi32>
    %add3A_66 = arith.addi %add3A_53, %select_n3A_65 : vector<2560x128xi32>
    %roll3A_67 = arith.constant 5 : i32
    %roll3A_68 = tpu.dynamic_rotate %get3A_1 by %roll3A_67 dim 1 : vector<2560x128xi32>, i32 -> vector<2560x128xi32>
    %eq3A_69 = arith.cmpi eq, %get3A_1, %roll3A_68 : vector<2560x128xi32>
    %ge3A_70 = arith.constant 5 : i32
    %ge3A_71 = vector.broadcast %ge3A_70 : i32 to vector<2560x128xi32>
    %ge3A_72 = arith.cmpi sge, %select_n3A_15, %ge3A_71 : vector<2560x128xi32>
    %and3A_73 = arith.andi %eq3A_69, %ge3A_72 : vector<2560x128xi1>
    %jit3A_74 = arith.constant 1 : i32
    %jit3A_75 = arith.constant 0 : i32
    %broadcast_in_dim3A_76 = vector.broadcast %jit3A_74 : i32 to vector<2560x128xi32>
    %broadcast_in_dim3A_77 = vector.broadcast %jit3A_75 : i32 to vector<2560x128xi32>
    %select_n3A_78 = arith.select %and3A_73, %broadcast_in_dim3A_76, %broadcast_in_dim3A_77 : vector<2560x128xi1>, vector<2560x128xi32>
    %add3A_79 = arith.addi %add3A_66, %select_n3A_78 : vector<2560x128xi32>
    %roll3A_80 = arith.constant 6 : i32
    %roll3A_81 = tpu.dynamic_rotate %get3A_1 by %roll3A_80 dim 1 : vector<2560x128xi32>, i32 -> vector<2560x128xi32>
    %eq3A_82 = arith.cmpi eq, %get3A_1, %roll3A_81 : vector<2560x128xi32>
    %ge3A_83 = arith.constant 6 : i32
    %ge3A_84 = vector.broadcast %ge3A_83 : i32 to vector<2560x128xi32>
    %ge3A_85 = arith.cmpi sge, %select_n3A_15, %ge3A_84 : vector<2560x128xi32>
    %and3A_86 = arith.andi %eq3A_82, %ge3A_85 : vector<2560x128xi1>
    %jit3A_87 = arith.constant 1 : i32
    %jit3A_88 = arith.constant 0 : i32
    %broadcast_in_dim3A_89 = vector.broadcast %jit3A_87 : i32 to vector<2560x128xi32>
    %broadcast_in_dim3A_90 = vector.broadcast %jit3A_88 : i32 to vector<2560x128xi32>
    %select_n3A_91 = arith.select %and3A_86, %broadcast_in_dim3A_89, %broadcast_in_dim3A_90 : vector<2560x128xi1>, vector<2560x128xi32>
    %add3A_92 = arith.addi %add3A_79, %select_n3A_91 : vector<2560x128xi32>
    %roll3A_93 = arith.constant 7 : i32
    %roll3A_94 = tpu.dynamic_rotate %get3A_1 by %roll3A_93 dim 1 : vector<2560x128xi32>, i32 -> vector<2560x128xi32>
    %eq3A_95 = arith.cmpi eq, %get3A_1, %roll3A_94 : vector<2560x128xi32>
    %ge3A_96 = arith.constant 7 : i32
    %ge3A_97 = vector.broadcast %ge3A_96 : i32 to vector<2560x128xi32>
    %ge3A_98 = arith.cmpi sge, %select_n3A_15, %ge3A_97 : vector<2560x128xi32>
    %and3A_99 = arith.andi %eq3A_95, %ge3A_98 : vector<2560x128xi1>
    %jit3A_100 = arith.constant 1 : i32
    %jit3A_101 = arith.constant 0 : i32
    %broadcast_in_dim3A_102 = vector.broadcast %jit3A_100 : i32 to vector<2560x128xi32>
    %broadcast_in_dim3A_103 = vector.broadcast %jit3A_101 : i32 to vector<2560x128xi32>
    %select_n3A_104 = arith.select %and3A_99, %broadcast_in_dim3A_102, %broadcast_in_dim3A_103 : vector<2560x128xi1>, vector<2560x128xi32>
    %add3A_105 = arith.addi %add3A_92, %select_n3A_104 : vector<2560x128xi32>
    %roll3A_106 = arith.constant 8 : i32
    %roll3A_107 = tpu.dynamic_rotate %get3A_1 by %roll3A_106 dim 1 : vector<2560x128xi32>, i32 -> vector<2560x128xi32>
    %eq3A_108 = arith.cmpi eq, %get3A_1, %roll3A_107 : vector<2560x128xi32>
    %ge3A_109 = arith.constant 8 : i32
    %ge3A_110 = vector.broadcast %ge3A_109 : i32 to vector<2560x128xi32>
    %ge3A_111 = arith.cmpi sge, %select_n3A_15, %ge3A_110 : vector<2560x128xi32>
    %and3A_112 = arith.andi %eq3A_108, %ge3A_111 : vector<2560x128xi1>
    %jit3A_113 = arith.constant 1 : i32
    %jit3A_114 = arith.constant 0 : i32
    %broadcast_in_dim3A_115 = vector.broadcast %jit3A_113 : i32 to vector<2560x128xi32>
    %broadcast_in_dim3A_116 = vector.broadcast %jit3A_114 : i32 to vector<2560x128xi32>
    %select_n3A_117 = arith.select %and3A_112, %broadcast_in_dim3A_115, %broadcast_in_dim3A_116 : vector<2560x128xi1>, vector<2560x128xi32>
    %add3A_118 = arith.addi %add3A_105, %select_n3A_117 : vector<2560x128xi32>
    %roll3A_119 = arith.constant 9 : i32
    %roll3A_120 = tpu.dynamic_rotate %get3A_1 by %roll3A_119 dim 1 : vector<2560x128xi32>, i32 -> vector<2560x128xi32>
    %eq3A_121 = arith.cmpi eq, %get3A_1, %roll3A_120 : vector<2560x128xi32>
    %ge3A_122 = arith.constant 9 : i32
    %ge3A_123 = vector.broadcast %ge3A_122 : i32 to vector<2560x128xi32>
    %ge3A_124 = arith.cmpi sge, %select_n3A_15, %ge3A_123 : vector<2560x128xi32>
    %and3A_125 = arith.andi %eq3A_121, %ge3A_124 : vector<2560x128xi1>
    %jit3A_126 = arith.constant 1 : i32
    %jit3A_127 = arith.constant 0 : i32
    %broadcast_in_dim3A_128 = vector.broadcast %jit3A_126 : i32 to vector<2560x128xi32>
    %broadcast_in_dim3A_129 = vector.broadcast %jit3A_127 : i32 to vector<2560x128xi32>
    %select_n3A_130 = arith.select %and3A_125, %broadcast_in_dim3A_128, %broadcast_in_dim3A_129 : vector<2560x128xi1>, vector<2560x128xi32>
    %add3A_131 = arith.addi %add3A_118, %select_n3A_130 : vector<2560x128xi32>
    %roll3A_132 = arith.constant 10 : i32
    %roll3A_133 = tpu.dynamic_rotate %get3A_1 by %roll3A_132 dim 1 : vector<2560x128xi32>, i32 -> vector<2560x128xi32>
    %eq3A_134 = arith.cmpi eq, %get3A_1, %roll3A_133 : vector<2560x128xi32>
    %ge3A_135 = arith.constant 10 : i32
    %ge3A_136 = vector.broadcast %ge3A_135 : i32 to vector<2560x128xi32>
    %ge3A_137 = arith.cmpi sge, %select_n3A_15, %ge3A_136 : vector<2560x128xi32>
    %and3A_138 = arith.andi %eq3A_134, %ge3A_137 : vector<2560x128xi1>
    %jit3A_139 = arith.constant 1 : i32
    %jit3A_140 = arith.constant 0 : i32
    %broadcast_in_dim3A_141 = vector.broadcast %jit3A_139 : i32 to vector<2560x128xi32>
    %broadcast_in_dim3A_142 = vector.broadcast %jit3A_140 : i32 to vector<2560x128xi32>
    %select_n3A_143 = arith.select %and3A_138, %broadcast_in_dim3A_141, %broadcast_in_dim3A_142 : vector<2560x128xi1>, vector<2560x128xi32>
    %add3A_144 = arith.addi %add3A_131, %select_n3A_143 : vector<2560x128xi32>
    %roll3A_145 = arith.constant 11 : i32
    %roll3A_146 = tpu.dynamic_rotate %get3A_1 by %roll3A_145 dim 1 : vector<2560x128xi32>, i32 -> vector<2560x128xi32>
    %eq3A_147 = arith.cmpi eq, %get3A_1, %roll3A_146 : vector<2560x128xi32>
    %ge3A_148 = arith.constant 11 : i32
    %ge3A_149 = vector.broadcast %ge3A_148 : i32 to vector<2560x128xi32>
    %ge3A_150 = arith.cmpi sge, %select_n3A_15, %ge3A_149 : vector<2560x128xi32>
    %and3A_151 = arith.andi %eq3A_147, %ge3A_150 : vector<2560x128xi1>
    %jit3A_152 = arith.constant 1 : i32
    %jit3A_153 = arith.constant 0 : i32
    %broadcast_in_dim3A_154 = vector.broadcast %jit3A_152 : i32 to vector<2560x128xi32>
    %broadcast_in_dim3A_155 = vector.broadcast %jit3A_153 : i32 to vector<2560x128xi32>
    %select_n3A_156 = arith.select %and3A_151, %broadcast_in_dim3A_154, %broadcast_in_dim3A_155 : vector<2560x128xi1>, vector<2560x128xi32>
    %add3A_157 = arith.addi %add3A_144, %select_n3A_156 : vector<2560x128xi32>
    %roll3A_158 = arith.constant 12 : i32
    %roll3A_159 = tpu.dynamic_rotate %get3A_1 by %roll3A_158 dim 1 : vector<2560x128xi32>, i32 -> vector<2560x128xi32>
    %eq3A_160 = arith.cmpi eq, %get3A_1, %roll3A_159 : vector<2560x128xi32>
    %ge3A_161 = arith.constant 12 : i32
    %ge3A_162 = vector.broadcast %ge3A_161 : i32 to vector<2560x128xi32>
    %ge3A_163 = arith.cmpi sge, %select_n3A_15, %ge3A_162 : vector<2560x128xi32>
    %and3A_164 = arith.andi %eq3A_160, %ge3A_163 : vector<2560x128xi1>
    %jit3A_165 = arith.constant 1 : i32
    %jit3A_166 = arith.constant 0 : i32
    %broadcast_in_dim3A_167 = vector.broadcast %jit3A_165 : i32 to vector<2560x128xi32>
    %broadcast_in_dim3A_168 = vector.broadcast %jit3A_166 : i32 to vector<2560x128xi32>
    %select_n3A_169 = arith.select %and3A_164, %broadcast_in_dim3A_167, %broadcast_in_dim3A_168 : vector<2560x128xi1>, vector<2560x128xi32>
    %add3A_170 = arith.addi %add3A_157, %select_n3A_169 : vector<2560x128xi32>
    %roll3A_171 = arith.constant 13 : i32
    %roll3A_172 = tpu.dynamic_rotate %get3A_1 by %roll3A_171 dim 1 : vector<2560x128xi32>, i32 -> vector<2560x128xi32>
    %eq3A_173 = arith.cmpi eq, %get3A_1, %roll3A_172 : vector<2560x128xi32>
    %ge3A_174 = arith.constant 13 : i32
    %ge3A_175 = vector.broadcast %ge3A_174 : i32 to vector<2560x128xi32>
    %ge3A_176 = arith.cmpi sge, %select_n3A_15, %ge3A_175 : vector<2560x128xi32>
    %and3A_177 = arith.andi %eq3A_173, %ge3A_176 : vector<2560x128xi1>
    %jit3A_178 = arith.constant 1 : i32
    %jit3A_179 = arith.constant 0 : i32
    %broadcast_in_dim3A_180 = vector.broadcast %jit3A_178 : i32 to vector<2560x128xi32>
    %broadcast_in_dim3A_181 = vector.broadcast %jit3A_179 : i32 to vector<2560x128xi32>
    %select_n3A_182 = arith.select %and3A_177, %broadcast_in_dim3A_180, %broadcast_in_dim3A_181 : vector<2560x128xi1>, vector<2560x128xi32>
    %add3A_183 = arith.addi %add3A_170, %select_n3A_182 : vector<2560x128xi32>
    %roll3A_184 = arith.constant 14 : i32
    %roll3A_185 = tpu.dynamic_rotate %get3A_1 by %roll3A_184 dim 1 : vector<2560x128xi32>, i32 -> vector<2560x128xi32>
    %eq3A_186 = arith.cmpi eq, %get3A_1, %roll3A_185 : vector<2560x128xi32>
    %ge3A_187 = arith.constant 14 : i32
    %ge3A_188 = vector.broadcast %ge3A_187 : i32 to vector<2560x128xi32>
    %ge3A_189 = arith.cmpi sge, %select_n3A_15, %ge3A_188 : vector<2560x128xi32>
    %and3A_190 = arith.andi %eq3A_186, %ge3A_189 : vector<2560x128xi1>
    %jit3A_191 = arith.constant 1 : i32
    %jit3A_192 = arith.constant 0 : i32
    %broadcast_in_dim3A_193 = vector.broadcast %jit3A_191 : i32 to vector<2560x128xi32>
    %broadcast_in_dim3A_194 = vector.broadcast %jit3A_192 : i32 to vector<2560x128xi32>
    %select_n3A_195 = arith.select %and3A_190, %broadcast_in_dim3A_193, %broadcast_in_dim3A_194 : vector<2560x128xi1>, vector<2560x128xi32>
    %add3A_196 = arith.addi %add3A_183, %select_n3A_195 : vector<2560x128xi32>
    %roll3A_197 = arith.constant 15 : i32
    %roll3A_198 = tpu.dynamic_rotate %get3A_1 by %roll3A_197 dim 1 : vector<2560x128xi32>, i32 -> vector<2560x128xi32>
    %eq3A_199 = arith.cmpi eq, %get3A_1, %roll3A_198 : vector<2560x128xi32>
    %ge3A_200 = arith.constant 15 : i32
    %ge3A_201 = vector.broadcast %ge3A_200 : i32 to vector<2560x128xi32>
    %ge3A_202 = arith.cmpi sge, %select_n3A_15, %ge3A_201 : vector<2560x128xi32>
    %and3A_203 = arith.andi %eq3A_199, %ge3A_202 : vector<2560x128xi1>
    %jit3A_204 = arith.constant 1 : i32
    %jit3A_205 = arith.constant 0 : i32
    %broadcast_in_dim3A_206 = vector.broadcast %jit3A_204 : i32 to vector<2560x128xi32>
    %broadcast_in_dim3A_207 = vector.broadcast %jit3A_205 : i32 to vector<2560x128xi32>
    %select_n3A_208 = arith.select %and3A_203, %broadcast_in_dim3A_206, %broadcast_in_dim3A_207 : vector<2560x128xi1>, vector<2560x128xi32>
    %add3A_209 = arith.addi %add3A_196, %select_n3A_208 : vector<2560x128xi32>
    %min3A = arith.constant 3 : i32
    %min3A_210 = vector.broadcast %min3A : i32 to vector<2560x128xi32>
    %min3A_211 = arith.minsi %add3A_209, %min3A_210 : vector<2560x128xi32>
    %shift_left3A = arith.constant 28 : i32
    %shift_left3A_212 = vector.broadcast %shift_left3A : i32 to vector<2560x128xi32>
    %shift_left3A_213 = arith.shli %min3A_211, %shift_left3A_212 : vector<2560x128xi32>
    %or3A = arith.ori %get3A_1, %shift_left3A_213 : vector<2560x128xi32>
    %swap3A = arith.constant 0 : index
    %swap3A_214 = arith.constant 0 : index
    %swap3A_215 = vector.load %arg1[%swap3A, %swap3A_214] : memref<2560x128xi32, #tpu.memory_space<vmem>>, vector<2560x128xi32>
    tpu.vector_store %arg1[%swap3A, %swap3A_214], %or3A {strides = array<i32>} : memref<2560x128xi32, #tpu.memory_space<vmem>>, vector<2560x128xi32>,
    return
  }
}

module attributes {stable_mosaic.version = 14 : i64} {
  func.func @body(%arg0: memref<2x10368x128xf32, #tpu.memory_space<vmem>>, %arg1: memref<10000x128xf32, #tpu.memory_space<vmem>>) attributes {dimension_semantics = [], scalar_prefetch = 0 : i64, scratch_operands = 0 : i64, tpu.core_type = #tpu.core_type<tc>} {
    %get3A = arith.constant 0 : index
    %get3A_0 = arith.constant 0 : index
    %get3A_1 = arith.constant 0 : index
    %get3A_2 = vector.load %arg0[%get3A, %get3A_0, %get3A_1] : memref<2x10368x128xf32, #tpu.memory_space<vmem>>, vector<1x10000x1xf32>
    %get3A_3 = vector.shape_cast %get3A_2 : vector<1x10000x1xf32> to vector<10000x1xf32>
    %get3A_4 = arith.constant 1 : index
    %get3A_5 = arith.constant 0 : index
    %get3A_6 = arith.constant 0 : index
    %get3A_7 = vector.load %arg0[%get3A_4, %get3A_5, %get3A_6] : memref<2x10368x128xf32, #tpu.memory_space<vmem>>, vector<1x10000x1xf32>
    %get3A_8 = vector.shape_cast %get3A_7 : vector<1x10000x1xf32> to vector<10000x1xf32>
    %add3A = arith.addf %get3A_3, %get3A_8 : vector<10000x1xf32>
    %max3A = arith.constant 1.000000e+00 : f32
    %max3A_9 = vector.broadcast %max3A : f32 to vector<10000x1xf32>
    %max3A_10 = arith.maximumf %add3A, %max3A_9 : vector<10000x1xf32>
    %rsqrt3A = math.rsqrt %max3A_10 : vector<10000x1xf32>
    %broadcast_in_dim3A = vector.shape_cast %rsqrt3A : vector<10000x1xf32> to vector<10000x1xf32>
    %broadcast_in_dim3A_11 = vector.broadcast %broadcast_in_dim3A : vector<10000x1xf32> to vector<10000x128xf32>
    %swap3A = arith.constant 0 : index
    %swap3A_12 = arith.constant 0 : index
    %swap3A_13 = vector.load %arg1[%swap3A, %swap3A_12] : memref<10000x128xf32, #tpu.memory_space<vmem>>, vector<10000x128xf32>
    tpu.vector_store %arg1[%swap3A, %swap3A_12], %broadcast_in_dim3A_11 {strides = array<i32>} : memref<10000x128xf32, #tpu.memory_space<vmem>>, vector<10000x128xf32>,
    return
  }
}

module attributes {stable_mosaic.version = 14 : i64} {
  func.func @body(%arg0: memref<10000x128xf32, #tpu.memory_space<vmem>>, %arg1: memref<128x128xf32, #tpu.memory_space<vmem>>, %arg2: memref<10000x128xf32, #tpu.memory_space<vmem>>, %arg3: memref<10000x128xf32, #tpu.memory_space<vmem>>) attributes {dimension_semantics = [], scalar_prefetch = 0 : i64, scratch_operands = 0 : i64, tpu.core_type = #tpu.core_type<tc>} {
    %get3A = arith.constant 0 : index
    %get3A_0 = arith.constant 0 : index
    %get3A_1 = vector.load %arg0[%get3A, %get3A_0] : memref<10000x128xf32, #tpu.memory_space<vmem>>, vector<10000x128xf32>
    %get3A_2 = arith.constant 0 : index
    %get3A_3 = arith.constant 0 : index
    %get3A_4 = vector.load %arg1[%get3A_2, %get3A_3] : memref<128x128xf32, #tpu.memory_space<vmem>>, vector<128x128xf32>
    %dot_general3A = arith.constant dense<0.000000e+00> : vector<10000x128xf32>
    %dot_general3A_5 = tpu.matmul %get3A_1, %get3A_4, %dot_general3A {dimension_numbers = #tpu.dot_dimension_numbers<[1], [0], [0], [1], [0, 0, 1, 1], [], []>, transpose_lhs_hint = false} : vector<10000x128xf32>, vector<128x128xf32>, vector<10000x128xf32> -> vector<10000x128xf32>
    %get3A_6 = arith.constant 0 : index
    %get3A_7 = arith.constant 0 : index
    %get3A_8 = vector.load %arg2[%get3A_6, %get3A_7] : memref<10000x128xf32, #tpu.memory_space<vmem>>, vector<10000x128xf32>
    %mul3A = arith.mulf %dot_general3A_5, %get3A_8 : vector<10000x128xf32>
    %swap3A = arith.constant 0 : index
    %swap3A_9 = arith.constant 0 : index
    %swap3A_10 = vector.load %arg3[%swap3A, %swap3A_9] : memref<10000x128xf32, #tpu.memory_space<vmem>>, vector<10000x128xf32>
    tpu.vector_store %arg3[%swap3A, %swap3A_9], %mul3A {strides = array<i32>} : memref<10000x128xf32, #tpu.memory_space<vmem>>, vector<10000x128xf32>,
    return
  }
}

module attributes {stable_mosaic.version = 14 : i64} {
  func.func @body(%arg0: memref<2x10368x128xf32, #tpu.memory_space<vmem>>, %arg1: memref<10000x128xf32, #tpu.memory_space<vmem>>, %arg2: memref<10000x128xf32, #tpu.memory_space<vmem>>, %arg3: memref<1x128xf32, #tpu.memory_space<vmem>>, %arg4: memref<10000x128xf32, #tpu.memory_space<vmem>>) attributes {dimension_semantics = [], scalar_prefetch = 0 : i64, scratch_operands = 0 : i64, tpu.core_type = #tpu.core_type<tc>} {
    %get3A = arith.constant 0 : index
    %get3A_0 = arith.constant 0 : index
    %get3A_1 = arith.constant 0 : index
    %get3A_2 = vector.load %arg0[%get3A, %get3A_0, %get3A_1] : memref<2x10368x128xf32, #tpu.memory_space<vmem>>, vector<1x10000x128xf32>
    %get3A_3 = vector.shape_cast %get3A_2 : vector<1x10000x128xf32> to vector<10000x128xf32>
    %get3A_4 = arith.constant 1 : index
    %get3A_5 = arith.constant 0 : index
    %get3A_6 = arith.constant 0 : index
    %get3A_7 = vector.load %arg0[%get3A_4, %get3A_5, %get3A_6] : memref<2x10368x128xf32, #tpu.memory_space<vmem>>, vector<1x10000x128xf32>
    %get3A_8 = vector.shape_cast %get3A_7 : vector<1x10000x128xf32> to vector<10000x128xf32>
    %add3A = arith.addf %get3A_3, %get3A_8 : vector<10000x128xf32>
    %get3A_9 = arith.constant 0 : index
    %get3A_10 = arith.constant 0 : index
    %get3A_11 = vector.load %arg1[%get3A_9, %get3A_10] : memref<10000x128xf32, #tpu.memory_space<vmem>>, vector<10000x128xf32>
    %mul3A = arith.mulf %add3A, %get3A_11 : vector<10000x128xf32>
    %get3A_12 = arith.constant 0 : index
    %get3A_13 = arith.constant 0 : index
    %get3A_14 = vector.load %arg3[%get3A_12, %get3A_13] : memref<1x128xf32, #tpu.memory_space<vmem>>, vector<1x128xf32>
    %add3A_15 = vector.broadcast %get3A_14 : vector<1x128xf32> to vector<10000x128xf32>
    %add3A_16 = arith.addf %mul3A, %add3A_15 : vector<10000x128xf32>
    %max3A = arith.constant 0.000000e+00 : f32
    %max3A_17 = vector.broadcast %max3A : f32 to vector<10000x128xf32>
    %max3A_18 = arith.maximumf %add3A_16, %max3A_17 : vector<10000x128xf32>
    %get3A_19 = arith.constant 0 : index
    %get3A_20 = arith.constant 0 : index
    %get3A_21 = vector.load %arg2[%get3A_19, %get3A_20] : memref<10000x128xf32, #tpu.memory_space<vmem>>, vector<10000x128xf32>
    %mul3A_22 = arith.mulf %max3A_18, %get3A_21 : vector<10000x128xf32>
    %swap3A = arith.constant 0 : index
    %swap3A_23 = arith.constant 0 : index
    %swap3A_24 = vector.load %arg4[%swap3A, %swap3A_23] : memref<10000x128xf32, #tpu.memory_space<vmem>>, vector<10000x128xf32>
    tpu.vector_store %arg4[%swap3A, %swap3A_23], %mul3A_22 {strides = array<i32>} : memref<10000x128xf32, #tpu.memory_space<vmem>>, vector<10000x128xf32>,
    return
  }
}

module attributes {stable_mosaic.version = 14 : i64} {
  func.func @body(%arg0: memref<2x10368x128xf32, #tpu.memory_space<vmem>>, %arg1: memref<10000x128xf32, #tpu.memory_space<vmem>>, %arg2: memref<10000x128xf32, #tpu.memory_space<vmem>>, %arg3: memref<1x128xf32, #tpu.memory_space<vmem>>, %arg4: memref<128x128xf32, #tpu.memory_space<vmem>>, %arg5: memref<128x128xf32, #tpu.memory_space<vmem>>, %arg6: memref<128x16xf32, #tpu.memory_space<vmem>>, %arg7: memref<1x16xf32, #tpu.memory_space<vmem>>, %arg8: memref<10000x16xf32, #tpu.memory_space<vmem>>) attributes {dimension_semantics = [], scalar_prefetch = 0 : i64, scratch_operands = 0 : i64, tpu.core_type = #tpu.core_type<tc>} {
    %get3A = arith.constant 0 : index
    %get3A_0 = arith.constant 0 : index
    %get3A_1 = arith.constant 0 : index
    %get3A_2 = vector.load %arg0[%get3A, %get3A_0, %get3A_1] : memref<2x10368x128xf32, #tpu.memory_space<vmem>>, vector<1x10000x128xf32>
    %get3A_3 = vector.shape_cast %get3A_2 : vector<1x10000x128xf32> to vector<10000x128xf32>
    %get3A_4 = arith.constant 1 : index
    %get3A_5 = arith.constant 0 : index
    %get3A_6 = arith.constant 0 : index
    %get3A_7 = vector.load %arg0[%get3A_4, %get3A_5, %get3A_6] : memref<2x10368x128xf32, #tpu.memory_space<vmem>>, vector<1x10000x128xf32>
    %get3A_8 = vector.shape_cast %get3A_7 : vector<1x10000x128xf32> to vector<10000x128xf32>
    %add3A = arith.addf %get3A_3, %get3A_8 : vector<10000x128xf32>
    %get3A_9 = arith.constant 0 : index
    %get3A_10 = arith.constant 0 : index
    %get3A_11 = vector.load %arg1[%get3A_9, %get3A_10] : memref<10000x128xf32, #tpu.memory_space<vmem>>, vector<10000x128xf32>
    %mul3A = arith.mulf %add3A, %get3A_11 : vector<10000x128xf32>
    %get3A_12 = arith.constant 0 : index
    %get3A_13 = arith.constant 0 : index
    %get3A_14 = vector.load %arg4[%get3A_12, %get3A_13] : memref<128x128xf32, #tpu.memory_space<vmem>>, vector<128x128xf32>
    %get3A_15 = arith.constant 0 : index
    %get3A_16 = arith.constant 0 : index
    %get3A_17 = vector.load %arg6[%get3A_15, %get3A_16] : memref<128x16xf32, #tpu.memory_space<vmem>>, vector<128x16xf32>
    %dot_general3A = arith.constant dense<0.000000e+00> : vector<128x16xf32>
    %dot_general3A_18 = tpu.matmul %get3A_14, %get3A_17, %dot_general3A {dimension_numbers = #tpu.dot_dimension_numbers<[1], [0], [0], [1], [0, 0, 1, 1], [], []>, transpose_lhs_hint = false} : vector<128x128xf32>, vector<128x16xf32>, vector<128x16xf32> -> vector<128x16xf32>
    %get3A_19 = arith.constant 0 : index
    %get3A_20 = arith.constant 0 : index
    %get3A_21 = vector.load %arg5[%get3A_19, %get3A_20] : memref<128x128xf32, #tpu.memory_space<vmem>>, vector<128x128xf32>
    %get3A_22 = arith.constant 0 : index
    %get3A_23 = arith.constant 0 : index
    %get3A_24 = vector.load %arg6[%get3A_22, %get3A_23] : memref<128x16xf32, #tpu.memory_space<vmem>>, vector<128x16xf32>
    %dot_general3A_25 = arith.constant dense<0.000000e+00> : vector<128x16xf32>
    %dot_general3A_26 = tpu.matmul %get3A_21, %get3A_24, %dot_general3A_25 {dimension_numbers = #tpu.dot_dimension_numbers<[1], [0], [0], [1], [0, 0, 1, 1], [], []>, transpose_lhs_hint = false} : vector<128x128xf32>, vector<128x16xf32>, vector<128x16xf32> -> vector<128x16xf32>
    %get3A_27 = arith.constant 0 : index
    %get3A_28 = arith.constant 0 : index
    %get3A_29 = vector.load %arg3[%get3A_27, %get3A_28] : memref<1x128xf32, #tpu.memory_space<vmem>>, vector<1x128xf32>
    %get3A_30 = arith.constant 0 : index
    %get3A_31 = arith.constant 0 : index
    %get3A_32 = vector.load %arg6[%get3A_30, %get3A_31] : memref<128x16xf32, #tpu.memory_space<vmem>>, vector<128x16xf32>
    %dot_general3A_33 = arith.constant dense<0.000000e+00> : vector<1x16xf32>
    %dot_general3A_34 = tpu.matmul %get3A_29, %get3A_32, %dot_general3A_33 {dimension_numbers = #tpu.dot_dimension_numbers<[1], [0], [0], [1], [0, 0, 1, 1], [], []>, transpose_lhs_hint = false} : vector<1x128xf32>, vector<128x16xf32>, vector<1x16xf32> -> vector<1x16xf32>
    %dot_general3A_35 = arith.constant dense<0.000000e+00> : vector<10000x16xf32>
    %dot_general3A_36 = tpu.matmul %mul3A, %dot_general3A_18, %dot_general3A_35 {dimension_numbers = #tpu.dot_dimension_numbers<[1], [0], [0], [1], [0, 0, 1, 1], [], []>, transpose_lhs_hint = false} : vector<10000x128xf32>, vector<128x16xf32>, vector<10000x16xf32> -> vector<10000x16xf32>
    %add3A_37 = vector.broadcast %dot_general3A_34 : vector<1x16xf32> to vector<10000x16xf32>
    %add3A_38 = arith.addf %dot_general3A_36, %add3A_37 : vector<10000x16xf32>
    %get3A_39 = arith.constant 0 : index
    %get3A_40 = arith.constant 0 : index
    %get3A_41 = vector.load %arg2[%get3A_39, %get3A_40] : memref<10000x128xf32, #tpu.memory_space<vmem>>, vector<10000x128xf32>
    %dot_general3A_42 = arith.constant dense<0.000000e+00> : vector<10000x16xf32>
    %dot_general3A_43 = tpu.matmul %get3A_41, %dot_general3A_26, %dot_general3A_42 {dimension_numbers = #tpu.dot_dimension_numbers<[1], [0], [0], [1], [0, 0, 1, 1], [], []>, transpose_lhs_hint = false} : vector<10000x128xf32>, vector<128x16xf32>, vector<10000x16xf32> -> vector<10000x16xf32>
    %add3A_44 = arith.addf %add3A_38, %dot_general3A_43 : vector<10000x16xf32>
    %get3A_45 = arith.constant 0 : index
    %get3A_46 = arith.constant 0 : index
    %get3A_47 = vector.load %arg7[%get3A_45, %get3A_46] : memref<1x16xf32, #tpu.memory_space<vmem>>, vector<1x16xf32>
    %add3A_48 = vector.broadcast %get3A_47 : vector<1x16xf32> to vector<10000x16xf32>
    %add3A_49 = arith.addf %add3A_44, %add3A_48 : vector<10000x16xf32>
    %swap3A = arith.constant 0 : index
    %swap3A_50 = arith.constant 0 : index
    %swap3A_51 = vector.load %arg8[%swap3A, %swap3A_50] : memref<10000x16xf32, #tpu.memory_space<vmem>>, vector<10000x16xf32>
    tpu.vector_store %arg8[%swap3A, %swap3A_50], %add3A_49 {strides = array<i32>} : memref<10000x16xf32, #tpu.memory_space<vmem>>, vector<10000x16xf32>,
    return
  }
}

</mosaic_0001>

<sc_bundles>
// kernel: kernel.13.cloned.1.call-start
scs
__scs_entry_jumppad:
0x0: {  	(pc) =	sbr.rel $0x88, $3  }
0x1: {  	(tag) =	ssettag $0x0;
	lr =	simm.s32 $0x1  }
0x2: {  	[smem:$0x3F98] =	sst lr;
	_ =	strace $0xD0000000  }
0x3: {  	_ = 	snop  }
0x4: {  	_ = 	snop  }
0x5: {  	_ = 	snop  }
0x6: {  	_ = 	snop  }
0x7: {  	_ = 	snop  }
__scs_overlays_trampoline_lowered:
0x8: {  	[smem:$0x3FA7] =	sst s0  }
0x9: {  	[smem:$0x3FA8] =	sst s1  }
0xa: {  	[smem:$0x3FA9] =	sst s2  }
0xb: {  	[smem:$0x3FAA] =	sst s3  }
0xc: {  	[smem:$0x3FAB] =	sst s4  }
0xd: {  	[smem:$0x3FAC] =	sst s5  }
0xe: {  	[smem:$0x3FAD] =	sst s6  }
0xf: {  	[smem:$0x3FAE] =	sst s7  }
0x10: {  	[smem:$0x3FAF] =	sst s8  }
0x11: {  	[smem:$0x3FB0] =	sst s9;
	s0 =	simm.s32 @!p0 $0x0  }
0x12: {  	s1 =	sld [smem:$0x3F96];
	s0 =	simm.s32 @p0 $0x1  }
0x13: {  	[smem:$0x3FB1] =	sst s0;
	s0 =	simm.s32 @!p1 $0x0  }
0x14: {  	s2 =	sld [smem:$0x3F95];
	s0 =	simm.s32 @p1 $0x1  }
0x15: {  	[smem:$0x3FB2] =	sst s0;
	s0 =	simm.s32 @!p2 $0x0  }
0x16: {  	s3 =	sld [smem:$0x3FDB];
	s0 =	simm.s32 @p2 $0x1  }
0x17: {  	s4 =	simm.s32 $0x1BF5;
	[smem:$0x3FB4] =	sst s0  }
0x18: {  	s0 =	sld [smem:$0x3F97];
	_ =	swait.ge [sflag:s4], $0x0  }
0x19: {  	s7 =	sld [smem:$0x3F98]  }
0x1a: {  	s8 =	sadd.s32 $0xFFFFE003, lr  }
0x1b: {  	s9 =	sadd.s32 $0xFFFFFEF7, lr;
	s5 =	simm.s32 $0xFFFFFFFF;
	p2 =	slt.u32 s8, $0xFFFFF086  }
0x1c: {  	p1 =	slt.u32 s9, $0xF7A;
	s5 =	simm.s32 @!p2 $0x0  }
0x1d: {  	s5 =	simm.s32 @p1 $0x1;
	p0 =	seq.s32 s7, s2  }
0x1e: {  	s7 =	smul.u32 @!p0 $0xF7A, s2;
	p2 =	seq.s32 @!p0 s5, $0x0  }
0x1f: {  	s9 =	smul.u32 $0xF7A, s1;
	s8 =	simm.s32 @!p0 $0x1BF5;
	p2 =	por !p2, p0  }
0x20: {  	[sflag:s8] =	ssyncset.s32 @!p0 $0xFFFFF086;
	s6 =	sadd.s32 @!p0 s3, s7;
	s7 =	simm.s32 @!p0 $0x108  }
0x21: {  	s3 =	sadd.s32 s3, s9;
	s6 =	sadd.s32 @!p0 $0x88, s6;
	s7 =	simm.s32 @p2 $0x1082  }
0x22: {  	[simem:s7], [sflag:s8] =	dma.local @!p0 [hbm:s6], $0xF7A  }
0x23: {  	s9 =	sor.u32 $0xD0000000, s2;
	s6 =	simm.s32 $0x108;
	_ =	swait.ge @!p0 [sflag:s8], $0x0  }
0x24: {  	s3 =	sadd.s32 $0x88, s3;
	s6 =	simm.s32 @!p1 $0x1082;
	[sflag:s4] =	ssyncset.s32 $0xFFFFF086  }
0x25: {  	[simem:s6], [sflag:s4] =	dma.local [hbm:s3], $0xF7A  }
0x26: {  	[smem:$0x3F98] =	sst s1;
	(tag) =	ssettag s2;
	_ =	strace s9  }
0x27: {  	s1 =	sld [smem:$0x3FA8]  }
0x28: {  	s2 =	sld [smem:$0x3FA9]  }
0x29: {  	s4 =	sld [smem:$0x3FAB]  }
0x2a: {  	p0 =	seq.s32 s5, $0x0;
	s5 =	sld [smem:$0x3FAC]  }
0x2b: {  	s6 =	sld [smem:$0x3FAD]  }
0x2c: {  	s7 =	sld [smem:$0x3FAE]  }
0x2d: {  	s3 =	simm.s32 $0x108;
	s8 =	sld [smem:$0x3FAF]  }
0x2e: {  	s3 =	simm.s32 @!p0 $0x1082;
	s9 =	sld [smem:$0x3FB0]  }
0x2f: {  	lr =	sadd.s32 s0, s3;
	s0 =	sld [smem:$0x3FA7]  }
0x30: {  	s3 =	sld [smem:$0x3FAA]  }
0x31: {  	[smem:$0x3FB3] =	sst s10  }
0x32: {  	s10 =	sld [smem:$0x3FB1];
	_ =	sdelay $0x3  }
0x33: {  	p0 =	seq.s32 s10, $0x1;
	s10 =	sld [smem:$0x3FB3];
	_ =	sdelay $0x3  }
0x34: {  	[smem:$0x3FB3] =	sst s10  }
0x35: {  	s10 =	sld [smem:$0x3FB2];
	_ =	sdelay $0x3  }
0x36: {  	p1 =	seq.s32 s10, $0x1;
	s10 =	sld [smem:$0x3FB3];
	_ =	sdelay $0x3  }
0x37: {  	[smem:$0x3FB3] =	sst s10  }
0x38: {  	s10 =	sld [smem:$0x3FB4]  }
0x39: {  	_ = 	snop;
	(pc) =	sbr.ind lr, $3  }
0x3a: {  	_ = 	snop  }
0x3b: {  	_ = 	snop  }
0x3c: {  	p2 =	seq.s32 s10, $0x1;
	s10 =	sld [smem:$0x3FB3]  }
0x3d: {  	_ =	shalt  }
0x3e: {  	_ =	shalt  }
0x3f: {  	_ =	shalt  }
0x40: {  	_ =	shalt  }
0x41: {  	_ =	shalt  }
0x42: {  	_ =	shalt  }
0x43: {  	_ =	shalt  }
0x44: {  	_ =	shalt  }
0x45: {  	_ =	shalt  }
0x46: {  	_ =	shalt  }
0x47: {  	_ =	shalt  }
0x48: {  	_ =	shalt  }
0x49: {  	_ =	shalt  }
0x4a: {  	_ =	shalt  }
0x4b: {  	_ =	shalt  }
0x4c: {  	_ =	shalt  }
0x4d: {  	_ =	shalt  }
0x4e: {  	_ =	shalt  }
0x4f: {  	_ =	shalt  }
0x50: {  	_ =	shalt  }
0x51: {  	_ =	shalt  }
0x52: {  	_ =	shalt  }
0x53: {  	_ =	shalt  }
0x54: {  	_ =	shalt  }
0x55: {  	_ =	shalt  }
0x56: {  	_ =	shalt  }
0x57: {  	_ =	shalt  }
0x58: {  	_ =	shalt  }
0x59: {  	_ =	shalt  }
0x5a: {  	_ =	shalt  }
0x5b: {  	_ =	shalt  }
0x5c: {  	_ =	shalt  }
0x5d: {  	_ =	shalt  }
0x5e: {  	_ =	shalt  }
0x5f: {  	_ =	shalt  }
0x60: {  	_ =	shalt  }
0x61: {  	_ =	shalt  }
0x62: {  	_ =	shalt  }
0x63: {  	_ =	shalt  }
0x64: {  	_ =	shalt  }
0x65: {  	_ =	shalt  }
0x66: {  	_ =	shalt  }
0x67: {  	_ =	shalt  }
0x68: {  	_ =	shalt  }
0x69: {  	_ =	shalt  }
0x6a: {  	_ =	shalt  }
0x6b: {  	_ =	shalt  }
0x6c: {  	_ =	shalt  }
0x6d: {  	_ =	shalt  }
0x6e: {  	_ =	shalt  }
0x6f: {  	_ =	shalt  }
0x70: {  	_ =	shalt  }
0x71: {  	_ =	shalt  }
0x72: {  	_ =	shalt  }
0x73: {  	_ =	shalt  }
0x74: {  	_ =	shalt  }
0x75: {  	_ =	shalt  }
0x76: {  	_ =	shalt  }
0x77: {  	_ =	shalt  }
0x78: {  	_ =	shalt  }
0x79: {  	_ =	shalt  }
0x7a: {  	_ =	shalt  }
0x7b: {  	_ =	shalt  }
0x7c: {  	_ =	shalt  }
0x7d: {  	_ =	shalt  }
0x7e: {  	_ =	shalt  }
0x7f: {  	_ =	shalt  }
0x80: {  	_ =	shalt  }
0x81: {  	_ =	shalt  }
0x82: {  	_ =	shalt  }
0x83: {  	_ =	shalt  }
0x84: {  	_ =	shalt  }
0x85: {  	_ =	shalt  }
0x86: {  	_ =	shalt  }
0x87: {  	_ =	shalt  }
.Lfunc_end0:
.L_simem_size_0:
called_computation_lowered:
.L_overlay_start_0:
0x88: {  	s2 =	sld [smem:$0x3FD9]  }
0x89: {  	s3 =	sld [smem:$0x3FFE];
	_ =	sdelay $0x1  }
0x8a: {  	s1 =	srdreg.scid  }
0x8b: {  	s0 =	sand.u32 $0x1, s1  }
0x8c: {  	s17 =	sshll.u32 s0, $0xA;
	s2 =	sadd.s32 s3, s2  }
0x8d: {  	s2 =	sadd.s32 s2, s17  }
0x8e: {  	[smem:$0x3FBF] =	sst s2  }
0x8f: {  	_ = 	snop  }
0x90: {  	s18 =	sld [smem:$0x3FD0];
	(tm) =	ssettm $0x1  }
0x91: {  	s19 =	sld [smem:$0x3FFB];
	_ =	sdelay $0x3  }
0x92: {  	_ =	strace s19  }
0x93: {  	s2 =	sld [smem:$0x3FFC];
	_ =	sdelay $0x3  }
0x94: {  	_ =	strace s2  }
0x95: {  	s2 =	sld [smem:$0x3FFD];
	_ =	sdelay $0x3  }
0x96: {  	_ =	strace s2  }
0x97: {  	_ =	strace $0x8FFFFFFF  }
0x98: {  	s20 =	sld [smem:$0x3FDB];
	_ =	sdelay $0x1  }
0x99: {  	s4 =	simm.s32 $_scs_section_size  }
0x9a: {  	s5 =	simm.s32 $_size__tile_overlayer_lowered;
	s6 =	simm.s32 $_tile_overlayer_lowered  }
0x9b: {  	s7 =	simm.s32 $0x1BFF;
	s21 =	sshll.u32 s6, $0x1;
	s4 =	sadd.s32 s4, s20  }
0x9c: {  	s22 =	simm.s32 $0x0;
	s5 =	sshll.u32 s5, $0x1;
	s6 =	sadd.s32 s21, s4  }
0x9d: {  	[timem:s22], [sflag:s7] =	dma.local [hbm:s6], s5  }
0x9e: {  	_ =	swait.ge [sflag:s7], s5  }
0x9f: {  	s5 =	ssub.s32 $0x0, s5;
	[sflag:s7] =	ssyncset.done $0x0  }
0xa0: {  	[sflag:s7] =	ssyncadd.s32 s5;
	_ =	sdelay $0x1  }
0xa1: {  	s23 =	simm.s32 $0x1B8B  }
0xa2: {  	_ =	swait.ge [sflag:s23], $0x1  }
0xa3: {  	[sflag:s23] =	ssyncset.done $0x0  }
0xa4: {  	[sflag:s23] =	ssyncadd.s32 $0xFFFFFFFF  }
0xa5: {  	s5 =	sld [smem:$0x0]  }
0xa6: {  	s6 =	sand.u32 $0xFFFFFFFE, s1  }
0xa7: {  	p0 =	sne.s32 s1, s6  }
0xa8: {  	s6 =	sshll.u32 @p0 s6, $0xE  }
0xa9: {  	s6 =	sadd.s32 @p0 $0x11B8D, s6;
	s7 =	sshll.u32 @p0 s5, $0x11  }
0xaa: {  	s6 =	sor.u32 @p0 s7, s6  }
0xab: {  	[sflag:s6] =	ssyncadd.remote.s32 @p0 $0x1;
	_ =	sdelay $0x1  }
0xac: {  	s6 =	simm.s32 @p0 $0x1B8D  }
0xad: {  	_ =	swait.eq @p0 [sflag:s6], $0x1  }
0xae: {  	[sflag:s6] =	ssyncadd.s32 @p0 $0xFFFFFFFF  }
0xaf: {  	s7 =	sshll.u32 @!p0 s1, $0xE  }
0xb0: {  	s7 =	sor.u32 @!p0 $0x4000, s7;
	s6 =	simm.s32 @!p0 $0x1B8D  }
0xb1: {  	s5 =	sshll.u32 @!p0 s5, $0x11;
	s7 =	sadd.s32 @!p0 $0x11B8D, s7;
	_ =	swait.eq @!p0 [sflag:s6], $0x1  }
0xb2: {  	s5 =	sor.u32 @!p0 s5, s7;
	[sflag:s6] =	ssyncadd.s32 @!p0 $0xFFFFFFFF  }
0xb3: {  	s25 =	simm.s32 $0x1B8E;
	s24 =	sld [smem:$0x3FFE];
	[sflag:s5] =	ssyncadd.remote.s32 @!p0 $0x1  }
0xb4: {  	s26 =	simm.s32 $execute0_lowered;
	[smem:$0x3FD2] =	sst s25  }
0xb5: {  	s6 =	sshll.u32 s26, $0x1;
	_ =	strace $0x80000049;
	[dreg:$0x1] =	wrdreg $0xFFFFFFFF  }
0xb6: {  	s28 =	simm.s32 $_size_execute0_lowered;
	s4 =	sadd.s32 s4, s6;
	[dreg:$0x0] =	wrdreg $0x0  }
0xb7: {  	s6 =	sshll.u32 s28, $0x1;
	[dreg:$0x2] =	wrdreg s4  }
0xb8: {  	[dreg:$0x3] =	wrdreg s6  }
0xb9: {  	[dreg:$0x4] =	wrdreg $0xC0  }
0xba: {  	_ =	task [dreg:s22], $0x5FFFF  }
0xbb: {  	[dreg:$0x1] =	wrdreg $0xFFFFFFFF  }
0xbc: {  	[dreg:$0x0] =	wrdreg $0x60  }
0xbd: {  	[dreg:$0x2] =	wrdreg s24  }
0xbe: {  	[dreg:$0x3] =	wrdreg s18  }
0xbf: {  	[dreg:$0x4] =	wrdreg $0x30000  }
0xc0: {  	[dreg:$0x5] =	wrdreg $0x9  }
0xc1: {  	_ =	task.clear_ibuf [dreg:s22], $0x6FFFF;
	_ =	strace $0x90000049  }
0xc2: {  	s29 =	simm.s32 $0x9;
	_ =	strace $0x8000004B  }
0xc3: {  	_ =	swait.ge [sflag:s29], $0x1  }
0xc4: {  	[sflag:s29] =	ssyncadd.s32 $0xFFFFFFFF  }
0xc5: {  	_ =	strace $0x9000004B  }
0xc6: {  	_ =	sfence  }
0xc7: {  	s30 =	sld [smem:$0x0];
	_ =	sdelay $0x2  }
0xc8: {  	s31 =	sshll.u32 s1, $0xD;
	s1 =	sshrl.u32 s1, $0x2  }
0xc9: {  	s4 =	sand.u32 $0x4000, s31;
	s1 =	sadd.s32 s1, s30  }
0xca: {  	s0 =	sor.u32 s4, s0;
	s1 =	sshll.u32 s1, $0x11  }
0xcb: {  	s0 =	sor.u32 s1, s0  }
0xcc: {  	s0 =	sadd.s32 $0x8F2B, s0  }
0xcd: {  	[sflag:s0] =	ssyncadd.remote.s32 $0x1  }
0xce: {  	_ =	sfence.sel $0xFFFF  }
0xcf: {  	[dreg:$0x0] =	wrdreg $0xFFFFFFFF;
	(pc) =	sbr.abs _section_cstart, $3  }
0xd0: {  	[dreg:$0x1] =	wrdreg $0xFFFFFFFF  }
0xd1: {  	_ =	task.clear_ibuf [dreg:s22], $0x2FFFF;
	_ =	strace $0x9FFFFFFF  }
0xd2: {  	(tm) =	ssettm $0x7FFFFFFF  }
0xd3: {  	_ =	shalt  }
tec
execute0_lowered:
.L_overlay_start_1:
0x0: {  	(tag) =	ssettag $0x1  }
0x1: {  	s6 =	rddreg [dreg:$0x0]  }
0x2: {  	s0 =	srdreg.scid;
	s2 =	rddreg [dreg:$0x1]  }
0x3: {  	s3 =	rddreg [dreg:$0x2];
	s5 =	sand.u32 $0x1, s0  }
0x4: {  	s4 =	simm.s32 $0x0;
	s0 =	stileid.u32;
	s8 =	smul.u32 $0x144000, s5  }
0x5: {  	[smem:$0x7FF] =	sst s4;
	s1 =	sshll.u32 s5, $0x4;
	s9 =	smul.u32 $0x14400, s0  }
0x6: {  	s29 =	ssub.s32 $0x2, s5;
	s10 =	smul.u32 $0x51000, s0;
	s5 =	sadd.s32 $0x16E00, s6  }
0x7: {  	s31 =	sshll.u32 s0, $0x4;
	s11 =	sshll.u32 s0, $0x6;
	s1 =	sor.u32 s0, s1  }
0x8: {  	s30 =	sshrl.u32 s29, $0x1;
	s16 =	sadd.s32 $0x2780, s31;
	s11 =	sor.u32 $0x1C01, s11  }
0x9: {  	s7 =	smul.u32 $0x500, s1;
	s1 =	rddreg [dreg:$0x3];
	_ =	strace $0x8000004A  }
0xa: {  	s8 =	sadd.s32 s9, s8;
	s9 =	ssub.s32 s29, s30;
	s10 =	sshrl.u32 s10, $0x2  }
0xb: {  	s8 =	sshrl.u32 s8, $0x3;
	s12 =	sadd.s32 s10, s3;
	s10 =	simm.s32 $0x1  }
0xc: {  	s7 =	sadd.s32 s7, s6;
	s8 =	sadd.s32 s8, s6;
	s13 =	sadd.s32 $0x4000, s12  }
0xd: {  	s14 =	sadd.s32 $0x8000, s12;
	s15 =	sadd.s32 $0xC000, s12;
	s17 =	sadd.s32 $0x10000, s12  }
0xe: {  	s18 =	sadd.s32 $0x14000, s12;
	s12 =	sshrl.u32 s12, $0x3;
	s6 =	sadd.s32 $0x68000, s7  }
0xf: {  	s7 =	sadd.s32 $0x72000, s8;
	s8 =	smax.u32 s9, $0x1;
	s9 =	simm.s32 $0x2800  }
0x10: {  	v0 =	vlaneseq.u32;
	s13 =	sshrl.u32 s13, $0x3;
	s14 =	sshrl.u32 s14, $0x3;
	s15 =	sshrl.u32 s15, $0x3  }
0x11: {  	vm0 =	vmmov $0xffff;
	v0 =	vor.u32 s16, v0;
	s16 =	sshrl.u32 s17, $0x3;
	s17 =	sshrl.u32 s18, $0x3;
	s18 =	simm.s32 $0x0  }
.LBB2_1:
0x12: {  	[tilespmem:s9], [sflag:$0x1] =	stream.linear.gather [hbm4b:s5+s4], $0x800, $0x38;
	[tilespmem:$0x17400] =	vst v63  }
0x13: {  	_ =	swait.ge [sflag:s10], $0x800  }
0x14: {  	[sflag:s10] =	ssyncset.done $0x0  }
0x15: {  	[sflag:s10] =	ssyncadd.s32 $0xFFFFF800  }
0x16: {  	[tilespmem:s4], [sflag:$0x1] =	stream.linear.gather [hbm4b:s6+s4], $0x2800, $0x38;
	[tilespmem:$0x17400] =	vst v63  }
0x17: {  	_ =	swait.ge [sflag:s10], $0x2800  }
0x18: {  	[sflag:s10] =	ssyncset.done $0x0  }
0x19: {  	[sflag:s10] =	ssyncadd.s32 $0xFFFFD800  }
0x1a: {  	[spmem:s12], [sflag:s11] =	dma.local [hbm:s2], $0x800  }
0x1b: {  	_ =	swait.ge [sflag:s10], $0x800  }
0x1c: {  	[sflag:s10] =	ssyncset.done $0x0  }
0x1d: {  	[sflag:s10] =	ssyncadd.s32 $0xFFFFF800  }
0x1e: {  	[spmem:s13], [sflag:s11] =	dma.local [hbm:s2], $0x800  }
0x1f: {  	_ =	swait.ge [sflag:s10], $0x800  }
0x20: {  	[sflag:s10] =	ssyncset.done $0x0  }
0x21: {  	[sflag:s10] =	ssyncadd.s32 $0xFFFFF800  }
0x22: {  	[spmem:s14], [sflag:s11] =	dma.local [hbm:s2], $0x800  }
0x23: {  	_ =	swait.ge [sflag:s10], $0x800  }
0x24: {  	[sflag:s10] =	ssyncset.done $0x0  }
0x25: {  	[sflag:s10] =	ssyncadd.s32 $0xFFFFF800  }
0x26: {  	[spmem:s15], [sflag:s11] =	dma.local [hbm:s2], $0x800  }
0x27: {  	_ =	swait.ge [sflag:s10], $0x800  }
0x28: {  	[sflag:s10] =	ssyncset.done $0x0  }
0x29: {  	[sflag:s10] =	ssyncadd.s32 $0xFFFFF800  }
0x2a: {  	[spmem:s16], [sflag:s11] =	dma.local [hbm:s2], $0x800  }
0x2b: {  	_ =	swait.ge [sflag:s10], $0x800  }
0x2c: {  	[sflag:s10] =	ssyncset.done $0x0  }
0x2d: {  	[sflag:s10] =	ssyncadd.s32 $0xFFFFF800  }
0x2e: {  	[spmem:s17], [sflag:s11] =	dma.local [hbm:s2], $0x80  }
0x2f: {  	_ =	swait.ge [sflag:s10], $0x80  }
0x30: {  	[sflag:s10] =	ssyncset.done $0x0  }
0x31: {  	[sflag:s10] =	ssyncadd.s32 $0xFFFFFF80  }
0x32: {  	s19 =	simm.s32 $0x0;
	[bflag:$0x0] =	sbarrier.arrive $0xFFFF  }
.LBB2_2:
0x33: {  	s20 =	sshra.s32 s19, $0x2  }
0x34: {  	v1 =	vld [tilespmem:s20+$0x0];
	_ =	sdelay $0x4  }
0x35: {  	v2 =	vshrl.u32 v1, $0x1C  }
0x36: {  	v1 =	vand.u32 $0xFFFFFFF, v1;
	vm1 =	veq.s32 v2, $0x0  }
0x37: {  	v3 =	vsel vm1, v1, v0;
	_ =	sdelay $0x2  }
0x38: {  	vm1 =	veq.s32 v2, $0x1  }
0x39: {  	v4 =	vsel vm1, v1, v0  }
0x3a: {  	[spmem:s3] =	stream.indirect_vreg.scatter.add.f32 [tilespmem:s9], [sflag:$0x1], $0x80, v3, vm0, $0xb8;
	[tilespmem:$0x17400] =	vst v63  }
0x3b: {  	_ =	swait.ge [sflag:s10], $0x800  }
0x3c: {  	vm1 =	veq.s32 v2, $0x2;
	[sflag:s10] =	ssyncset.done $0x0  }
0x3d: {  	v1 =	vsel vm1, v1, v0;
	[sflag:s10] =	ssyncadd.s32 $0xFFFFF800  }
0x3e: {  	[spmem:s3] =	stream.indirect_vreg.scatter.add.f32 [tilespmem:s9], [sflag:$0x1], $0x80, v4, vm0, $0xb8;
	[tilespmem:$0x17400] =	vst v63  }
0x3f: {  	_ =	swait.ge [sflag:s10], $0x800  }
0x40: {  	[sflag:s10] =	ssyncset.done $0x0  }
0x41: {  	[sflag:s10] =	ssyncadd.s32 $0xFFFFF800  }
0x42: {  	[spmem:s3] =	stream.indirect_vreg.scatter.add.f32 [tilespmem:s9], [sflag:$0x1], $0x80, v1, vm0, $0xb8;
	[tilespmem:$0x17400] =	vst v63  }
0x43: {  	_ =	swait.ge [sflag:s10], $0x800  }
0x44: {  	[sflag:s10] =	ssyncset.done $0x0  }
0x45: {  	[sflag:s10] =	ssyncadd.s32 $0xFFFFF800  }
0x46: {  	v1 =	vld [tilespmem:s20+$0x10];
	_ =	sdelay $0x4  }
0x47: {  	v2 =	vshrl.u32 v1, $0x1C  }
0x48: {  	v1 =	vand.u32 $0xFFFFFFF, v1;
	vm1 =	veq.s32 v2, $0x0  }
0x49: {  	v3 =	vsel vm1, v1, v0;
	_ =	sdelay $0x2  }
0x4a: {  	vm1 =	veq.s32 v2, $0x1  }
0x4b: {  	v57 =	vsel vm1, v1, v0  }
0x4c: {  	[spmem:s3] =	stream.indirect_vreg.scatter.add.f32 [tilespmem:s9], [sflag:$0x1], $0x80, v3, vm0, $0xb8;
	[tilespmem:$0x17400] =	vst v63  }
0x4d: {  	_ =	swait.ge [sflag:s10], $0x800  }
0x4e: {  	vm1 =	veq.s32 v2, $0x2;
	[sflag:s10] =	ssyncset.done $0x0  }
0x4f: {  	v1 =	vsel vm1, v1, v0;
	[sflag:s10] =	ssyncadd.s32 $0xFFFFF800  }
0x50: {  	[spmem:s3] =	stream.indirect_vreg.scatter.add.f32 [tilespmem:s9], [sflag:$0x1], $0x80, v57, vm0, $0xb8;
	[tilespmem:$0x17400] =	vst v63  }
0x51: {  	_ =	swait.ge [sflag:s10], $0x800  }
0x52: {  	[sflag:s10] =	ssyncset.done $0x0  }
0x53: {  	[sflag:s10] =	ssyncadd.s32 $0xFFFFF800  }
0x54: {  	[spmem:s3] =	stream.indirect_vreg.scatter.add.f32 [tilespmem:s9], [sflag:$0x1], $0x80, v1, vm0, $0xb8;
	[tilespmem:$0x17400] =	vst v63  }
0x55: {  	_ =	swait.ge [sflag:s10], $0x800  }
0x56: {  	[sflag:s10] =	ssyncset.done $0x0  }
0x57: {  	[sflag:s10] =	ssyncadd.s32 $0xFFFFF800  }
0x58: {  	v1 =	vld [tilespmem:s20+$0x20];
	_ =	sdelay $0x4  }
0x59: {  	v2 =	vshrl.u32 v1, $0x1C  }
0x5a: {  	v1 =	vand.u32 $0xFFFFFFF, v1;
	vm1 =	veq.s32 v2, $0x0  }
0x5b: {  	v3 =	vsel vm1, v1, v0;
	_ =	sdelay $0x2  }
0x5c: {  	vm1 =	veq.s32 v2, $0x1  }
0x5d: {  	v58 =	vsel vm1, v1, v0  }
0x5e: {  	[spmem:s3] =	stream.indirect_vreg.scatter.add.f32 [tilespmem:s9], [sflag:$0x1], $0x80, v3, vm0, $0xb8;
	[tilespmem:$0x17400] =	vst v63  }
0x5f: {  	_ =	swait.ge [sflag:s10], $0x800  }
0x60: {  	vm1 =	veq.s32 v2, $0x2;
	[sflag:s10] =	ssyncset.done $0x0  }
0x61: {  	v1 =	vsel vm1, v1, v0;
	[sflag:s10] =	ssyncadd.s32 $0xFFFFF800  }
0x62: {  	[spmem:s3] =	stream.indirect_vreg.scatter.add.f32 [tilespmem:s9], [sflag:$0x1], $0x80, v58, vm0, $0xb8;
	[tilespmem:$0x17400] =	vst v63  }
0x63: {  	_ =	swait.ge [sflag:s10], $0x800  }
0x64: {  	[sflag:s10] =	ssyncset.done $0x0  }
0x65: {  	[sflag:s10] =	ssyncadd.s32 $0xFFFFF800  }
0x66: {  	[spmem:s3] =	stream.indirect_vreg.scatter.add.f32 [tilespmem:s9], [sflag:$0x1], $0x80, v1, vm0, $0xb8;
	[tilespmem:$0x17400] =	vst v63  }
0x67: {  	_ =	swait.ge [sflag:s10], $0x800  }
0x68: {  	[sflag:s10] =	ssyncset.done $0x0  }
0x69: {  	[sflag:s10] =	ssyncadd.s32 $0xFFFFF800  }
0x6a: {  	v1 =	vld [tilespmem:s20+$0x30];
	_ =	sdelay $0x4  }
0x6b: {  	v2 =	vshrl.u32 v1, $0x1C  }
0x6c: {  	v1 =	vand.u32 $0xFFFFFFF, v1;
	vm1 =	veq.s32 v2, $0x0  }
0x6d: {  	v3 =	vsel vm1, v1, v0;
	_ =	sdelay $0x2  }
0x6e: {  	vm1 =	veq.s32 v2, $0x1  }
0x6f: {  	v59 =	vsel vm1, v1, v0  }
0x70: {  	[spmem:s3] =	stream.indirect_vreg.scatter.add.f32 [tilespmem:s9], [sflag:$0x1], $0x80, v3, vm0, $0xb8;
	[tilespmem:$0x17400] =	vst v63  }
0x71: {  	_ =	swait.ge [sflag:s10], $0x800  }
0x72: {  	vm1 =	veq.s32 v2, $0x2;
	[sflag:s10] =	ssyncset.done $0x0  }
0x73: {  	v1 =	vsel vm1, v1, v0;
	[sflag:s10] =	ssyncadd.s32 $0xFFFFF800  }
0x74: {  	[spmem:s3] =	stream.indirect_vreg.scatter.add.f32 [tilespmem:s9], [sflag:$0x1], $0x80, v59, vm0, $0xb8;
	[tilespmem:$0x17400] =	vst v63  }
0x75: {  	_ =	swait.ge [sflag:s10], $0x800  }
0x76: {  	[sflag:s10] =	ssyncset.done $0x0  }
0x77: {  	[sflag:s10] =	ssyncadd.s32 $0xFFFFF800  }
0x78: {  	[spmem:s3] =	stream.indirect_vreg.scatter.add.f32 [tilespmem:s9], [sflag:$0x1], $0x80, v1, vm0, $0xb8;
	[tilespmem:$0x17400] =	vst v63  }
0x79: {  	_ =	swait.ge [sflag:s10], $0x800  }
0x7a: {  	[sflag:s10] =	ssyncset.done $0x0  }
0x7b: {  	[sflag:s10] =	ssyncadd.s32 $0xFFFFF800  }
0x7c: {  	v1 =	vld [tilespmem:s20+$0x40];
	_ =	sdelay $0x4  }
0x7d: {  	v2 =	vshrl.u32 v1, $0x1C  }
0x7e: {  	v1 =	vand.u32 $0xFFFFFFF, v1;
	vm1 =	veq.s32 v2, $0x0  }
0x7f: {  	v3 =	vsel vm1, v1, v0;
	_ =	sdelay $0x2  }
0x80: {  	vm1 =	veq.s32 v2, $0x1  }
0x81: {  	v60 =	vsel vm1, v1, v0  }
0x82: {  	[spmem:s3] =	stream.indirect_vreg.scatter.add.f32 [tilespmem:s9], [sflag:$0x1], $0x80, v3, vm0, $0xb8;
	[tilespmem:$0x17400] =	vst v63  }
0x83: {  	_ =	swait.ge [sflag:s10], $0x800  }
0x84: {  	vm1 =	veq.s32 v2, $0x2;
	[sflag:s10] =	ssyncset.done $0x0  }
0x85: {  	v1 =	vsel vm1, v1, v0;
	[sflag:s10] =	ssyncadd.s32 $0xFFFFF800  }
0x86: {  	[spmem:s3] =	stream.indirect_vreg.scatter.add.f32 [tilespmem:s9], [sflag:$0x1], $0x80, v60, vm0, $0xb8;
	[tilespmem:$0x17400] =	vst v63  }
0x87: {  	_ =	swait.ge [sflag:s10], $0x800  }
0x88: {  	[sflag:s10] =	ssyncset.done $0x0  }
0x89: {  	[sflag:s10] =	ssyncadd.s32 $0xFFFFF800  }
0x8a: {  	[spmem:s3] =	stream.indirect_vreg.scatter.add.f32 [tilespmem:s9], [sflag:$0x1], $0x80, v1, vm0, $0xb8;
	[tilespmem:$0x17400] =	vst v63  }
0x8b: {  	_ =	swait.ge [sflag:s10], $0x800  }
0x8c: {  	[sflag:s10] =	ssyncset.done $0x0  }
0x8d: {  	[sflag:s10] =	ssyncadd.s32 $0xFFFFF800  }
0x8e: {  	v1 =	vld [tilespmem:s20+$0x50];
	_ =	sdelay $0x4  }
0x8f: {  	v2 =	vshrl.u32 v1, $0x1C  }
0x90: {  	v1 =	vand.u32 $0xFFFFFFF, v1;
	vm1 =	veq.s32 v2, $0x0  }
0x91: {  	v3 =	vsel vm1, v1, v0;
	_ =	sdelay $0x2  }
0x92: {  	vm1 =	veq.s32 v2, $0x1  }
0x93: {  	v61 =	vsel vm1, v1, v0  }
0x94: {  	[spmem:s3] =	stream.indirect_vreg.scatter.add.f32 [tilespmem:s9], [sflag:$0x1], $0x80, v3, vm0, $0xb8;
	[tilespmem:$0x17400] =	vst v63  }
0x95: {  	_ =	swait.ge [sflag:s10], $0x800  }
0x96: {  	vm1 =	veq.s32 v2, $0x2;
	[sflag:s10] =	ssyncset.done $0x0  }
0x97: {  	v1 =	vsel vm1, v1, v0;
	[sflag:s10] =	ssyncadd.s32 $0xFFFFF800  }
0x98: {  	[spmem:s3] =	stream.indirect_vreg.scatter.add.f32 [tilespmem:s9], [sflag:$0x1], $0x80, v61, vm0, $0xb8;
	[tilespmem:$0x17400] =	vst v63  }
0x99: {  	_ =	swait.ge [sflag:s10], $0x800  }
0x9a: {  	[sflag:s10] =	ssyncset.done $0x0  }
0x9b: {  	[sflag:s10] =	ssyncadd.s32 $0xFFFFF800  }
0x9c: {  	[spmem:s3] =	stream.indirect_vreg.scatter.add.f32 [tilespmem:s9], [sflag:$0x1], $0x80, v1, vm0, $0xb8;
	[tilespmem:$0x17400] =	vst v63  }
0x9d: {  	_ =	swait.ge [sflag:s10], $0x800  }
0x9e: {  	[sflag:s10] =	ssyncset.done $0x0  }
0x9f: {  	[sflag:s10] =	ssyncadd.s32 $0xFFFFF800  }
0xa0: {  	v1 =	vld [tilespmem:s20+$0x60];
	_ =	sdelay $0x4  }
0xa1: {  	v2 =	vshrl.u32 v1, $0x1C  }
0xa2: {  	v1 =	vand.u32 $0xFFFFFFF, v1;
	vm1 =	veq.s32 v2, $0x0  }
0xa3: {  	v3 =	vsel vm1, v1, v0;
	_ =	sdelay $0x2  }
0xa4: {  	vm1 =	veq.s32 v2, $0x1  }
0xa5: {  	v62 =	vsel vm1, v1, v0  }
0xa6: {  	[spmem:s3] =	stream.indirect_vreg.scatter.add.f32 [tilespmem:s9], [sflag:$0x1], $0x80, v3, vm0, $0xb8;
	[tilespmem:$0x17400] =	vst v63  }
0xa7: {  	_ =	swait.ge [sflag:s10], $0x800  }
0xa8: {  	vm1 =	veq.s32 v2, $0x2;
	[sflag:s10] =	ssyncset.done $0x0  }
0xa9: {  	v1 =	vsel vm1, v1, v0;
	[sflag:s10] =	ssyncadd.s32 $0xFFFFF800  }
0xaa: {  	[spmem:s3] =	stream.indirect_vreg.scatter.add.f32 [tilespmem:s9], [sflag:$0x1], $0x80, v62, vm0, $0xb8;
	[tilespmem:$0x17400] =	vst v63  }
0xab: {  	_ =	swait.ge [sflag:s10], $0x800  }
0xac: {  	[sflag:s10] =	ssyncset.done $0x0  }
0xad: {  	[sflag:s10] =	ssyncadd.s32 $0xFFFFF800  }
0xae: {  	[spmem:s3] =	stream.indirect_vreg.scatter.add.f32 [tilespmem:s9], [sflag:$0x1], $0x80, v1, vm0, $0xb8;
	[tilespmem:$0x17400] =	vst v63  }
0xaf: {  	_ =	swait.ge [sflag:s10], $0x800  }
0xb0: {  	[sflag:s10] =	ssyncset.done $0x0  }
0xb1: {  	[sflag:s10] =	ssyncadd.s32 $0xFFFFF800  }
0xb2: {  	v1 =	vld [tilespmem:s20+$0x70];
	_ =	sdelay $0x4  }
0xb3: {  	v2 =	vshrl.u32 v1, $0x1C  }
0xb4: {  	v1 =	vand.u32 $0xFFFFFFF, v1;
	vm1 =	veq.s32 v2, $0x0  }
0xb5: {  	v3 =	vsel vm1, v1, v0;
	_ =	sdelay $0x2  }
0xb6: {  	vm1 =	veq.s32 v2, $0x1  }
0xb7: {  	v63 =	vsel vm1, v1, v0  }
0xb8: {  	[spmem:s3] =	stream.indirect_vreg.scatter.add.f32 [tilespmem:s9], [sflag:$0x1], $0x80, v3, vm0, $0xb8;
	[tilespmem:$0x17400] =	vst v63  }
0xb9: {  	_ =	swait.ge [sflag:s10], $0x800  }
0xba: {  	vm1 =	veq.s32 v2, $0x2;
	[sflag:s10] =	ssyncset.done $0x0  }
0xbb: {  	v1 =	vsel vm1, v1, v0;
	[sflag:s10] =	ssyncadd.s32 $0xFFFFF800  }
0xbc: {  	[spmem:s3] =	stream.indirect_vreg.scatter.add.f32 [tilespmem:s9], [sflag:$0x1], $0x80, v63, vm0, $0xb8;
	[tilespmem:$0x17400] =	vst v63  }
0xbd: {  	_ =	swait.ge [sflag:s10], $0x800  }
0xbe: {  	p0 =	sne.s32 s19, $0x9E00;
	[sflag:s10] =	ssyncset.done $0x0  }
.Ltmp0:
0xbf: {  	[sflag:s10] =	ssyncadd.s32 $0xFFFFF800;
	(pc) =	sbr.rel @p0 .LBB2_2-.Ltmp0, $4  }
0xc0: {  	[spmem:s3] =	stream.indirect_vreg.scatter.add.f32 [tilespmem:s9], [sflag:$0x1], $0x80, v1, vm0, $0xb8;
	[tilespmem:$0x17400] =	vst v63  }
0xc1: {  	_ =	swait.ge [sflag:s10], $0x800  }
0xc2: {  	[sflag:s10] =	ssyncset.done $0x0  }
0xc3: {  	s19 =	sadd.s32 $0x200, s19;
	[sflag:s10] =	ssyncadd.s32 $0xFFFFF800  }
0xc4: {  	s18 =	sadd.s32 $0x1, s18  }
0xc5: {  	p0 =	sne.s32 s18, s8  }
.Ltmp1:
0xc6: {  	[bflag:$0x0] =	sbarrier.arrive $0xFFFF;
	(pc) =	sbr.rel @p0 .LBB2_1-.Ltmp1, $4  }
0xc7: {  	[hbm:s7], [sflag:s11] =	dma.local [spmem:s12], $0x2880  }
0xc8: {  	_ =	swait.ge [sflag:s10], $0x2880  }
0xc9: {  	[sflag:s10] =	ssyncset.done $0x0  }
0xca: {  	[sflag:s10] =	ssyncadd.s32 $0xFFFFD780  }
0xcb: {  	_ =	sfence.sel $0x180000  }
0xcc: {  	[bflag:$0x0] =	sbarrier.arrive $0xFFFF  }
0xcd: {  	p0 =	sne.s32 s0, $0x0;
	_ =	strace $0x9000004A  }
0xce: {  	s0 =	sadd.s32 @!p0 $0x100000, s1;
	[bflag:$0x2] =	sbarrier.arrive $0xFFFF  }
0xcf: {  	[sflag:s0] =	ssyncadd.tile.s32 @!p0 $0x1;
	_ =	shalt  }
.Lfunc_end2:
_tile_overlayer_lowered:
.L_overlay_start_2:
0xd0: {  	(tag) =	ssettag $0x2  }
0xd1: {  	s0 =	rddreg [dreg:$0x0];
	s2 =	stileid.u32  }
0xd2: {  	s1 =	rddreg [dreg:$0x1];
	p0 =	sne.s32 s2, $0x0  }
0xd3: {  	s3 =	rddreg [dreg:$0x2];
	[bflag:$0x3] =	sbarrier.arrive $0xFFFF;
	s2 =	simm.s32 @!p0 $0x1C01  }
0xd4: {  	[timem:s3], [sflag:s2] =	dma.local @!p0 [hbm:s0], s1  }
0xd5: {  	s0 =	simm.s32 @!p0 $0x1  }
0xd6: {  	_ =	swait.ge @!p0 [sflag:s0], s1  }
0xd7: {  	s1 =	ssub.s32 @!p0 $0x0, s1;
	[sflag:s0] =	ssyncset.done @!p0 $0x0  }
0xd8: {  	[sflag:s0] =	ssyncadd.s32 @!p0 s1  }
0xd9: {  	[bflag:$0x3] =	sbarrier.arrive $0xFFFF  }
0xda: {  	_ =	shalt  }

// kernel: kernel.16.cloned.1.call-start
scs
__scs_entry_jumppad:
0x0: {  	(pc) =	sbr.rel $0x88, $3  }
0x1: {  	(tag) =	ssettag $0x0;
	lr =	simm.s32 $0x1  }
0x2: {  	[smem:$0x3F98] =	sst lr;
	_ =	strace $0xD0000000  }
0x3: {  	_ = 	snop  }
0x4: {  	_ = 	snop  }
0x5: {  	_ = 	snop  }
0x6: {  	_ = 	snop  }
0x7: {  	_ = 	snop  }
__scs_overlays_trampoline_lowered:
0x8: {  	[smem:$0x3FA7] =	sst s0  }
0x9: {  	[smem:$0x3FA8] =	sst s1  }
0xa: {  	[smem:$0x3FA9] =	sst s2  }
0xb: {  	[smem:$0x3FAA] =	sst s3  }
0xc: {  	[smem:$0x3FAB] =	sst s4  }
0xd: {  	[smem:$0x3FAC] =	sst s5  }
0xe: {  	[smem:$0x3FAD] =	sst s6  }
0xf: {  	[smem:$0x3FAE] =	sst s7  }
0x10: {  	[smem:$0x3FAF] =	sst s8  }
0x11: {  	[smem:$0x3FB0] =	sst s9;
	s0 =	simm.s32 @!p0 $0x0  }
0x12: {  	s1 =	sld [smem:$0x3F96];
	s0 =	simm.s32 @p0 $0x1  }
0x13: {  	[smem:$0x3FB1] =	sst s0;
	s0 =	simm.s32 @!p1 $0x0  }
0x14: {  	s2 =	sld [smem:$0x3F95];
	s0 =	simm.s32 @p1 $0x1  }
0x15: {  	[smem:$0x3FB2] =	sst s0;
	s0 =	simm.s32 @!p2 $0x0  }
0x16: {  	s3 =	sld [smem:$0x3FDB];
	s0 =	simm.s32 @p2 $0x1  }
0x17: {  	s4 =	simm.s32 $0x1BF5;
	[smem:$0x3FB4] =	sst s0  }
0x18: {  	s0 =	sld [smem:$0x3F97];
	_ =	swait.ge [sflag:s4], $0x0  }
0x19: {  	s7 =	sld [smem:$0x3F98]  }
0x1a: {  	s8 =	sadd.s32 $0xFFFFE003, lr  }
0x1b: {  	s9 =	sadd.s32 $0xFFFFFEF7, lr;
	s5 =	simm.s32 $0xFFFFFFFF;
	p2 =	slt.u32 s8, $0xFFFFF086  }
0x1c: {  	p1 =	slt.u32 s9, $0xF7A;
	s5 =	simm.s32 @!p2 $0x0  }
0x1d: {  	s5 =	simm.s32 @p1 $0x1;
	p0 =	seq.s32 s7, s2  }
0x1e: {  	s7 =	smul.u32 @!p0 $0xF7A, s2;
	p2 =	seq.s32 @!p0 s5, $0x0  }
0x1f: {  	s9 =	smul.u32 $0xF7A, s1;
	s8 =	simm.s32 @!p0 $0x1BF5;
	p2 =	por !p2, p0  }
0x20: {  	[sflag:s8] =	ssyncset.s32 @!p0 $0xFFFFF086;
	s6 =	sadd.s32 @!p0 s3, s7;
	s7 =	simm.s32 @!p0 $0x108  }
0x21: {  	s3 =	sadd.s32 s3, s9;
	s6 =	sadd.s32 @!p0 $0x88, s6;
	s7 =	simm.s32 @p2 $0x1082  }
0x22: {  	[simem:s7], [sflag:s8] =	dma.local @!p0 [hbm:s6], $0xF7A  }
0x23: {  	s9 =	sor.u32 $0xD0000000, s2;
	s6 =	simm.s32 $0x108;
	_ =	swait.ge @!p0 [sflag:s8], $0x0  }
0x24: {  	s3 =	sadd.s32 $0x88, s3;
	s6 =	simm.s32 @!p1 $0x1082;
	[sflag:s4] =	ssyncset.s32 $0xFFFFF086  }
0x25: {  	[simem:s6], [sflag:s4] =	dma.local [hbm:s3], $0xF7A  }
0x26: {  	[smem:$0x3F98] =	sst s1;
	(tag) =	ssettag s2;
	_ =	strace s9  }
0x27: {  	s1 =	sld [smem:$0x3FA8]  }
0x28: {  	s2 =	sld [smem:$0x3FA9]  }
0x29: {  	s4 =	sld [smem:$0x3FAB]  }
0x2a: {  	p0 =	seq.s32 s5, $0x0;
	s5 =	sld [smem:$0x3FAC]  }
0x2b: {  	s6 =	sld [smem:$0x3FAD]  }
0x2c: {  	s7 =	sld [smem:$0x3FAE]  }
0x2d: {  	s3 =	simm.s32 $0x108;
	s8 =	sld [smem:$0x3FAF]  }
0x2e: {  	s3 =	simm.s32 @!p0 $0x1082;
	s9 =	sld [smem:$0x3FB0]  }
0x2f: {  	lr =	sadd.s32 s0, s3;
	s0 =	sld [smem:$0x3FA7]  }
0x30: {  	s3 =	sld [smem:$0x3FAA]  }
0x31: {  	[smem:$0x3FB3] =	sst s10  }
0x32: {  	s10 =	sld [smem:$0x3FB1];
	_ =	sdelay $0x3  }
0x33: {  	p0 =	seq.s32 s10, $0x1;
	s10 =	sld [smem:$0x3FB3];
	_ =	sdelay $0x3  }
0x34: {  	[smem:$0x3FB3] =	sst s10  }
0x35: {  	s10 =	sld [smem:$0x3FB2];
	_ =	sdelay $0x3  }
0x36: {  	p1 =	seq.s32 s10, $0x1;
	s10 =	sld [smem:$0x3FB3];
	_ =	sdelay $0x3  }
0x37: {  	[smem:$0x3FB3] =	sst s10  }
0x38: {  	s10 =	sld [smem:$0x3FB4]  }
0x39: {  	_ = 	snop;
	(pc) =	sbr.ind lr, $3  }
0x3a: {  	_ = 	snop  }
0x3b: {  	_ = 	snop  }
0x3c: {  	p2 =	seq.s32 s10, $0x1;
	s10 =	sld [smem:$0x3FB3]  }
0x3d: {  	_ =	shalt  }
0x3e: {  	_ =	shalt  }
0x3f: {  	_ =	shalt  }
0x40: {  	_ =	shalt  }
0x41: {  	_ =	shalt  }
0x42: {  	_ =	shalt  }
0x43: {  	_ =	shalt  }
0x44: {  	_ =	shalt  }
0x45: {  	_ =	shalt  }
0x46: {  	_ =	shalt  }
0x47: {  	_ =	shalt  }
0x48: {  	_ =	shalt  }
0x49: {  	_ =	shalt  }
0x4a: {  	_ =	shalt  }
0x4b: {  	_ =	shalt  }
0x4c: {  	_ =	shalt  }
0x4d: {  	_ =	shalt  }
0x4e: {  	_ =	shalt  }
0x4f: {  	_ =	shalt  }
0x50: {  	_ =	shalt  }
0x51: {  	_ =	shalt  }
0x52: {  	_ =	shalt  }
0x53: {  	_ =	shalt  }
0x54: {  	_ =	shalt  }
0x55: {  	_ =	shalt  }
0x56: {  	_ =	shalt  }
0x57: {  	_ =	shalt  }
0x58: {  	_ =	shalt  }
0x59: {  	_ =	shalt  }
0x5a: {  	_ =	shalt  }
0x5b: {  	_ =	shalt  }
0x5c: {  	_ =	shalt  }
0x5d: {  	_ =	shalt  }
0x5e: {  	_ =	shalt  }
0x5f: {  	_ =	shalt  }
0x60: {  	_ =	shalt  }
0x61: {  	_ =	shalt  }
0x62: {  	_ =	shalt  }
0x63: {  	_ =	shalt  }
0x64: {  	_ =	shalt  }
0x65: {  	_ =	shalt  }
0x66: {  	_ =	shalt  }
0x67: {  	_ =	shalt  }
0x68: {  	_ =	shalt  }
0x69: {  	_ =	shalt  }
0x6a: {  	_ =	shalt  }
0x6b: {  	_ =	shalt  }
0x6c: {  	_ =	shalt  }
0x6d: {  	_ =	shalt  }
0x6e: {  	_ =	shalt  }
0x6f: {  	_ =	shalt  }
0x70: {  	_ =	shalt  }
0x71: {  	_ =	shalt  }
0x72: {  	_ =	shalt  }
0x73: {  	_ =	shalt  }
0x74: {  	_ =	shalt  }
0x75: {  	_ =	shalt  }
0x76: {  	_ =	shalt  }
0x77: {  	_ =	shalt  }
0x78: {  	_ =	shalt  }
0x79: {  	_ =	shalt  }
0x7a: {  	_ =	shalt  }
0x7b: {  	_ =	shalt  }
0x7c: {  	_ =	shalt  }
0x7d: {  	_ =	shalt  }
0x7e: {  	_ =	shalt  }
0x7f: {  	_ =	shalt  }
0x80: {  	_ =	shalt  }
0x81: {  	_ =	shalt  }
0x82: {  	_ =	shalt  }
0x83: {  	_ =	shalt  }
0x84: {  	_ =	shalt  }
0x85: {  	_ =	shalt  }
0x86: {  	_ =	shalt  }
0x87: {  	_ =	shalt  }
.Lfunc_end0:
.L_simem_size_0:
called_computation.1_lowered:
.L_overlay_start_0:
0x88: {  	s2 =	sld [smem:$0x3FD9]  }
0x89: {  	s3 =	sld [smem:$0x3FFE];
	_ =	sdelay $0x1  }
0x8a: {  	s1 =	srdreg.scid  }
0x8b: {  	s0 =	sand.u32 $0x1, s1  }
0x8c: {  	s17 =	sshll.u32 s0, $0xA;
	s2 =	sadd.s32 s3, s2  }
0x8d: {  	s2 =	sadd.s32 s2, s17  }
0x8e: {  	[smem:$0x3FBF] =	sst s2  }
0x8f: {  	_ = 	snop  }
0x90: {  	s2 =	sld [smem:$0x3FD0];
	(tm) =	ssettm $0x1  }
0x91: {  	s18 =	sld [smem:$0x3FFB];
	_ =	sdelay $0x3  }
0x92: {  	_ =	strace s18  }
0x93: {  	s3 =	sld [smem:$0x3FFC];
	_ =	sdelay $0x3  }
0x94: {  	_ =	strace s3  }
0x95: {  	s3 =	sld [smem:$0x3FFD];
	_ =	sdelay $0x3  }
0x96: {  	_ =	strace s3  }
0x97: {  	_ =	strace $0x8FFFFFFF  }
0x98: {  	s19 =	sld [smem:$0x3FDB];
	_ =	sdelay $0x1  }
0x99: {  	s4 =	simm.s32 $_scs_section_size  }
0x9a: {  	s5 =	simm.s32 $_size__tile_overlayer_lowered;
	s6 =	simm.s32 $_tile_overlayer_lowered  }
0x9b: {  	s22 =	simm.s32 $0x1BFF;
	s21 =	sshll.u32 s6, $0x1;
	s3 =	sadd.s32 s4, s19  }
0x9c: {  	s7 =	simm.s32 $0x0;
	s20 =	sshll.u32 s5, $0x1;
	s5 =	sadd.s32 s21, s3  }
0x9d: {  	[timem:s7], [sflag:s22] =	dma.local [hbm:s5], s20  }
0x9e: {  	_ =	swait.ge [sflag:s22], s20  }
0x9f: {  	s4 =	ssub.s32 $0x0, s20;
	[sflag:s22] =	ssyncset.done $0x0  }
0xa0: {  	[sflag:s22] =	ssyncadd.s32 s4;
	_ =	sdelay $0x1  }
0xa1: {  	s23 =	simm.s32 $0x1B8B  }
0xa2: {  	_ =	swait.ge [sflag:s23], $0x1  }
0xa3: {  	[sflag:s23] =	ssyncset.done $0x0  }
0xa4: {  	s25 =	simm.s32 $0x1B8E;
	s24 =	sld [smem:$0x3FFE];
	[sflag:s23] =	ssyncadd.s32 $0xFFFFFFFF  }
0xa5: {  	s26 =	simm.s32 $execute0_lowered;
	[smem:$0x3FD2] =	sst s25  }
0xa6: {  	s5 =	sshll.u32 s26, $0x1;
	_ =	strace $0x80000046;
	[dreg:$0x1] =	wrdreg $0xFFFFFFFF  }
0xa7: {  	s28 =	simm.s32 $_size_execute0_lowered;
	s3 =	sadd.s32 s3, s5;
	[dreg:$0x0] =	wrdreg $0x0  }
0xa8: {  	s5 =	sshll.u32 s28, $0x1;
	[dreg:$0x2] =	wrdreg s3  }
0xa9: {  	[dreg:$0x3] =	wrdreg s5  }
0xaa: {  	[dreg:$0x4] =	wrdreg $0xC0  }
0xab: {  	_ =	task [dreg:s7], $0x5FFFF  }
0xac: {  	[dreg:$0x1] =	wrdreg $0xFFFFFFFF  }
0xad: {  	[dreg:$0x0] =	wrdreg $0x60  }
0xae: {  	[dreg:$0x2] =	wrdreg s24  }
0xaf: {  	[dreg:$0x3] =	wrdreg s2  }
0xb0: {  	[dreg:$0x4] =	wrdreg $0x30000  }
0xb1: {  	[dreg:$0x5] =	wrdreg $0xA  }
0xb2: {  	_ =	task.clear_ibuf [dreg:s7], $0x6FFFF;
	_ =	strace $0x90000046  }
0xb3: {  	s29 =	simm.s32 $0xA;
	_ =	strace $0x80000048  }
0xb4: {  	_ =	swait.ge [sflag:s29], $0x1  }
0xb5: {  	[sflag:s29] =	ssyncadd.s32 $0xFFFFFFFF  }
0xb6: {  	_ =	strace $0x90000048  }
0xb7: {  	_ =	sfence  }
0xb8: {  	s30 =	sld [smem:$0x0];
	_ =	sdelay $0x2  }
0xb9: {  	s31 =	sshll.u32 s1, $0xD;
	s1 =	sshrl.u32 s1, $0x2  }
0xba: {  	s3 =	sand.u32 $0x4000, s31;
	s1 =	sadd.s32 s1, s30  }
0xbb: {  	s0 =	sor.u32 s3, s0;
	s1 =	sshll.u32 s1, $0x11  }
0xbc: {  	s0 =	sor.u32 s1, s0  }
0xbd: {  	s0 =	sadd.s32 $0x8F2B, s0  }
0xbe: {  	[sflag:s0] =	ssyncadd.remote.s32 $0x1  }
0xbf: {  	_ =	sfence.sel $0xFFFF  }
0xc0: {  	[dreg:$0x0] =	wrdreg $0xFFFFFFFF;
	(pc) =	sbr.abs _section_cstart, $3  }
0xc1: {  	[dreg:$0x1] =	wrdreg $0xFFFFFFFF  }
0xc2: {  	_ =	task.clear_ibuf [dreg:s7], $0x2FFFF;
	_ =	strace $0x9FFFFFFF  }
0xc3: {  	(tm) =	ssettm $0x7FFFFFFF  }
tec
execute0_lowered:
.L_overlay_start_1:
0x0: {  	(tag) =	ssettag $0x1  }
0x1: {  	s6 =	rddreg [dreg:$0x0]  }
0x2: {  	s0 =	srdreg.scid;
	s2 =	rddreg [dreg:$0x1]  }
0x3: {  	s3 =	rddreg [dreg:$0x2];
	s5 =	sand.u32 $0x1, s0  }
0x4: {  	s4 =	simm.s32 $0x0;
	s0 =	stileid.u32;
	s8 =	smul.u32 $0x144000, s5  }
0x5: {  	[smem:$0x7FF] =	sst s4;
	s1 =	sshll.u32 s5, $0x4;
	s9 =	smul.u32 $0x14400, s0  }
0x6: {  	s29 =	ssub.s32 $0x2, s5;
	s10 =	smul.u32 $0x51000, s0;
	s5 =	sadd.s32 $0x16E00, s6  }
0x7: {  	s31 =	sshll.u32 s0, $0x4;
	s11 =	sshll.u32 s0, $0x6;
	s1 =	sor.u32 s0, s1  }
0x8: {  	s30 =	sshrl.u32 s29, $0x1;
	s16 =	sadd.s32 $0x2780, s31;
	s11 =	sor.u32 $0x1C01, s11  }
0x9: {  	s7 =	smul.u32 $0x500, s1;
	s1 =	rddreg [dreg:$0x3];
	_ =	strace $0x80000047  }
0xa: {  	s8 =	sadd.s32 s9, s8;
	s9 =	ssub.s32 s29, s30;
	s10 =	sshrl.u32 s10, $0x2  }
0xb: {  	s8 =	sshrl.u32 s8, $0x3;
	s12 =	sadd.s32 s10, s3;
	s10 =	simm.s32 $0x1  }
0xc: {  	s7 =	sadd.s32 s7, s6;
	s8 =	sadd.s32 s8, s6;
	s13 =	sadd.s32 $0x4000, s12  }
0xd: {  	s14 =	sadd.s32 $0x8000, s12;
	s15 =	sadd.s32 $0xC000, s12;
	s17 =	sadd.s32 $0x10000, s12  }
0xe: {  	s18 =	sadd.s32 $0x14000, s12;
	s12 =	sshrl.u32 s12, $0x3;
	s6 =	sadd.s32 $0xCE00, s7  }
0xf: {  	s7 =	sadd.s32 $0x17000, s8;
	s8 =	smax.u32 s9, $0x1;
	s9 =	simm.s32 $0x2800  }
0x10: {  	v0 =	vlaneseq.u32;
	s13 =	sshrl.u32 s13, $0x3;
	s14 =	sshrl.u32 s14, $0x3;
	s15 =	sshrl.u32 s15, $0x3  }
0x11: {  	vm0 =	vmmov $0xffff;
	v0 =	vor.u32 s16, v0;
	s16 =	sshrl.u32 s17, $0x3;
	s17 =	sshrl.u32 s18, $0x3;
	s18 =	simm.s32 $0x0  }
.LBB2_1:
0x12: {  	[tilespmem:s9], [sflag:$0x1] =	stream.linear.gather [hbm4b:s5+s4], $0x800, $0x38;
	[tilespmem:$0x17400] =	vst v63  }
0x13: {  	_ =	swait.ge [sflag:s10], $0x800  }
0x14: {  	[sflag:s10] =	ssyncset.done $0x0  }
0x15: {  	[sflag:s10] =	ssyncadd.s32 $0xFFFFF800  }
0x16: {  	[tilespmem:s4], [sflag:$0x1] =	stream.linear.gather [hbm4b:s6+s4], $0x2800, $0x38;
	[tilespmem:$0x17400] =	vst v63  }
0x17: {  	_ =	swait.ge [sflag:s10], $0x2800  }
0x18: {  	[sflag:s10] =	ssyncset.done $0x0  }
0x19: {  	[sflag:s10] =	ssyncadd.s32 $0xFFFFD800  }
0x1a: {  	[spmem:s12], [sflag:s11] =	dma.local [hbm:s2], $0x800  }
0x1b: {  	_ =	swait.ge [sflag:s10], $0x800  }
0x1c: {  	[sflag:s10] =	ssyncset.done $0x0  }
0x1d: {  	[sflag:s10] =	ssyncadd.s32 $0xFFFFF800  }
0x1e: {  	[spmem:s13], [sflag:s11] =	dma.local [hbm:s2], $0x800  }
0x1f: {  	_ =	swait.ge [sflag:s10], $0x800  }
0x20: {  	[sflag:s10] =	ssyncset.done $0x0  }
0x21: {  	[sflag:s10] =	ssyncadd.s32 $0xFFFFF800  }
0x22: {  	[spmem:s14], [sflag:s11] =	dma.local [hbm:s2], $0x800  }
0x23: {  	_ =	swait.ge [sflag:s10], $0x800  }
0x24: {  	[sflag:s10] =	ssyncset.done $0x0  }
0x25: {  	[sflag:s10] =	ssyncadd.s32 $0xFFFFF800  }
0x26: {  	[spmem:s15], [sflag:s11] =	dma.local [hbm:s2], $0x800  }
0x27: {  	_ =	swait.ge [sflag:s10], $0x800  }
0x28: {  	[sflag:s10] =	ssyncset.done $0x0  }
0x29: {  	[sflag:s10] =	ssyncadd.s32 $0xFFFFF800  }
0x2a: {  	[spmem:s16], [sflag:s11] =	dma.local [hbm:s2], $0x800  }
0x2b: {  	_ =	swait.ge [sflag:s10], $0x800  }
0x2c: {  	[sflag:s10] =	ssyncset.done $0x0  }
0x2d: {  	[sflag:s10] =	ssyncadd.s32 $0xFFFFF800  }
0x2e: {  	[spmem:s17], [sflag:s11] =	dma.local [hbm:s2], $0x80  }
0x2f: {  	_ =	swait.ge [sflag:s10], $0x80  }
0x30: {  	[sflag:s10] =	ssyncset.done $0x0  }
0x31: {  	[sflag:s10] =	ssyncadd.s32 $0xFFFFFF80  }
0x32: {  	s19 =	simm.s32 $0x0;
	[bflag:$0x0] =	sbarrier.arrive $0xFFFF  }
.LBB2_2:
0x33: {  	s20 =	sshra.s32 s19, $0x2  }
0x34: {  	v1 =	vld [tilespmem:s20+$0x0];
	_ =	sdelay $0x4  }
0x35: {  	v2 =	vshrl.u32 v1, $0x1C  }
0x36: {  	v1 =	vand.u32 $0xFFFFFFF, v1;
	vm1 =	veq.s32 v2, $0x0  }
0x37: {  	v3 =	vsel vm1, v1, v0;
	_ =	sdelay $0x2  }
0x38: {  	vm1 =	veq.s32 v2, $0x1  }
0x39: {  	v4 =	vsel vm1, v1, v0  }
0x3a: {  	[spmem:s3] =	stream.indirect_vreg.scatter.add.f32 [tilespmem:s9], [sflag:$0x1], $0x80, v3, vm0, $0xb8;
	[tilespmem:$0x17400] =	vst v63  }
0x3b: {  	_ =	swait.ge [sflag:s10], $0x800  }
0x3c: {  	vm1 =	veq.s32 v2, $0x2;
	[sflag:s10] =	ssyncset.done $0x0  }
0x3d: {  	v1 =	vsel vm1, v1, v0;
	[sflag:s10] =	ssyncadd.s32 $0xFFFFF800  }
0x3e: {  	[spmem:s3] =	stream.indirect_vreg.scatter.add.f32 [tilespmem:s9], [sflag:$0x1], $0x80, v4, vm0, $0xb8;
	[tilespmem:$0x17400] =	vst v63  }
0x3f: {  	_ =	swait.ge [sflag:s10], $0x800  }
0x40: {  	[sflag:s10] =	ssyncset.done $0x0  }
0x41: {  	[sflag:s10] =	ssyncadd.s32 $0xFFFFF800  }
0x42: {  	[spmem:s3] =	stream.indirect_vreg.scatter.add.f32 [tilespmem:s9], [sflag:$0x1], $0x80, v1, vm0, $0xb8;
	[tilespmem:$0x17400] =	vst v63  }
0x43: {  	_ =	swait.ge [sflag:s10], $0x800  }
0x44: {  	[sflag:s10] =	ssyncset.done $0x0  }
0x45: {  	[sflag:s10] =	ssyncadd.s32 $0xFFFFF800  }
0x46: {  	v1 =	vld [tilespmem:s20+$0x10];
	_ =	sdelay $0x4  }
0x47: {  	v2 =	vshrl.u32 v1, $0x1C  }
0x48: {  	v1 =	vand.u32 $0xFFFFFFF, v1;
	vm1 =	veq.s32 v2, $0x0  }
0x49: {  	v3 =	vsel vm1, v1, v0;
	_ =	sdelay $0x2  }
0x4a: {  	vm1 =	veq.s32 v2, $0x1  }
0x4b: {  	v57 =	vsel vm1, v1, v0  }
0x4c: {  	[spmem:s3] =	stream.indirect_vreg.scatter.add.f32 [tilespmem:s9], [sflag:$0x1], $0x80, v3, vm0, $0xb8;
	[tilespmem:$0x17400] =	vst v63  }
0x4d: {  	_ =	swait.ge [sflag:s10], $0x800  }
0x4e: {  	vm1 =	veq.s32 v2, $0x2;
	[sflag:s10] =	ssyncset.done $0x0  }
0x4f: {  	v1 =	vsel vm1, v1, v0;
	[sflag:s10] =	ssyncadd.s32 $0xFFFFF800  }
0x50: {  	[spmem:s3] =	stream.indirect_vreg.scatter.add.f32 [tilespmem:s9], [sflag:$0x1], $0x80, v57, vm0, $0xb8;
	[tilespmem:$0x17400] =	vst v63  }
0x51: {  	_ =	swait.ge [sflag:s10], $0x800  }
0x52: {  	[sflag:s10] =	ssyncset.done $0x0  }
0x53: {  	[sflag:s10] =	ssyncadd.s32 $0xFFFFF800  }
0x54: {  	[spmem:s3] =	stream.indirect_vreg.scatter.add.f32 [tilespmem:s9], [sflag:$0x1], $0x80, v1, vm0, $0xb8;
	[tilespmem:$0x17400] =	vst v63  }
0x55: {  	_ =	swait.ge [sflag:s10], $0x800  }
0x56: {  	[sflag:s10] =	ssyncset.done $0x0  }
0x57: {  	[sflag:s10] =	ssyncadd.s32 $0xFFFFF800  }
0x58: {  	v1 =	vld [tilespmem:s20+$0x20];
	_ =	sdelay $0x4  }
0x59: {  	v2 =	vshrl.u32 v1, $0x1C  }
0x5a: {  	v1 =	vand.u32 $0xFFFFFFF, v1;
	vm1 =	veq.s32 v2, $0x0  }
0x5b: {  	v3 =	vsel vm1, v1, v0;
	_ =	sdelay $0x2  }
0x5c: {  	vm1 =	veq.s32 v2, $0x1  }
0x5d: {  	v58 =	vsel vm1, v1, v0  }
0x5e: {  	[spmem:s3] =	stream.indirect_vreg.scatter.add.f32 [tilespmem:s9], [sflag:$0x1], $0x80, v3, vm0, $0xb8;
	[tilespmem:$0x17400] =	vst v63  }
0x5f: {  	_ =	swait.ge [sflag:s10], $0x800  }
0x60: {  	vm1 =	veq.s32 v2, $0x2;
	[sflag:s10] =	ssyncset.done $0x0  }
0x61: {  	v1 =	vsel vm1, v1, v0;
	[sflag:s10] =	ssyncadd.s32 $0xFFFFF800  }
0x62: {  	[spmem:s3] =	stream.indirect_vreg.scatter.add.f32 [tilespmem:s9], [sflag:$0x1], $0x80, v58, vm0, $0xb8;
	[tilespmem:$0x17400] =	vst v63  }
0x63: {  	_ =	swait.ge [sflag:s10], $0x800  }
0x64: {  	[sflag:s10] =	ssyncset.done $0x0  }
0x65: {  	[sflag:s10] =	ssyncadd.s32 $0xFFFFF800  }
0x66: {  	[spmem:s3] =	stream.indirect_vreg.scatter.add.f32 [tilespmem:s9], [sflag:$0x1], $0x80, v1, vm0, $0xb8;
	[tilespmem:$0x17400] =	vst v63  }
0x67: {  	_ =	swait.ge [sflag:s10], $0x800  }
0x68: {  	[sflag:s10] =	ssyncset.done $0x0  }
0x69: {  	[sflag:s10] =	ssyncadd.s32 $0xFFFFF800  }
0x6a: {  	v1 =	vld [tilespmem:s20+$0x30];
	_ =	sdelay $0x4  }
0x6b: {  	v2 =	vshrl.u32 v1, $0x1C  }
0x6c: {  	v1 =	vand.u32 $0xFFFFFFF, v1;
	vm1 =	veq.s32 v2, $0x0  }
0x6d: {  	v3 =	vsel vm1, v1, v0;
	_ =	sdelay $0x2  }
0x6e: {  	vm1 =	veq.s32 v2, $0x1  }
0x6f: {  	v59 =	vsel vm1, v1, v0  }
0x70: {  	[spmem:s3] =	stream.indirect_vreg.scatter.add.f32 [tilespmem:s9], [sflag:$0x1], $0x80, v3, vm0, $0xb8;
	[tilespmem:$0x17400] =	vst v63  }
0x71: {  	_ =	swait.ge [sflag:s10], $0x800  }
0x72: {  	vm1 =	veq.s32 v2, $0x2;
	[sflag:s10] =	ssyncset.done $0x0  }
0x73: {  	v1 =	vsel vm1, v1, v0;
	[sflag:s10] =	ssyncadd.s32 $0xFFFFF800  }
0x74: {  	[spmem:s3] =	stream.indirect_vreg.scatter.add.f32 [tilespmem:s9], [sflag:$0x1], $0x80, v59, vm0, $0xb8;
	[tilespmem:$0x17400] =	vst v63  }
0x75: {  	_ =	swait.ge [sflag:s10], $0x800  }
0x76: {  	[sflag:s10] =	ssyncset.done $0x0  }
0x77: {  	[sflag:s10] =	ssyncadd.s32 $0xFFFFF800  }
0x78: {  	[spmem:s3] =	stream.indirect_vreg.scatter.add.f32 [tilespmem:s9], [sflag:$0x1], $0x80, v1, vm0, $0xb8;
	[tilespmem:$0x17400] =	vst v63  }
0x79: {  	_ =	swait.ge [sflag:s10], $0x800  }
0x7a: {  	[sflag:s10] =	ssyncset.done $0x0  }
0x7b: {  	[sflag:s10] =	ssyncadd.s32 $0xFFFFF800  }
0x7c: {  	v1 =	vld [tilespmem:s20+$0x40];
	_ =	sdelay $0x4  }
0x7d: {  	v2 =	vshrl.u32 v1, $0x1C  }
0x7e: {  	v1 =	vand.u32 $0xFFFFFFF, v1;
	vm1 =	veq.s32 v2, $0x0  }
0x7f: {  	v3 =	vsel vm1, v1, v0;
	_ =	sdelay $0x2  }
0x80: {  	vm1 =	veq.s32 v2, $0x1  }
0x81: {  	v60 =	vsel vm1, v1, v0  }
0x82: {  	[spmem:s3] =	stream.indirect_vreg.scatter.add.f32 [tilespmem:s9], [sflag:$0x1], $0x80, v3, vm0, $0xb8;
	[tilespmem:$0x17400] =	vst v63  }
0x83: {  	_ =	swait.ge [sflag:s10], $0x800  }
0x84: {  	vm1 =	veq.s32 v2, $0x2;
	[sflag:s10] =	ssyncset.done $0x0  }
0x85: {  	v1 =	vsel vm1, v1, v0;
	[sflag:s10] =	ssyncadd.s32 $0xFFFFF800  }
0x86: {  	[spmem:s3] =	stream.indirect_vreg.scatter.add.f32 [tilespmem:s9], [sflag:$0x1], $0x80, v60, vm0, $0xb8;
	[tilespmem:$0x17400] =	vst v63  }
0x87: {  	_ =	swait.ge [sflag:s10], $0x800  }
0x88: {  	[sflag:s10] =	ssyncset.done $0x0  }
0x89: {  	[sflag:s10] =	ssyncadd.s32 $0xFFFFF800  }
0x8a: {  	[spmem:s3] =	stream.indirect_vreg.scatter.add.f32 [tilespmem:s9], [sflag:$0x1], $0x80, v1, vm0, $0xb8;
	[tilespmem:$0x17400] =	vst v63  }
0x8b: {  	_ =	swait.ge [sflag:s10], $0x800  }
0x8c: {  	[sflag:s10] =	ssyncset.done $0x0  }
0x8d: {  	[sflag:s10] =	ssyncadd.s32 $0xFFFFF800  }
0x8e: {  	v1 =	vld [tilespmem:s20+$0x50];
	_ =	sdelay $0x4  }
0x8f: {  	v2 =	vshrl.u32 v1, $0x1C  }
0x90: {  	v1 =	vand.u32 $0xFFFFFFF, v1;
	vm1 =	veq.s32 v2, $0x0  }
0x91: {  	v3 =	vsel vm1, v1, v0;
	_ =	sdelay $0x2  }
0x92: {  	vm1 =	veq.s32 v2, $0x1  }
0x93: {  	v61 =	vsel vm1, v1, v0  }
0x94: {  	[spmem:s3] =	stream.indirect_vreg.scatter.add.f32 [tilespmem:s9], [sflag:$0x1], $0x80, v3, vm0, $0xb8;
	[tilespmem:$0x17400] =	vst v63  }
0x95: {  	_ =	swait.ge [sflag:s10], $0x800  }
0x96: {  	vm1 =	veq.s32 v2, $0x2;
	[sflag:s10] =	ssyncset.done $0x0  }
0x97: {  	v1 =	vsel vm1, v1, v0;
	[sflag:s10] =	ssyncadd.s32 $0xFFFFF800  }
0x98: {  	[spmem:s3] =	stream.indirect_vreg.scatter.add.f32 [tilespmem:s9], [sflag:$0x1], $0x80, v61, vm0, $0xb8;
	[tilespmem:$0x17400] =	vst v63  }
0x99: {  	_ =	swait.ge [sflag:s10], $0x800  }
0x9a: {  	[sflag:s10] =	ssyncset.done $0x0  }
0x9b: {  	[sflag:s10] =	ssyncadd.s32 $0xFFFFF800  }
0x9c: {  	[spmem:s3] =	stream.indirect_vreg.scatter.add.f32 [tilespmem:s9], [sflag:$0x1], $0x80, v1, vm0, $0xb8;
	[tilespmem:$0x17400] =	vst v63  }
0x9d: {  	_ =	swait.ge [sflag:s10], $0x800  }
0x9e: {  	[sflag:s10] =	ssyncset.done $0x0  }
0x9f: {  	[sflag:s10] =	ssyncadd.s32 $0xFFFFF800  }
0xa0: {  	v1 =	vld [tilespmem:s20+$0x60];
	_ =	sdelay $0x4  }
0xa1: {  	v2 =	vshrl.u32 v1, $0x1C  }
0xa2: {  	v1 =	vand.u32 $0xFFFFFFF, v1;
	vm1 =	veq.s32 v2, $0x0  }
0xa3: {  	v3 =	vsel vm1, v1, v0;
	_ =	sdelay $0x2  }
0xa4: {  	vm1 =	veq.s32 v2, $0x1  }
0xa5: {  	v62 =	vsel vm1, v1, v0  }
0xa6: {  	[spmem:s3] =	stream.indirect_vreg.scatter.add.f32 [tilespmem:s9], [sflag:$0x1], $0x80, v3, vm0, $0xb8;
	[tilespmem:$0x17400] =	vst v63  }
0xa7: {  	_ =	swait.ge [sflag:s10], $0x800  }
0xa8: {  	vm1 =	veq.s32 v2, $0x2;
	[sflag:s10] =	ssyncset.done $0x0  }
0xa9: {  	v1 =	vsel vm1, v1, v0;
	[sflag:s10] =	ssyncadd.s32 $0xFFFFF800  }
0xaa: {  	[spmem:s3] =	stream.indirect_vreg.scatter.add.f32 [tilespmem:s9], [sflag:$0x1], $0x80, v62, vm0, $0xb8;
	[tilespmem:$0x17400] =	vst v63  }
0xab: {  	_ =	swait.ge [sflag:s10], $0x800  }
0xac: {  	[sflag:s10] =	ssyncset.done $0x0  }
0xad: {  	[sflag:s10] =	ssyncadd.s32 $0xFFFFF800  }
0xae: {  	[spmem:s3] =	stream.indirect_vreg.scatter.add.f32 [tilespmem:s9], [sflag:$0x1], $0x80, v1, vm0, $0xb8;
	[tilespmem:$0x17400] =	vst v63  }
0xaf: {  	_ =	swait.ge [sflag:s10], $0x800  }
0xb0: {  	[sflag:s10] =	ssyncset.done $0x0  }
0xb1: {  	[sflag:s10] =	ssyncadd.s32 $0xFFFFF800  }
0xb2: {  	v1 =	vld [tilespmem:s20+$0x70];
	_ =	sdelay $0x4  }
0xb3: {  	v2 =	vshrl.u32 v1, $0x1C  }
0xb4: {  	v1 =	vand.u32 $0xFFFFFFF, v1;
	vm1 =	veq.s32 v2, $0x0  }
0xb5: {  	v3 =	vsel vm1, v1, v0;
	_ =	sdelay $0x2  }
0xb6: {  	vm1 =	veq.s32 v2, $0x1  }
0xb7: {  	v63 =	vsel vm1, v1, v0  }
0xb8: {  	[spmem:s3] =	stream.indirect_vreg.scatter.add.f32 [tilespmem:s9], [sflag:$0x1], $0x80, v3, vm0, $0xb8;
	[tilespmem:$0x17400] =	vst v63  }
0xb9: {  	_ =	swait.ge [sflag:s10], $0x800  }
0xba: {  	vm1 =	veq.s32 v2, $0x2;
	[sflag:s10] =	ssyncset.done $0x0  }
0xbb: {  	v1 =	vsel vm1, v1, v0;
	[sflag:s10] =	ssyncadd.s32 $0xFFFFF800  }
0xbc: {  	[spmem:s3] =	stream.indirect_vreg.scatter.add.f32 [tilespmem:s9], [sflag:$0x1], $0x80, v63, vm0, $0xb8;
	[tilespmem:$0x17400] =	vst v63  }
0xbd: {  	_ =	swait.ge [sflag:s10], $0x800  }
0xbe: {  	p0 =	sne.s32 s19, $0x9E00;
	[sflag:s10] =	ssyncset.done $0x0  }
.Ltmp0:
0xbf: {  	[sflag:s10] =	ssyncadd.s32 $0xFFFFF800;
	(pc) =	sbr.rel @p0 .LBB2_2-.Ltmp0, $4  }
0xc0: {  	[spmem:s3] =	stream.indirect_vreg.scatter.add.f32 [tilespmem:s9], [sflag:$0x1], $0x80, v1, vm0, $0xb8;
	[tilespmem:$0x17400] =	vst v63  }
0xc1: {  	_ =	swait.ge [sflag:s10], $0x800  }
0xc2: {  	[sflag:s10] =	ssyncset.done $0x0  }
0xc3: {  	s19 =	sadd.s32 $0x200, s19;
	[sflag:s10] =	ssyncadd.s32 $0xFFFFF800  }
0xc4: {  	s18 =	sadd.s32 $0x1, s18  }
0xc5: {  	p0 =	sne.s32 s18, s8  }
.Ltmp1:
0xc6: {  	[bflag:$0x0] =	sbarrier.arrive $0xFFFF;
	(pc) =	sbr.rel @p0 .LBB2_1-.Ltmp1, $4  }
0xc7: {  	[hbm:s7], [sflag:s11] =	dma.local [spmem:s12], $0x2880  }
0xc8: {  	_ =	swait.ge [sflag:s10], $0x2880  }
0xc9: {  	[sflag:s10] =	ssyncset.done $0x0  }
0xca: {  	[sflag:s10] =	ssyncadd.s32 $0xFFFFD780  }
0xcb: {  	_ =	sfence.sel $0x180000  }
0xcc: {  	[bflag:$0x0] =	sbarrier.arrive $0xFFFF  }
0xcd: {  	p0 =	sne.s32 s0, $0x0;
	_ =	strace $0x90000047  }
0xce: {  	s0 =	sadd.s32 @!p0 $0x100000, s1;
	[bflag:$0x2] =	sbarrier.arrive $0xFFFF  }
0xcf: {  	[sflag:s0] =	ssyncadd.tile.s32 @!p0 $0x1;
	_ =	shalt  }
.Lfunc_end2:
_tile_overlayer_lowered:
.L_overlay_start_2:
0xd0: {  	(tag) =	ssettag $0x2  }
0xd1: {  	s0 =	rddreg [dreg:$0x0];
	s2 =	stileid.u32  }
0xd2: {  	s1 =	rddreg [dreg:$0x1];
	p0 =	sne.s32 s2, $0x0  }
0xd3: {  	s3 =	rddreg [dreg:$0x2];
	[bflag:$0x3] =	sbarrier.arrive $0xFFFF;
	s2 =	simm.s32 @!p0 $0x1C01  }
0xd4: {  	[timem:s3], [sflag:s2] =	dma.local @!p0 [hbm:s0], s1  }
0xd5: {  	s0 =	simm.s32 @!p0 $0x1  }
0xd6: {  	_ =	swait.ge @!p0 [sflag:s0], s1  }
0xd7: {  	s1 =	ssub.s32 @!p0 $0x0, s1;
	[sflag:s0] =	ssyncset.done @!p0 $0x0  }
0xd8: {  	[sflag:s0] =	ssyncadd.s32 @!p0 s1  }
0xd9: {  	[bflag:$0x3] =	sbarrier.arrive $0xFFFF  }
0xda: {  	_ =	shalt  }

// kernel: kernel.19.cloned.1.call-start
scs
__scs_entry_jumppad:
0x0: {  	(pc) =	sbr.rel $0x88, $3  }
0x1: {  	(tag) =	ssettag $0x0;
	lr =	simm.s32 $0x1  }
0x2: {  	[smem:$0x3F98] =	sst lr;
	_ =	strace $0xD0000000  }
0x3: {  	_ = 	snop  }
0x4: {  	_ = 	snop  }
0x5: {  	_ = 	snop  }
0x6: {  	_ = 	snop  }
0x7: {  	_ = 	snop  }
__scs_overlays_trampoline_lowered:
0x8: {  	[smem:$0x3FA7] =	sst s0  }
0x9: {  	[smem:$0x3FA8] =	sst s1  }
0xa: {  	[smem:$0x3FA9] =	sst s2  }
0xb: {  	[smem:$0x3FAA] =	sst s3  }
0xc: {  	[smem:$0x3FAB] =	sst s4  }
0xd: {  	[smem:$0x3FAC] =	sst s5  }
0xe: {  	[smem:$0x3FAD] =	sst s6  }
0xf: {  	[smem:$0x3FAE] =	sst s7  }
0x10: {  	[smem:$0x3FAF] =	sst s8  }
0x11: {  	[smem:$0x3FB0] =	sst s9;
	s0 =	simm.s32 @!p0 $0x0  }
0x12: {  	s1 =	sld [smem:$0x3F96];
	s0 =	simm.s32 @p0 $0x1  }
0x13: {  	[smem:$0x3FB1] =	sst s0;
	s0 =	simm.s32 @!p1 $0x0  }
0x14: {  	s2 =	sld [smem:$0x3F95];
	s0 =	simm.s32 @p1 $0x1  }
0x15: {  	[smem:$0x3FB2] =	sst s0;
	s0 =	simm.s32 @!p2 $0x0  }
0x16: {  	s3 =	sld [smem:$0x3FDB];
	s0 =	simm.s32 @p2 $0x1  }
0x17: {  	s4 =	simm.s32 $0x1BF5;
	[smem:$0x3FB4] =	sst s0  }
0x18: {  	s0 =	sld [smem:$0x3F97];
	_ =	swait.ge [sflag:s4], $0x0  }
0x19: {  	s7 =	sld [smem:$0x3F98]  }
0x1a: {  	s8 =	sadd.s32 $0xFFFFE003, lr  }
0x1b: {  	s9 =	sadd.s32 $0xFFFFFEF7, lr;
	s5 =	simm.s32 $0xFFFFFFFF;
	p2 =	slt.u32 s8, $0xFFFFF086  }
0x1c: {  	p1 =	slt.u32 s9, $0xF7A;
	s5 =	simm.s32 @!p2 $0x0  }
0x1d: {  	s5 =	simm.s32 @p1 $0x1;
	p0 =	seq.s32 s7, s2  }
0x1e: {  	s7 =	smul.u32 @!p0 $0xF7A, s2;
	p2 =	seq.s32 @!p0 s5, $0x0  }
0x1f: {  	s9 =	smul.u32 $0xF7A, s1;
	s8 =	simm.s32 @!p0 $0x1BF5;
	p2 =	por !p2, p0  }
0x20: {  	[sflag:s8] =	ssyncset.s32 @!p0 $0xFFFFF086;
	s6 =	sadd.s32 @!p0 s3, s7;
	s7 =	simm.s32 @!p0 $0x108  }
0x21: {  	s3 =	sadd.s32 s3, s9;
	s6 =	sadd.s32 @!p0 $0x88, s6;
	s7 =	simm.s32 @p2 $0x1082  }
0x22: {  	[simem:s7], [sflag:s8] =	dma.local @!p0 [hbm:s6], $0xF7A  }
0x23: {  	s9 =	sor.u32 $0xD0000000, s2;
	s6 =	simm.s32 $0x108;
	_ =	swait.ge @!p0 [sflag:s8], $0x0  }
0x24: {  	s3 =	sadd.s32 $0x88, s3;
	s6 =	simm.s32 @!p1 $0x1082;
	[sflag:s4] =	ssyncset.s32 $0xFFFFF086  }
0x25: {  	[simem:s6], [sflag:s4] =	dma.local [hbm:s3], $0xF7A  }
0x26: {  	[smem:$0x3F98] =	sst s1;
	(tag) =	ssettag s2;
	_ =	strace s9  }
0x27: {  	s1 =	sld [smem:$0x3FA8]  }
0x28: {  	s2 =	sld [smem:$0x3FA9]  }
0x29: {  	s4 =	sld [smem:$0x3FAB]  }
0x2a: {  	p0 =	seq.s32 s5, $0x0;
	s5 =	sld [smem:$0x3FAC]  }
0x2b: {  	s6 =	sld [smem:$0x3FAD]  }
0x2c: {  	s7 =	sld [smem:$0x3FAE]  }
0x2d: {  	s3 =	simm.s32 $0x108;
	s8 =	sld [smem:$0x3FAF]  }
0x2e: {  	s3 =	simm.s32 @!p0 $0x1082;
	s9 =	sld [smem:$0x3FB0]  }
0x2f: {  	lr =	sadd.s32 s0, s3;
	s0 =	sld [smem:$0x3FA7]  }
0x30: {  	s3 =	sld [smem:$0x3FAA]  }
0x31: {  	[smem:$0x3FB3] =	sst s10  }
0x32: {  	s10 =	sld [smem:$0x3FB1];
	_ =	sdelay $0x3  }
0x33: {  	p0 =	seq.s32 s10, $0x1;
	s10 =	sld [smem:$0x3FB3];
	_ =	sdelay $0x3  }
0x34: {  	[smem:$0x3FB3] =	sst s10  }
0x35: {  	s10 =	sld [smem:$0x3FB2];
	_ =	sdelay $0x3  }
0x36: {  	p1 =	seq.s32 s10, $0x1;
	s10 =	sld [smem:$0x3FB3];
	_ =	sdelay $0x3  }
0x37: {  	[smem:$0x3FB3] =	sst s10  }
0x38: {  	s10 =	sld [smem:$0x3FB4]  }
0x39: {  	_ = 	snop;
	(pc) =	sbr.ind lr, $3  }
0x3a: {  	_ = 	snop  }
0x3b: {  	_ = 	snop  }
0x3c: {  	p2 =	seq.s32 s10, $0x1;
	s10 =	sld [smem:$0x3FB3]  }
0x3d: {  	_ =	shalt  }
0x3e: {  	_ =	shalt  }
0x3f: {  	_ =	shalt  }
0x40: {  	_ =	shalt  }
0x41: {  	_ =	shalt  }
0x42: {  	_ =	shalt  }
0x43: {  	_ =	shalt  }
0x44: {  	_ =	shalt  }
0x45: {  	_ =	shalt  }
0x46: {  	_ =	shalt  }
0x47: {  	_ =	shalt  }
0x48: {  	_ =	shalt  }
0x49: {  	_ =	shalt  }
0x4a: {  	_ =	shalt  }
0x4b: {  	_ =	shalt  }
0x4c: {  	_ =	shalt  }
0x4d: {  	_ =	shalt  }
0x4e: {  	_ =	shalt  }
0x4f: {  	_ =	shalt  }
0x50: {  	_ =	shalt  }
0x51: {  	_ =	shalt  }
0x52: {  	_ =	shalt  }
0x53: {  	_ =	shalt  }
0x54: {  	_ =	shalt  }
0x55: {  	_ =	shalt  }
0x56: {  	_ =	shalt  }
0x57: {  	_ =	shalt  }
0x58: {  	_ =	shalt  }
0x59: {  	_ =	shalt  }
0x5a: {  	_ =	shalt  }
0x5b: {  	_ =	shalt  }
0x5c: {  	_ =	shalt  }
0x5d: {  	_ =	shalt  }
0x5e: {  	_ =	shalt  }
0x5f: {  	_ =	shalt  }
0x60: {  	_ =	shalt  }
0x61: {  	_ =	shalt  }
0x62: {  	_ =	shalt  }
0x63: {  	_ =	shalt  }
0x64: {  	_ =	shalt  }
0x65: {  	_ =	shalt  }
0x66: {  	_ =	shalt  }
0x67: {  	_ =	shalt  }
0x68: {  	_ =	shalt  }
0x69: {  	_ =	shalt  }
0x6a: {  	_ =	shalt  }
0x6b: {  	_ =	shalt  }
0x6c: {  	_ =	shalt  }
0x6d: {  	_ =	shalt  }
0x6e: {  	_ =	shalt  }
0x6f: {  	_ =	shalt  }
0x70: {  	_ =	shalt  }
0x71: {  	_ =	shalt  }
0x72: {  	_ =	shalt  }
0x73: {  	_ =	shalt  }
0x74: {  	_ =	shalt  }
0x75: {  	_ =	shalt  }
0x76: {  	_ =	shalt  }
0x77: {  	_ =	shalt  }
0x78: {  	_ =	shalt  }
0x79: {  	_ =	shalt  }
0x7a: {  	_ =	shalt  }
0x7b: {  	_ =	shalt  }
0x7c: {  	_ =	shalt  }
0x7d: {  	_ =	shalt  }
0x7e: {  	_ =	shalt  }
0x7f: {  	_ =	shalt  }
0x80: {  	_ =	shalt  }
0x81: {  	_ =	shalt  }
0x82: {  	_ =	shalt  }
0x83: {  	_ =	shalt  }
0x84: {  	_ =	shalt  }
0x85: {  	_ =	shalt  }
0x86: {  	_ =	shalt  }
0x87: {  	_ =	shalt  }
.Lfunc_end0:
.L_simem_size_0:
called_computation.2_lowered:
.L_overlay_start_0:
0x88: {  	s2 =	sld [smem:$0x3FD9]  }
0x89: {  	s3 =	sld [smem:$0x3FFE];
	_ =	sdelay $0x1  }
0x8a: {  	s1 =	srdreg.scid  }
0x8b: {  	s0 =	sand.u32 $0x1, s1  }
0x8c: {  	s17 =	sshll.u32 s0, $0xA;
	s2 =	sadd.s32 s3, s2  }
0x8d: {  	s2 =	sadd.s32 s2, s17  }
0x8e: {  	[smem:$0x3FBF] =	sst s2  }
0x8f: {  	_ = 	snop  }
0x90: {  	s18 =	sld [smem:$0x3FD0];
	(tm) =	ssettm $0x1  }
0x91: {  	s19 =	sld [smem:$0x3FFB];
	_ =	sdelay $0x3  }
0x92: {  	_ =	strace s19  }
0x93: {  	s2 =	sld [smem:$0x3FFC];
	_ =	sdelay $0x3  }
0x94: {  	_ =	strace s2  }
0x95: {  	s2 =	sld [smem:$0x3FFD];
	_ =	sdelay $0x3  }
0x96: {  	_ =	strace s2  }
0x97: {  	_ =	strace $0x8FFFFFFF  }
0x98: {  	s20 =	sld [smem:$0x3FDB];
	_ =	sdelay $0x1  }
0x99: {  	s4 =	simm.s32 $_scs_section_size  }
0x9a: {  	s5 =	simm.s32 $_size__tile_overlayer_lowered;
	s6 =	simm.s32 $_tile_overlayer_lowered  }
0x9b: {  	s7 =	simm.s32 $0x1BFF;
	s21 =	sshll.u32 s6, $0x1;
	s4 =	sadd.s32 s4, s20  }
0x9c: {  	s22 =	simm.s32 $0x0;
	s5 =	sshll.u32 s5, $0x1;
	s6 =	sadd.s32 s21, s4  }
0x9d: {  	[timem:s22], [sflag:s7] =	dma.local [hbm:s6], s5  }
0x9e: {  	_ =	swait.ge [sflag:s7], s5  }
0x9f: {  	s5 =	ssub.s32 $0x0, s5;
	[sflag:s7] =	ssyncset.done $0x0  }
0xa0: {  	[sflag:s7] =	ssyncadd.s32 s5;
	_ =	sdelay $0x1  }
0xa1: {  	s23 =	simm.s32 $0x1B8B  }
0xa2: {  	_ =	swait.ge [sflag:s23], $0x1  }
0xa3: {  	[sflag:s23] =	ssyncset.done $0x0  }
0xa4: {  	[sflag:s23] =	ssyncadd.s32 $0xFFFFFFFF  }
0xa5: {  	s5 =	sld [smem:$0x0]  }
0xa6: {  	s6 =	sand.u32 $0xFFFFFFFE, s1  }
0xa7: {  	p0 =	sne.s32 s1, s6  }
0xa8: {  	s6 =	sshll.u32 @p0 s6, $0xE  }
0xa9: {  	s6 =	sadd.s32 @p0 $0x11B8D, s6;
	s7 =	sshll.u32 @p0 s5, $0x11  }
0xaa: {  	s6 =	sor.u32 @p0 s7, s6  }
0xab: {  	[sflag:s6] =	ssyncadd.remote.s32 @p0 $0x1;
	_ =	sdelay $0x1  }
0xac: {  	s6 =	simm.s32 @p0 $0x1B8D  }
0xad: {  	_ =	swait.eq @p0 [sflag:s6], $0x1  }
0xae: {  	[sflag:s6] =	ssyncadd.s32 @p0 $0xFFFFFFFF  }
0xaf: {  	s7 =	sshll.u32 @!p0 s1, $0xE  }
0xb0: {  	s7 =	sor.u32 @!p0 $0x4000, s7;
	s6 =	simm.s32 @!p0 $0x1B8D  }
0xb1: {  	s5 =	sshll.u32 @!p0 s5, $0x11;
	s7 =	sadd.s32 @!p0 $0x11B8D, s7;
	_ =	swait.eq @!p0 [sflag:s6], $0x1  }
0xb2: {  	s5 =	sor.u32 @!p0 s5, s7;
	[sflag:s6] =	ssyncadd.s32 @!p0 $0xFFFFFFFF  }
0xb3: {  	s25 =	simm.s32 $0x1B8E;
	s24 =	sld [smem:$0x3FFE];
	[sflag:s5] =	ssyncadd.remote.s32 @!p0 $0x1  }
0xb4: {  	s26 =	simm.s32 $execute0_lowered;
	[smem:$0x3FD2] =	sst s25  }
0xb5: {  	s6 =	sshll.u32 s26, $0x1;
	_ =	strace $0x8000004C;
	[dreg:$0x1] =	wrdreg $0xFFFFFFFF  }
0xb6: {  	s28 =	simm.s32 $_size_execute0_lowered;
	s4 =	sadd.s32 s4, s6;
	[dreg:$0x0] =	wrdreg $0x0  }
0xb7: {  	s6 =	sshll.u32 s28, $0x1;
	[dreg:$0x2] =	wrdreg s4  }
0xb8: {  	[dreg:$0x3] =	wrdreg s6  }
0xb9: {  	[dreg:$0x4] =	wrdreg $0xC0  }
0xba: {  	_ =	task [dreg:s22], $0x5FFFF  }
0xbb: {  	[dreg:$0x1] =	wrdreg $0xFFFFFFFF  }
0xbc: {  	[dreg:$0x0] =	wrdreg $0x60  }
0xbd: {  	[dreg:$0x2] =	wrdreg s24  }
0xbe: {  	[dreg:$0x3] =	wrdreg s18  }
0xbf: {  	[dreg:$0x4] =	wrdreg $0x90000  }
0xc0: {  	[dreg:$0x5] =	wrdreg $0xA  }
0xc1: {  	_ =	task.clear_ibuf [dreg:s22], $0x6FFFF;
	_ =	strace $0x9000004C  }
0xc2: {  	s29 =	simm.s32 $0xA;
	_ =	strace $0x8000004E  }
0xc3: {  	_ =	swait.ge [sflag:s29], $0x1  }
0xc4: {  	[sflag:s29] =	ssyncadd.s32 $0xFFFFFFFF  }
0xc5: {  	_ =	strace $0x9000004E  }
0xc6: {  	_ =	sfence  }
0xc7: {  	s30 =	sld [smem:$0x0];
	_ =	sdelay $0x2  }
0xc8: {  	s31 =	sshll.u32 s1, $0xD;
	s1 =	sshrl.u32 s1, $0x2  }
0xc9: {  	s4 =	sand.u32 $0x4000, s31;
	s1 =	sadd.s32 s1, s30  }
0xca: {  	s0 =	sor.u32 s4, s0;
	s1 =	sshll.u32 s1, $0x11  }
0xcb: {  	s0 =	sor.u32 s1, s0  }
0xcc: {  	s0 =	sadd.s32 $0x8F2B, s0  }
0xcd: {  	[sflag:s0] =	ssyncadd.remote.s32 $0x1  }
0xce: {  	_ =	sfence.sel $0xFFFF  }
0xcf: {  	[dreg:$0x0] =	wrdreg $0xFFFFFFFF;
	(pc) =	sbr.abs _section_cstart, $3  }
0xd0: {  	[dreg:$0x1] =	wrdreg $0xFFFFFFFF  }
0xd1: {  	_ =	task.clear_ibuf [dreg:s22], $0x2FFFF;
	_ =	strace $0x9FFFFFFF  }
0xd2: {  	(tm) =	ssettm $0x7FFFFFFF  }
0xd3: {  	_ =	shalt  }
tec
execute0_lowered:
.L_overlay_start_1:
0x0: {  	(tag) =	ssettag $0x1  }
0x1: {  	s0 =	rddreg [dreg:$0x0]  }
0x2: {  	s1 =	rddreg [dreg:$0x1]  }
0x3: {  	s3 =	rddreg [dreg:$0x2]  }
0x4: {  	s2 =	srdreg.scid;
	s4 =	simm.s32 $0x0;
	s19 =	simm.s32 $0x5000  }
0x5: {  	s20 =	simm.s32 $0x5800;
	s21 =	simm.s32 $0x6000;
	s22 =	simm.s32 $0x6800  }
0x6: {  	s23 =	simm.s32 $0x7000;
	s24 =	simm.s32 $0x7800;
	s25 =	simm.s32 $0x8000  }
0x7: {  	s29 =	simm.s32 $0x2;
	s6 =	sand.u32 $0x1, s2;
	s2 =	stileid.u32  }
0x8: {  	s30 =	simm.s32 $0x0;
	[smem:$0x7FF] =	sst s4;
	s5 =	smul.u32 $0x144000, s6  }
0x9: {  	s7 =	sshll.u32 s6, $0x4;
	s8 =	smul.u32 $0x14400, s2;
	_ =	strace $0x8000004D  }
0xa: {  	s9 =	smul.u32 $0x51000, s2;
	s6 =	ssub.s32 $0x2, s6;
	s10 =	sshll.u32 s2, $0x4  }
0xb: {  	s31 =	sshll.u32 s2, $0x6;
	s7 =	sor.u32 s2, s7;
	s26 =	sshrl.u32 s6, $0x1  }
0xc: {  	s28 =	sadd.s32 $0x2780, s10;
	s10 =	simm.s32 $0x3;
	s12 =	sor.u32 $0x1C03, s31  }
0xd: {  	s7 =	smul.u32 $0x500, s7;
	s8 =	sadd.s32 s8, s5;
	s5 =	sadd.s32 $0x17000, s0  }
0xe: {  	v0 =	vlaneseq.u32;
	s9 =	sshrl.u32 s9, $0x2;
	s11 =	ssub.s32 s6, s26;
	s26 =	simm.s32 $0x8800  }
0xf: {  	v0 =	vor.u32 s28, v0;
	s28 =	simm.s32 $0x1;
	s8 =	sshrl.u32 s8, $0x3;
	s13 =	sadd.s32 s9, s3  }
0x10: {  	s9 =	smax.u32 s11, $0x1;
	s11 =	simm.s32 $0x2800;
	s7 =	sadd.s32 s7, s0  }
0x11: {  	s0 =	sadd.s32 s8, s0;
	s14 =	sadd.s32 $0x4000, s13;
	s15 =	sadd.s32 $0x8000, s13  }
0x12: {  	s16 =	sadd.s32 $0xC000, s13;
	s17 =	sadd.s32 $0x10000, s13;
	s18 =	sadd.s32 $0x14000, s13  }
0x13: {  	s13 =	sshrl.u32 s13, $0x3;
	s6 =	sadd.s32 $0x2E00, s7;
	s7 =	sadd.s32 $0x68000, s7  }
0x14: {  	s8 =	sadd.s32 $0xC3000, s0;
	s14 =	sshrl.u32 s14, $0x3;
	s15 =	sshrl.u32 s15, $0x3  }
0x15: {  	vm0 =	vmmov $0xffff;
	s16 =	sshrl.u32 s16, $0x3;
	s17 =	sshrl.u32 s17, $0x3;
	s18 =	sshrl.u32 s18, $0x3  }
.LBB2_1:
0x16: {  	[tilespmem:s4], [sflag:$0x3] =	stream.linear.gather [hbm4b:s6+s4], $0x2800, $0x38;
	[tilespmem:$0x1D400] =	vst v63  }
0x17: {  	_ =	swait.ge [sflag:s10], $0x2800  }
0x18: {  	[sflag:s10] =	ssyncset.done $0x0  }
0x19: {  	[sflag:s10] =	ssyncadd.s32 $0xFFFFD800  }
0x1a: {  	[tilespmem:s11], [sflag:$0x3] =	stream.linear.gather [hbm4b:s7+s4], $0x2800, $0x38;
	[tilespmem:$0x1D400] =	vst v63  }
0x1b: {  	_ =	swait.ge [sflag:s10], $0x2800  }
0x1c: {  	[sflag:s10] =	ssyncset.done $0x0  }
0x1d: {  	[sflag:s10] =	ssyncadd.s32 $0xFFFFD800  }
0x1e: {  	[spmem:s13], [sflag:s12] =	dma.local [hbm:s1], $0x800  }
0x1f: {  	_ =	swait.ge [sflag:s10], $0x800  }
0x20: {  	[sflag:s10] =	ssyncset.done $0x0  }
0x21: {  	[sflag:s10] =	ssyncadd.s32 $0xFFFFF800  }
0x22: {  	[spmem:s14], [sflag:s12] =	dma.local [hbm:s1], $0x800  }
0x23: {  	_ =	swait.ge [sflag:s10], $0x800  }
0x24: {  	[sflag:s10] =	ssyncset.done $0x0  }
0x25: {  	[sflag:s10] =	ssyncadd.s32 $0xFFFFF800  }
0x26: {  	[spmem:s15], [sflag:s12] =	dma.local [hbm:s1], $0x800  }
0x27: {  	_ =	swait.ge [sflag:s10], $0x800  }
0x28: {  	[sflag:s10] =	ssyncset.done $0x0  }
0x29: {  	[sflag:s10] =	ssyncadd.s32 $0xFFFFF800  }
0x2a: {  	[spmem:s16], [sflag:s12] =	dma.local [hbm:s1], $0x800  }
0x2b: {  	_ =	swait.ge [sflag:s10], $0x800  }
0x2c: {  	[sflag:s10] =	ssyncset.done $0x0  }
0x2d: {  	[sflag:s10] =	ssyncadd.s32 $0xFFFFF800  }
0x2e: {  	[spmem:s17], [sflag:s12] =	dma.local [hbm:s1], $0x800  }
0x2f: {  	_ =	swait.ge [sflag:s10], $0x800  }
0x30: {  	[sflag:s10] =	ssyncset.done $0x0  }
0x31: {  	[sflag:s10] =	ssyncadd.s32 $0xFFFFF800  }
0x32: {  	[spmem:s18], [sflag:s12] =	dma.local [hbm:s1], $0x80  }
0x33: {  	_ =	swait.ge [sflag:s10], $0x80  }
0x34: {  	[sflag:s10] =	ssyncset.done $0x0  }
0x35: {  	[sflag:s10] =	ssyncadd.s32 $0xFFFFFF80  }
0x36: {  	s31 =	simm.s32 $0x0;
	[bflag:$0x0] =	sbarrier.arrive $0xFFFF  }
.LBB2_2:
0x37: {  	s0 =	sshra.s32 s31, $0x2  }
0x38: {  	v1 =	vld [tilespmem:s0+$0x0];
	_ =	sdelay $0x7  }
0x39: {  	[tilespmem:s19], [sflag:$0x1] =	stream.indirect_vreg.gather [hbm4b:s5+s4], $0x80, v1, vm0, $0xb8;
	[tilespmem:$0x1D400] =	vst v63  }
0x3a: {  	v1 =	vld [tilespmem:s0+$0x10];
	_ =	sdelay $0x7  }
0x3b: {  	[tilespmem:s20], [sflag:$0x1] =	stream.indirect_vreg.gather [hbm4b:s5+s4], $0x80, v1, vm0, $0xb8;
	[tilespmem:$0x1D400] =	vst v63  }
0x3c: {  	v1 =	vld [tilespmem:s0+$0x20];
	_ =	sdelay $0x7  }
0x3d: {  	[tilespmem:s21], [sflag:$0x1] =	stream.indirect_vreg.gather [hbm4b:s5+s4], $0x80, v1, vm0, $0xb8;
	[tilespmem:$0x1D400] =	vst v63  }
0x3e: {  	v1 =	vld [tilespmem:s0+$0x30];
	_ =	sdelay $0x7  }
0x3f: {  	[tilespmem:s22], [sflag:$0x1] =	stream.indirect_vreg.gather [hbm4b:s5+s4], $0x80, v1, vm0, $0xb8;
	[tilespmem:$0x1D400] =	vst v63  }
0x40: {  	v1 =	vld [tilespmem:s0+$0x40];
	_ =	sdelay $0x7  }
0x41: {  	[tilespmem:s23], [sflag:$0x2] =	stream.indirect_vreg.gather [hbm4b:s5+s4], $0x80, v1, vm0, $0xb8;
	[tilespmem:$0x1D400] =	vst v63  }
0x42: {  	v1 =	vld [tilespmem:s0+$0x50];
	_ =	sdelay $0x7  }
0x43: {  	[tilespmem:s24], [sflag:$0x2] =	stream.indirect_vreg.gather [hbm4b:s5+s4], $0x80, v1, vm0, $0xb8;
	[tilespmem:$0x1D400] =	vst v63  }
0x44: {  	v1 =	vld [tilespmem:s0+$0x60];
	_ =	sdelay $0x7  }
0x45: {  	[tilespmem:s25], [sflag:$0x2] =	stream.indirect_vreg.gather [hbm4b:s5+s4], $0x80, v1, vm0, $0xb8;
	[tilespmem:$0x1D400] =	vst v63  }
0x46: {  	v1 =	vld [tilespmem:s0+$0x70];
	_ =	sdelay $0x7  }
0x47: {  	[tilespmem:s26], [sflag:$0x2] =	stream.indirect_vreg.gather [hbm4b:s5+s4], $0x80, v1, vm0, $0xb8;
	[tilespmem:$0x1D400] =	vst v63  }
0x48: {  	_ =	swait.ge [sflag:s28], $0x800  }
0x49: {  	[sflag:s28] =	ssyncset.done $0x0  }
0x4a: {  	[sflag:s28] =	ssyncadd.s32 $0xFFFFF800  }
0x4b: {  	_ =	swait.ge [sflag:s28], $0x800  }
0x4c: {  	[sflag:s28] =	ssyncset.done $0x0  }
0x4d: {  	[sflag:s28] =	ssyncadd.s32 $0xFFFFF800  }
0x4e: {  	_ =	swait.ge [sflag:s28], $0x800  }
0x4f: {  	[sflag:s28] =	ssyncset.done $0x0  }
0x50: {  	[sflag:s28] =	ssyncadd.s32 $0xFFFFF800  }
0x51: {  	_ =	swait.ge [sflag:s28], $0x800  }
0x52: {  	[sflag:s28] =	ssyncset.done $0x0  }
0x53: {  	[sflag:s28] =	ssyncadd.s32 $0xFFFFF800  }
0x54: {  	v1 =	vld [tilespmem:s0+$0x2800];
	_ =	sdelay $0x4  }
0x55: {  	v2 =	vshrl.u32 v1, $0x1C  }
0x56: {  	v1 =	vand.u32 $0xFFFFFFF, v1;
	vm1 =	veq.s32 v2, $0x0  }
0x57: {  	v3 =	vsel vm1, v1, v0;
	_ =	sdelay $0x2  }
0x58: {  	vm1 =	veq.s32 v2, $0x1  }
0x59: {  	v4 =	vsel vm1, v1, v0  }
0x5a: {  	[spmem:s3] =	stream.indirect_vreg.scatter.add.f32 [tilespmem:s19], [sflag:$0x3], $0x80, v3, vm0, $0xb8;
	[tilespmem:$0x1D400] =	vst v63  }
0x5b: {  	_ =	swait.ge [sflag:s10], $0x800  }
0x5c: {  	vm1 =	veq.s32 v2, $0x2;
	[sflag:s10] =	ssyncset.done $0x0  }
0x5d: {  	v1 =	vsel vm1, v1, v0;
	[sflag:s10] =	ssyncadd.s32 $0xFFFFF800  }
0x5e: {  	[spmem:s3] =	stream.indirect_vreg.scatter.add.f32 [tilespmem:s19], [sflag:$0x3], $0x80, v4, vm0, $0xb8;
	[tilespmem:$0x1D400] =	vst v63  }
0x5f: {  	_ =	swait.ge [sflag:s10], $0x800  }
0x60: {  	[sflag:s10] =	ssyncset.done $0x0  }
0x61: {  	[sflag:s10] =	ssyncadd.s32 $0xFFFFF800  }
0x62: {  	[spmem:s3] =	stream.indirect_vreg.scatter.add.f32 [tilespmem:s19], [sflag:$0x3], $0x80, v1, vm0, $0xb8;
	[tilespmem:$0x1D400] =	vst v63  }
0x63: {  	_ =	swait.ge [sflag:s10], $0x800  }
0x64: {  	[sflag:s10] =	ssyncset.done $0x0  }
0x65: {  	[sflag:s10] =	ssyncadd.s32 $0xFFFFF800  }
0x66: {  	v1 =	vld [tilespmem:s0+$0x2810];
	_ =	sdelay $0x4  }
0x67: {  	v2 =	vshrl.u32 v1, $0x1C  }
0x68: {  	v1 =	vand.u32 $0xFFFFFFF, v1;
	vm1 =	veq.s32 v2, $0x0  }
0x69: {  	v3 =	vsel vm1, v1, v0;
	_ =	sdelay $0x2  }
0x6a: {  	vm1 =	veq.s32 v2, $0x1  }
0x6b: {  	v57 =	vsel vm1, v1, v0  }
0x6c: {  	[spmem:s3] =	stream.indirect_vreg.scatter.add.f32 [tilespmem:s20], [sflag:$0x3], $0x80, v3, vm0, $0xb8;
	[tilespmem:$0x1D400] =	vst v63  }
0x6d: {  	_ =	swait.ge [sflag:s10], $0x800  }
0x6e: {  	vm1 =	veq.s32 v2, $0x2;
	[sflag:s10] =	ssyncset.done $0x0  }
0x6f: {  	v1 =	vsel vm1, v1, v0;
	[sflag:s10] =	ssyncadd.s32 $0xFFFFF800  }
0x70: {  	[spmem:s3] =	stream.indirect_vreg.scatter.add.f32 [tilespmem:s20], [sflag:$0x3], $0x80, v57, vm0, $0xb8;
	[tilespmem:$0x1D400] =	vst v63  }
0x71: {  	_ =	swait.ge [sflag:s10], $0x800  }
0x72: {  	[sflag:s10] =	ssyncset.done $0x0  }
0x73: {  	[sflag:s10] =	ssyncadd.s32 $0xFFFFF800  }
0x74: {  	[spmem:s3] =	stream.indirect_vreg.scatter.add.f32 [tilespmem:s20], [sflag:$0x3], $0x80, v1, vm0, $0xb8;
	[tilespmem:$0x1D400] =	vst v63  }
0x75: {  	_ =	swait.ge [sflag:s10], $0x800  }
0x76: {  	[sflag:s10] =	ssyncset.done $0x0  }
0x77: {  	[sflag:s10] =	ssyncadd.s32 $0xFFFFF800  }
0x78: {  	v1 =	vld [tilespmem:s0+$0x2820];
	_ =	sdelay $0x4  }
0x79: {  	v2 =	vshrl.u32 v1, $0x1C  }
0x7a: {  	v1 =	vand.u32 $0xFFFFFFF, v1;
	vm1 =	veq.s32 v2, $0x0  }
0x7b: {  	v3 =	vsel vm1, v1, v0;
	_ =	sdelay $0x2  }
0x7c: {  	vm1 =	veq.s32 v2, $0x1  }
0x7d: {  	v58 =	vsel vm1, v1, v0  }
0x7e: {  	[spmem:s3] =	stream.indirect_vreg.scatter.add.f32 [tilespmem:s21], [sflag:$0x3], $0x80, v3, vm0, $0xb8;
	[tilespmem:$0x1D400] =	vst v63  }
0x7f: {  	_ =	swait.ge [sflag:s10], $0x800  }
0x80: {  	vm1 =	veq.s32 v2, $0x2;
	[sflag:s10] =	ssyncset.done $0x0  }
0x81: {  	v1 =	vsel vm1, v1, v0;
	[sflag:s10] =	ssyncadd.s32 $0xFFFFF800  }
0x82: {  	[spmem:s3] =	stream.indirect_vreg.scatter.add.f32 [tilespmem:s21], [sflag:$0x3], $0x80, v58, vm0, $0xb8;
	[tilespmem:$0x1D400] =	vst v63  }
0x83: {  	_ =	swait.ge [sflag:s10], $0x800  }
0x84: {  	[sflag:s10] =	ssyncset.done $0x0  }
0x85: {  	[sflag:s10] =	ssyncadd.s32 $0xFFFFF800  }
0x86: {  	[spmem:s3] =	stream.indirect_vreg.scatter.add.f32 [tilespmem:s21], [sflag:$0x3], $0x80, v1, vm0, $0xb8;
	[tilespmem:$0x1D400] =	vst v63  }
0x87: {  	_ =	swait.ge [sflag:s10], $0x800  }
0x88: {  	[sflag:s10] =	ssyncset.done $0x0  }
0x89: {  	[sflag:s10] =	ssyncadd.s32 $0xFFFFF800  }
0x8a: {  	v1 =	vld [tilespmem:s0+$0x2830];
	_ =	sdelay $0x4  }
0x8b: {  	v2 =	vshrl.u32 v1, $0x1C  }
0x8c: {  	v1 =	vand.u32 $0xFFFFFFF, v1;
	vm1 =	veq.s32 v2, $0x0  }
0x8d: {  	v3 =	vsel vm1, v1, v0;
	_ =	sdelay $0x2  }
0x8e: {  	vm1 =	veq.s32 v2, $0x1  }
0x8f: {  	v59 =	vsel vm1, v1, v0  }
0x90: {  	[spmem:s3] =	stream.indirect_vreg.scatter.add.f32 [tilespmem:s22], [sflag:$0x3], $0x80, v3, vm0, $0xb8;
	[tilespmem:$0x1D400] =	vst v63  }
0x91: {  	_ =	swait.ge [sflag:s10], $0x800  }
0x92: {  	vm1 =	veq.s32 v2, $0x2;
	[sflag:s10] =	ssyncset.done $0x0  }
0x93: {  	v1 =	vsel vm1, v1, v0;
	[sflag:s10] =	ssyncadd.s32 $0xFFFFF800  }
0x94: {  	[spmem:s3] =	stream.indirect_vreg.scatter.add.f32 [tilespmem:s22], [sflag:$0x3], $0x80, v59, vm0, $0xb8;
	[tilespmem:$0x1D400] =	vst v63  }
0x95: {  	_ =	swait.ge [sflag:s10], $0x800  }
0x96: {  	[sflag:s10] =	ssyncset.done $0x0  }
0x97: {  	[sflag:s10] =	ssyncadd.s32 $0xFFFFF800  }
0x98: {  	[spmem:s3] =	stream.indirect_vreg.scatter.add.f32 [tilespmem:s22], [sflag:$0x3], $0x80, v1, vm0, $0xb8;
	[tilespmem:$0x1D400] =	vst v63  }
0x99: {  	_ =	swait.ge [sflag:s10], $0x800  }
0x9a: {  	[sflag:s10] =	ssyncset.done $0x0  }
0x9b: {  	[sflag:s10] =	ssyncadd.s32 $0xFFFFF800  }
0x9c: {  	_ =	swait.ge [sflag:s29], $0x800  }
0x9d: {  	[sflag:s29] =	ssyncset.done $0x0  }
0x9e: {  	[sflag:s29] =	ssyncadd.s32 $0xFFFFF800  }
0x9f: {  	_ =	swait.ge [sflag:s29], $0x800  }
0xa0: {  	[sflag:s29] =	ssyncset.done $0x0  }
0xa1: {  	[sflag:s29] =	ssyncadd.s32 $0xFFFFF800  }
0xa2: {  	_ =	swait.ge [sflag:s29], $0x800  }
0xa3: {  	[sflag:s29] =	ssyncset.done $0x0  }
0xa4: {  	[sflag:s29] =	ssyncadd.s32 $0xFFFFF800  }
0xa5: {  	_ =	swait.ge [sflag:s29], $0x800  }
0xa6: {  	[sflag:s29] =	ssyncset.done $0x0  }
0xa7: {  	[sflag:s29] =	ssyncadd.s32 $0xFFFFF800  }
0xa8: {  	v1 =	vld [tilespmem:s0+$0x2840];
	_ =	sdelay $0x4  }
0xa9: {  	v2 =	vshrl.u32 v1, $0x1C  }
0xaa: {  	v1 =	vand.u32 $0xFFFFFFF, v1;
	vm1 =	veq.s32 v2, $0x0  }
0xab: {  	v3 =	vsel vm1, v1, v0;
	_ =	sdelay $0x2  }
0xac: {  	vm1 =	veq.s32 v2, $0x1  }
0xad: {  	v60 =	vsel vm1, v1, v0  }
0xae: {  	[spmem:s3] =	stream.indirect_vreg.scatter.add.f32 [tilespmem:s23], [sflag:$0x3], $0x80, v3, vm0, $0xb8;
	[tilespmem:$0x1D400] =	vst v63  }
0xaf: {  	_ =	swait.ge [sflag:s10], $0x800  }
0xb0: {  	vm1 =	veq.s32 v2, $0x2;
	[sflag:s10] =	ssyncset.done $0x0  }
0xb1: {  	v1 =	vsel vm1, v1, v0;
	[sflag:s10] =	ssyncadd.s32 $0xFFFFF800  }
0xb2: {  	[spmem:s3] =	stream.indirect_vreg.scatter.add.f32 [tilespmem:s23], [sflag:$0x3], $0x80, v60, vm0, $0xb8;
	[tilespmem:$0x1D400] =	vst v63  }
0xb3: {  	_ =	swait.ge [sflag:s10], $0x800  }
0xb4: {  	[sflag:s10] =	ssyncset.done $0x0  }
0xb5: {  	[sflag:s10] =	ssyncadd.s32 $0xFFFFF800  }
0xb6: {  	[spmem:s3] =	stream.indirect_vreg.scatter.add.f32 [tilespmem:s23], [sflag:$0x3], $0x80, v1, vm0, $0xb8;
	[tilespmem:$0x1D400] =	vst v63  }
0xb7: {  	_ =	swait.ge [sflag:s10], $0x800  }
0xb8: {  	[sflag:s10] =	ssyncset.done $0x0  }
0xb9: {  	[sflag:s10] =	ssyncadd.s32 $0xFFFFF800  }
0xba: {  	v1 =	vld [tilespmem:s0+$0x2850];
	_ =	sdelay $0x4  }
0xbb: {  	v2 =	vshrl.u32 v1, $0x1C  }
0xbc: {  	v1 =	vand.u32 $0xFFFFFFF, v1;
	vm1 =	veq.s32 v2, $0x0  }
0xbd: {  	v3 =	vsel vm1, v1, v0;
	_ =	sdelay $0x2  }
0xbe: {  	vm1 =	veq.s32 v2, $0x1  }
0xbf: {  	v61 =	vsel vm1, v1, v0  }
0xc0: {  	[spmem:s3] =	stream.indirect_vreg.scatter.add.f32 [tilespmem:s24], [sflag:$0x3], $0x80, v3, vm0, $0xb8;
	[tilespmem:$0x1D400] =	vst v63  }
0xc1: {  	_ =	swait.ge [sflag:s10], $0x800  }
0xc2: {  	vm1 =	veq.s32 v2, $0x2;
	[sflag:s10] =	ssyncset.done $0x0  }
0xc3: {  	v1 =	vsel vm1, v1, v0;
	[sflag:s10] =	ssyncadd.s32 $0xFFFFF800  }
0xc4: {  	[spmem:s3] =	stream.indirect_vreg.scatter.add.f32 [tilespmem:s24], [sflag:$0x3], $0x80, v61, vm0, $0xb8;
	[tilespmem:$0x1D400] =	vst v63  }
0xc5: {  	_ =	swait.ge [sflag:s10], $0x800  }
0xc6: {  	[sflag:s10] =	ssyncset.done $0x0  }
0xc7: {  	[sflag:s10] =	ssyncadd.s32 $0xFFFFF800  }
0xc8: {  	[spmem:s3] =	stream.indirect_vreg.scatter.add.f32 [tilespmem:s24], [sflag:$0x3], $0x80, v1, vm0, $0xb8;
	[tilespmem:$0x1D400] =	vst v63  }
0xc9: {  	_ =	swait.ge [sflag:s10], $0x800  }
0xca: {  	[sflag:s10] =	ssyncset.done $0x0  }
0xcb: {  	[sflag:s10] =	ssyncadd.s32 $0xFFFFF800  }
0xcc: {  	v1 =	vld [tilespmem:s0+$0x2860];
	_ =	sdelay $0x4  }
0xcd: {  	v2 =	vshrl.u32 v1, $0x1C  }
0xce: {  	v1 =	vand.u32 $0xFFFFFFF, v1;
	vm1 =	veq.s32 v2, $0x0  }
0xcf: {  	v3 =	vsel vm1, v1, v0;
	_ =	sdelay $0x2  }
0xd0: {  	vm1 =	veq.s32 v2, $0x1  }
0xd1: {  	v62 =	vsel vm1, v1, v0  }
0xd2: {  	[spmem:s3] =	stream.indirect_vreg.scatter.add.f32 [tilespmem:s25], [sflag:$0x3], $0x80, v3, vm0, $0xb8;
	[tilespmem:$0x1D400] =	vst v63  }
0xd3: {  	_ =	swait.ge [sflag:s10], $0x800  }
0xd4: {  	vm1 =	veq.s32 v2, $0x2;
	[sflag:s10] =	ssyncset.done $0x0  }
0xd5: {  	v1 =	vsel vm1, v1, v0;
	[sflag:s10] =	ssyncadd.s32 $0xFFFFF800  }
0xd6: {  	[spmem:s3] =	stream.indirect_vreg.scatter.add.f32 [tilespmem:s25], [sflag:$0x3], $0x80, v62, vm0, $0xb8;
	[tilespmem:$0x1D400] =	vst v63  }
0xd7: {  	_ =	swait.ge [sflag:s10], $0x800  }
0xd8: {  	[sflag:s10] =	ssyncset.done $0x0  }
0xd9: {  	[sflag:s10] =	ssyncadd.s32 $0xFFFFF800  }
0xda: {  	[spmem:s3] =	stream.indirect_vreg.scatter.add.f32 [tilespmem:s25], [sflag:$0x3], $0x80, v1, vm0, $0xb8;
	[tilespmem:$0x1D400] =	vst v63  }
0xdb: {  	_ =	swait.ge [sflag:s10], $0x800  }
0xdc: {  	[sflag:s10] =	ssyncset.done $0x0  }
0xdd: {  	[sflag:s10] =	ssyncadd.s32 $0xFFFFF800  }
0xde: {  	v1 =	vld [tilespmem:s0+$0x2870];
	_ =	sdelay $0x4  }
0xdf: {  	v2 =	vshrl.u32 v1, $0x1C  }
0xe0: {  	v1 =	vand.u32 $0xFFFFFFF, v1;
	vm1 =	veq.s32 v2, $0x0  }
0xe1: {  	v3 =	vsel vm1, v1, v0;
	_ =	sdelay $0x2  }
0xe2: {  	vm1 =	veq.s32 v2, $0x1  }
0xe3: {  	v63 =	vsel vm1, v1, v0  }
0xe4: {  	[spmem:s3] =	stream.indirect_vreg.scatter.add.f32 [tilespmem:s26], [sflag:$0x3], $0x80, v3, vm0, $0xb8;
	[tilespmem:$0x1D400] =	vst v63  }
0xe5: {  	_ =	swait.ge [sflag:s10], $0x800  }
0xe6: {  	vm1 =	veq.s32 v2, $0x2;
	[sflag:s10] =	ssyncset.done $0x0  }
0xe7: {  	v1 =	vsel vm1, v1, v0;
	[sflag:s10] =	ssyncadd.s32 $0xFFFFF800  }
0xe8: {  	[spmem:s3] =	stream.indirect_vreg.scatter.add.f32 [tilespmem:s26], [sflag:$0x3], $0x80, v63, vm0, $0xb8;
	[tilespmem:$0x1D400] =	vst v63  }
0xe9: {  	_ =	swait.ge [sflag:s10], $0x800  }
0xea: {  	p0 =	sne.s32 s31, $0x9E00;
	[sflag:s10] =	ssyncset.done $0x0  }
.Ltmp0:
0xeb: {  	[sflag:s10] =	ssyncadd.s32 $0xFFFFF800;
	(pc) =	sbr.rel @p0 .LBB2_2-.Ltmp0, $4  }
0xec: {  	[spmem:s3] =	stream.indirect_vreg.scatter.add.f32 [tilespmem:s26], [sflag:$0x3], $0x80, v1, vm0, $0xb8;
	[tilespmem:$0x1D400] =	vst v63  }
0xed: {  	_ =	swait.ge [sflag:s10], $0x800  }
0xee: {  	[sflag:s10] =	ssyncset.done $0x0  }
0xef: {  	s31 =	sadd.s32 $0x200, s31;
	[sflag:s10] =	ssyncadd.s32 $0xFFFFF800  }
0xf0: {  	s30 =	sadd.s32 $0x1, s30  }
0xf1: {  	p0 =	sne.s32 s30, s9  }
.Ltmp1:
0xf2: {  	[bflag:$0x0] =	sbarrier.arrive $0xFFFF;
	(pc) =	sbr.rel @p0 .LBB2_1-.Ltmp1, $4  }
0xf3: {  	[hbm:s8], [sflag:s12] =	dma.local [spmem:s13], $0x2880  }
0xf4: {  	_ =	swait.ge [sflag:s10], $0x2880  }
0xf5: {  	[sflag:s10] =	ssyncset.done $0x0  }
0xf6: {  	[sflag:s10] =	ssyncadd.s32 $0xFFFFD780  }
0xf7: {  	_ =	sfence.sel $0x180000  }
0xf8: {  	[bflag:$0x0] =	sbarrier.arrive $0xFFFF  }
0xf9: {  	_ =	strace $0x9000004D  }
0xfa: {  	[bflag:$0x2] =	sbarrier.arrive $0xFFFF  }
0xfb: {  	p0 =	sne.s32 s2, $0x0;
	s0 =	rddreg [dreg:$0x3]  }
0xfc: {  	s0 =	sadd.s32 @!p0 $0x100000, s0  }
0xfd: {  	[sflag:s0] =	ssyncadd.tile.s32 @!p0 $0x1;
	_ =	shalt  }
.Lfunc_end2:
_tile_overlayer_lowered:
.L_overlay_start_2:
0xfe: {  	(tag) =	ssettag $0x2  }
0xff: {  	s0 =	rddreg [dreg:$0x0];
	s2 =	stileid.u32  }
0x100: {  	s1 =	rddreg [dreg:$0x1];
	p0 =	sne.s32 s2, $0x0  }
0x101: {  	s3 =	rddreg [dreg:$0x2];
	[bflag:$0x3] =	sbarrier.arrive $0xFFFF;
	s2 =	simm.s32 @!p0 $0x1C03  }
0x102: {  	[timem:s3], [sflag:s2] =	dma.local @!p0 [hbm:s0], s1  }
0x103: {  	s0 =	simm.s32 @!p0 $0x3  }
0x104: {  	_ =	swait.ge @!p0 [sflag:s0], s1  }
0x105: {  	s1 =	ssub.s32 @!p0 $0x0, s1;
	[sflag:s0] =	ssyncset.done @!p0 $0x0  }
0x106: {  	[sflag:s0] =	ssyncadd.s32 @!p0 s1  }
0x107: {  	[bflag:$0x3] =	sbarrier.arrive $0xFFFF  }
0x108: {  	_ =	shalt  }

// kernel: kernel.22.cloned.1.call-start
scs
__scs_entry_jumppad:
0x0: {  	(pc) =	sbr.rel $0x88, $3  }
0x1: {  	(tag) =	ssettag $0x0;
	lr =	simm.s32 $0x1  }
0x2: {  	[smem:$0x3F98] =	sst lr;
	_ =	strace $0xD0000000  }
0x3: {  	_ = 	snop  }
0x4: {  	_ = 	snop  }
0x5: {  	_ = 	snop  }
0x6: {  	_ = 	snop  }
0x7: {  	_ = 	snop  }
__scs_overlays_trampoline_lowered:
0x8: {  	[smem:$0x3FA7] =	sst s0  }
0x9: {  	[smem:$0x3FA8] =	sst s1  }
0xa: {  	[smem:$0x3FA9] =	sst s2  }
0xb: {  	[smem:$0x3FAA] =	sst s3  }
0xc: {  	[smem:$0x3FAB] =	sst s4  }
0xd: {  	[smem:$0x3FAC] =	sst s5  }
0xe: {  	[smem:$0x3FAD] =	sst s6  }
0xf: {  	[smem:$0x3FAE] =	sst s7  }
0x10: {  	[smem:$0x3FAF] =	sst s8  }
0x11: {  	[smem:$0x3FB0] =	sst s9;
	s0 =	simm.s32 @!p0 $0x0  }
0x12: {  	s1 =	sld [smem:$0x3F96];
	s0 =	simm.s32 @p0 $0x1  }
0x13: {  	[smem:$0x3FB1] =	sst s0;
	s0 =	simm.s32 @!p1 $0x0  }
0x14: {  	s2 =	sld [smem:$0x3F95];
	s0 =	simm.s32 @p1 $0x1  }
0x15: {  	[smem:$0x3FB2] =	sst s0;
	s0 =	simm.s32 @!p2 $0x0  }
0x16: {  	s3 =	sld [smem:$0x3FDB];
	s0 =	simm.s32 @p2 $0x1  }
0x17: {  	s4 =	simm.s32 $0x1BF5;
	[smem:$0x3FB4] =	sst s0  }
0x18: {  	s0 =	sld [smem:$0x3F97];
	_ =	swait.ge [sflag:s4], $0x0  }
0x19: {  	s7 =	sld [smem:$0x3F98]  }
0x1a: {  	s8 =	sadd.s32 $0xFFFFE003, lr  }
0x1b: {  	s9 =	sadd.s32 $0xFFFFFEF7, lr;
	s5 =	simm.s32 $0xFFFFFFFF;
	p2 =	slt.u32 s8, $0xFFFFF086  }
0x1c: {  	p1 =	slt.u32 s9, $0xF7A;
	s5 =	simm.s32 @!p2 $0x0  }
0x1d: {  	s5 =	simm.s32 @p1 $0x1;
	p0 =	seq.s32 s7, s2  }
0x1e: {  	s7 =	smul.u32 @!p0 $0xF7A, s2;
	p2 =	seq.s32 @!p0 s5, $0x0  }
0x1f: {  	s9 =	smul.u32 $0xF7A, s1;
	s8 =	simm.s32 @!p0 $0x1BF5;
	p2 =	por !p2, p0  }
0x20: {  	[sflag:s8] =	ssyncset.s32 @!p0 $0xFFFFF086;
	s6 =	sadd.s32 @!p0 s3, s7;
	s7 =	simm.s32 @!p0 $0x108  }
0x21: {  	s3 =	sadd.s32 s3, s9;
	s6 =	sadd.s32 @!p0 $0x88, s6;
	s7 =	simm.s32 @p2 $0x1082  }
0x22: {  	[simem:s7], [sflag:s8] =	dma.local @!p0 [hbm:s6], $0xF7A  }
0x23: {  	s9 =	sor.u32 $0xD0000000, s2;
	s6 =	simm.s32 $0x108;
	_ =	swait.ge @!p0 [sflag:s8], $0x0  }
0x24: {  	s3 =	sadd.s32 $0x88, s3;
	s6 =	simm.s32 @!p1 $0x1082;
	[sflag:s4] =	ssyncset.s32 $0xFFFFF086  }
0x25: {  	[simem:s6], [sflag:s4] =	dma.local [hbm:s3], $0xF7A  }
0x26: {  	[smem:$0x3F98] =	sst s1;
	(tag) =	ssettag s2;
	_ =	strace s9  }
0x27: {  	s1 =	sld [smem:$0x3FA8]  }
0x28: {  	s2 =	sld [smem:$0x3FA9]  }
0x29: {  	s4 =	sld [smem:$0x3FAB]  }
0x2a: {  	p0 =	seq.s32 s5, $0x0;
	s5 =	sld [smem:$0x3FAC]  }
0x2b: {  	s6 =	sld [smem:$0x3FAD]  }
0x2c: {  	s7 =	sld [smem:$0x3FAE]  }
0x2d: {  	s3 =	simm.s32 $0x108;
	s8 =	sld [smem:$0x3FAF]  }
0x2e: {  	s3 =	simm.s32 @!p0 $0x1082;
	s9 =	sld [smem:$0x3FB0]  }
0x2f: {  	lr =	sadd.s32 s0, s3;
	s0 =	sld [smem:$0x3FA7]  }
0x30: {  	s3 =	sld [smem:$0x3FAA]  }
0x31: {  	[smem:$0x3FB3] =	sst s10  }
0x32: {  	s10 =	sld [smem:$0x3FB1];
	_ =	sdelay $0x3  }
0x33: {  	p0 =	seq.s32 s10, $0x1;
	s10 =	sld [smem:$0x3FB3];
	_ =	sdelay $0x3  }
0x34: {  	[smem:$0x3FB3] =	sst s10  }
0x35: {  	s10 =	sld [smem:$0x3FB2];
	_ =	sdelay $0x3  }
0x36: {  	p1 =	seq.s32 s10, $0x1;
	s10 =	sld [smem:$0x3FB3];
	_ =	sdelay $0x3  }
0x37: {  	[smem:$0x3FB3] =	sst s10  }
0x38: {  	s10 =	sld [smem:$0x3FB4]  }
0x39: {  	_ = 	snop;
	(pc) =	sbr.ind lr, $3  }
0x3a: {  	_ = 	snop  }
0x3b: {  	_ = 	snop  }
0x3c: {  	p2 =	seq.s32 s10, $0x1;
	s10 =	sld [smem:$0x3FB3]  }
0x3d: {  	_ =	shalt  }
0x3e: {  	_ =	shalt  }
0x3f: {  	_ =	shalt  }
0x40: {  	_ =	shalt  }
0x41: {  	_ =	shalt  }
0x42: {  	_ =	shalt  }
0x43: {  	_ =	shalt  }
0x44: {  	_ =	shalt  }
0x45: {  	_ =	shalt  }
0x46: {  	_ =	shalt  }
0x47: {  	_ =	shalt  }
0x48: {  	_ =	shalt  }
0x49: {  	_ =	shalt  }
0x4a: {  	_ =	shalt  }
0x4b: {  	_ =	shalt  }
0x4c: {  	_ =	shalt  }
0x4d: {  	_ =	shalt  }
0x4e: {  	_ =	shalt  }
0x4f: {  	_ =	shalt  }
0x50: {  	_ =	shalt  }
0x51: {  	_ =	shalt  }
0x52: {  	_ =	shalt  }
0x53: {  	_ =	shalt  }
0x54: {  	_ =	shalt  }
0x55: {  	_ =	shalt  }
0x56: {  	_ =	shalt  }
0x57: {  	_ =	shalt  }
0x58: {  	_ =	shalt  }
0x59: {  	_ =	shalt  }
0x5a: {  	_ =	shalt  }
0x5b: {  	_ =	shalt  }
0x5c: {  	_ =	shalt  }
0x5d: {  	_ =	shalt  }
0x5e: {  	_ =	shalt  }
0x5f: {  	_ =	shalt  }
0x60: {  	_ =	shalt  }
0x61: {  	_ =	shalt  }
0x62: {  	_ =	shalt  }
0x63: {  	_ =	shalt  }
0x64: {  	_ =	shalt  }
0x65: {  	_ =	shalt  }
0x66: {  	_ =	shalt  }
0x67: {  	_ =	shalt  }
0x68: {  	_ =	shalt  }
0x69: {  	_ =	shalt  }
0x6a: {  	_ =	shalt  }
0x6b: {  	_ =	shalt  }
0x6c: {  	_ =	shalt  }
0x6d: {  	_ =	shalt  }
0x6e: {  	_ =	shalt  }
0x6f: {  	_ =	shalt  }
0x70: {  	_ =	shalt  }
0x71: {  	_ =	shalt  }
0x72: {  	_ =	shalt  }
0x73: {  	_ =	shalt  }
0x74: {  	_ =	shalt  }
0x75: {  	_ =	shalt  }
0x76: {  	_ =	shalt  }
0x77: {  	_ =	shalt  }
0x78: {  	_ =	shalt  }
0x79: {  	_ =	shalt  }
0x7a: {  	_ =	shalt  }
0x7b: {  	_ =	shalt  }
0x7c: {  	_ =	shalt  }
0x7d: {  	_ =	shalt  }
0x7e: {  	_ =	shalt  }
0x7f: {  	_ =	shalt  }
0x80: {  	_ =	shalt  }
0x81: {  	_ =	shalt  }
0x82: {  	_ =	shalt  }
0x83: {  	_ =	shalt  }
0x84: {  	_ =	shalt  }
0x85: {  	_ =	shalt  }
0x86: {  	_ =	shalt  }
0x87: {  	_ =	shalt  }
.Lfunc_end0:
.L_simem_size_0:
called_computation.3_lowered:
.L_overlay_start_0:
0x88: {  	s2 =	sld [smem:$0x3FD9]  }
0x89: {  	s3 =	sld [smem:$0x3FFE];
	_ =	sdelay $0x1  }
0x8a: {  	s1 =	srdreg.scid  }
0x8b: {  	s0 =	sand.u32 $0x1, s1  }
0x8c: {  	s17 =	sshll.u32 s0, $0xA;
	s2 =	sadd.s32 s3, s2  }
0x8d: {  	s2 =	sadd.s32 s2, s17  }
0x8e: {  	[smem:$0x3FBF] =	sst s2  }
0x8f: {  	_ = 	snop  }
0x90: {  	s2 =	sld [smem:$0x3FD0];
	(tm) =	ssettm $0x1  }
0x91: {  	s18 =	sld [smem:$0x3FFB];
	_ =	sdelay $0x3  }
0x92: {  	_ =	strace s18  }
0x93: {  	s3 =	sld [smem:$0x3FFC];
	_ =	sdelay $0x3  }
0x94: {  	_ =	strace s3  }
0x95: {  	s3 =	sld [smem:$0x3FFD];
	_ =	sdelay $0x3  }
0x96: {  	_ =	strace s3  }
0x97: {  	_ =	strace $0x8FFFFFFF  }
0x98: {  	s19 =	sld [smem:$0x3FDB];
	_ =	sdelay $0x1  }
0x99: {  	s4 =	simm.s32 $_scs_section_size  }
0x9a: {  	s5 =	simm.s32 $_size__tile_overlayer_lowered;
	s6 =	simm.s32 $_tile_overlayer_lowered  }
0x9b: {  	s22 =	simm.s32 $0x1BFF;
	s21 =	sshll.u32 s6, $0x1;
	s3 =	sadd.s32 s4, s19  }
0x9c: {  	s7 =	simm.s32 $0x0;
	s20 =	sshll.u32 s5, $0x1;
	s5 =	sadd.s32 s21, s3  }
0x9d: {  	[timem:s7], [sflag:s22] =	dma.local [hbm:s5], s20  }
0x9e: {  	_ =	swait.ge [sflag:s22], s20  }
0x9f: {  	s4 =	ssub.s32 $0x0, s20;
	[sflag:s22] =	ssyncset.done $0x0  }
0xa0: {  	[sflag:s22] =	ssyncadd.s32 s4;
	_ =	sdelay $0x1  }
0xa1: {  	s23 =	simm.s32 $0x1B8B  }
0xa2: {  	_ =	swait.ge [sflag:s23], $0x1  }
0xa3: {  	[sflag:s23] =	ssyncset.done $0x0  }
0xa4: {  	s25 =	simm.s32 $0x1B8E;
	s24 =	sld [smem:$0x3FFE];
	[sflag:s23] =	ssyncadd.s32 $0xFFFFFFFF  }
0xa5: {  	s26 =	simm.s32 $execute0_lowered;
	[smem:$0x3FD2] =	sst s25  }
0xa6: {  	s5 =	sshll.u32 s26, $0x1;
	_ =	strace $0x8000004F;
	[dreg:$0x1] =	wrdreg $0xFFFFFFFF  }
0xa7: {  	s28 =	simm.s32 $_size_execute0_lowered;
	s3 =	sadd.s32 s3, s5;
	[dreg:$0x0] =	wrdreg $0x0  }
0xa8: {  	s5 =	sshll.u32 s28, $0x1;
	[dreg:$0x2] =	wrdreg s3  }
0xa9: {  	[dreg:$0x3] =	wrdreg s5  }
0xaa: {  	[dreg:$0x4] =	wrdreg $0xC0  }
0xab: {  	_ =	task [dreg:s7], $0x5FFFF  }
0xac: {  	[dreg:$0x1] =	wrdreg $0xFFFFFFFF  }
0xad: {  	[dreg:$0x0] =	wrdreg $0x60  }
0xae: {  	[dreg:$0x2] =	wrdreg s24  }
0xaf: {  	[dreg:$0x3] =	wrdreg s2  }
0xb0: {  	[dreg:$0x4] =	wrdreg $0x90000  }
0xb1: {  	[dreg:$0x5] =	wrdreg $0x9  }
0xb2: {  	_ =	task.clear_ibuf [dreg:s7], $0x6FFFF;
	_ =	strace $0x9000004F  }
0xb3: {  	s29 =	simm.s32 $0x9;
	_ =	strace $0x80000051  }
0xb4: {  	_ =	swait.ge [sflag:s29], $0x1  }
0xb5: {  	[sflag:s29] =	ssyncadd.s32 $0xFFFFFFFF  }
0xb6: {  	_ =	strace $0x90000051  }
0xb7: {  	_ =	sfence  }
0xb8: {  	s30 =	sld [smem:$0x0];
	_ =	sdelay $0x2  }
0xb9: {  	s31 =	sshll.u32 s1, $0xD;
	s1 =	sshrl.u32 s1, $0x2  }
0xba: {  	s3 =	sand.u32 $0x4000, s31;
	s1 =	sadd.s32 s1, s30  }
0xbb: {  	s0 =	sor.u32 s3, s0;
	s1 =	sshll.u32 s1, $0x11  }
0xbc: {  	s0 =	sor.u32 s1, s0  }
0xbd: {  	s0 =	sadd.s32 $0x8F2B, s0  }
0xbe: {  	[sflag:s0] =	ssyncadd.remote.s32 $0x1  }
0xbf: {  	_ =	sfence.sel $0xFFFF  }
0xc0: {  	[dreg:$0x0] =	wrdreg $0xFFFFFFFF;
	(pc) =	sbr.abs _section_cstart, $3  }
0xc1: {  	[dreg:$0x1] =	wrdreg $0xFFFFFFFF  }
0xc2: {  	_ =	task.clear_ibuf [dreg:s7], $0x2FFFF;
	_ =	strace $0x9FFFFFFF  }
0xc3: {  	(tm) =	ssettm $0x7FFFFFFF  }
tec
execute0_lowered:
.L_overlay_start_1:
0x0: {  	(tag) =	ssettag $0x1  }
0x1: {  	s0 =	rddreg [dreg:$0x0]  }
0x2: {  	s1 =	rddreg [dreg:$0x1]  }
0x3: {  	s3 =	rddreg [dreg:$0x2]  }
0x4: {  	s2 =	srdreg.scid;
	s4 =	simm.s32 $0x0;
	s19 =	simm.s32 $0x5000  }
0x5: {  	s20 =	simm.s32 $0x5800;
	s21 =	simm.s32 $0x6000;
	s22 =	simm.s32 $0x6800  }
0x6: {  	s23 =	simm.s32 $0x7000;
	s24 =	simm.s32 $0x7800;
	s25 =	simm.s32 $0x8000  }
0x7: {  	s29 =	simm.s32 $0x2;
	s6 =	sand.u32 $0x1, s2;
	s2 =	stileid.u32  }
0x8: {  	s30 =	simm.s32 $0x0;
	[smem:$0x7FF] =	sst s4;
	s5 =	smul.u32 $0x144000, s6  }
0x9: {  	s7 =	sshll.u32 s6, $0x4;
	s8 =	smul.u32 $0x14400, s2;
	_ =	strace $0x80000050  }
0xa: {  	s9 =	smul.u32 $0x51000, s2;
	s6 =	ssub.s32 $0x2, s6;
	s10 =	sshll.u32 s2, $0x4  }
0xb: {  	s31 =	sshll.u32 s2, $0x6;
	s7 =	sor.u32 s2, s7;
	s26 =	sshrl.u32 s6, $0x1  }
0xc: {  	s28 =	sadd.s32 $0x2780, s10;
	s10 =	simm.s32 $0x3;
	s12 =	sor.u32 $0x1C03, s31  }
0xd: {  	s7 =	smul.u32 $0x500, s7;
	s8 =	sadd.s32 s8, s5;
	s5 =	sadd.s32 $0xCE00, s0  }
0xe: {  	v0 =	vlaneseq.u32;
	s9 =	sshrl.u32 s9, $0x2;
	s11 =	ssub.s32 s6, s26;
	s26 =	simm.s32 $0x8800  }
0xf: {  	v0 =	vor.u32 s28, v0;
	s28 =	simm.s32 $0x1;
	s8 =	sshrl.u32 s8, $0x3;
	s13 =	sadd.s32 s9, s3  }
0x10: {  	s9 =	smax.u32 s11, $0x1;
	s11 =	simm.s32 $0x2800;
	s7 =	sadd.s32 s7, s0  }
0x11: {  	s0 =	sadd.s32 s8, s0;
	s14 =	sadd.s32 $0x4000, s13;
	s15 =	sadd.s32 $0x8000, s13  }
0x12: {  	s16 =	sadd.s32 $0xC000, s13;
	s17 =	sadd.s32 $0x10000, s13;
	s18 =	sadd.s32 $0x14000, s13  }
0x13: {  	s13 =	sshrl.u32 s13, $0x3;
	s6 =	sadd.s32 $0x2E00, s7;
	s7 =	sadd.s32 $0x68000, s7  }
0x14: {  	s8 =	sadd.s32 $0x72000, s0;
	s14 =	sshrl.u32 s14, $0x3;
	s15 =	sshrl.u32 s15, $0x3  }
0x15: {  	vm0 =	vmmov $0xffff;
	s16 =	sshrl.u32 s16, $0x3;
	s17 =	sshrl.u32 s17, $0x3;
	s18 =	sshrl.u32 s18, $0x3  }
.LBB2_1:
0x16: {  	[tilespmem:s4], [sflag:$0x3] =	stream.linear.gather [hbm4b:s6+s4], $0x2800, $0x38;
	[tilespmem:$0x1D400] =	vst v63  }
0x17: {  	_ =	swait.ge [sflag:s10], $0x2800  }
0x18: {  	[sflag:s10] =	ssyncset.done $0x0  }
0x19: {  	[sflag:s10] =	ssyncadd.s32 $0xFFFFD800  }
0x1a: {  	[tilespmem:s11], [sflag:$0x3] =	stream.linear.gather [hbm4b:s7+s4], $0x2800, $0x38;
	[tilespmem:$0x1D400] =	vst v63  }
0x1b: {  	_ =	swait.ge [sflag:s10], $0x2800  }
0x1c: {  	[sflag:s10] =	ssyncset.done $0x0  }
0x1d: {  	[sflag:s10] =	ssyncadd.s32 $0xFFFFD800  }
0x1e: {  	[spmem:s13], [sflag:s12] =	dma.local [hbm:s1], $0x800  }
0x1f: {  	_ =	swait.ge [sflag:s10], $0x800  }
0x20: {  	[sflag:s10] =	ssyncset.done $0x0  }
0x21: {  	[sflag:s10] =	ssyncadd.s32 $0xFFFFF800  }
0x22: {  	[spmem:s14], [sflag:s12] =	dma.local [hbm:s1], $0x800  }
0x23: {  	_ =	swait.ge [sflag:s10], $0x800  }
0x24: {  	[sflag:s10] =	ssyncset.done $0x0  }
0x25: {  	[sflag:s10] =	ssyncadd.s32 $0xFFFFF800  }
0x26: {  	[spmem:s15], [sflag:s12] =	dma.local [hbm:s1], $0x800  }
0x27: {  	_ =	swait.ge [sflag:s10], $0x800  }
0x28: {  	[sflag:s10] =	ssyncset.done $0x0  }
0x29: {  	[sflag:s10] =	ssyncadd.s32 $0xFFFFF800  }
0x2a: {  	[spmem:s16], [sflag:s12] =	dma.local [hbm:s1], $0x800  }
0x2b: {  	_ =	swait.ge [sflag:s10], $0x800  }
0x2c: {  	[sflag:s10] =	ssyncset.done $0x0  }
0x2d: {  	[sflag:s10] =	ssyncadd.s32 $0xFFFFF800  }
0x2e: {  	[spmem:s17], [sflag:s12] =	dma.local [hbm:s1], $0x800  }
0x2f: {  	_ =	swait.ge [sflag:s10], $0x800  }
0x30: {  	[sflag:s10] =	ssyncset.done $0x0  }
0x31: {  	[sflag:s10] =	ssyncadd.s32 $0xFFFFF800  }
0x32: {  	[spmem:s18], [sflag:s12] =	dma.local [hbm:s1], $0x80  }
0x33: {  	_ =	swait.ge [sflag:s10], $0x80  }
0x34: {  	[sflag:s10] =	ssyncset.done $0x0  }
0x35: {  	[sflag:s10] =	ssyncadd.s32 $0xFFFFFF80  }
0x36: {  	s31 =	simm.s32 $0x0;
	[bflag:$0x0] =	sbarrier.arrive $0xFFFF  }
.LBB2_2:
0x37: {  	s0 =	sshra.s32 s31, $0x2  }
0x38: {  	v1 =	vld [tilespmem:s0+$0x0];
	_ =	sdelay $0x7  }
0x39: {  	[tilespmem:s19], [sflag:$0x1] =	stream.indirect_vreg.gather [hbm4b:s5+s4], $0x80, v1, vm0, $0xb8;
	[tilespmem:$0x1D400] =	vst v63  }
0x3a: {  	v1 =	vld [tilespmem:s0+$0x10];
	_ =	sdelay $0x7  }
0x3b: {  	[tilespmem:s20], [sflag:$0x1] =	stream.indirect_vreg.gather [hbm4b:s5+s4], $0x80, v1, vm0, $0xb8;
	[tilespmem:$0x1D400] =	vst v63  }
0x3c: {  	v1 =	vld [tilespmem:s0+$0x20];
	_ =	sdelay $0x7  }
0x3d: {  	[tilespmem:s21], [sflag:$0x1] =	stream.indirect_vreg.gather [hbm4b:s5+s4], $0x80, v1, vm0, $0xb8;
	[tilespmem:$0x1D400] =	vst v63  }
0x3e: {  	v1 =	vld [tilespmem:s0+$0x30];
	_ =	sdelay $0x7  }
0x3f: {  	[tilespmem:s22], [sflag:$0x1] =	stream.indirect_vreg.gather [hbm4b:s5+s4], $0x80, v1, vm0, $0xb8;
	[tilespmem:$0x1D400] =	vst v63  }
0x40: {  	v1 =	vld [tilespmem:s0+$0x40];
	_ =	sdelay $0x7  }
0x41: {  	[tilespmem:s23], [sflag:$0x2] =	stream.indirect_vreg.gather [hbm4b:s5+s4], $0x80, v1, vm0, $0xb8;
	[tilespmem:$0x1D400] =	vst v63  }
0x42: {  	v1 =	vld [tilespmem:s0+$0x50];
	_ =	sdelay $0x7  }
0x43: {  	[tilespmem:s24], [sflag:$0x2] =	stream.indirect_vreg.gather [hbm4b:s5+s4], $0x80, v1, vm0, $0xb8;
	[tilespmem:$0x1D400] =	vst v63  }
0x44: {  	v1 =	vld [tilespmem:s0+$0x60];
	_ =	sdelay $0x7  }
0x45: {  	[tilespmem:s25], [sflag:$0x2] =	stream.indirect_vreg.gather [hbm4b:s5+s4], $0x80, v1, vm0, $0xb8;
	[tilespmem:$0x1D400] =	vst v63  }
0x46: {  	v1 =	vld [tilespmem:s0+$0x70];
	_ =	sdelay $0x7  }
0x47: {  	[tilespmem:s26], [sflag:$0x2] =	stream.indirect_vreg.gather [hbm4b:s5+s4], $0x80, v1, vm0, $0xb8;
	[tilespmem:$0x1D400] =	vst v63  }
0x48: {  	_ =	swait.ge [sflag:s28], $0x800  }
0x49: {  	[sflag:s28] =	ssyncset.done $0x0  }
0x4a: {  	[sflag:s28] =	ssyncadd.s32 $0xFFFFF800  }
0x4b: {  	_ =	swait.ge [sflag:s28], $0x800  }
0x4c: {  	[sflag:s28] =	ssyncset.done $0x0  }
0x4d: {  	[sflag:s28] =	ssyncadd.s32 $0xFFFFF800  }
0x4e: {  	_ =	swait.ge [sflag:s28], $0x800  }
0x4f: {  	[sflag:s28] =	ssyncset.done $0x0  }
0x50: {  	[sflag:s28] =	ssyncadd.s32 $0xFFFFF800  }
0x51: {  	_ =	swait.ge [sflag:s28], $0x800  }
0x52: {  	[sflag:s28] =	ssyncset.done $0x0  }
0x53: {  	[sflag:s28] =	ssyncadd.s32 $0xFFFFF800  }
0x54: {  	v1 =	vld [tilespmem:s0+$0x2800];
	_ =	sdelay $0x4  }
0x55: {  	v2 =	vshrl.u32 v1, $0x1C  }
0x56: {  	v1 =	vand.u32 $0xFFFFFFF, v1;
	vm1 =	veq.s32 v2, $0x0  }
0x57: {  	v3 =	vsel vm1, v1, v0;
	_ =	sdelay $0x2  }
0x58: {  	vm1 =	veq.s32 v2, $0x1  }
0x59: {  	v4 =	vsel vm1, v1, v0  }
0x5a: {  	[spmem:s3] =	stream.indirect_vreg.scatter.add.f32 [tilespmem:s19], [sflag:$0x3], $0x80, v3, vm0, $0xb8;
	[tilespmem:$0x1D400] =	vst v63  }
0x5b: {  	_ =	swait.ge [sflag:s10], $0x800  }
0x5c: {  	vm1 =	veq.s32 v2, $0x2;
	[sflag:s10] =	ssyncset.done $0x0  }
0x5d: {  	v1 =	vsel vm1, v1, v0;
	[sflag:s10] =	ssyncadd.s32 $0xFFFFF800  }
0x5e: {  	[spmem:s3] =	stream.indirect_vreg.scatter.add.f32 [tilespmem:s19], [sflag:$0x3], $0x80, v4, vm0, $0xb8;
	[tilespmem:$0x1D400] =	vst v63  }
0x5f: {  	_ =	swait.ge [sflag:s10], $0x800  }
0x60: {  	[sflag:s10] =	ssyncset.done $0x0  }
0x61: {  	[sflag:s10] =	ssyncadd.s32 $0xFFFFF800  }
0x62: {  	[spmem:s3] =	stream.indirect_vreg.scatter.add.f32 [tilespmem:s19], [sflag:$0x3], $0x80, v1, vm0, $0xb8;
	[tilespmem:$0x1D400] =	vst v63  }
0x63: {  	_ =	swait.ge [sflag:s10], $0x800  }
0x64: {  	[sflag:s10] =	ssyncset.done $0x0  }
0x65: {  	[sflag:s10] =	ssyncadd.s32 $0xFFFFF800  }
0x66: {  	v1 =	vld [tilespmem:s0+$0x2810];
	_ =	sdelay $0x4  }
0x67: {  	v2 =	vshrl.u32 v1, $0x1C  }
0x68: {  	v1 =	vand.u32 $0xFFFFFFF, v1;
	vm1 =	veq.s32 v2, $0x0  }
0x69: {  	v3 =	vsel vm1, v1, v0;
	_ =	sdelay $0x2  }
0x6a: {  	vm1 =	veq.s32 v2, $0x1  }
0x6b: {  	v57 =	vsel vm1, v1, v0  }
0x6c: {  	[spmem:s3] =	stream.indirect_vreg.scatter.add.f32 [tilespmem:s20], [sflag:$0x3], $0x80, v3, vm0, $0xb8;
	[tilespmem:$0x1D400] =	vst v63  }
0x6d: {  	_ =	swait.ge [sflag:s10], $0x800  }
0x6e: {  	vm1 =	veq.s32 v2, $0x2;
	[sflag:s10] =	ssyncset.done $0x0  }
0x6f: {  	v1 =	vsel vm1, v1, v0;
	[sflag:s10] =	ssyncadd.s32 $0xFFFFF800  }
0x70: {  	[spmem:s3] =	stream.indirect_vreg.scatter.add.f32 [tilespmem:s20], [sflag:$0x3], $0x80, v57, vm0, $0xb8;
	[tilespmem:$0x1D400] =	vst v63  }
0x71: {  	_ =	swait.ge [sflag:s10], $0x800  }
0x72: {  	[sflag:s10] =	ssyncset.done $0x0  }
0x73: {  	[sflag:s10] =	ssyncadd.s32 $0xFFFFF800  }
0x74: {  	[spmem:s3] =	stream.indirect_vreg.scatter.add.f32 [tilespmem:s20], [sflag:$0x3], $0x80, v1, vm0, $0xb8;
	[tilespmem:$0x1D400] =	vst v63  }
0x75: {  	_ =	swait.ge [sflag:s10], $0x800  }
0x76: {  	[sflag:s10] =	ssyncset.done $0x0  }
0x77: {  	[sflag:s10] =	ssyncadd.s32 $0xFFFFF800  }
0x78: {  	v1 =	vld [tilespmem:s0+$0x2820];
	_ =	sdelay $0x4  }
0x79: {  	v2 =	vshrl.u32 v1, $0x1C  }
0x7a: {  	v1 =	vand.u32 $0xFFFFFFF, v1;
	vm1 =	veq.s32 v2, $0x0  }
0x7b: {  	v3 =	vsel vm1, v1, v0;
	_ =	sdelay $0x2  }
0x7c: {  	vm1 =	veq.s32 v2, $0x1  }
0x7d: {  	v58 =	vsel vm1, v1, v0  }
0x7e: {  	[spmem:s3] =	stream.indirect_vreg.scatter.add.f32 [tilespmem:s21], [sflag:$0x3], $0x80, v3, vm0, $0xb8;
	[tilespmem:$0x1D400] =	vst v63  }
0x7f: {  	_ =	swait.ge [sflag:s10], $0x800  }
0x80: {  	vm1 =	veq.s32 v2, $0x2;
	[sflag:s10] =	ssyncset.done $0x0  }
0x81: {  	v1 =	vsel vm1, v1, v0;
	[sflag:s10] =	ssyncadd.s32 $0xFFFFF800  }
0x82: {  	[spmem:s3] =	stream.indirect_vreg.scatter.add.f32 [tilespmem:s21], [sflag:$0x3], $0x80, v58, vm0, $0xb8;
	[tilespmem:$0x1D400] =	vst v63  }
0x83: {  	_ =	swait.ge [sflag:s10], $0x800  }
0x84: {  	[sflag:s10] =	ssyncset.done $0x0  }
0x85: {  	[sflag:s10] =	ssyncadd.s32 $0xFFFFF800  }
0x86: {  	[spmem:s3] =	stream.indirect_vreg.scatter.add.f32 [tilespmem:s21], [sflag:$0x3], $0x80, v1, vm0, $0xb8;
	[tilespmem:$0x1D400] =	vst v63  }
0x87: {  	_ =	swait.ge [sflag:s10], $0x800  }
0x88: {  	[sflag:s10] =	ssyncset.done $0x0  }
0x89: {  	[sflag:s10] =	ssyncadd.s32 $0xFFFFF800  }
0x8a: {  	v1 =	vld [tilespmem:s0+$0x2830];
	_ =	sdelay $0x4  }
0x8b: {  	v2 =	vshrl.u32 v1, $0x1C  }
0x8c: {  	v1 =	vand.u32 $0xFFFFFFF, v1;
	vm1 =	veq.s32 v2, $0x0  }
0x8d: {  	v3 =	vsel vm1, v1, v0;
	_ =	sdelay $0x2  }
0x8e: {  	vm1 =	veq.s32 v2, $0x1  }
0x8f: {  	v59 =	vsel vm1, v1, v0  }
0x90: {  	[spmem:s3] =	stream.indirect_vreg.scatter.add.f32 [tilespmem:s22], [sflag:$0x3], $0x80, v3, vm0, $0xb8;
	[tilespmem:$0x1D400] =	vst v63  }
0x91: {  	_ =	swait.ge [sflag:s10], $0x800  }
0x92: {  	vm1 =	veq.s32 v2, $0x2;
	[sflag:s10] =	ssyncset.done $0x0  }
0x93: {  	v1 =	vsel vm1, v1, v0;
	[sflag:s10] =	ssyncadd.s32 $0xFFFFF800  }
0x94: {  	[spmem:s3] =	stream.indirect_vreg.scatter.add.f32 [tilespmem:s22], [sflag:$0x3], $0x80, v59, vm0, $0xb8;
	[tilespmem:$0x1D400] =	vst v63  }
0x95: {  	_ =	swait.ge [sflag:s10], $0x800  }
0x96: {  	[sflag:s10] =	ssyncset.done $0x0  }
0x97: {  	[sflag:s10] =	ssyncadd.s32 $0xFFFFF800  }
0x98: {  	[spmem:s3] =	stream.indirect_vreg.scatter.add.f32 [tilespmem:s22], [sflag:$0x3], $0x80, v1, vm0, $0xb8;
	[tilespmem:$0x1D400] =	vst v63  }
0x99: {  	_ =	swait.ge [sflag:s10], $0x800  }
0x9a: {  	[sflag:s10] =	ssyncset.done $0x0  }
0x9b: {  	[sflag:s10] =	ssyncadd.s32 $0xFFFFF800  }
0x9c: {  	_ =	swait.ge [sflag:s29], $0x800  }
0x9d: {  	[sflag:s29] =	ssyncset.done $0x0  }
0x9e: {  	[sflag:s29] =	ssyncadd.s32 $0xFFFFF800  }
0x9f: {  	_ =	swait.ge [sflag:s29], $0x800  }
0xa0: {  	[sflag:s29] =	ssyncset.done $0x0  }
0xa1: {  	[sflag:s29] =	ssyncadd.s32 $0xFFFFF800  }
0xa2: {  	_ =	swait.ge [sflag:s29], $0x800  }
0xa3: {  	[sflag:s29] =	ssyncset.done $0x0  }
0xa4: {  	[sflag:s29] =	ssyncadd.s32 $0xFFFFF800  }
0xa5: {  	_ =	swait.ge [sflag:s29], $0x800  }
0xa6: {  	[sflag:s29] =	ssyncset.done $0x0  }
0xa7: {  	[sflag:s29] =	ssyncadd.s32 $0xFFFFF800  }
0xa8: {  	v1 =	vld [tilespmem:s0+$0x2840];
	_ =	sdelay $0x4  }
0xa9: {  	v2 =	vshrl.u32 v1, $0x1C  }
0xaa: {  	v1 =	vand.u32 $0xFFFFFFF, v1;
	vm1 =	veq.s32 v2, $0x0  }
0xab: {  	v3 =	vsel vm1, v1, v0;
	_ =	sdelay $0x2  }
0xac: {  	vm1 =	veq.s32 v2, $0x1  }
0xad: {  	v60 =	vsel vm1, v1, v0  }
0xae: {  	[spmem:s3] =	stream.indirect_vreg.scatter.add.f32 [tilespmem:s23], [sflag:$0x3], $0x80, v3, vm0, $0xb8;
	[tilespmem:$0x1D400] =	vst v63  }
0xaf: {  	_ =	swait.ge [sflag:s10], $0x800  }
0xb0: {  	vm1 =	veq.s32 v2, $0x2;
	[sflag:s10] =	ssyncset.done $0x0  }
0xb1: {  	v1 =	vsel vm1, v1, v0;
	[sflag:s10] =	ssyncadd.s32 $0xFFFFF800  }
0xb2: {  	[spmem:s3] =	stream.indirect_vreg.scatter.add.f32 [tilespmem:s23], [sflag:$0x3], $0x80, v60, vm0, $0xb8;
	[tilespmem:$0x1D400] =	vst v63  }
0xb3: {  	_ =	swait.ge [sflag:s10], $0x800  }
0xb4: {  	[sflag:s10] =	ssyncset.done $0x0  }
0xb5: {  	[sflag:s10] =	ssyncadd.s32 $0xFFFFF800  }
0xb6: {  	[spmem:s3] =	stream.indirect_vreg.scatter.add.f32 [tilespmem:s23], [sflag:$0x3], $0x80, v1, vm0, $0xb8;
	[tilespmem:$0x1D400] =	vst v63  }
0xb7: {  	_ =	swait.ge [sflag:s10], $0x800  }
0xb8: {  	[sflag:s10] =	ssyncset.done $0x0  }
0xb9: {  	[sflag:s10] =	ssyncadd.s32 $0xFFFFF800  }
0xba: {  	v1 =	vld [tilespmem:s0+$0x2850];
	_ =	sdelay $0x4  }
0xbb: {  	v2 =	vshrl.u32 v1, $0x1C  }
0xbc: {  	v1 =	vand.u32 $0xFFFFFFF, v1;
	vm1 =	veq.s32 v2, $0x0  }
0xbd: {  	v3 =	vsel vm1, v1, v0;
	_ =	sdelay $0x2  }
0xbe: {  	vm1 =	veq.s32 v2, $0x1  }
0xbf: {  	v61 =	vsel vm1, v1, v0  }
0xc0: {  	[spmem:s3] =	stream.indirect_vreg.scatter.add.f32 [tilespmem:s24], [sflag:$0x3], $0x80, v3, vm0, $0xb8;
	[tilespmem:$0x1D400] =	vst v63  }
0xc1: {  	_ =	swait.ge [sflag:s10], $0x800  }
0xc2: {  	vm1 =	veq.s32 v2, $0x2;
	[sflag:s10] =	ssyncset.done $0x0  }
0xc3: {  	v1 =	vsel vm1, v1, v0;
	[sflag:s10] =	ssyncadd.s32 $0xFFFFF800  }
0xc4: {  	[spmem:s3] =	stream.indirect_vreg.scatter.add.f32 [tilespmem:s24], [sflag:$0x3], $0x80, v61, vm0, $0xb8;
	[tilespmem:$0x1D400] =	vst v63  }
0xc5: {  	_ =	swait.ge [sflag:s10], $0x800  }
0xc6: {  	[sflag:s10] =	ssyncset.done $0x0  }
0xc7: {  	[sflag:s10] =	ssyncadd.s32 $0xFFFFF800  }
0xc8: {  	[spmem:s3] =	stream.indirect_vreg.scatter.add.f32 [tilespmem:s24], [sflag:$0x3], $0x80, v1, vm0, $0xb8;
	[tilespmem:$0x1D400] =	vst v63  }
0xc9: {  	_ =	swait.ge [sflag:s10], $0x800  }
0xca: {  	[sflag:s10] =	ssyncset.done $0x0  }
0xcb: {  	[sflag:s10] =	ssyncadd.s32 $0xFFFFF800  }
0xcc: {  	v1 =	vld [tilespmem:s0+$0x2860];
	_ =	sdelay $0x4  }
0xcd: {  	v2 =	vshrl.u32 v1, $0x1C  }
0xce: {  	v1 =	vand.u32 $0xFFFFFFF, v1;
	vm1 =	veq.s32 v2, $0x0  }
0xcf: {  	v3 =	vsel vm1, v1, v0;
	_ =	sdelay $0x2  }
0xd0: {  	vm1 =	veq.s32 v2, $0x1  }
0xd1: {  	v62 =	vsel vm1, v1, v0  }
0xd2: {  	[spmem:s3] =	stream.indirect_vreg.scatter.add.f32 [tilespmem:s25], [sflag:$0x3], $0x80, v3, vm0, $0xb8;
	[tilespmem:$0x1D400] =	vst v63  }
0xd3: {  	_ =	swait.ge [sflag:s10], $0x800  }
0xd4: {  	vm1 =	veq.s32 v2, $0x2;
	[sflag:s10] =	ssyncset.done $0x0  }
0xd5: {  	v1 =	vsel vm1, v1, v0;
	[sflag:s10] =	ssyncadd.s32 $0xFFFFF800  }
0xd6: {  	[spmem:s3] =	stream.indirect_vreg.scatter.add.f32 [tilespmem:s25], [sflag:$0x3], $0x80, v62, vm0, $0xb8;
	[tilespmem:$0x1D400] =	vst v63  }
0xd7: {  	_ =	swait.ge [sflag:s10], $0x800  }
0xd8: {  	[sflag:s10] =	ssyncset.done $0x0  }
0xd9: {  	[sflag:s10] =	ssyncadd.s32 $0xFFFFF800  }
0xda: {  	[spmem:s3] =	stream.indirect_vreg.scatter.add.f32 [tilespmem:s25], [sflag:$0x3], $0x80, v1, vm0, $0xb8;
	[tilespmem:$0x1D400] =	vst v63  }
0xdb: {  	_ =	swait.ge [sflag:s10], $0x800  }
0xdc: {  	[sflag:s10] =	ssyncset.done $0x0  }
0xdd: {  	[sflag:s10] =	ssyncadd.s32 $0xFFFFF800  }
0xde: {  	v1 =	vld [tilespmem:s0+$0x2870];
	_ =	sdelay $0x4  }
0xdf: {  	v2 =	vshrl.u32 v1, $0x1C  }
0xe0: {  	v1 =	vand.u32 $0xFFFFFFF, v1;
	vm1 =	veq.s32 v2, $0x0  }
0xe1: {  	v3 =	vsel vm1, v1, v0;
	_ =	sdelay $0x2  }
0xe2: {  	vm1 =	veq.s32 v2, $0x1  }
0xe3: {  	v63 =	vsel vm1, v1, v0  }
0xe4: {  	[spmem:s3] =	stream.indirect_vreg.scatter.add.f32 [tilespmem:s26], [sflag:$0x3], $0x80, v3, vm0, $0xb8;
	[tilespmem:$0x1D400] =	vst v63  }
0xe5: {  	_ =	swait.ge [sflag:s10], $0x800  }
0xe6: {  	vm1 =	veq.s32 v2, $0x2;
	[sflag:s10] =	ssyncset.done $0x0  }
0xe7: {  	v1 =	vsel vm1, v1, v0;
	[sflag:s10] =	ssyncadd.s32 $0xFFFFF800  }
0xe8: {  	[spmem:s3] =	stream.indirect_vreg.scatter.add.f32 [tilespmem:s26], [sflag:$0x3], $0x80, v63, vm0, $0xb8;
	[tilespmem:$0x1D400] =	vst v63  }
0xe9: {  	_ =	swait.ge [sflag:s10], $0x800  }
0xea: {  	p0 =	sne.s32 s31, $0x9E00;
	[sflag:s10] =	ssyncset.done $0x0  }
.Ltmp0:
0xeb: {  	[sflag:s10] =	ssyncadd.s32 $0xFFFFF800;
	(pc) =	sbr.rel @p0 .LBB2_2-.Ltmp0, $4  }
0xec: {  	[spmem:s3] =	stream.indirect_vreg.scatter.add.f32 [tilespmem:s26], [sflag:$0x3], $0x80, v1, vm0, $0xb8;
	[tilespmem:$0x1D400] =	vst v63  }
0xed: {  	_ =	swait.ge [sflag:s10], $0x800  }
0xee: {  	[sflag:s10] =	ssyncset.done $0x0  }
0xef: {  	s31 =	sadd.s32 $0x200, s31;
	[sflag:s10] =	ssyncadd.s32 $0xFFFFF800  }
0xf0: {  	s30 =	sadd.s32 $0x1, s30  }
0xf1: {  	p0 =	sne.s32 s30, s9  }
.Ltmp1:
0xf2: {  	[bflag:$0x0] =	sbarrier.arrive $0xFFFF;
	(pc) =	sbr.rel @p0 .LBB2_1-.Ltmp1, $4  }
0xf3: {  	[hbm:s8], [sflag:s12] =	dma.local [spmem:s13], $0x2880  }
0xf4: {  	_ =	swait.ge [sflag:s10], $0x2880  }
0xf5: {  	[sflag:s10] =	ssyncset.done $0x0  }
0xf6: {  	[sflag:s10] =	ssyncadd.s32 $0xFFFFD780  }
0xf7: {  	_ =	sfence.sel $0x180000  }
0xf8: {  	[bflag:$0x0] =	sbarrier.arrive $0xFFFF  }
0xf9: {  	_ =	strace $0x90000050  }
0xfa: {  	[bflag:$0x2] =	sbarrier.arrive $0xFFFF  }
0xfb: {  	p0 =	sne.s32 s2, $0x0;
	s0 =	rddreg [dreg:$0x3]  }
0xfc: {  	s0 =	sadd.s32 @!p0 $0x100000, s0  }
0xfd: {  	[sflag:s0] =	ssyncadd.tile.s32 @!p0 $0x1;
	_ =	shalt  }
.Lfunc_end2:
_tile_overlayer_lowered:
.L_overlay_start_2:
0xfe: {  	(tag) =	ssettag $0x2  }
0xff: {  	s0 =	rddreg [dreg:$0x0];
	s2 =	stileid.u32  }
0x100: {  	s1 =	rddreg [dreg:$0x1];
	p0 =	sne.s32 s2, $0x0  }
0x101: {  	s3 =	rddreg [dreg:$0x2];
	[bflag:$0x3] =	sbarrier.arrive $0xFFFF;
	s2 =	simm.s32 @!p0 $0x1C03  }
0x102: {  	[timem:s3], [sflag:s2] =	dma.local @!p0 [hbm:s0], s1  }
0x103: {  	s0 =	simm.s32 @!p0 $0x3  }
0x104: {  	_ =	swait.ge @!p0 [sflag:s0], s1  }
0x105: {  	s1 =	ssub.s32 @!p0 $0x0, s1;
	[sflag:s0] =	ssyncset.done @!p0 $0x0  }
0x106: {  	[sflag:s0] =	ssyncadd.s32 @!p0 s1  }
0x107: {  	[bflag:$0x3] =	sbarrier.arrive $0xFFFF  }
0x108: {  	_ =	shalt  }

</sc_bundles>
